<compile_context>
chip_gen: v7x
topology: tpu7x:2x2x1
jax: 0.10.2.dev20260603
libtpu: 0.0.44.dev20260713+nightly
codegen_flags: <defaults>
</compile_context>

<pallas_src>
import functools

import jax
import jax.numpy as jnp
import numpy as np
from jax import lax
from jax.experimental import pallas as pl
from jax.experimental.pallas import tpu as pltpu
from jax.experimental.pallas import tpu_sc as plsc

_RADIUS2 = np.float32(0.2 ** 2)
_NPOINT = 1024
_NSAMPLE = 32
_B = 8
_N = 4096


def _fps_body(x_ref, y_ref, z_ref, ox_ref, oy_ref, oz_ref):
    x = x_ref[...]
    y = y_ref[...]
    z = z_ref[...]
    B, N = x.shape
    iota = lax.broadcasted_iota(jnp.int32, (B, N), 1)
    iota_s = lax.broadcasted_iota(jnp.int32, (B, _NPOINT), 1)

    def step(i, carry):
        dist, far, ocx, ocy, ocz = carry
        onehot = iota == far
        cx = jnp.sum(jnp.where(onehot, x, 0.0), axis=1, keepdims=True)
        cy = jnp.sum(jnp.where(onehot, y, 0.0), axis=1, keepdims=True)
        cz = jnp.sum(jnp.where(onehot, z, 0.0), axis=1, keepdims=True)
        slot = iota_s == i
        ocx = ocx + jnp.where(slot, cx, 0.0)
        ocy = ocy + jnp.where(slot, cy, 0.0)
        ocz = ocz + jnp.where(slot, cz, 0.0)
        dx = x - cx
        dy = y - cy
        dz = z - cz
        def _split3(v):
            hi = v.astype(jnp.bfloat16).astype(jnp.float32)
            mid = (v - hi).astype(jnp.bfloat16).astype(jnp.float32)
            lo = (v - hi - mid).astype(jnp.bfloat16).astype(jnp.float32)
            return hi, mid, lo

        sx = _split3(dx * dx)
        sy = _split3(dy * dy)
        sz = _split3(dz * dz)
        d = jnp.zeros_like(x)
        for p in range(3):
            d = d + ((sx[p] + sy[p]) + sz[p])
        dist = jnp.minimum(dist, d)
        m = jnp.max(dist, axis=1, keepdims=True)
        far = jnp.min(jnp.where(dist == m, iota, N), axis=1, keepdims=True)
        return dist, far, ocx, ocy, ocz

    dist0 = jnp.full((B, N), 1e10, dtype=jnp.float32)
    far0 = jnp.zeros((B, 1), dtype=jnp.int32)
    oc0 = jnp.zeros((B, _NPOINT), dtype=jnp.float32)
    _, _, ocx, ocy, ocz = lax.fori_loop(0, _NPOINT, step,
                                        (dist0, far0, oc0, oc0, oc0))
    ox_ref[...] = ocx
    oy_ref[...] = ocy
    oz_ref[...] = ocz


def _fps(x, y, z):
    B, N = x.shape
    out = jax.ShapeDtypeStruct((B, _NPOINT), jnp.float32)
    return pl.pallas_call(
        _fps_body,
        out_shape=(out, out, out),
    )(x, y, z)


def _pre_body(ain_ref, q_ref, w1p_ref, b1_ref, w1x_ref, p_ref, g_ref):
    ain = ain_ref[0]
    q = q_ref[0]
    w1p = w1p_ref[...]
    w1x = w1x_ref[...]
    b1 = b1_ref[...]
    p = lax.dot_general(ain, w1p, (((1,), (0,)), ((), ())),
                        precision=lax.Precision.HIGHEST,
                        preferred_element_type=jnp.float32)
    p_ref[0] = p + b1
    g = lax.dot_general(q, w1x, (((1,), (0,)), ((), ())),
                        precision=lax.Precision.HIGHEST,
                        preferred_element_type=jnp.float32)
    g_ref[0] = -g


def _pre(ain, q, w1p, b1, w1x):
    B, N, C = ain.shape
    S = q.shape[1]
    H1 = w1p.shape[1]
    return pl.pallas_call(
        _pre_body,
        grid=(B,),
        in_specs=[
            pl.BlockSpec((1, N, C), lambda b: (b, 0, 0)),
            pl.BlockSpec((1, S, 4), lambda b: (b, 0, 0)),
            pl.BlockSpec((C, H1), lambda b: (0, 0)),
            pl.BlockSpec((1, H1), lambda b: (0, 0)),
            pl.BlockSpec((4, H1), lambda b: (0, 0)),
        ],
        out_specs=[
            pl.BlockSpec((1, N, H1), lambda b: (b, 0, 0)),
            pl.BlockSpec((1, S, H1), lambda b: (b, 0, 0)),
        ],
        out_shape=[
            jax.ShapeDtypeStruct((B, N, H1), jnp.float32),
            jax.ShapeDtypeStruct((B, S, H1), jnp.float32),
        ],
    )(ain, q, w1p, b1, w1x)


def _sc_body(xf, yf, zf, qxf, qyf, qzf, p2, h_out,
             xv, yv, zv, qxv, qyv, qzv, selbuf, idxbuf, rows, *sems):
    wid = lax.axis_index("c") * 16 + lax.axis_index("s")
    b = wid // 4
    qbase = wid * 256
    pbase = b * _N

    pltpu.sync_copy(xf.at[pl.ds(pbase, _N)], xv)
    pltpu.sync_copy(yf.at[pl.ds(pbase, _N)], yv)
    pltpu.sync_copy(zf.at[pl.ds(pbase, _N)], zv)
    pltpu.sync_copy(qxf.at[pl.ds(qbase, 256)], qxv.at[pl.ds(0, 256)])
    pltpu.sync_copy(qyf.at[pl.ds(qbase, 256)], qyv.at[pl.ds(0, 256)])
    pltpu.sync_copy(qzf.at[pl.ds(qbase, 256)], qzv.at[pl.ds(0, 256)])

    lanes = lax.iota(jnp.int32, 16)
    zeros16 = jnp.zeros((16,), jnp.int32)

    def _bcast0(v):
        return lax.gather(
            v, zeros16[:, None],
            dimension_numbers=lax.GatherDimensionNumbers(
                offset_dims=(), collapsed_slice_dims=(0,),
                start_index_map=(0,)),
            slice_sizes=(1,),
            mode=lax.GatherScatterMode.PROMISE_IN_BOUNDS)

    def scan_query(q, idx_r, slot):
        cqx = _bcast0(qxv[pl.ds(q, 16)])
        cqy = _bcast0(qyv[pl.ds(q, 16)])
        cqz = _bcast0(qzv[pl.ds(q, 16)])

        def scan_cond(state):
            k, cnt = state
            return jnp.logical_and(k < _N // 32, cnt < _NSAMPLE)

        def half_step(base, cnt):
            px = xv[pl.ds(base, 16)]
            py = yv[pl.ds(base, 16)]
            pz = zv[pl.ds(base, 16)]
            dx = px - cqx
            dy = py - cqy
            dz = pz - cqz
            d = dx * dx + dy * dy + dz * dz
            m = d <= _RADIUS2
            incl = plsc.cumsum(m.astype(jnp.int32))
            pos = jnp.minimum(cnt + incl - 1, 48)
            pos = jnp.where(m, pos, 56)
            plsc.store_scatter(selbuf, [pos], lanes + base)
            return cnt + incl[15]

        def scan_step(state):
            k, cnt = state
            cnt = half_step(k * 32, cnt)
            cnt = half_step(k * 32 + 16, cnt)
            return k + 1, cnt

        _, cnt = lax.while_loop(scan_cond, scan_step,
                                (jnp.int32(0), jnp.int32(0)))

        v0 = selbuf[pl.ds(0, 16)]
        v1 = selbuf[pl.ds(16, 16)]
        first = _bcast0(v0)
        sel0 = jnp.where(lanes < cnt, v0, first) + pbase
        sel1 = jnp.where(lanes + 16 < cnt, v1, first) + pbase
        idx_r[pl.ds(slot * 32, 16)] = sel0
        idx_r[pl.ds(slot * 32 + 16, 16)] = sel1

    def per_group(i, _):
        descs = []
        for j in range(4):
            idx_r = idxbuf.at[j]
            for t in range(4):
                scan_query(i * 16 + j * 4 + t, idx_r, t)
            descs.append(pltpu.async_copy(
                p2.at[idxbuf.at[j]],
                rows.at[pl.ds(j * 128, 128)], sems[j]))
        for dsc in descs:
            dsc.wait()
        pltpu.sync_copy(rows, h_out.at[pl.ds((qbase + i * 16) * _NSAMPLE,
                                             16 * _NSAMPLE)])
        return _

    lax.fori_loop(0, 16, per_group, 0)


def _ballquery_gather(xf, yf, zf, qxf, qyf, qzf, p2):
    H1 = p2.shape[1]
    mesh = plsc.VectorSubcoreMesh(core_axis_name="c", subcore_axis_name="s")
    return pl.kernel(
        _sc_body,
        out_type=jax.ShapeDtypeStruct((_B * _NPOINT * _NSAMPLE, H1),
                                      jnp.float32),
        mesh=mesh,
        compiler_params=pltpu.CompilerParams(needs_layout_passes=False,
                                             use_tc_tiling_on_sc=False),
        scratch_types=[
            pltpu.VMEM((_N,), jnp.float32),
            pltpu.VMEM((_N,), jnp.float32),
            pltpu.VMEM((_N,), jnp.float32),
            pltpu.VMEM((272,), jnp.float32),
            pltpu.VMEM((272,), jnp.float32),
            pltpu.VMEM((272,), jnp.float32),
            pltpu.VMEM((64,), jnp.int32),
            pltpu.VMEM((4, 4 * _NSAMPLE), jnp.int32),
            pltpu.VMEM((16 * _NSAMPLE, H1), jnp.float32),
            pltpu.SemaphoreType.DMA,
            pltpu.SemaphoreType.DMA,
            pltpu.SemaphoreType.DMA,
            pltpu.SemaphoreType.DMA,
        ],
    )(xf, yf, zf, qxf, qyf, qzf, p2)


def _mlp_body(h_ref, g_ref, w2_ref, b2_ref, w3_ref, b3_ref, o_ref):
    h = h_ref[...]
    g = g_ref[...]
    T = h.shape[0]
    h1 = jnp.maximum(h + g[:, None, :], 0.0)
    x = h1.reshape(T * _NSAMPLE, h.shape[2])
    x = lax.dot_general(x, w2_ref[...], (((1,), (1,)), ((), ())),
                        preferred_element_type=jnp.float32)
    x = jnp.maximum(x + b2_ref[...], 0.0)
    x = lax.dot_general(x, w3_ref[...], (((1,), (1,)), ((), ())),
                        preferred_element_type=jnp.float32)
    x = jnp.maximum(x + b3_ref[...], 0.0)
    o_ref[...] = jnp.max(x.reshape(T, _NSAMPLE, x.shape[1]), axis=1)


def _mlp(h, g, w2, b2, w3, b3):
    M = h.shape[0]
    T = 128
    H1 = h.shape[2]
    H2 = w2.shape[0]
    H3 = w3.shape[0]
    return pl.pallas_call(
        _mlp_body,
        grid=(M // T,),
        in_specs=[
            pl.BlockSpec((T, _NSAMPLE, H1), lambda i: (i, 0, 0)),
            pl.BlockSpec((T, H1), lambda i: (i, 0)),
            pl.BlockSpec((H2, H1), lambda i: (0, 0)),
            pl.BlockSpec((1, H2), lambda i: (0, 0)),
            pl.BlockSpec((H3, H2), lambda i: (0, 0)),
            pl.BlockSpec((1, H3), lambda i: (0, 0)),
        ],
        out_specs=pl.BlockSpec((T, H3), lambda i: (i, 0)),
        out_shape=jax.ShapeDtypeStruct((M, H3), jnp.float32),
    )(h, g, w2, b2, w3, b3)


def kernel(xyz, features, W1, b1, W2, b2, W3, b3):
    B, N, _ = xyz.shape
    S = _NPOINT
    x = xyz[:, :, 0]
    y = xyz[:, :, 1]
    z = xyz[:, :, 2]

    ox, oy, oz = _fps(x, y, z)
    new_xyz = jnp.stack([ox, oy, oz], axis=-1)

    H1 = W1.shape[0]
    w1t = W1.T
    w1p = jnp.concatenate([w1t, jnp.zeros((5, H1), jnp.float32)], axis=0)
    w1x = jnp.concatenate([w1t[:3], jnp.zeros((1, H1), jnp.float32)], axis=0)
    ain = jnp.concatenate(
        [xyz, features, jnp.zeros((B, N, 5), jnp.float32)], axis=-1)
    q = jnp.concatenate([new_xyz, jnp.zeros((B, S, 1), jnp.float32)], axis=-1)

    P, G = _pre(ain, q, w1p, b1.reshape(1, H1), w1x)

    H = _ballquery_gather(
        x.reshape(-1), y.reshape(-1), z.reshape(-1),
        ox.reshape(-1), oy.reshape(-1), oz.reshape(-1),
        P.reshape(B * N, H1))

    out = _mlp(H.reshape(B * S, _NSAMPLE, H1), G.reshape(B * S, H1),
               W2, b2.reshape(1, -1), W3, b3.reshape(1, -1))
    return (new_xyz, out.reshape(B, S, -1))

# --- scband reference (transcript-rebuilt; emitter-appended) ---
"""Pipeline reference for scband-set-abstraction-17617955848559 (READ-ONLY COPY).

The authoritative reference and input builder live on the scoring server;
editing this copy changes nothing except your own understanding.
"""

import jax, jax.numpy as jnp
import numpy as np

RADIUS = 0.2
NPOINT = 1024
NSAMPLE = 32
IN_CH = 131
HIDDEN = [64, 64, 128]


def index_points(points, idx):
    # points: [B, N, C], idx: [B, ...] int -> [B, ..., C]
    B = points.shape[0]
    batch = jnp.arange(B).reshape((B,) + (1,) * (idx.ndim - 1))
    return points[batch, idx]


def farthest_point_sample(xyz, npoint):
    B, N, _ = xyz.shape

    def body(i, state):
        centroids, distance, farthest = state
        centroids = centroids.at[:, i].set(farthest)
        centroid = jnp.take_along_axis(xyz, farthest[:, None, None], axis=1)  # [B,1,3]
        dist = jnp.sum((xyz - centroid) ** 2, axis=-1)  # [B,N]
        distance = jnp.minimum(distance, dist)
        farthest = jnp.argmax(distance, axis=-1).astype(jnp.int32)
        return centroids, distance, farthest

    centroids = jnp.zeros((B, npoint), dtype=jnp.int32)
    distance = jnp.full((B, N), 1e10, dtype=jnp.float32)
    farthest = jnp.zeros((B,), dtype=jnp.int32)
    centroids, _, _ = jax.lax.fori_loop(0, npoint, body, (centroids, distance, farthest))
    return centroids


def ball_query(radius, nsample, xyz, new_xyz):
    B, N, _ = xyz.shape
    S = new_xyz.shape[1]
    sqrdists = jnp.sum((new_xyz[:, :, None, :] - xyz[:, None, :, :]) ** 2, axis=-1)  # [B,S,N]
    group_idx = jnp.broadcast_to(jnp.arange(N, dtype=jnp.int32), (B, S, N))
    group_idx = jnp.where(sqrdists > radius ** 2, N, group_idx)
    group_idx = jnp.sort(group_idx, axis=-1)[:, :, :nsample]
    group_first = group_idx[:, :, :1]
    group_idx = jnp.where(group_idx == N, group_first, group_idx)
    return group_idx


def sampling_and_grouping(xyz, features, radius, npoint, nsample):
    fps_idx = farthest_point_sample(jax.lax.stop_gradient(xyz), npoint)  # [B,S]
    new_xyz = index_points(xyz, fps_idx)  # [B,S,3]
    idx = ball_query(radius, nsample, xyz, new_xyz)  # [B,S,n]
    grouped_xyz = index_points(xyz, idx) - new_xyz[:, :, None, :]  # [B,S,n,3]
    grouped_feat = index_points(features, idx)  # [B,S,n,D]
    new_features = jnp.concatenate([grouped_xyz, grouped_feat], axis=-1)  # [B,S,n,3+D]
    return new_xyz, new_features


def pointnet(x, weights, biases):
    # x: [B,S,n,C]; shared 1x1-conv MLP + ReLU, then max-pool over samples
    for W, b in zip(weights, biases):
        x = jax.nn.relu(jnp.einsum('bsnc,oc->bsno', x, W) + b)
    return jnp.max(x, axis=2)  # [B,S,C_out]


def setup_inputs(seed: int = 0) -> dict:
    key = jax.random.key(seed)
    k1, k2, kw = jax.random.split(key, 3)
    xyz = jax.random.uniform(k1, (8, 4096, 3), dtype=jnp.float32)
    features = jax.random.normal(k2, (8, 4096, 128), dtype=jnp.float32)
    dims = [IN_CH] + HIDDEN
    params = {}
    for i in range(len(HIDDEN)):
        kw, ka, kb = jax.random.split(kw, 3)
        fan_in = dims[i]
        params['W%d' % (i + 1)] = jax.random.normal(ka, (dims[i + 1], dims[i]), dtype=jnp.float32) * (1.0 / np.sqrt(fan_in))
        params['b%d' % (i + 1)] = jnp.zeros((dims[i + 1],), dtype=jnp.float32)
    return {'xyz': xyz, 'features': features, **params}


def reference(xyz, features, W1, b1, W2, b2, W3, b3):
    new_xyz, grouped = sampling_and_grouping(xyz, features, RADIUS, NPOINT, NSAMPLE)
    out = pointnet(grouped, [W1, W2, W3], [b1, b2, b3])  # [B,S,128]
    return (new_xyz, out)

if __name__ == "__main__":
    import jax
    _d = setup_inputs()
    print(jax.jit(kernel)(*tuple(_d.values())))

</pallas_src>

<mosaic_0001>
#map = affine_map<(d0, d1) -> (0)>
#map1 = affine_map<(d0, d1) -> (0, 0)>
module attributes {stable_mosaic.version = 14 : i64} {
  func.func @_sc_body(%arg0: i32, %arg1: i32, %arg2: memref<32768xf32, #tpu.memory_space<hbm>>, %arg3: memref<32768xf32, #tpu.memory_space<hbm>>, %arg4: memref<32768xf32, #tpu.memory_space<hbm>>, %arg5: memref<8192xf32, #tpu.memory_space<hbm>>, %arg6: memref<8192xf32, #tpu.memory_space<hbm>>, %arg7: memref<8192xf32, #tpu.memory_space<hbm>>, %arg8: memref<32768x64xf32, #tpu.memory_space<hbm>>, %arg9: memref<262144x64xf32, #tpu.memory_space<hbm>>, %arg10: memref<4096xf32, #tpu.memory_space<vmem>>, %arg11: memref<4096xf32, #tpu.memory_space<vmem>>, %arg12: memref<4096xf32, #tpu.memory_space<vmem>>, %arg13: memref<272xf32, #tpu.memory_space<vmem>>, %arg14: memref<272xf32, #tpu.memory_space<vmem>>, %arg15: memref<272xf32, #tpu.memory_space<vmem>>, %arg16: memref<64xi32, #tpu.memory_space<vmem>>, %arg17: memref<4x128xi32, #tpu.memory_space<vmem>>, %arg18: memref<512x64xf32, #tpu.memory_space<vmem>>, %arg19: memref<!tpu.dma_semaphore, #tpu.memory_space<semaphore_mem>>, %arg20: memref<!tpu.dma_semaphore, #tpu.memory_space<semaphore_mem>>, %arg21: memref<!tpu.dma_semaphore, #tpu.memory_space<semaphore_mem>>, %arg22: memref<!tpu.dma_semaphore, #tpu.memory_space<semaphore_mem>>) attributes {dimension_semantics = [#tpu.dimension_semantics<core_parallel>, #tpu.dimension_semantics<subcore_parallel>], iteration_bounds = array<i64: 2, 16>, scalar_prefetch = 0 : i64, scratch_operands = 13 : i64, tpu.core_type = #tpu.core_type<sc_vector_subcore>, window_params = [{transform_indices = #map}, {transform_indices = #map}, {transform_indices = #map}, {transform_indices = #map}, {transform_indices = #map}, {transform_indices = #map}, {transform_indices = #map1}, {transform_indices = #map1}]} {
    %mul3A = arith.constant 16 : i32
    %mul3A_0 = arith.muli %arg0, %mul3A : i32
    %add3A = arith.addi %mul3A_0, %arg1 : i32
    %jit3A = arith.constant 4 : i32
    %div3A = arith.divsi %add3A, %jit3A : i32
    %sign3A = arith.constant 0 : i32
    %sign3A_1 = arith.cmpi sgt, %add3A, %sign3A : i32
    %sign3A_2 = arith.extui %sign3A_1 : i1 to i32
    %sign3A_3 = arith.constant 0 : i32
    %sign3A_4 = arith.cmpi slt, %add3A, %sign3A_3 : i32
    %sign3A_5 = arith.extui %sign3A_4 : i1 to i32
    %sign3A_6 = arith.subi %sign3A_2, %sign3A_5 : i32
    %sign3A_7 = arith.constant 0 : i32
    %sign3A_8 = arith.cmpi sgt, %jit3A, %sign3A_7 : i32
    %sign3A_9 = arith.extui %sign3A_8 : i1 to i32
    %sign3A_10 = arith.constant 0 : i32
    %sign3A_11 = arith.cmpi slt, %jit3A, %sign3A_10 : i32
    %sign3A_12 = arith.extui %sign3A_11 : i1 to i32
    %sign3A_13 = arith.subi %sign3A_9, %sign3A_12 : i32
    %ne3A = arith.cmpi ne, %sign3A_6, %sign3A_13 : i32
    %rem3A = arith.remsi %add3A, %jit3A : i32
    %ne3A_14 = arith.constant 0 : i32
    %ne3A_15 = arith.cmpi ne, %rem3A, %ne3A_14 : i32
    %and3A = arith.andi %ne3A, %ne3A_15 : i1
    %sub3A = arith.constant 1 : i32
    %sub3A_16 = arith.subi %div3A, %sub3A : i32
    %select_n3A = arith.select %and3A, %sub3A_16, %div3A : i32
    %mul3A_17 = arith.constant 256 : i32
    %mul3A_18 = arith.muli %add3A, %mul3A_17 : i32
    %mul3A_19 = arith.constant 4096 : i32
    %mul3A_20 = arith.muli %select_n3A, %mul3A_19 : i32
    "tpu.region"() ({
      %run_scoped3A = tpu.sem_alloc : memref<!tpu.dma_semaphore, #tpu.memory_space<semaphore_mem>>
      %dma_start3A = tpu.memref_slice %arg2[%mul3A_20] : memref<32768xf32, #tpu.memory_space<hbm>> -> memref<4096xf32, #tpu.memory_space<hbm>>
      %dma_start3A_27 = tpu.memref_slice %arg2[%mul3A_20] : memref<32768xf32, #tpu.memory_space<hbm>> -> memref<4096xf32, #tpu.memory_space<hbm>>
      tpu.enqueue_dma source(%dma_start3A_27 : memref<4096xf32, #tpu.memory_space<hbm>>) target(%arg10 : memref<4096xf32, #tpu.memory_space<vmem>>) target_semaphore(%run_scoped3A : memref<!tpu.dma_semaphore, #tpu.memory_space<semaphore_mem>>)
      %dma_wait3A = tpu.memref_slice %arg2[%mul3A_20] : memref<32768xf32, #tpu.memory_space<hbm>> -> memref<4096xf32, #tpu.memory_space<hbm>>
      %dma_wait3A_28 = tpu.memref_slice %arg2[%mul3A_20] : memref<32768xf32, #tpu.memory_space<hbm>> -> memref<4096xf32, #tpu.memory_space<hbm>>
      tpu.wait_dma2 semaphore(%run_scoped3A : memref<!tpu.dma_semaphore, #tpu.memory_space<semaphore_mem>>) src(%dma_wait3A_28 : memref<4096xf32, #tpu.memory_space<hbm>>) dst(%arg10 : memref<4096xf32, #tpu.memory_space<vmem>>)
      tpu.yield
    }) : () -> ()
    "tpu.region"() ({
      %run_scoped3A = tpu.sem_alloc : memref<!tpu.dma_semaphore, #tpu.memory_space<semaphore_mem>>
      %dma_start3A = tpu.memref_slice %arg3[%mul3A_20] : memref<32768xf32, #tpu.memory_space<hbm>> -> memref<4096xf32, #tpu.memory_space<hbm>>
      %dma_start3A_27 = tpu.memref_slice %arg3[%mul3A_20] : memref<32768xf32, #tpu.memory_space<hbm>> -> memref<4096xf32, #tpu.memory_space<hbm>>
      tpu.enqueue_dma source(%dma_start3A_27 : memref<4096xf32, #tpu.memory_space<hbm>>) target(%arg11 : memref<4096xf32, #tpu.memory_space<vmem>>) target_semaphore(%run_scoped3A : memref<!tpu.dma_semaphore, #tpu.memory_space<semaphore_mem>>)
      %dma_wait3A = tpu.memref_slice %arg3[%mul3A_20] : memref<32768xf32, #tpu.memory_space<hbm>> -> memref<4096xf32, #tpu.memory_space<hbm>>
      %dma_wait3A_28 = tpu.memref_slice %arg3[%mul3A_20] : memref<32768xf32, #tpu.memory_space<hbm>> -> memref<4096xf32, #tpu.memory_space<hbm>>
      tpu.wait_dma2 semaphore(%run_scoped3A : memref<!tpu.dma_semaphore, #tpu.memory_space<semaphore_mem>>) src(%dma_wait3A_28 : memref<4096xf32, #tpu.memory_space<hbm>>) dst(%arg11 : memref<4096xf32, #tpu.memory_space<vmem>>)
      tpu.yield
    }) : () -> ()
    "tpu.region"() ({
      %run_scoped3A = tpu.sem_alloc : memref<!tpu.dma_semaphore, #tpu.memory_space<semaphore_mem>>
      %dma_start3A = tpu.memref_slice %arg4[%mul3A_20] : memref<32768xf32, #tpu.memory_space<hbm>> -> memref<4096xf32, #tpu.memory_space<hbm>>
      %dma_start3A_27 = tpu.memref_slice %arg4[%mul3A_20] : memref<32768xf32, #tpu.memory_space<hbm>> -> memref<4096xf32, #tpu.memory_space<hbm>>
      tpu.enqueue_dma source(%dma_start3A_27 : memref<4096xf32, #tpu.memory_space<hbm>>) target(%arg12 : memref<4096xf32, #tpu.memory_space<vmem>>) target_semaphore(%run_scoped3A : memref<!tpu.dma_semaphore, #tpu.memory_space<semaphore_mem>>)
      %dma_wait3A = tpu.memref_slice %arg4[%mul3A_20] : memref<32768xf32, #tpu.memory_space<hbm>> -> memref<4096xf32, #tpu.memory_space<hbm>>
      %dma_wait3A_28 = tpu.memref_slice %arg4[%mul3A_20] : memref<32768xf32, #tpu.memory_space<hbm>> -> memref<4096xf32, #tpu.memory_space<hbm>>
      tpu.wait_dma2 semaphore(%run_scoped3A : memref<!tpu.dma_semaphore, #tpu.memory_space<semaphore_mem>>) src(%dma_wait3A_28 : memref<4096xf32, #tpu.memory_space<hbm>>) dst(%arg12 : memref<4096xf32, #tpu.memory_space<vmem>>)
      tpu.yield
    }) : () -> ()
    "tpu.region"() ({
      %run_scoped3A = tpu.sem_alloc : memref<!tpu.dma_semaphore, #tpu.memory_space<semaphore_mem>>
      %dma_start3A = arith.constant 0 : i32
      %dma_start3A_27 = tpu.memref_slice %arg13[%dma_start3A] : memref<272xf32, #tpu.memory_space<vmem>> -> memref<256xf32, #tpu.memory_space<vmem>>
      %dma_start3A_28 = tpu.memref_slice %arg5[%mul3A_18] : memref<8192xf32, #tpu.memory_space<hbm>> -> memref<256xf32, #tpu.memory_space<hbm>>
      %dma_start3A_29 = arith.constant 0 : i32
      %dma_start3A_30 = tpu.memref_slice %arg13[%dma_start3A_29] : memref<272xf32, #tpu.memory_space<vmem>> -> memref<256xf32, #tpu.memory_space<vmem>>
      %dma_start3A_31 = tpu.memref_slice %arg5[%mul3A_18] : memref<8192xf32, #tpu.memory_space<hbm>> -> memref<256xf32, #tpu.memory_space<hbm>>
      tpu.enqueue_dma source(%dma_start3A_31 : memref<256xf32, #tpu.memory_space<hbm>>) target(%dma_start3A_30 : memref<256xf32, #tpu.memory_space<vmem>>) target_semaphore(%run_scoped3A : memref<!tpu.dma_semaphore, #tpu.memory_space<semaphore_mem>>)
      %dma_wait3A = arith.constant 0 : i32
      %dma_wait3A_32 = tpu.memref_slice %arg13[%dma_wait3A] : memref<272xf32, #tpu.memory_space<vmem>> -> memref<256xf32, #tpu.memory_space<vmem>>
      %dma_wait3A_33 = tpu.memref_slice %arg5[%mul3A_18] : memref<8192xf32, #tpu.memory_space<hbm>> -> memref<256xf32, #tpu.memory_space<hbm>>
      %dma_wait3A_34 = arith.constant 0 : i32
      %dma_wait3A_35 = tpu.memref_slice %arg13[%dma_wait3A_34] : memref<272xf32, #tpu.memory_space<vmem>> -> memref<256xf32, #tpu.memory_space<vmem>>
      %dma_wait3A_36 = tpu.memref_slice %arg5[%mul3A_18] : memref<8192xf32, #tpu.memory_space<hbm>> -> memref<256xf32, #tpu.memory_space<hbm>>
      tpu.wait_dma2 semaphore(%run_scoped3A : memref<!tpu.dma_semaphore, #tpu.memory_space<semaphore_mem>>) src(%dma_wait3A_36 : memref<256xf32, #tpu.memory_space<hbm>>) dst(%dma_wait3A_35 : memref<256xf32, #tpu.memory_space<vmem>>)
      tpu.yield
    }) : () -> ()
    "tpu.region"() ({
      %run_scoped3A = tpu.sem_alloc : memref<!tpu.dma_semaphore, #tpu.memory_space<semaphore_mem>>
      %dma_start3A = arith.constant 0 : i32
      %dma_start3A_27 = tpu.memref_slice %arg14[%dma_start3A] : memref<272xf32, #tpu.memory_space<vmem>> -> memref<256xf32, #tpu.memory_space<vmem>>
      %dma_start3A_28 = tpu.memref_slice %arg6[%mul3A_18] : memref<8192xf32, #tpu.memory_space<hbm>> -> memref<256xf32, #tpu.memory_space<hbm>>
      %dma_start3A_29 = arith.constant 0 : i32
      %dma_start3A_30 = tpu.memref_slice %arg14[%dma_start3A_29] : memref<272xf32, #tpu.memory_space<vmem>> -> memref<256xf32, #tpu.memory_space<vmem>>
      %dma_start3A_31 = tpu.memref_slice %arg6[%mul3A_18] : memref<8192xf32, #tpu.memory_space<hbm>> -> memref<256xf32, #tpu.memory_space<hbm>>
      tpu.enqueue_dma source(%dma_start3A_31 : memref<256xf32, #tpu.memory_space<hbm>>) target(%dma_start3A_30 : memref<256xf32, #tpu.memory_space<vmem>>) target_semaphore(%run_scoped3A : memref<!tpu.dma_semaphore, #tpu.memory_space<semaphore_mem>>)
      %dma_wait3A = arith.constant 0 : i32
      %dma_wait3A_32 = tpu.memref_slice %arg14[%dma_wait3A] : memref<272xf32, #tpu.memory_space<vmem>> -> memref<256xf32, #tpu.memory_space<vmem>>
      %dma_wait3A_33 = tpu.memref_slice %arg6[%mul3A_18] : memref<8192xf32, #tpu.memory_space<hbm>> -> memref<256xf32, #tpu.memory_space<hbm>>
      %dma_wait3A_34 = arith.constant 0 : i32
      %dma_wait3A_35 = tpu.memref_slice %arg14[%dma_wait3A_34] : memref<272xf32, #tpu.memory_space<vmem>> -> memref<256xf32, #tpu.memory_space<vmem>>
      %dma_wait3A_36 = tpu.memref_slice %arg6[%mul3A_18] : memref<8192xf32, #tpu.memory_space<hbm>> -> memref<256xf32, #tpu.memory_space<hbm>>
      tpu.wait_dma2 semaphore(%run_scoped3A : memref<!tpu.dma_semaphore, #tpu.memory_space<semaphore_mem>>) src(%dma_wait3A_36 : memref<256xf32, #tpu.memory_space<hbm>>) dst(%dma_wait3A_35 : memref<256xf32, #tpu.memory_space<vmem>>)
      tpu.yield
    }) : () -> ()
    "tpu.region"() ({
      %run_scoped3A = tpu.sem_alloc : memref<!tpu.dma_semaphore, #tpu.memory_space<semaphore_mem>>
      %dma_start3A = arith.constant 0 : i32
      %dma_start3A_27 = tpu.memref_slice %arg15[%dma_start3A] : memref<272xf32, #tpu.memory_space<vmem>> -> memref<256xf32, #tpu.memory_space<vmem>>
      %dma_start3A_28 = tpu.memref_slice %arg7[%mul3A_18] : memref<8192xf32, #tpu.memory_space<hbm>> -> memref<256xf32, #tpu.memory_space<hbm>>
      %dma_start3A_29 = arith.constant 0 : i32
      %dma_start3A_30 = tpu.memref_slice %arg15[%dma_start3A_29] : memref<272xf32, #tpu.memory_space<vmem>> -> memref<256xf32, #tpu.memory_space<vmem>>
      %dma_start3A_31 = tpu.memref_slice %arg7[%mul3A_18] : memref<8192xf32, #tpu.memory_space<hbm>> -> memref<256xf32, #tpu.memory_space<hbm>>
      tpu.enqueue_dma source(%dma_start3A_31 : memref<256xf32, #tpu.memory_space<hbm>>) target(%dma_start3A_30 : memref<256xf32, #tpu.memory_space<vmem>>) target_semaphore(%run_scoped3A : memref<!tpu.dma_semaphore, #tpu.memory_space<semaphore_mem>>)
      %dma_wait3A = arith.constant 0 : i32
      %dma_wait3A_32 = tpu.memref_slice %arg15[%dma_wait3A] : memref<272xf32, #tpu.memory_space<vmem>> -> memref<256xf32, #tpu.memory_space<vmem>>
      %dma_wait3A_33 = tpu.memref_slice %arg7[%mul3A_18] : memref<8192xf32, #tpu.memory_space<hbm>> -> memref<256xf32, #tpu.memory_space<hbm>>
      %dma_wait3A_34 = arith.constant 0 : i32
      %dma_wait3A_35 = tpu.memref_slice %arg15[%dma_wait3A_34] : memref<272xf32, #tpu.memory_space<vmem>> -> memref<256xf32, #tpu.memory_space<vmem>>
      %dma_wait3A_36 = tpu.memref_slice %arg7[%mul3A_18] : memref<8192xf32, #tpu.memory_space<hbm>> -> memref<256xf32, #tpu.memory_space<hbm>>
      tpu.wait_dma2 semaphore(%run_scoped3A : memref<!tpu.dma_semaphore, #tpu.memory_space<semaphore_mem>>) src(%dma_wait3A_36 : memref<256xf32, #tpu.memory_space<hbm>>) dst(%dma_wait3A_35 : memref<256xf32, #tpu.memory_space<vmem>>)
      tpu.yield
    }) : () -> ()
    %iota3A = tpu.iota {dimensions = array<i32: 0>} : vector<16xi32>
    %broadcast_in_dim3A = arith.constant 0 : i32
    %broadcast_in_dim3A_21 = vector.broadcast %broadcast_in_dim3A : i32 to vector<16xi32>
    %scan3A = arith.constant 0 : i32
    %scan3A_22 = arith.constant 0 : i32
    %scan3A_23 = arith.constant 16 : i32
    %scan3A_24 = arith.addi %scan3A_22, %scan3A_23 : i32
    %scan3A_25 = arith.constant 1 : i32
    scf.for %scan3A_27 = %scan3A_22 to %scan3A_24 step %scan3A_25  : i32 {
      %mul3A_28 = arith.constant 16 : i32
      %mul3A_29 = arith.muli %scan3A_27, %mul3A_28 : i32
      %add3A_30 = arith.constant 0 : i32
      %add3A_31 = arith.addi %mul3A_29, %add3A_30 : i32
      %add3A_32 = arith.constant 0 : i32
      %add3A_33 = arith.addi %add3A_31, %add3A_32 : i32
      %get3A = arith.index_cast %add3A_33 : i32 to index
      %get3A_34 = tpu.vector_load %arg13[%get3A] {strides = array<i32>} : memref<272xf32, #tpu.memory_space<vmem>>, vector<16xf32>,
      %broadcast_in_dim3A_35 = vector.shape_cast %broadcast_in_dim3A_21 : vector<16xi32> to vector<16x1xi32>
      %gather3A = vector.shape_cast %broadcast_in_dim3A_35 : vector<16x1xi32> to vector<16xi32>
      %gather3A_36 = tpu.dynamic_gather %get3A_34[%gather3A] in [0] : vector<16xf32>, vector<16xi32> -> vector<16xf32>
      %get3A_37 = arith.index_cast %add3A_33 : i32 to index
      %get3A_38 = tpu.vector_load %arg14[%get3A_37] {strides = array<i32>} : memref<272xf32, #tpu.memory_space<vmem>>, vector<16xf32>,
      %broadcast_in_dim3A_39 = vector.shape_cast %broadcast_in_dim3A_21 : vector<16xi32> to vector<16x1xi32>
      %gather3A_40 = vector.shape_cast %broadcast_in_dim3A_39 : vector<16x1xi32> to vector<16xi32>
      %gather3A_41 = tpu.dynamic_gather %get3A_38[%gather3A_40] in [0] : vector<16xf32>, vector<16xi32> -> vector<16xf32>
      %get3A_42 = arith.index_cast %add3A_33 : i32 to index
      %get3A_43 = tpu.vector_load %arg15[%get3A_42] {strides = array<i32>} : memref<272xf32, #tpu.memory_space<vmem>>, vector<16xf32>,
      %broadcast_in_dim3A_44 = vector.shape_cast %broadcast_in_dim3A_21 : vector<16xi32> to vector<16x1xi32>
      %gather3A_45 = vector.shape_cast %broadcast_in_dim3A_44 : vector<16x1xi32> to vector<16xi32>
      %gather3A_46 = tpu.dynamic_gather %get3A_43[%gather3A_45] in [0] : vector<16xf32>, vector<16xi32> -> vector<16xf32>
      %while3A = arith.constant 0 : i32
      %while3A_47 = arith.constant 0 : i32
      %while3A_48:2 = scf.while (%while3A_1002 = %while3A, %while3A_1003 = %while3A_47) : (i32, i32) -> (i32, i32) {
        %lt3A_1004 = arith.constant 128 : i32
        %lt3A_1005 = arith.cmpi slt, %while3A_1002, %lt3A_1004 : i32
        %lt3A_1006 = arith.constant 32 : i32
        %lt3A_1007 = arith.cmpi slt, %while3A_1003, %lt3A_1006 : i32
        %and3A_1008 = arith.andi %lt3A_1005, %lt3A_1007 : i1
        scf.condition(%and3A_1008) %while3A_1002, %while3A_1003 : i32, i32
      } do {
      ^bb0(%while3A_1002: i32, %while3A_1003: i32):
        %mul3A_1004 = arith.constant 32 : i32
        %mul3A_1005 = arith.muli %while3A_1002, %mul3A_1004 : i32
        %get3A_1006 = arith.index_cast %mul3A_1005 : i32 to index
        %get3A_1007 = tpu.vector_load %arg10[%get3A_1006] {strides = array<i32>} : memref<4096xf32, #tpu.memory_space<vmem>>, vector<16xf32>,
        %get3A_1008 = arith.index_cast %mul3A_1005 : i32 to index
        %get3A_1009 = tpu.vector_load %arg11[%get3A_1008] {strides = array<i32>} : memref<4096xf32, #tpu.memory_space<vmem>>, vector<16xf32>,
        %get3A_1010 = arith.index_cast %mul3A_1005 : i32 to index
        %get3A_1011 = tpu.vector_load %arg12[%get3A_1010] {strides = array<i32>} : memref<4096xf32, #tpu.memory_space<vmem>>, vector<16xf32>,
        %sub3A_1012 = arith.subf %get3A_1007, %gather3A_36 : vector<16xf32>
        %sub3A_1013 = arith.subf %get3A_1009, %gather3A_41 : vector<16xf32>
        %sub3A_1014 = arith.subf %get3A_1011, %gather3A_46 : vector<16xf32>
        %mul3A_1015 = arith.mulf %sub3A_1012, %sub3A_1012 : vector<16xf32>
        %mul3A_1016 = arith.mulf %sub3A_1013, %sub3A_1013 : vector<16xf32>
        %add3A_1017 = arith.addf %mul3A_1015, %mul3A_1016 : vector<16xf32>
        %mul3A_1018 = arith.mulf %sub3A_1014, %sub3A_1014 : vector<16xf32>
        %add3A_1019 = arith.addf %add3A_1017, %mul3A_1018 : vector<16xf32>
        %le3A = arith.constant 4.000000e-02 : f32
        %le3A_1020 = vector.broadcast %le3A : f32 to vector<16xf32>
        %le3A_1021 = arith.cmpf ole, %add3A_1019, %le3A_1020 : vector<16xf32>
        %convert_element_type3A = arith.extui %le3A_1021 : vector<16xi1> to vector<16xi32>
        %broadcast_in_dim3A_1022 = arith.constant true
        %broadcast_in_dim3A_1023 = vector.broadcast %broadcast_in_dim3A_1022 : i1 to vector<16xi1>
        %masked_cumsum3A = tpu.scan <sum>, %convert_element_type3A masked %broadcast_in_dim3A_1023 : vector<16xi32>, vector<16xi1> -> vector<16xi32>
        %add3A_1024 = vector.broadcast %while3A_1003 : i32 to vector<16xi32>
        %add3A_1025 = arith.addi %add3A_1024, %masked_cumsum3A : vector<16xi32>
        %sub3A_1026 = arith.constant 1 : i32
        %sub3A_1027 = vector.broadcast %sub3A_1026 : i32 to vector<16xi32>
        %sub3A_1028 = arith.subi %add3A_1025, %sub3A_1027 : vector<16xi32>
        %min3A = arith.constant 48 : i32
        %min3A_1029 = vector.broadcast %min3A : i32 to vector<16xi32>
        %min3A_1030 = arith.minsi %sub3A_1028, %min3A_1029 : vector<16xi32>
        %jit3A_1031 = arith.constant 56 : i32
        %broadcast_in_dim3A_1032 = vector.broadcast %jit3A_1031 : i32 to vector<16xi32>
        %select_n3A_1033 = arith.select %le3A_1021, %min3A_1030, %broadcast_in_dim3A_1032 : vector<16xi1>, vector<16xi32>
        %add3A_1034 = vector.broadcast %mul3A_1005 : i32 to vector<16xi32>
        %add3A_1035 = arith.addi %iota3A, %add3A_1034 : vector<16xi32>
        tpu.vector_store_idx %arg16[%select_n3A_1033], %add3A_1035 : memref<64xi32, #tpu.memory_space<vmem>>[vector<16xi32>], vector<16xi32>,
        %slice3A = vector.extract_strided_slice %masked_cumsum3A {offsets = [15], sizes = [1], strides = [1]} : vector<16xi32> to vector<1xi32>
        %squeeze3A = vector.extract %slice3A[0] : i32 from vector<1xi32>
        %add3A_1036 = arith.addi %while3A_1003, %squeeze3A : i32
        %mul3A_1037 = arith.constant 32 : i32
        %mul3A_1038 = arith.muli %while3A_1002, %mul3A_1037 : i32
        %add3A_1039 = arith.constant 16 : i32
        %add3A_1040 = arith.addi %mul3A_1038, %add3A_1039 : i32
        %get3A_1041 = arith.index_cast %add3A_1040 : i32 to index
        %get3A_1042 = tpu.vector_load %arg10[%get3A_1041] {strides = array<i32>} : memref<4096xf32, #tpu.memory_space<vmem>>, vector<16xf32>,
        %get3A_1043 = arith.index_cast %add3A_1040 : i32 to index
        %get3A_1044 = tpu.vector_load %arg11[%get3A_1043] {strides = array<i32>} : memref<4096xf32, #tpu.memory_space<vmem>>, vector<16xf32>,
        %get3A_1045 = arith.index_cast %add3A_1040 : i32 to index
        %get3A_1046 = tpu.vector_load %arg12[%get3A_1045] {strides = array<i32>} : memref<4096xf32, #tpu.memory_space<vmem>>, vector<16xf32>,
        %sub3A_1047 = arith.subf %get3A_1042, %gather3A_36 : vector<16xf32>
        %sub3A_1048 = arith.subf %get3A_1044, %gather3A_41 : vector<16xf32>
        %sub3A_1049 = arith.subf %get3A_1046, %gather3A_46 : vector<16xf32>
        %mul3A_1050 = arith.mulf %sub3A_1047, %sub3A_1047 : vector<16xf32>
        %mul3A_1051 = arith.mulf %sub3A_1048, %sub3A_1048 : vector<16xf32>
        %add3A_1052 = arith.addf %mul3A_1050, %mul3A_1051 : vector<16xf32>
        %mul3A_1053 = arith.mulf %sub3A_1049, %sub3A_1049 : vector<16xf32>
        %add3A_1054 = arith.addf %add3A_1052, %mul3A_1053 : vector<16xf32>
        %le3A_1055 = arith.constant 4.000000e-02 : f32
        %le3A_1056 = vector.broadcast %le3A_1055 : f32 to vector<16xf32>
        %le3A_1057 = arith.cmpf ole, %add3A_1054, %le3A_1056 : vector<16xf32>
        %convert_element_type3A_1058 = arith.extui %le3A_1057 : vector<16xi1> to vector<16xi32>
        %broadcast_in_dim3A_1059 = arith.constant true
        %broadcast_in_dim3A_1060 = vector.broadcast %broadcast_in_dim3A_1059 : i1 to vector<16xi1>
        %masked_cumsum3A_1061 = tpu.scan <sum>, %convert_element_type3A_1058 masked %broadcast_in_dim3A_1060 : vector<16xi32>, vector<16xi1> -> vector<16xi32>
        %add3A_1062 = vector.broadcast %add3A_1036 : i32 to vector<16xi32>
        %add3A_1063 = arith.addi %add3A_1062, %masked_cumsum3A_1061 : vector<16xi32>
        %sub3A_1064 = arith.constant 1 : i32
        %sub3A_1065 = vector.broadcast %sub3A_1064 : i32 to vector<16xi32>
        %sub3A_1066 = arith.subi %add3A_1063, %sub3A_1065 : vector<16xi32>
        %min3A_1067 = arith.constant 48 : i32
        %min3A_1068 = vector.broadcast %min3A_1067 : i32 to vector<16xi32>
        %min3A_1069 = arith.minsi %sub3A_1066, %min3A_1068 : vector<16xi32>
        %jit3A_1070 = arith.constant 56 : i32
        %broadcast_in_dim3A_1071 = vector.broadcast %jit3A_1070 : i32 to vector<16xi32>
        %select_n3A_1072 = arith.select %le3A_1057, %min3A_1069, %broadcast_in_dim3A_1071 : vector<16xi1>, vector<16xi32>
        %add3A_1073 = vector.broadcast %add3A_1040 : i32 to vector<16xi32>
        %add3A_1074 = arith.addi %iota3A, %add3A_1073 : vector<16xi32>
        tpu.vector_store_idx %arg16[%select_n3A_1072], %add3A_1074 : memref<64xi32, #tpu.memory_space<vmem>>[vector<16xi32>], vector<16xi32>,
        %slice3A_1075 = vector.extract_strided_slice %masked_cumsum3A_1061 {offsets = [15], sizes = [1], strides = [1]} : vector<16xi32> to vector<1xi32>
        %squeeze3A_1076 = vector.extract %slice3A_1075[0] : i32 from vector<1xi32>
        %add3A_1077 = arith.addi %add3A_1036, %squeeze3A_1076 : i32
        %add3A_1078 = arith.constant 1 : i32
        %add3A_1079 = arith.addi %while3A_1002, %add3A_1078 : i32
        scf.yield %add3A_1079, %add3A_1077 : i32, i32
      }
      %get3A_49 = arith.constant 0 : index
      %get3A_50 = tpu.vector_load %arg16[%get3A_49] {strides = array<i32>} : memref<64xi32, #tpu.memory_space<vmem>>, vector<16xi32>,
      %get3A_51 = arith.constant 16 : index
      %get3A_52 = tpu.vector_load %arg16[%get3A_51] {strides = array<i32>} : memref<64xi32, #tpu.memory_space<vmem>>, vector<16xi32>,
      %broadcast_in_dim3A_53 = vector.shape_cast %broadcast_in_dim3A_21 : vector<16xi32> to vector<16x1xi32>
      %gather3A_54 = vector.shape_cast %broadcast_in_dim3A_53 : vector<16x1xi32> to vector<16xi32>
      %gather3A_55 = tpu.dynamic_gather %get3A_50[%gather3A_54] in [0] : vector<16xi32>, vector<16xi32> -> vector<16xi32>
      %lt3A = vector.broadcast %while3A_48#1 : i32 to vector<16xi32>
      %lt3A_56 = arith.cmpi slt, %iota3A, %lt3A : vector<16xi32>
      %select_n3A_57 = arith.select %lt3A_56, %get3A_50, %gather3A_55 : vector<16xi1>, vector<16xi32>
      %add3A_58 = vector.broadcast %mul3A_20 : i32 to vector<16xi32>
      %add3A_59 = arith.addi %select_n3A_57, %add3A_58 : vector<16xi32>
      %add3A_60 = arith.constant 16 : i32
      %add3A_61 = vector.broadcast %add3A_60 : i32 to vector<16xi32>
      %add3A_62 = arith.addi %iota3A, %add3A_61 : vector<16xi32>
      %lt3A_63 = vector.broadcast %while3A_48#1 : i32 to vector<16xi32>
      %lt3A_64 = arith.cmpi slt, %add3A_62, %lt3A_63 : vector<16xi32>
      %select_n3A_65 = arith.select %lt3A_64, %get3A_52, %gather3A_55 : vector<16xi1>, vector<16xi32>
      %add3A_66 = vector.broadcast %mul3A_20 : i32 to vector<16xi32>
      %add3A_67 = arith.addi %select_n3A_65, %add3A_66 : vector<16xi32>
      %swap3A = arith.constant 0 : i32
      %swap3A_68 = arith.constant 0 : i32
      %swap3A_69 = tpu.memref_slice %arg17[%swap3A, %swap3A_68] : memref<4x128xi32, #tpu.memory_space<vmem>> -> memref<1x128xi32, #tpu.memory_space<vmem>>
      %swap3A_70 = tpu.memref_squeeze %swap3A_69 : memref<1x128xi32, #tpu.memory_space<vmem>> -> memref<128xi32, #tpu.memory_space<vmem>>
      %swap3A_71 = arith.constant 0 : index
      %swap3A_72 = tpu.vector_load %swap3A_70[%swap3A_71] {strides = array<i32>} : memref<128xi32, #tpu.memory_space<vmem>>, vector<16xi32>,
      tpu.vector_store %swap3A_70[%swap3A_71], %add3A_59 {strides = array<i32>} : memref<128xi32, #tpu.memory_space<vmem>>, vector<16xi32>,
      %swap3A_73 = arith.constant 0 : i32
      %swap3A_74 = arith.constant 0 : i32
      %swap3A_75 = tpu.memref_slice %arg17[%swap3A_73, %swap3A_74] : memref<4x128xi32, #tpu.memory_space<vmem>> -> memref<1x128xi32, #tpu.memory_space<vmem>>
      %swap3A_76 = tpu.memref_squeeze %swap3A_75 : memref<1x128xi32, #tpu.memory_space<vmem>> -> memref<128xi32, #tpu.memory_space<vmem>>
      %swap3A_77 = arith.constant 16 : index
      %swap3A_78 = tpu.vector_load %swap3A_76[%swap3A_77] {strides = array<i32>} : memref<128xi32, #tpu.memory_space<vmem>>, vector<16xi32>,
      tpu.vector_store %swap3A_76[%swap3A_77], %add3A_67 {strides = array<i32>} : memref<128xi32, #tpu.memory_space<vmem>>, vector<16xi32>,
      %mul3A_79 = arith.constant 16 : i32
      %mul3A_80 = arith.muli %scan3A_27, %mul3A_79 : i32
      %add3A_81 = arith.constant 0 : i32
      %add3A_82 = arith.addi %mul3A_80, %add3A_81 : i32
      %add3A_83 = arith.constant 1 : i32
      %add3A_84 = arith.addi %add3A_82, %add3A_83 : i32
      %get3A_85 = arith.index_cast %add3A_84 : i32 to index
      %get3A_86 = tpu.vector_load %arg13[%get3A_85] {strides = array<i32>} : memref<272xf32, #tpu.memory_space<vmem>>, vector<16xf32>,
      %broadcast_in_dim3A_87 = vector.shape_cast %broadcast_in_dim3A_21 : vector<16xi32> to vector<16x1xi32>
      %gather3A_88 = vector.shape_cast %broadcast_in_dim3A_87 : vector<16x1xi32> to vector<16xi32>
      %gather3A_89 = tpu.dynamic_gather %get3A_86[%gather3A_88] in [0] : vector<16xf32>, vector<16xi32> -> vector<16xf32>
      %get3A_90 = arith.index_cast %add3A_84 : i32 to index
      %get3A_91 = tpu.vector_load %arg14[%get3A_90] {strides = array<i32>} : memref<272xf32, #tpu.memory_space<vmem>>, vector<16xf32>,
      %broadcast_in_dim3A_92 = vector.shape_cast %broadcast_in_dim3A_21 : vector<16xi32> to vector<16x1xi32>
      %gather3A_93 = vector.shape_cast %broadcast_in_dim3A_92 : vector<16x1xi32> to vector<16xi32>
      %gather3A_94 = tpu.dynamic_gather %get3A_91[%gather3A_93] in [0] : vector<16xf32>, vector<16xi32> -> vector<16xf32>
      %get3A_95 = arith.index_cast %add3A_84 : i32 to index
      %get3A_96 = tpu.vector_load %arg15[%get3A_95] {strides = array<i32>} : memref<272xf32, #tpu.memory_space<vmem>>, vector<16xf32>,
      %broadcast_in_dim3A_97 = vector.shape_cast %broadcast_in_dim3A_21 : vector<16xi32> to vector<16x1xi32>
      %gather3A_98 = vector.shape_cast %broadcast_in_dim3A_97 : vector<16x1xi32> to vector<16xi32>
      %gather3A_99 = tpu.dynamic_gather %get3A_96[%gather3A_98] in [0] : vector<16xf32>, vector<16xi32> -> vector<16xf32>
      %while3A_100 = arith.constant 0 : i32
      %while3A_101 = arith.constant 0 : i32
      %while3A_102:2 = scf.while (%while3A_1002 = %while3A_100, %while3A_1003 = %while3A_101) : (i32, i32) -> (i32, i32) {
        %lt3A_1004 = arith.constant 128 : i32
        %lt3A_1005 = arith.cmpi slt, %while3A_1002, %lt3A_1004 : i32
        %lt3A_1006 = arith.constant 32 : i32
        %lt3A_1007 = arith.cmpi slt, %while3A_1003, %lt3A_1006 : i32
        %and3A_1008 = arith.andi %lt3A_1005, %lt3A_1007 : i1
        scf.condition(%and3A_1008) %while3A_1002, %while3A_1003 : i32, i32
      } do {
      ^bb0(%while3A_1002: i32, %while3A_1003: i32):
        %mul3A_1004 = arith.constant 32 : i32
        %mul3A_1005 = arith.muli %while3A_1002, %mul3A_1004 : i32
        %get3A_1006 = arith.index_cast %mul3A_1005 : i32 to index
        %get3A_1007 = tpu.vector_load %arg10[%get3A_1006] {strides = array<i32>} : memref<4096xf32, #tpu.memory_space<vmem>>, vector<16xf32>,
        %get3A_1008 = arith.index_cast %mul3A_1005 : i32 to index
        %get3A_1009 = tpu.vector_load %arg11[%get3A_1008] {strides = array<i32>} : memref<4096xf32, #tpu.memory_space<vmem>>, vector<16xf32>,
        %get3A_1010 = arith.index_cast %mul3A_1005 : i32 to index
        %get3A_1011 = tpu.vector_load %arg12[%get3A_1010] {strides = array<i32>} : memref<4096xf32, #tpu.memory_space<vmem>>, vector<16xf32>,
        %sub3A_1012 = arith.subf %get3A_1007, %gather3A_89 : vector<16xf32>
        %sub3A_1013 = arith.subf %get3A_1009, %gather3A_94 : vector<16xf32>
        %sub3A_1014 = arith.subf %get3A_1011, %gather3A_99 : vector<16xf32>
        %mul3A_1015 = arith.mulf %sub3A_1012, %sub3A_1012 : vector<16xf32>
        %mul3A_1016 = arith.mulf %sub3A_1013, %sub3A_1013 : vector<16xf32>
        %add3A_1017 = arith.addf %mul3A_1015, %mul3A_1016 : vector<16xf32>
        %mul3A_1018 = arith.mulf %sub3A_1014, %sub3A_1014 : vector<16xf32>
        %add3A_1019 = arith.addf %add3A_1017, %mul3A_1018 : vector<16xf32>
        %le3A = arith.constant 4.000000e-02 : f32
        %le3A_1020 = vector.broadcast %le3A : f32 to vector<16xf32>
        %le3A_1021 = arith.cmpf ole, %add3A_1019, %le3A_1020 : vector<16xf32>
        %convert_element_type3A = arith.extui %le3A_1021 : vector<16xi1> to vector<16xi32>
        %broadcast_in_dim3A_1022 = arith.constant true
        %broadcast_in_dim3A_1023 = vector.broadcast %broadcast_in_dim3A_1022 : i1 to vector<16xi1>
        %masked_cumsum3A = tpu.scan <sum>, %convert_element_type3A masked %broadcast_in_dim3A_1023 : vector<16xi32>, vector<16xi1> -> vector<16xi32>
        %add3A_1024 = vector.broadcast %while3A_1003 : i32 to vector<16xi32>
        %add3A_1025 = arith.addi %add3A_1024, %masked_cumsum3A : vector<16xi32>
        %sub3A_1026 = arith.constant 1 : i32
        %sub3A_1027 = vector.broadcast %sub3A_1026 : i32 to vector<16xi32>
        %sub3A_1028 = arith.subi %add3A_1025, %sub3A_1027 : vector<16xi32>
        %min3A = arith.constant 48 : i32
        %min3A_1029 = vector.broadcast %min3A : i32 to vector<16xi32>
        %min3A_1030 = arith.minsi %sub3A_1028, %min3A_1029 : vector<16xi32>
        %jit3A_1031 = arith.constant 56 : i32
        %broadcast_in_dim3A_1032 = vector.broadcast %jit3A_1031 : i32 to vector<16xi32>
        %select_n3A_1033 = arith.select %le3A_1021, %min3A_1030, %broadcast_in_dim3A_1032 : vector<16xi1>, vector<16xi32>
        %add3A_1034 = vector.broadcast %mul3A_1005 : i32 to vector<16xi32>
        %add3A_1035 = arith.addi %iota3A, %add3A_1034 : vector<16xi32>
        tpu.vector_store_idx %arg16[%select_n3A_1033], %add3A_1035 : memref<64xi32, #tpu.memory_space<vmem>>[vector<16xi32>], vector<16xi32>,
        %slice3A = vector.extract_strided_slice %masked_cumsum3A {offsets = [15], sizes = [1], strides = [1]} : vector<16xi32> to vector<1xi32>
        %squeeze3A = vector.extract %slice3A[0] : i32 from vector<1xi32>
        %add3A_1036 = arith.addi %while3A_1003, %squeeze3A : i32
        %mul3A_1037 = arith.constant 32 : i32
        %mul3A_1038 = arith.muli %while3A_1002, %mul3A_1037 : i32
        %add3A_1039 = arith.constant 16 : i32
        %add3A_1040 = arith.addi %mul3A_1038, %add3A_1039 : i32
        %get3A_1041 = arith.index_cast %add3A_1040 : i32 to index
        %get3A_1042 = tpu.vector_load %arg10[%get3A_1041] {strides = array<i32>} : memref<4096xf32, #tpu.memory_space<vmem>>, vector<16xf32>,
        %get3A_1043 = arith.index_cast %add3A_1040 : i32 to index
        %get3A_1044 = tpu.vector_load %arg11[%get3A_1043] {strides = array<i32>} : memref<4096xf32, #tpu.memory_space<vmem>>, vector<16xf32>,
        %get3A_1045 = arith.index_cast %add3A_1040 : i32 to index
        %get3A_1046 = tpu.vector_load %arg12[%get3A_1045] {strides = array<i32>} : memref<4096xf32, #tpu.memory_space<vmem>>, vector<16xf32>,
        %sub3A_1047 = arith.subf %get3A_1042, %gather3A_89 : vector<16xf32>
        %sub3A_1048 = arith.subf %get3A_1044, %gather3A_94 : vector<16xf32>
        %sub3A_1049 = arith.subf %get3A_1046, %gather3A_99 : vector<16xf32>
        %mul3A_1050 = arith.mulf %sub3A_1047, %sub3A_1047 : vector<16xf32>
        %mul3A_1051 = arith.mulf %sub3A_1048, %sub3A_1048 : vector<16xf32>
        %add3A_1052 = arith.addf %mul3A_1050, %mul3A_1051 : vector<16xf32>
        %mul3A_1053 = arith.mulf %sub3A_1049, %sub3A_1049 : vector<16xf32>
        %add3A_1054 = arith.addf %add3A_1052, %mul3A_1053 : vector<16xf32>
        %le3A_1055 = arith.constant 4.000000e-02 : f32
        %le3A_1056 = vector.broadcast %le3A_1055 : f32 to vector<16xf32>
        %le3A_1057 = arith.cmpf ole, %add3A_1054, %le3A_1056 : vector<16xf32>
        %convert_element_type3A_1058 = arith.extui %le3A_1057 : vector<16xi1> to vector<16xi32>
        %broadcast_in_dim3A_1059 = arith.constant true
        %broadcast_in_dim3A_1060 = vector.broadcast %broadcast_in_dim3A_1059 : i1 to vector<16xi1>
        %masked_cumsum3A_1061 = tpu.scan <sum>, %convert_element_type3A_1058 masked %broadcast_in_dim3A_1060 : vector<16xi32>, vector<16xi1> -> vector<16xi32>
        %add3A_1062 = vector.broadcast %add3A_1036 : i32 to vector<16xi32>
        %add3A_1063 = arith.addi %add3A_1062, %masked_cumsum3A_1061 : vector<16xi32>
        %sub3A_1064 = arith.constant 1 : i32
        %sub3A_1065 = vector.broadcast %sub3A_1064 : i32 to vector<16xi32>
        %sub3A_1066 = arith.subi %add3A_1063, %sub3A_1065 : vector<16xi32>
        %min3A_1067 = arith.constant 48 : i32
        %min3A_1068 = vector.broadcast %min3A_1067 : i32 to vector<16xi32>
        %min3A_1069 = arith.minsi %sub3A_1066, %min3A_1068 : vector<16xi32>
        %jit3A_1070 = arith.constant 56 : i32
        %broadcast_in_dim3A_1071 = vector.broadcast %jit3A_1070 : i32 to vector<16xi32>
        %select_n3A_1072 = arith.select %le3A_1057, %min3A_1069, %broadcast_in_dim3A_1071 : vector<16xi1>, vector<16xi32>
        %add3A_1073 = vector.broadcast %add3A_1040 : i32 to vector<16xi32>
        %add3A_1074 = arith.addi %iota3A, %add3A_1073 : vector<16xi32>
        tpu.vector_store_idx %arg16[%select_n3A_1072], %add3A_1074 : memref<64xi32, #tpu.memory_space<vmem>>[vector<16xi32>], vector<16xi32>,
        %slice3A_1075 = vector.extract_strided_slice %masked_cumsum3A_1061 {offsets = [15], sizes = [1], strides = [1]} : vector<16xi32> to vector<1xi32>
        %squeeze3A_1076 = vector.extract %slice3A_1075[0] : i32 from vector<1xi32>
        %add3A_1077 = arith.addi %add3A_1036, %squeeze3A_1076 : i32
        %add3A_1078 = arith.constant 1 : i32
        %add3A_1079 = arith.addi %while3A_1002, %add3A_1078 : i32
        scf.yield %add3A_1079, %add3A_1077 : i32, i32
      }
      %get3A_103 = arith.constant 0 : index
      %get3A_104 = tpu.vector_load %arg16[%get3A_103] {strides = array<i32>} : memref<64xi32, #tpu.memory_space<vmem>>, vector<16xi32>,
      %get3A_105 = arith.constant 16 : index
      %get3A_106 = tpu.vector_load %arg16[%get3A_105] {strides = array<i32>} : memref<64xi32, #tpu.memory_space<vmem>>, vector<16xi32>,
      %broadcast_in_dim3A_107 = vector.shape_cast %broadcast_in_dim3A_21 : vector<16xi32> to vector<16x1xi32>
      %gather3A_108 = vector.shape_cast %broadcast_in_dim3A_107 : vector<16x1xi32> to vector<16xi32>
      %gather3A_109 = tpu.dynamic_gather %get3A_104[%gather3A_108] in [0] : vector<16xi32>, vector<16xi32> -> vector<16xi32>
      %lt3A_110 = vector.broadcast %while3A_102#1 : i32 to vector<16xi32>
      %lt3A_111 = arith.cmpi slt, %iota3A, %lt3A_110 : vector<16xi32>
      %select_n3A_112 = arith.select %lt3A_111, %get3A_104, %gather3A_109 : vector<16xi1>, vector<16xi32>
      %add3A_113 = vector.broadcast %mul3A_20 : i32 to vector<16xi32>
      %add3A_114 = arith.addi %select_n3A_112, %add3A_113 : vector<16xi32>
      %add3A_115 = arith.constant 16 : i32
      %add3A_116 = vector.broadcast %add3A_115 : i32 to vector<16xi32>
      %add3A_117 = arith.addi %iota3A, %add3A_116 : vector<16xi32>
      %lt3A_118 = vector.broadcast %while3A_102#1 : i32 to vector<16xi32>
      %lt3A_119 = arith.cmpi slt, %add3A_117, %lt3A_118 : vector<16xi32>
      %select_n3A_120 = arith.select %lt3A_119, %get3A_106, %gather3A_109 : vector<16xi1>, vector<16xi32>
      %add3A_121 = vector.broadcast %mul3A_20 : i32 to vector<16xi32>
      %add3A_122 = arith.addi %select_n3A_120, %add3A_121 : vector<16xi32>
      %swap3A_123 = arith.constant 0 : i32
      %swap3A_124 = arith.constant 0 : i32
      %swap3A_125 = tpu.memref_slice %arg17[%swap3A_123, %swap3A_124] : memref<4x128xi32, #tpu.memory_space<vmem>> -> memref<1x128xi32, #tpu.memory_space<vmem>>
      %swap3A_126 = tpu.memref_squeeze %swap3A_125 : memref<1x128xi32, #tpu.memory_space<vmem>> -> memref<128xi32, #tpu.memory_space<vmem>>
      %swap3A_127 = arith.constant 32 : index
      %swap3A_128 = tpu.vector_load %swap3A_126[%swap3A_127] {strides = array<i32>} : memref<128xi32, #tpu.memory_space<vmem>>, vector<16xi32>,
      tpu.vector_store %swap3A_126[%swap3A_127], %add3A_114 {strides = array<i32>} : memref<128xi32, #tpu.memory_space<vmem>>, vector<16xi32>,
      %swap3A_129 = arith.constant 0 : i32
      %swap3A_130 = arith.constant 0 : i32
      %swap3A_131 = tpu.memref_slice %arg17[%swap3A_129, %swap3A_130] : memref<4x128xi32, #tpu.memory_space<vmem>> -> memref<1x128xi32, #tpu.memory_space<vmem>>
      %swap3A_132 = tpu.memref_squeeze %swap3A_131 : memref<1x128xi32, #tpu.memory_space<vmem>> -> memref<128xi32, #tpu.memory_space<vmem>>
      %swap3A_133 = arith.constant 48 : index
      %swap3A_134 = tpu.vector_load %swap3A_132[%swap3A_133] {strides = array<i32>} : memref<128xi32, #tpu.memory_space<vmem>>, vector<16xi32>,
      tpu.vector_store %swap3A_132[%swap3A_133], %add3A_122 {strides = array<i32>} : memref<128xi32, #tpu.memory_space<vmem>>, vector<16xi32>,
      %mul3A_135 = arith.constant 16 : i32
      %mul3A_136 = arith.muli %scan3A_27, %mul3A_135 : i32
      %add3A_137 = arith.constant 0 : i32
      %add3A_138 = arith.addi %mul3A_136, %add3A_137 : i32
      %add3A_139 = arith.constant 2 : i32
      %add3A_140 = arith.addi %add3A_138, %add3A_139 : i32
      %get3A_141 = arith.index_cast %add3A_140 : i32 to index
      %get3A_142 = tpu.vector_load %arg13[%get3A_141] {strides = array<i32>} : memref<272xf32, #tpu.memory_space<vmem>>, vector<16xf32>,
      %broadcast_in_dim3A_143 = vector.shape_cast %broadcast_in_dim3A_21 : vector<16xi32> to vector<16x1xi32>
      %gather3A_144 = vector.shape_cast %broadcast_in_dim3A_143 : vector<16x1xi32> to vector<16xi32>
      %gather3A_145 = tpu.dynamic_gather %get3A_142[%gather3A_144] in [0] : vector<16xf32>, vector<16xi32> -> vector<16xf32>
      %get3A_146 = arith.index_cast %add3A_140 : i32 to index
      %get3A_147 = tpu.vector_load %arg14[%get3A_146] {strides = array<i32>} : memref<272xf32, #tpu.memory_space<vmem>>, vector<16xf32>,
      %broadcast_in_dim3A_148 = vector.shape_cast %broadcast_in_dim3A_21 : vector<16xi32> to vector<16x1xi32>
      %gather3A_149 = vector.shape_cast %broadcast_in_dim3A_148 : vector<16x1xi32> to vector<16xi32>
      %gather3A_150 = tpu.dynamic_gather %get3A_147[%gather3A_149] in [0] : vector<16xf32>, vector<16xi32> -> vector<16xf32>
      %get3A_151 = arith.index_cast %add3A_140 : i32 to index
      %get3A_152 = tpu.vector_load %arg15[%get3A_151] {strides = array<i32>} : memref<272xf32, #tpu.memory_space<vmem>>, vector<16xf32>,
      %broadcast_in_dim3A_153 = vector.shape_cast %broadcast_in_dim3A_21 : vector<16xi32> to vector<16x1xi32>
      %gather3A_154 = vector.shape_cast %broadcast_in_dim3A_153 : vector<16x1xi32> to vector<16xi32>
      %gather3A_155 = tpu.dynamic_gather %get3A_152[%gather3A_154] in [0] : vector<16xf32>, vector<16xi32> -> vector<16xf32>
      %while3A_156 = arith.constant 0 : i32
      %while3A_157 = arith.constant 0 : i32
      %while3A_158:2 = scf.while (%while3A_1002 = %while3A_156, %while3A_1003 = %while3A_157) : (i32, i32) -> (i32, i32) {
        %lt3A_1004 = arith.constant 128 : i32
        %lt3A_1005 = arith.cmpi slt, %while3A_1002, %lt3A_1004 : i32
        %lt3A_1006 = arith.constant 32 : i32
        %lt3A_1007 = arith.cmpi slt, %while3A_1003, %lt3A_1006 : i32
        %and3A_1008 = arith.andi %lt3A_1005, %lt3A_1007 : i1
        scf.condition(%and3A_1008) %while3A_1002, %while3A_1003 : i32, i32
      } do {
      ^bb0(%while3A_1002: i32, %while3A_1003: i32):
        %mul3A_1004 = arith.constant 32 : i32
        %mul3A_1005 = arith.muli %while3A_1002, %mul3A_1004 : i32
        %get3A_1006 = arith.index_cast %mul3A_1005 : i32 to index
        %get3A_1007 = tpu.vector_load %arg10[%get3A_1006] {strides = array<i32>} : memref<4096xf32, #tpu.memory_space<vmem>>, vector<16xf32>,
        %get3A_1008 = arith.index_cast %mul3A_1005 : i32 to index
        %get3A_1009 = tpu.vector_load %arg11[%get3A_1008] {strides = array<i32>} : memref<4096xf32, #tpu.memory_space<vmem>>, vector<16xf32>,
        %get3A_1010 = arith.index_cast %mul3A_1005 : i32 to index
        %get3A_1011 = tpu.vector_load %arg12[%get3A_1010] {strides = array<i32>} : memref<4096xf32, #tpu.memory_space<vmem>>, vector<16xf32>,
        %sub3A_1012 = arith.subf %get3A_1007, %gather3A_145 : vector<16xf32>
        %sub3A_1013 = arith.subf %get3A_1009, %gather3A_150 : vector<16xf32>
        %sub3A_1014 = arith.subf %get3A_1011, %gather3A_155 : vector<16xf32>
        %mul3A_1015 = arith.mulf %sub3A_1012, %sub3A_1012 : vector<16xf32>
        %mul3A_1016 = arith.mulf %sub3A_1013, %sub3A_1013 : vector<16xf32>
        %add3A_1017 = arith.addf %mul3A_1015, %mul3A_1016 : vector<16xf32>
        %mul3A_1018 = arith.mulf %sub3A_1014, %sub3A_1014 : vector<16xf32>
        %add3A_1019 = arith.addf %add3A_1017, %mul3A_1018 : vector<16xf32>
        %le3A = arith.constant 4.000000e-02 : f32
        %le3A_1020 = vector.broadcast %le3A : f32 to vector<16xf32>
        %le3A_1021 = arith.cmpf ole, %add3A_1019, %le3A_1020 : vector<16xf32>
        %convert_element_type3A = arith.extui %le3A_1021 : vector<16xi1> to vector<16xi32>
        %broadcast_in_dim3A_1022 = arith.constant true
        %broadcast_in_dim3A_1023 = vector.broadcast %broadcast_in_dim3A_1022 : i1 to vector<16xi1>
        %masked_cumsum3A = tpu.scan <sum>, %convert_element_type3A masked %broadcast_in_dim3A_1023 : vector<16xi32>, vector<16xi1> -> vector<16xi32>
        %add3A_1024 = vector.broadcast %while3A_1003 : i32 to vector<16xi32>
        %add3A_1025 = arith.addi %add3A_1024, %masked_cumsum3A : vector<16xi32>
        %sub3A_1026 = arith.constant 1 : i32
        %sub3A_1027 = vector.broadcast %sub3A_1026 : i32 to vector<16xi32>
        %sub3A_1028 = arith.subi %add3A_1025, %sub3A_1027 : vector<16xi32>
        %min3A = arith.constant 48 : i32
        %min3A_1029 = vector.broadcast %min3A : i32 to vector<16xi32>
        %min3A_1030 = arith.minsi %sub3A_1028, %min3A_1029 : vector<16xi32>
        %jit3A_1031 = arith.constant 56 : i32
        %broadcast_in_dim3A_1032 = vector.broadcast %jit3A_1031 : i32 to vector<16xi32>
        %select_n3A_1033 = arith.select %le3A_1021, %min3A_1030, %broadcast_in_dim3A_1032 : vector<16xi1>, vector<16xi32>
        %add3A_1034 = vector.broadcast %mul3A_1005 : i32 to vector<16xi32>
        %add3A_1035 = arith.addi %iota3A, %add3A_1034 : vector<16xi32>
        tpu.vector_store_idx %arg16[%select_n3A_1033], %add3A_1035 : memref<64xi32, #tpu.memory_space<vmem>>[vector<16xi32>], vector<16xi32>,
        %slice3A = vector.extract_strided_slice %masked_cumsum3A {offsets = [15], sizes = [1], strides = [1]} : vector<16xi32> to vector<1xi32>
        %squeeze3A = vector.extract %slice3A[0] : i32 from vector<1xi32>
        %add3A_1036 = arith.addi %while3A_1003, %squeeze3A : i32
        %mul3A_1037 = arith.constant 32 : i32
        %mul3A_1038 = arith.muli %while3A_1002, %mul3A_1037 : i32
        %add3A_1039 = arith.constant 16 : i32
        %add3A_1040 = arith.addi %mul3A_1038, %add3A_1039 : i32
        %get3A_1041 = arith.index_cast %add3A_1040 : i32 to index
        %get3A_1042 = tpu.vector_load %arg10[%get3A_1041] {strides = array<i32>} : memref<4096xf32, #tpu.memory_space<vmem>>, vector<16xf32>,
        %get3A_1043 = arith.index_cast %add3A_1040 : i32 to index
        %get3A_1044 = tpu.vector_load %arg11[%get3A_1043] {strides = array<i32>} : memref<4096xf32, #tpu.memory_space<vmem>>, vector<16xf32>,
        %get3A_1045 = arith.index_cast %add3A_1040 : i32 to index
        %get3A_1046 = tpu.vector_load %arg12[%get3A_1045] {strides = array<i32>} : memref<4096xf32, #tpu.memory_space<vmem>>, vector<16xf32>,
        %sub3A_1047 = arith.subf %get3A_1042, %gather3A_145 : vector<16xf32>
        %sub3A_1048 = arith.subf %get3A_1044, %gather3A_150 : vector<16xf32>
        %sub3A_1049 = arith.subf %get3A_1046, %gather3A_155 : vector<16xf32>
        %mul3A_1050 = arith.mulf %sub3A_1047, %sub3A_1047 : vector<16xf32>
        %mul3A_1051 = arith.mulf %sub3A_1048, %sub3A_1048 : vector<16xf32>
        %add3A_1052 = arith.addf %mul3A_1050, %mul3A_1051 : vector<16xf32>
        %mul3A_1053 = arith.mulf %sub3A_1049, %sub3A_1049 : vector<16xf32>
        %add3A_1054 = arith.addf %add3A_1052, %mul3A_1053 : vector<16xf32>
        %le3A_1055 = arith.constant 4.000000e-02 : f32
        %le3A_1056 = vector.broadcast %le3A_1055 : f32 to vector<16xf32>
        %le3A_1057 = arith.cmpf ole, %add3A_1054, %le3A_1056 : vector<16xf32>
        %convert_element_type3A_1058 = arith.extui %le3A_1057 : vector<16xi1> to vector<16xi32>
        %broadcast_in_dim3A_1059 = arith.constant true
        %broadcast_in_dim3A_1060 = vector.broadcast %broadcast_in_dim3A_1059 : i1 to vector<16xi1>
        %masked_cumsum3A_1061 = tpu.scan <sum>, %convert_element_type3A_1058 masked %broadcast_in_dim3A_1060 : vector<16xi32>, vector<16xi1> -> vector<16xi32>
        %add3A_1062 = vector.broadcast %add3A_1036 : i32 to vector<16xi32>
        %add3A_1063 = arith.addi %add3A_1062, %masked_cumsum3A_1061 : vector<16xi32>
        %sub3A_1064 = arith.constant 1 : i32
        %sub3A_1065 = vector.broadcast %sub3A_1064 : i32 to vector<16xi32>
        %sub3A_1066 = arith.subi %add3A_1063, %sub3A_1065 : vector<16xi32>
        %min3A_1067 = arith.constant 48 : i32
        %min3A_1068 = vector.broadcast %min3A_1067 : i32 to vector<16xi32>
        %min3A_1069 = arith.minsi %sub3A_1066, %min3A_1068 : vector<16xi32>
        %jit3A_1070 = arith.constant 56 : i32
        %broadcast_in_dim3A_1071 = vector.broadcast %jit3A_1070 : i32 to vector<16xi32>
        %select_n3A_1072 = arith.select %le3A_1057, %min3A_1069, %broadcast_in_dim3A_1071 : vector<16xi1>, vector<16xi32>
        %add3A_1073 = vector.broadcast %add3A_1040 : i32 to vector<16xi32>
        %add3A_1074 = arith.addi %iota3A, %add3A_1073 : vector<16xi32>
        tpu.vector_store_idx %arg16[%select_n3A_1072], %add3A_1074 : memref<64xi32, #tpu.memory_space<vmem>>[vector<16xi32>], vector<16xi32>,
        %slice3A_1075 = vector.extract_strided_slice %masked_cumsum3A_1061 {offsets = [15], sizes = [1], strides = [1]} : vector<16xi32> to vector<1xi32>
        %squeeze3A_1076 = vector.extract %slice3A_1075[0] : i32 from vector<1xi32>
        %add3A_1077 = arith.addi %add3A_1036, %squeeze3A_1076 : i32
        %add3A_1078 = arith.constant 1 : i32
        %add3A_1079 = arith.addi %while3A_1002, %add3A_1078 : i32
        scf.yield %add3A_1079, %add3A_1077 : i32, i32
      }
      %get3A_159 = arith.constant 0 : index
      %get3A_160 = tpu.vector_load %arg16[%get3A_159] {strides = array<i32>} : memref<64xi32, #tpu.memory_space<vmem>>, vector<16xi32>,
      %get3A_161 = arith.constant 16 : index
      %get3A_162 = tpu.vector_load %arg16[%get3A_161] {strides = array<i32>} : memref<64xi32, #tpu.memory_space<vmem>>, vector<16xi32>,
      %broadcast_in_dim3A_163 = vector.shape_cast %broadcast_in_dim3A_21 : vector<16xi32> to vector<16x1xi32>
      %gather3A_164 = vector.shape_cast %broadcast_in_dim3A_163 : vector<16x1xi32> to vector<16xi32>
      %gather3A_165 = tpu.dynamic_gather %get3A_160[%gather3A_164] in [0] : vector<16xi32>, vector<16xi32> -> vector<16xi32>
      %lt3A_166 = vector.broadcast %while3A_158#1 : i32 to vector<16xi32>
      %lt3A_167 = arith.cmpi slt, %iota3A, %lt3A_166 : vector<16xi32>
      %select_n3A_168 = arith.select %lt3A_167, %get3A_160, %gather3A_165 : vector<16xi1>, vector<16xi32>
      %add3A_169 = vector.broadcast %mul3A_20 : i32 to vector<16xi32>
      %add3A_170 = arith.addi %select_n3A_168, %add3A_169 : vector<16xi32>
      %add3A_171 = arith.constant 16 : i32
      %add3A_172 = vector.broadcast %add3A_171 : i32 to vector<16xi32>
      %add3A_173 = arith.addi %iota3A, %add3A_172 : vector<16xi32>
      %lt3A_174 = vector.broadcast %while3A_158#1 : i32 to vector<16xi32>
      %lt3A_175 = arith.cmpi slt, %add3A_173, %lt3A_174 : vector<16xi32>
      %select_n3A_176 = arith.select %lt3A_175, %get3A_162, %gather3A_165 : vector<16xi1>, vector<16xi32>
      %add3A_177 = vector.broadcast %mul3A_20 : i32 to vector<16xi32>
      %add3A_178 = arith.addi %select_n3A_176, %add3A_177 : vector<16xi32>
      %swap3A_179 = arith.constant 0 : i32
      %swap3A_180 = arith.constant 0 : i32
      %swap3A_181 = tpu.memref_slice %arg17[%swap3A_179, %swap3A_180] : memref<4x128xi32, #tpu.memory_space<vmem>> -> memref<1x128xi32, #tpu.memory_space<vmem>>
      %swap3A_182 = tpu.memref_squeeze %swap3A_181 : memref<1x128xi32, #tpu.memory_space<vmem>> -> memref<128xi32, #tpu.memory_space<vmem>>
      %swap3A_183 = arith.constant 64 : index
      %swap3A_184 = tpu.vector_load %swap3A_182[%swap3A_183] {strides = array<i32>} : memref<128xi32, #tpu.memory_space<vmem>>, vector<16xi32>,
      tpu.vector_store %swap3A_182[%swap3A_183], %add3A_170 {strides = array<i32>} : memref<128xi32, #tpu.memory_space<vmem>>, vector<16xi32>,
      %swap3A_185 = arith.constant 0 : i32
      %swap3A_186 = arith.constant 0 : i32
      %swap3A_187 = tpu.memref_slice %arg17[%swap3A_185, %swap3A_186] : memref<4x128xi32, #tpu.memory_space<vmem>> -> memref<1x128xi32, #tpu.memory_space<vmem>>
      %swap3A_188 = tpu.memref_squeeze %swap3A_187 : memref<1x128xi32, #tpu.memory_space<vmem>> -> memref<128xi32, #tpu.memory_space<vmem>>
      %swap3A_189 = arith.constant 80 : index
      %swap3A_190 = tpu.vector_load %swap3A_188[%swap3A_189] {strides = array<i32>} : memref<128xi32, #tpu.memory_space<vmem>>, vector<16xi32>,
      tpu.vector_store %swap3A_188[%swap3A_189], %add3A_178 {strides = array<i32>} : memref<128xi32, #tpu.memory_space<vmem>>, vector<16xi32>,
      %mul3A_191 = arith.constant 16 : i32
      %mul3A_192 = arith.muli %scan3A_27, %mul3A_191 : i32
      %add3A_193 = arith.constant 0 : i32
      %add3A_194 = arith.addi %mul3A_192, %add3A_193 : i32
      %add3A_195 = arith.constant 3 : i32
      %add3A_196 = arith.addi %add3A_194, %add3A_195 : i32
      %get3A_197 = arith.index_cast %add3A_196 : i32 to index
      %get3A_198 = tpu.vector_load %arg13[%get3A_197] {strides = array<i32>} : memref<272xf32, #tpu.memory_space<vmem>>, vector<16xf32>,
      %broadcast_in_dim3A_199 = vector.shape_cast %broadcast_in_dim3A_21 : vector<16xi32> to vector<16x1xi32>
      %gather3A_200 = vector.shape_cast %broadcast_in_dim3A_199 : vector<16x1xi32> to vector<16xi32>
      %gather3A_201 = tpu.dynamic_gather %get3A_198[%gather3A_200] in [0] : vector<16xf32>, vector<16xi32> -> vector<16xf32>
      %get3A_202 = arith.index_cast %add3A_196 : i32 to index
      %get3A_203 = tpu.vector_load %arg14[%get3A_202] {strides = array<i32>} : memref<272xf32, #tpu.memory_space<vmem>>, vector<16xf32>,
      %broadcast_in_dim3A_204 = vector.shape_cast %broadcast_in_dim3A_21 : vector<16xi32> to vector<16x1xi32>
      %gather3A_205 = vector.shape_cast %broadcast_in_dim3A_204 : vector<16x1xi32> to vector<16xi32>
      %gather3A_206 = tpu.dynamic_gather %get3A_203[%gather3A_205] in [0] : vector<16xf32>, vector<16xi32> -> vector<16xf32>
      %get3A_207 = arith.index_cast %add3A_196 : i32 to index
      %get3A_208 = tpu.vector_load %arg15[%get3A_207] {strides = array<i32>} : memref<272xf32, #tpu.memory_space<vmem>>, vector<16xf32>,
      %broadcast_in_dim3A_209 = vector.shape_cast %broadcast_in_dim3A_21 : vector<16xi32> to vector<16x1xi32>
      %gather3A_210 = vector.shape_cast %broadcast_in_dim3A_209 : vector<16x1xi32> to vector<16xi32>
      %gather3A_211 = tpu.dynamic_gather %get3A_208[%gather3A_210] in [0] : vector<16xf32>, vector<16xi32> -> vector<16xf32>
      %while3A_212 = arith.constant 0 : i32
      %while3A_213 = arith.constant 0 : i32
      %while3A_214:2 = scf.while (%while3A_1002 = %while3A_212, %while3A_1003 = %while3A_213) : (i32, i32) -> (i32, i32) {
        %lt3A_1004 = arith.constant 128 : i32
        %lt3A_1005 = arith.cmpi slt, %while3A_1002, %lt3A_1004 : i32
        %lt3A_1006 = arith.constant 32 : i32
        %lt3A_1007 = arith.cmpi slt, %while3A_1003, %lt3A_1006 : i32
        %and3A_1008 = arith.andi %lt3A_1005, %lt3A_1007 : i1
        scf.condition(%and3A_1008) %while3A_1002, %while3A_1003 : i32, i32
      } do {
      ^bb0(%while3A_1002: i32, %while3A_1003: i32):
        %mul3A_1004 = arith.constant 32 : i32
        %mul3A_1005 = arith.muli %while3A_1002, %mul3A_1004 : i32
        %get3A_1006 = arith.index_cast %mul3A_1005 : i32 to index
        %get3A_1007 = tpu.vector_load %arg10[%get3A_1006] {strides = array<i32>} : memref<4096xf32, #tpu.memory_space<vmem>>, vector<16xf32>,
        %get3A_1008 = arith.index_cast %mul3A_1005 : i32 to index
        %get3A_1009 = tpu.vector_load %arg11[%get3A_1008] {strides = array<i32>} : memref<4096xf32, #tpu.memory_space<vmem>>, vector<16xf32>,
        %get3A_1010 = arith.index_cast %mul3A_1005 : i32 to index
        %get3A_1011 = tpu.vector_load %arg12[%get3A_1010] {strides = array<i32>} : memref<4096xf32, #tpu.memory_space<vmem>>, vector<16xf32>,
        %sub3A_1012 = arith.subf %get3A_1007, %gather3A_201 : vector<16xf32>
        %sub3A_1013 = arith.subf %get3A_1009, %gather3A_206 : vector<16xf32>
        %sub3A_1014 = arith.subf %get3A_1011, %gather3A_211 : vector<16xf32>
        %mul3A_1015 = arith.mulf %sub3A_1012, %sub3A_1012 : vector<16xf32>
        %mul3A_1016 = arith.mulf %sub3A_1013, %sub3A_1013 : vector<16xf32>
        %add3A_1017 = arith.addf %mul3A_1015, %mul3A_1016 : vector<16xf32>
        %mul3A_1018 = arith.mulf %sub3A_1014, %sub3A_1014 : vector<16xf32>
        %add3A_1019 = arith.addf %add3A_1017, %mul3A_1018 : vector<16xf32>
        %le3A = arith.constant 4.000000e-02 : f32
        %le3A_1020 = vector.broadcast %le3A : f32 to vector<16xf32>
        %le3A_1021 = arith.cmpf ole, %add3A_1019, %le3A_1020 : vector<16xf32>
        %convert_element_type3A = arith.extui %le3A_1021 : vector<16xi1> to vector<16xi32>
        %broadcast_in_dim3A_1022 = arith.constant true
        %broadcast_in_dim3A_1023 = vector.broadcast %broadcast_in_dim3A_1022 : i1 to vector<16xi1>
        %masked_cumsum3A = tpu.scan <sum>, %convert_element_type3A masked %broadcast_in_dim3A_1023 : vector<16xi32>, vector<16xi1> -> vector<16xi32>
        %add3A_1024 = vector.broadcast %while3A_1003 : i32 to vector<16xi32>
        %add3A_1025 = arith.addi %add3A_1024, %masked_cumsum3A : vector<16xi32>
        %sub3A_1026 = arith.constant 1 : i32
        %sub3A_1027 = vector.broadcast %sub3A_1026 : i32 to vector<16xi32>
        %sub3A_1028 = arith.subi %add3A_1025, %sub3A_1027 : vector<16xi32>
        %min3A = arith.constant 48 : i32
        %min3A_1029 = vector.broadcast %min3A : i32 to vector<16xi32>
        %min3A_1030 = arith.minsi %sub3A_1028, %min3A_1029 : vector<16xi32>
        %jit3A_1031 = arith.constant 56 : i32
        %broadcast_in_dim3A_1032 = vector.broadcast %jit3A_1031 : i32 to vector<16xi32>
        %select_n3A_1033 = arith.select %le3A_1021, %min3A_1030, %broadcast_in_dim3A_1032 : vector<16xi1>, vector<16xi32>
        %add3A_1034 = vector.broadcast %mul3A_1005 : i32 to vector<16xi32>
        %add3A_1035 = arith.addi %iota3A, %add3A_1034 : vector<16xi32>
        tpu.vector_store_idx %arg16[%select_n3A_1033], %add3A_1035 : memref<64xi32, #tpu.memory_space<vmem>>[vector<16xi32>], vector<16xi32>,
        %slice3A = vector.extract_strided_slice %masked_cumsum3A {offsets = [15], sizes = [1], strides = [1]} : vector<16xi32> to vector<1xi32>
        %squeeze3A = vector.extract %slice3A[0] : i32 from vector<1xi32>
        %add3A_1036 = arith.addi %while3A_1003, %squeeze3A : i32
        %mul3A_1037 = arith.constant 32 : i32
        %mul3A_1038 = arith.muli %while3A_1002, %mul3A_1037 : i32
        %add3A_1039 = arith.constant 16 : i32
        %add3A_1040 = arith.addi %mul3A_1038, %add3A_1039 : i32
        %get3A_1041 = arith.index_cast %add3A_1040 : i32 to index
        %get3A_1042 = tpu.vector_load %arg10[%get3A_1041] {strides = array<i32>} : memref<4096xf32, #tpu.memory_space<vmem>>, vector<16xf32>,
        %get3A_1043 = arith.index_cast %add3A_1040 : i32 to index
        %get3A_1044 = tpu.vector_load %arg11[%get3A_1043] {strides = array<i32>} : memref<4096xf32, #tpu.memory_space<vmem>>, vector<16xf32>,
        %get3A_1045 = arith.index_cast %add3A_1040 : i32 to index
        %get3A_1046 = tpu.vector_load %arg12[%get3A_1045] {strides = array<i32>} : memref<4096xf32, #tpu.memory_space<vmem>>, vector<16xf32>,
        %sub3A_1047 = arith.subf %get3A_1042, %gather3A_201 : vector<16xf32>
        %sub3A_1048 = arith.subf %get3A_1044, %gather3A_206 : vector<16xf32>
        %sub3A_1049 = arith.subf %get3A_1046, %gather3A_211 : vector<16xf32>
        %mul3A_1050 = arith.mulf %sub3A_1047, %sub3A_1047 : vector<16xf32>
        %mul3A_1051 = arith.mulf %sub3A_1048, %sub3A_1048 : vector<16xf32>
        %add3A_1052 = arith.addf %mul3A_1050, %mul3A_1051 : vector<16xf32>
        %mul3A_1053 = arith.mulf %sub3A_1049, %sub3A_1049 : vector<16xf32>
        %add3A_1054 = arith.addf %add3A_1052, %mul3A_1053 : vector<16xf32>
        %le3A_1055 = arith.constant 4.000000e-02 : f32
        %le3A_1056 = vector.broadcast %le3A_1055 : f32 to vector<16xf32>
        %le3A_1057 = arith.cmpf ole, %add3A_1054, %le3A_1056 : vector<16xf32>
        %convert_element_type3A_1058 = arith.extui %le3A_1057 : vector<16xi1> to vector<16xi32>
        %broadcast_in_dim3A_1059 = arith.constant true
        %broadcast_in_dim3A_1060 = vector.broadcast %broadcast_in_dim3A_1059 : i1 to vector<16xi1>
        %masked_cumsum3A_1061 = tpu.scan <sum>, %convert_element_type3A_1058 masked %broadcast_in_dim3A_1060 : vector<16xi32>, vector<16xi1> -> vector<16xi32>
        %add3A_1062 = vector.broadcast %add3A_1036 : i32 to vector<16xi32>
        %add3A_1063 = arith.addi %add3A_1062, %masked_cumsum3A_1061 : vector<16xi32>
        %sub3A_1064 = arith.constant 1 : i32
        %sub3A_1065 = vector.broadcast %sub3A_1064 : i32 to vector<16xi32>
        %sub3A_1066 = arith.subi %add3A_1063, %sub3A_1065 : vector<16xi32>
        %min3A_1067 = arith.constant 48 : i32
        %min3A_1068 = vector.broadcast %min3A_1067 : i32 to vector<16xi32>
        %min3A_1069 = arith.minsi %sub3A_1066, %min3A_1068 : vector<16xi32>
        %jit3A_1070 = arith.constant 56 : i32
        %broadcast_in_dim3A_1071 = vector.broadcast %jit3A_1070 : i32 to vector<16xi32>
        %select_n3A_1072 = arith.select %le3A_1057, %min3A_1069, %broadcast_in_dim3A_1071 : vector<16xi1>, vector<16xi32>
        %add3A_1073 = vector.broadcast %add3A_1040 : i32 to vector<16xi32>
        %add3A_1074 = arith.addi %iota3A, %add3A_1073 : vector<16xi32>
        tpu.vector_store_idx %arg16[%select_n3A_1072], %add3A_1074 : memref<64xi32, #tpu.memory_space<vmem>>[vector<16xi32>], vector<16xi32>,
        %slice3A_1075 = vector.extract_strided_slice %masked_cumsum3A_1061 {offsets = [15], sizes = [1], strides = [1]} : vector<16xi32> to vector<1xi32>
        %squeeze3A_1076 = vector.extract %slice3A_1075[0] : i32 from vector<1xi32>
        %add3A_1077 = arith.addi %add3A_1036, %squeeze3A_1076 : i32
        %add3A_1078 = arith.constant 1 : i32
        %add3A_1079 = arith.addi %while3A_1002, %add3A_1078 : i32
        scf.yield %add3A_1079, %add3A_1077 : i32, i32
      }
      %get3A_215 = arith.constant 0 : index
      %get3A_216 = tpu.vector_load %arg16[%get3A_215] {strides = array<i32>} : memref<64xi32, #tpu.memory_space<vmem>>, vector<16xi32>,
      %get3A_217 = arith.constant 16 : index
      %get3A_218 = tpu.vector_load %arg16[%get3A_217] {strides = array<i32>} : memref<64xi32, #tpu.memory_space<vmem>>, vector<16xi32>,
      %broadcast_in_dim3A_219 = vector.shape_cast %broadcast_in_dim3A_21 : vector<16xi32> to vector<16x1xi32>
      %gather3A_220 = vector.shape_cast %broadcast_in_dim3A_219 : vector<16x1xi32> to vector<16xi32>
      %gather3A_221 = tpu.dynamic_gather %get3A_216[%gather3A_220] in [0] : vector<16xi32>, vector<16xi32> -> vector<16xi32>
      %lt3A_222 = vector.broadcast %while3A_214#1 : i32 to vector<16xi32>
      %lt3A_223 = arith.cmpi slt, %iota3A, %lt3A_222 : vector<16xi32>
      %select_n3A_224 = arith.select %lt3A_223, %get3A_216, %gather3A_221 : vector<16xi1>, vector<16xi32>
      %add3A_225 = vector.broadcast %mul3A_20 : i32 to vector<16xi32>
      %add3A_226 = arith.addi %select_n3A_224, %add3A_225 : vector<16xi32>
      %add3A_227 = arith.constant 16 : i32
      %add3A_228 = vector.broadcast %add3A_227 : i32 to vector<16xi32>
      %add3A_229 = arith.addi %iota3A, %add3A_228 : vector<16xi32>
      %lt3A_230 = vector.broadcast %while3A_214#1 : i32 to vector<16xi32>
      %lt3A_231 = arith.cmpi slt, %add3A_229, %lt3A_230 : vector<16xi32>
      %select_n3A_232 = arith.select %lt3A_231, %get3A_218, %gather3A_221 : vector<16xi1>, vector<16xi32>
      %add3A_233 = vector.broadcast %mul3A_20 : i32 to vector<16xi32>
      %add3A_234 = arith.addi %select_n3A_232, %add3A_233 : vector<16xi32>
      %swap3A_235 = arith.constant 0 : i32
      %swap3A_236 = arith.constant 0 : i32
      %swap3A_237 = tpu.memref_slice %arg17[%swap3A_235, %swap3A_236] : memref<4x128xi32, #tpu.memory_space<vmem>> -> memref<1x128xi32, #tpu.memory_space<vmem>>
      %swap3A_238 = tpu.memref_squeeze %swap3A_237 : memref<1x128xi32, #tpu.memory_space<vmem>> -> memref<128xi32, #tpu.memory_space<vmem>>
      %swap3A_239 = arith.constant 96 : index
      %swap3A_240 = tpu.vector_load %swap3A_238[%swap3A_239] {strides = array<i32>} : memref<128xi32, #tpu.memory_space<vmem>>, vector<16xi32>,
      tpu.vector_store %swap3A_238[%swap3A_239], %add3A_226 {strides = array<i32>} : memref<128xi32, #tpu.memory_space<vmem>>, vector<16xi32>,
      %swap3A_241 = arith.constant 0 : i32
      %swap3A_242 = arith.constant 0 : i32
      %swap3A_243 = tpu.memref_slice %arg17[%swap3A_241, %swap3A_242] : memref<4x128xi32, #tpu.memory_space<vmem>> -> memref<1x128xi32, #tpu.memory_space<vmem>>
      %swap3A_244 = tpu.memref_squeeze %swap3A_243 : memref<1x128xi32, #tpu.memory_space<vmem>> -> memref<128xi32, #tpu.memory_space<vmem>>
      %swap3A_245 = arith.constant 112 : index
      %swap3A_246 = tpu.vector_load %swap3A_244[%swap3A_245] {strides = array<i32>} : memref<128xi32, #tpu.memory_space<vmem>>, vector<16xi32>,
      tpu.vector_store %swap3A_244[%swap3A_245], %add3A_234 {strides = array<i32>} : memref<128xi32, #tpu.memory_space<vmem>>, vector<16xi32>,
      %dma_start3A = arith.constant 0 : i32
      %dma_start3A_247 = arith.constant 0 : i32
      %dma_start3A_248 = arith.constant 0 : i32
      %dma_start3A_249 = tpu.memref_slice %arg18[%dma_start3A_247, %dma_start3A_248] : memref<512x64xf32, #tpu.memory_space<vmem>> -> memref<128x64xf32, #tpu.memory_space<vmem>>
      %dma_start3A_250 = arith.constant 0 : i32
      %dma_start3A_251 = tpu.memref_slice %arg17[%dma_start3A, %dma_start3A_250] : memref<4x128xi32, #tpu.memory_space<vmem>> -> memref<1x128xi32, #tpu.memory_space<vmem>>
      %dma_start3A_252 = tpu.memref_squeeze %dma_start3A_251 : memref<1x128xi32, #tpu.memory_space<vmem>> -> memref<128xi32, #tpu.memory_space<vmem>>
      %dma_start3A_253 = arith.constant 0 : i32
      %dma_start3A_254 = arith.constant 0 : i32
      %dma_start3A_255 = tpu.memref_slice %arg8[%dma_start3A_253, %dma_start3A_254] : memref<32768x64xf32, #tpu.memory_space<hbm>> -> memref<32768x64xf32, #tpu.memory_space<hbm>>
      tpu.enqueue_indirect_dma source(%dma_start3A_255 : memref<32768x64xf32, #tpu.memory_space<hbm>>) target(%dma_start3A_249 : memref<128x64xf32, #tpu.memory_space<vmem>>) offsets(%dma_start3A_252 : memref<128xi32, #tpu.memory_space<vmem>>) semaphore(%arg19 : memref<!tpu.dma_semaphore, #tpu.memory_space<semaphore_mem>>)
      %mul3A_256 = arith.constant 16 : i32
      %mul3A_257 = arith.muli %scan3A_27, %mul3A_256 : i32
      %add3A_258 = arith.constant 4 : i32
      %add3A_259 = arith.addi %mul3A_257, %add3A_258 : i32
      %add3A_260 = arith.constant 0 : i32
      %add3A_261 = arith.addi %add3A_259, %add3A_260 : i32
      %get3A_262 = arith.index_cast %add3A_261 : i32 to index
      %get3A_263 = tpu.vector_load %arg13[%get3A_262] {strides = array<i32>} : memref<272xf32, #tpu.memory_space<vmem>>, vector<16xf32>,
      %broadcast_in_dim3A_264 = vector.shape_cast %broadcast_in_dim3A_21 : vector<16xi32> to vector<16x1xi32>
      %gather3A_265 = vector.shape_cast %broadcast_in_dim3A_264 : vector<16x1xi32> to vector<16xi32>
      %gather3A_266 = tpu.dynamic_gather %get3A_263[%gather3A_265] in [0] : vector<16xf32>, vector<16xi32> -> vector<16xf32>
      %get3A_267 = arith.index_cast %add3A_261 : i32 to index
      %get3A_268 = tpu.vector_load %arg14[%get3A_267] {strides = array<i32>} : memref<272xf32, #tpu.memory_space<vmem>>, vector<16xf32>,
      %broadcast_in_dim3A_269 = vector.shape_cast %broadcast_in_dim3A_21 : vector<16xi32> to vector<16x1xi32>
      %gather3A_270 = vector.shape_cast %broadcast_in_dim3A_269 : vector<16x1xi32> to vector<16xi32>
      %gather3A_271 = tpu.dynamic_gather %get3A_268[%gather3A_270] in [0] : vector<16xf32>, vector<16xi32> -> vector<16xf32>
      %get3A_272 = arith.index_cast %add3A_261 : i32 to index
      %get3A_273 = tpu.vector_load %arg15[%get3A_272] {strides = array<i32>} : memref<272xf32, #tpu.memory_space<vmem>>, vector<16xf32>,
      %broadcast_in_dim3A_274 = vector.shape_cast %broadcast_in_dim3A_21 : vector<16xi32> to vector<16x1xi32>
      %gather3A_275 = vector.shape_cast %broadcast_in_dim3A_274 : vector<16x1xi32> to vector<16xi32>
      %gather3A_276 = tpu.dynamic_gather %get3A_273[%gather3A_275] in [0] : vector<16xf32>, vector<16xi32> -> vector<16xf32>
      %while3A_277 = arith.constant 0 : i32
      %while3A_278 = arith.constant 0 : i32
      %while3A_279:2 = scf.while (%while3A_1002 = %while3A_277, %while3A_1003 = %while3A_278) : (i32, i32) -> (i32, i32) {
        %lt3A_1004 = arith.constant 128 : i32
        %lt3A_1005 = arith.cmpi slt, %while3A_1002, %lt3A_1004 : i32
        %lt3A_1006 = arith.constant 32 : i32
        %lt3A_1007 = arith.cmpi slt, %while3A_1003, %lt3A_1006 : i32
        %and3A_1008 = arith.andi %lt3A_1005, %lt3A_1007 : i1
        scf.condition(%and3A_1008) %while3A_1002, %while3A_1003 : i32, i32
      } do {
      ^bb0(%while3A_1002: i32, %while3A_1003: i32):
        %mul3A_1004 = arith.constant 32 : i32
        %mul3A_1005 = arith.muli %while3A_1002, %mul3A_1004 : i32
        %get3A_1006 = arith.index_cast %mul3A_1005 : i32 to index
        %get3A_1007 = tpu.vector_load %arg10[%get3A_1006] {strides = array<i32>} : memref<4096xf32, #tpu.memory_space<vmem>>, vector<16xf32>,
        %get3A_1008 = arith.index_cast %mul3A_1005 : i32 to index
        %get3A_1009 = tpu.vector_load %arg11[%get3A_1008] {strides = array<i32>} : memref<4096xf32, #tpu.memory_space<vmem>>, vector<16xf32>,
        %get3A_1010 = arith.index_cast %mul3A_1005 : i32 to index
        %get3A_1011 = tpu.vector_load %arg12[%get3A_1010] {strides = array<i32>} : memref<4096xf32, #tpu.memory_space<vmem>>, vector<16xf32>,
        %sub3A_1012 = arith.subf %get3A_1007, %gather3A_266 : vector<16xf32>
        %sub3A_1013 = arith.subf %get3A_1009, %gather3A_271 : vector<16xf32>
        %sub3A_1014 = arith.subf %get3A_1011, %gather3A_276 : vector<16xf32>
        %mul3A_1015 = arith.mulf %sub3A_1012, %sub3A_1012 : vector<16xf32>
        %mul3A_1016 = arith.mulf %sub3A_1013, %sub3A_1013 : vector<16xf32>
        %add3A_1017 = arith.addf %mul3A_1015, %mul3A_1016 : vector<16xf32>
        %mul3A_1018 = arith.mulf %sub3A_1014, %sub3A_1014 : vector<16xf32>
        %add3A_1019 = arith.addf %add3A_1017, %mul3A_1018 : vector<16xf32>
        %le3A = arith.constant 4.000000e-02 : f32
        %le3A_1020 = vector.broadcast %le3A : f32 to vector<16xf32>
        %le3A_1021 = arith.cmpf ole, %add3A_1019, %le3A_1020 : vector<16xf32>
        %convert_element_type3A = arith.extui %le3A_1021 : vector<16xi1> to vector<16xi32>
        %broadcast_in_dim3A_1022 = arith.constant true
        %broadcast_in_dim3A_1023 = vector.broadcast %broadcast_in_dim3A_1022 : i1 to vector<16xi1>
        %masked_cumsum3A = tpu.scan <sum>, %convert_element_type3A masked %broadcast_in_dim3A_1023 : vector<16xi32>, vector<16xi1> -> vector<16xi32>
        %add3A_1024 = vector.broadcast %while3A_1003 : i32 to vector<16xi32>
        %add3A_1025 = arith.addi %add3A_1024, %masked_cumsum3A : vector<16xi32>
        %sub3A_1026 = arith.constant 1 : i32
        %sub3A_1027 = vector.broadcast %sub3A_1026 : i32 to vector<16xi32>
        %sub3A_1028 = arith.subi %add3A_1025, %sub3A_1027 : vector<16xi32>
        %min3A = arith.constant 48 : i32
        %min3A_1029 = vector.broadcast %min3A : i32 to vector<16xi32>
        %min3A_1030 = arith.minsi %sub3A_1028, %min3A_1029 : vector<16xi32>
        %jit3A_1031 = arith.constant 56 : i32
        %broadcast_in_dim3A_1032 = vector.broadcast %jit3A_1031 : i32 to vector<16xi32>
        %select_n3A_1033 = arith.select %le3A_1021, %min3A_1030, %broadcast_in_dim3A_1032 : vector<16xi1>, vector<16xi32>
        %add3A_1034 = vector.broadcast %mul3A_1005 : i32 to vector<16xi32>
        %add3A_1035 = arith.addi %iota3A, %add3A_1034 : vector<16xi32>
        tpu.vector_store_idx %arg16[%select_n3A_1033], %add3A_1035 : memref<64xi32, #tpu.memory_space<vmem>>[vector<16xi32>], vector<16xi32>,
        %slice3A = vector.extract_strided_slice %masked_cumsum3A {offsets = [15], sizes = [1], strides = [1]} : vector<16xi32> to vector<1xi32>
        %squeeze3A = vector.extract %slice3A[0] : i32 from vector<1xi32>
        %add3A_1036 = arith.addi %while3A_1003, %squeeze3A : i32
        %mul3A_1037 = arith.constant 32 : i32
        %mul3A_1038 = arith.muli %while3A_1002, %mul3A_1037 : i32
        %add3A_1039 = arith.constant 16 : i32
        %add3A_1040 = arith.addi %mul3A_1038, %add3A_1039 : i32
        %get3A_1041 = arith.index_cast %add3A_1040 : i32 to index
        %get3A_1042 = tpu.vector_load %arg10[%get3A_1041] {strides = array<i32>} : memref<4096xf32, #tpu.memory_space<vmem>>, vector<16xf32>,
        %get3A_1043 = arith.index_cast %add3A_1040 : i32 to index
        %get3A_1044 = tpu.vector_load %arg11[%get3A_1043] {strides = array<i32>} : memref<4096xf32, #tpu.memory_space<vmem>>, vector<16xf32>,
        %get3A_1045 = arith.index_cast %add3A_1040 : i32 to index
        %get3A_1046 = tpu.vector_load %arg12[%get3A_1045] {strides = array<i32>} : memref<4096xf32, #tpu.memory_space<vmem>>, vector<16xf32>,
        %sub3A_1047 = arith.subf %get3A_1042, %gather3A_266 : vector<16xf32>
        %sub3A_1048 = arith.subf %get3A_1044, %gather3A_271 : vector<16xf32>
        %sub3A_1049 = arith.subf %get3A_1046, %gather3A_276 : vector<16xf32>
        %mul3A_1050 = arith.mulf %sub3A_1047, %sub3A_1047 : vector<16xf32>
        %mul3A_1051 = arith.mulf %sub3A_1048, %sub3A_1048 : vector<16xf32>
        %add3A_1052 = arith.addf %mul3A_1050, %mul3A_1051 : vector<16xf32>
        %mul3A_1053 = arith.mulf %sub3A_1049, %sub3A_1049 : vector<16xf32>
        %add3A_1054 = arith.addf %add3A_1052, %mul3A_1053 : vector<16xf32>
        %le3A_1055 = arith.constant 4.000000e-02 : f32
        %le3A_1056 = vector.broadcast %le3A_1055 : f32 to vector<16xf32>
        %le3A_1057 = arith.cmpf ole, %add3A_1054, %le3A_1056 : vector<16xf32>
        %convert_element_type3A_1058 = arith.extui %le3A_1057 : vector<16xi1> to vector<16xi32>
        %broadcast_in_dim3A_1059 = arith.constant true
        %broadcast_in_dim3A_1060 = vector.broadcast %broadcast_in_dim3A_1059 : i1 to vector<16xi1>
        %masked_cumsum3A_1061 = tpu.scan <sum>, %convert_element_type3A_1058 masked %broadcast_in_dim3A_1060 : vector<16xi32>, vector<16xi1> -> vector<16xi32>
        %add3A_1062 = vector.broadcast %add3A_1036 : i32 to vector<16xi32>
        %add3A_1063 = arith.addi %add3A_1062, %masked_cumsum3A_1061 : vector<16xi32>
        %sub3A_1064 = arith.constant 1 : i32
        %sub3A_1065 = vector.broadcast %sub3A_1064 : i32 to vector<16xi32>
        %sub3A_1066 = arith.subi %add3A_1063, %sub3A_1065 : vector<16xi32>
        %min3A_1067 = arith.constant 48 : i32
        %min3A_1068 = vector.broadcast %min3A_1067 : i32 to vector<16xi32>
        %min3A_1069 = arith.minsi %sub3A_1066, %min3A_1068 : vector<16xi32>
        %jit3A_1070 = arith.constant 56 : i32
        %broadcast_in_dim3A_1071 = vector.broadcast %jit3A_1070 : i32 to vector<16xi32>
        %select_n3A_1072 = arith.select %le3A_1057, %min3A_1069, %broadcast_in_dim3A_1071 : vector<16xi1>, vector<16xi32>
        %add3A_1073 = vector.broadcast %add3A_1040 : i32 to vector<16xi32>
        %add3A_1074 = arith.addi %iota3A, %add3A_1073 : vector<16xi32>
        tpu.vector_store_idx %arg16[%select_n3A_1072], %add3A_1074 : memref<64xi32, #tpu.memory_space<vmem>>[vector<16xi32>], vector<16xi32>,
        %slice3A_1075 = vector.extract_strided_slice %masked_cumsum3A_1061 {offsets = [15], sizes = [1], strides = [1]} : vector<16xi32> to vector<1xi32>
        %squeeze3A_1076 = vector.extract %slice3A_1075[0] : i32 from vector<1xi32>
        %add3A_1077 = arith.addi %add3A_1036, %squeeze3A_1076 : i32
        %add3A_1078 = arith.constant 1 : i32
        %add3A_1079 = arith.addi %while3A_1002, %add3A_1078 : i32
        scf.yield %add3A_1079, %add3A_1077 : i32, i32
      }
      %get3A_280 = arith.constant 0 : index
      %get3A_281 = tpu.vector_load %arg16[%get3A_280] {strides = array<i32>} : memref<64xi32, #tpu.memory_space<vmem>>, vector<16xi32>,
      %get3A_282 = arith.constant 16 : index
      %get3A_283 = tpu.vector_load %arg16[%get3A_282] {strides = array<i32>} : memref<64xi32, #tpu.memory_space<vmem>>, vector<16xi32>,
      %broadcast_in_dim3A_284 = vector.shape_cast %broadcast_in_dim3A_21 : vector<16xi32> to vector<16x1xi32>
      %gather3A_285 = vector.shape_cast %broadcast_in_dim3A_284 : vector<16x1xi32> to vector<16xi32>
      %gather3A_286 = tpu.dynamic_gather %get3A_281[%gather3A_285] in [0] : vector<16xi32>, vector<16xi32> -> vector<16xi32>
      %lt3A_287 = vector.broadcast %while3A_279#1 : i32 to vector<16xi32>
      %lt3A_288 = arith.cmpi slt, %iota3A, %lt3A_287 : vector<16xi32>
      %select_n3A_289 = arith.select %lt3A_288, %get3A_281, %gather3A_286 : vector<16xi1>, vector<16xi32>
      %add3A_290 = vector.broadcast %mul3A_20 : i32 to vector<16xi32>
      %add3A_291 = arith.addi %select_n3A_289, %add3A_290 : vector<16xi32>
      %add3A_292 = arith.constant 16 : i32
      %add3A_293 = vector.broadcast %add3A_292 : i32 to vector<16xi32>
      %add3A_294 = arith.addi %iota3A, %add3A_293 : vector<16xi32>
      %lt3A_295 = vector.broadcast %while3A_279#1 : i32 to vector<16xi32>
      %lt3A_296 = arith.cmpi slt, %add3A_294, %lt3A_295 : vector<16xi32>
      %select_n3A_297 = arith.select %lt3A_296, %get3A_283, %gather3A_286 : vector<16xi1>, vector<16xi32>
      %add3A_298 = vector.broadcast %mul3A_20 : i32 to vector<16xi32>
      %add3A_299 = arith.addi %select_n3A_297, %add3A_298 : vector<16xi32>
      %swap3A_300 = arith.constant 1 : i32
      %swap3A_301 = arith.constant 0 : i32
      %swap3A_302 = tpu.memref_slice %arg17[%swap3A_300, %swap3A_301] : memref<4x128xi32, #tpu.memory_space<vmem>> -> memref<1x128xi32, #tpu.memory_space<vmem>>
      %swap3A_303 = tpu.memref_squeeze %swap3A_302 : memref<1x128xi32, #tpu.memory_space<vmem>> -> memref<128xi32, #tpu.memory_space<vmem>>
      %swap3A_304 = arith.constant 0 : index
      %swap3A_305 = tpu.vector_load %swap3A_303[%swap3A_304] {strides = array<i32>} : memref<128xi32, #tpu.memory_space<vmem>>, vector<16xi32>,
      tpu.vector_store %swap3A_303[%swap3A_304], %add3A_291 {strides = array<i32>} : memref<128xi32, #tpu.memory_space<vmem>>, vector<16xi32>,
      %swap3A_306 = arith.constant 1 : i32
      %swap3A_307 = arith.constant 0 : i32
      %swap3A_308 = tpu.memref_slice %arg17[%swap3A_306, %swap3A_307] : memref<4x128xi32, #tpu.memory_space<vmem>> -> memref<1x128xi32, #tpu.memory_space<vmem>>
      %swap3A_309 = tpu.memref_squeeze %swap3A_308 : memref<1x128xi32, #tpu.memory_space<vmem>> -> memref<128xi32, #tpu.memory_space<vmem>>
      %swap3A_310 = arith.constant 16 : index
      %swap3A_311 = tpu.vector_load %swap3A_309[%swap3A_310] {strides = array<i32>} : memref<128xi32, #tpu.memory_space<vmem>>, vector<16xi32>,
      tpu.vector_store %swap3A_309[%swap3A_310], %add3A_299 {strides = array<i32>} : memref<128xi32, #tpu.memory_space<vmem>>, vector<16xi32>,
      %mul3A_312 = arith.constant 16 : i32
      %mul3A_313 = arith.muli %scan3A_27, %mul3A_312 : i32
      %add3A_314 = arith.constant 4 : i32
      %add3A_315 = arith.addi %mul3A_313, %add3A_314 : i32
      %add3A_316 = arith.constant 1 : i32
      %add3A_317 = arith.addi %add3A_315, %add3A_316 : i32
      %get3A_318 = arith.index_cast %add3A_317 : i32 to index
      %get3A_319 = tpu.vector_load %arg13[%get3A_318] {strides = array<i32>} : memref<272xf32, #tpu.memory_space<vmem>>, vector<16xf32>,
      %broadcast_in_dim3A_320 = vector.shape_cast %broadcast_in_dim3A_21 : vector<16xi32> to vector<16x1xi32>
      %gather3A_321 = vector.shape_cast %broadcast_in_dim3A_320 : vector<16x1xi32> to vector<16xi32>
      %gather3A_322 = tpu.dynamic_gather %get3A_319[%gather3A_321] in [0] : vector<16xf32>, vector<16xi32> -> vector<16xf32>
      %get3A_323 = arith.index_cast %add3A_317 : i32 to index
      %get3A_324 = tpu.vector_load %arg14[%get3A_323] {strides = array<i32>} : memref<272xf32, #tpu.memory_space<vmem>>, vector<16xf32>,
      %broadcast_in_dim3A_325 = vector.shape_cast %broadcast_in_dim3A_21 : vector<16xi32> to vector<16x1xi32>
      %gather3A_326 = vector.shape_cast %broadcast_in_dim3A_325 : vector<16x1xi32> to vector<16xi32>
      %gather3A_327 = tpu.dynamic_gather %get3A_324[%gather3A_326] in [0] : vector<16xf32>, vector<16xi32> -> vector<16xf32>
      %get3A_328 = arith.index_cast %add3A_317 : i32 to index
      %get3A_329 = tpu.vector_load %arg15[%get3A_328] {strides = array<i32>} : memref<272xf32, #tpu.memory_space<vmem>>, vector<16xf32>,
      %broadcast_in_dim3A_330 = vector.shape_cast %broadcast_in_dim3A_21 : vector<16xi32> to vector<16x1xi32>
      %gather3A_331 = vector.shape_cast %broadcast_in_dim3A_330 : vector<16x1xi32> to vector<16xi32>
      %gather3A_332 = tpu.dynamic_gather %get3A_329[%gather3A_331] in [0] : vector<16xf32>, vector<16xi32> -> vector<16xf32>
      %while3A_333 = arith.constant 0 : i32
      %while3A_334 = arith.constant 0 : i32
      %while3A_335:2 = scf.while (%while3A_1002 = %while3A_333, %while3A_1003 = %while3A_334) : (i32, i32) -> (i32, i32) {
        %lt3A_1004 = arith.constant 128 : i32
        %lt3A_1005 = arith.cmpi slt, %while3A_1002, %lt3A_1004 : i32
        %lt3A_1006 = arith.constant 32 : i32
        %lt3A_1007 = arith.cmpi slt, %while3A_1003, %lt3A_1006 : i32
        %and3A_1008 = arith.andi %lt3A_1005, %lt3A_1007 : i1
        scf.condition(%and3A_1008) %while3A_1002, %while3A_1003 : i32, i32
      } do {
      ^bb0(%while3A_1002: i32, %while3A_1003: i32):
        %mul3A_1004 = arith.constant 32 : i32
        %mul3A_1005 = arith.muli %while3A_1002, %mul3A_1004 : i32
        %get3A_1006 = arith.index_cast %mul3A_1005 : i32 to index
        %get3A_1007 = tpu.vector_load %arg10[%get3A_1006] {strides = array<i32>} : memref<4096xf32, #tpu.memory_space<vmem>>, vector<16xf32>,
        %get3A_1008 = arith.index_cast %mul3A_1005 : i32 to index
        %get3A_1009 = tpu.vector_load %arg11[%get3A_1008] {strides = array<i32>} : memref<4096xf32, #tpu.memory_space<vmem>>, vector<16xf32>,
        %get3A_1010 = arith.index_cast %mul3A_1005 : i32 to index
        %get3A_1011 = tpu.vector_load %arg12[%get3A_1010] {strides = array<i32>} : memref<4096xf32, #tpu.memory_space<vmem>>, vector<16xf32>,
        %sub3A_1012 = arith.subf %get3A_1007, %gather3A_322 : vector<16xf32>
        %sub3A_1013 = arith.subf %get3A_1009, %gather3A_327 : vector<16xf32>
        %sub3A_1014 = arith.subf %get3A_1011, %gather3A_332 : vector<16xf32>
        %mul3A_1015 = arith.mulf %sub3A_1012, %sub3A_1012 : vector<16xf32>
        %mul3A_1016 = arith.mulf %sub3A_1013, %sub3A_1013 : vector<16xf32>
        %add3A_1017 = arith.addf %mul3A_1015, %mul3A_1016 : vector<16xf32>
        %mul3A_1018 = arith.mulf %sub3A_1014, %sub3A_1014 : vector<16xf32>
        %add3A_1019 = arith.addf %add3A_1017, %mul3A_1018 : vector<16xf32>
        %le3A = arith.constant 4.000000e-02 : f32
        %le3A_1020 = vector.broadcast %le3A : f32 to vector<16xf32>
        %le3A_1021 = arith.cmpf ole, %add3A_1019, %le3A_1020 : vector<16xf32>
        %convert_element_type3A = arith.extui %le3A_1021 : vector<16xi1> to vector<16xi32>
        %broadcast_in_dim3A_1022 = arith.constant true
        %broadcast_in_dim3A_1023 = vector.broadcast %broadcast_in_dim3A_1022 : i1 to vector<16xi1>
        %masked_cumsum3A = tpu.scan <sum>, %convert_element_type3A masked %broadcast_in_dim3A_1023 : vector<16xi32>, vector<16xi1> -> vector<16xi32>
        %add3A_1024 = vector.broadcast %while3A_1003 : i32 to vector<16xi32>
        %add3A_1025 = arith.addi %add3A_1024, %masked_cumsum3A : vector<16xi32>
        %sub3A_1026 = arith.constant 1 : i32
        %sub3A_1027 = vector.broadcast %sub3A_1026 : i32 to vector<16xi32>
        %sub3A_1028 = arith.subi %add3A_1025, %sub3A_1027 : vector<16xi32>
        %min3A = arith.constant 48 : i32
        %min3A_1029 = vector.broadcast %min3A : i32 to vector<16xi32>
        %min3A_1030 = arith.minsi %sub3A_1028, %min3A_1029 : vector<16xi32>
        %jit3A_1031 = arith.constant 56 : i32
        %broadcast_in_dim3A_1032 = vector.broadcast %jit3A_1031 : i32 to vector<16xi32>
        %select_n3A_1033 = arith.select %le3A_1021, %min3A_1030, %broadcast_in_dim3A_1032 : vector<16xi1>, vector<16xi32>
        %add3A_1034 = vector.broadcast %mul3A_1005 : i32 to vector<16xi32>
        %add3A_1035 = arith.addi %iota3A, %add3A_1034 : vector<16xi32>
        tpu.vector_store_idx %arg16[%select_n3A_1033], %add3A_1035 : memref<64xi32, #tpu.memory_space<vmem>>[vector<16xi32>], vector<16xi32>,
        %slice3A = vector.extract_strided_slice %masked_cumsum3A {offsets = [15], sizes = [1], strides = [1]} : vector<16xi32> to vector<1xi32>
        %squeeze3A = vector.extract %slice3A[0] : i32 from vector<1xi32>
        %add3A_1036 = arith.addi %while3A_1003, %squeeze3A : i32
        %mul3A_1037 = arith.constant 32 : i32
        %mul3A_1038 = arith.muli %while3A_1002, %mul3A_1037 : i32
        %add3A_1039 = arith.constant 16 : i32
        %add3A_1040 = arith.addi %mul3A_1038, %add3A_1039 : i32
        %get3A_1041 = arith.index_cast %add3A_1040 : i32 to index
        %get3A_1042 = tpu.vector_load %arg10[%get3A_1041] {strides = array<i32>} : memref<4096xf32, #tpu.memory_space<vmem>>, vector<16xf32>,
        %get3A_1043 = arith.index_cast %add3A_1040 : i32 to index
        %get3A_1044 = tpu.vector_load %arg11[%get3A_1043] {strides = array<i32>} : memref<4096xf32, #tpu.memory_space<vmem>>, vector<16xf32>,
        %get3A_1045 = arith.index_cast %add3A_1040 : i32 to index
        %get3A_1046 = tpu.vector_load %arg12[%get3A_1045] {strides = array<i32>} : memref<4096xf32, #tpu.memory_space<vmem>>, vector<16xf32>,
        %sub3A_1047 = arith.subf %get3A_1042, %gather3A_322 : vector<16xf32>
        %sub3A_1048 = arith.subf %get3A_1044, %gather3A_327 : vector<16xf32>
        %sub3A_1049 = arith.subf %get3A_1046, %gather3A_332 : vector<16xf32>
        %mul3A_1050 = arith.mulf %sub3A_1047, %sub3A_1047 : vector<16xf32>
        %mul3A_1051 = arith.mulf %sub3A_1048, %sub3A_1048 : vector<16xf32>
        %add3A_1052 = arith.addf %mul3A_1050, %mul3A_1051 : vector<16xf32>
        %mul3A_1053 = arith.mulf %sub3A_1049, %sub3A_1049 : vector<16xf32>
        %add3A_1054 = arith.addf %add3A_1052, %mul3A_1053 : vector<16xf32>
        %le3A_1055 = arith.constant 4.000000e-02 : f32
        %le3A_1056 = vector.broadcast %le3A_1055 : f32 to vector<16xf32>
        %le3A_1057 = arith.cmpf ole, %add3A_1054, %le3A_1056 : vector<16xf32>
        %convert_element_type3A_1058 = arith.extui %le3A_1057 : vector<16xi1> to vector<16xi32>
        %broadcast_in_dim3A_1059 = arith.constant true
        %broadcast_in_dim3A_1060 = vector.broadcast %broadcast_in_dim3A_1059 : i1 to vector<16xi1>
        %masked_cumsum3A_1061 = tpu.scan <sum>, %convert_element_type3A_1058 masked %broadcast_in_dim3A_1060 : vector<16xi32>, vector<16xi1> -> vector<16xi32>
        %add3A_1062 = vector.broadcast %add3A_1036 : i32 to vector<16xi32>
        %add3A_1063 = arith.addi %add3A_1062, %masked_cumsum3A_1061 : vector<16xi32>
        %sub3A_1064 = arith.constant 1 : i32
        %sub3A_1065 = vector.broadcast %sub3A_1064 : i32 to vector<16xi32>
        %sub3A_1066 = arith.subi %add3A_1063, %sub3A_1065 : vector<16xi32>
        %min3A_1067 = arith.constant 48 : i32
        %min3A_1068 = vector.broadcast %min3A_1067 : i32 to vector<16xi32>
        %min3A_1069 = arith.minsi %sub3A_1066, %min3A_1068 : vector<16xi32>
        %jit3A_1070 = arith.constant 56 : i32
        %broadcast_in_dim3A_1071 = vector.broadcast %jit3A_1070 : i32 to vector<16xi32>
        %select_n3A_1072 = arith.select %le3A_1057, %min3A_1069, %broadcast_in_dim3A_1071 : vector<16xi1>, vector<16xi32>
        %add3A_1073 = vector.broadcast %add3A_1040 : i32 to vector<16xi32>
        %add3A_1074 = arith.addi %iota3A, %add3A_1073 : vector<16xi32>
        tpu.vector_store_idx %arg16[%select_n3A_1072], %add3A_1074 : memref<64xi32, #tpu.memory_space<vmem>>[vector<16xi32>], vector<16xi32>,
        %slice3A_1075 = vector.extract_strided_slice %masked_cumsum3A_1061 {offsets = [15], sizes = [1], strides = [1]} : vector<16xi32> to vector<1xi32>
        %squeeze3A_1076 = vector.extract %slice3A_1075[0] : i32 from vector<1xi32>
        %add3A_1077 = arith.addi %add3A_1036, %squeeze3A_1076 : i32
        %add3A_1078 = arith.constant 1 : i32
        %add3A_1079 = arith.addi %while3A_1002, %add3A_1078 : i32
        scf.yield %add3A_1079, %add3A_1077 : i32, i32
      }
      %get3A_336 = arith.constant 0 : index
      %get3A_337 = tpu.vector_load %arg16[%get3A_336] {strides = array<i32>} : memref<64xi32, #tpu.memory_space<vmem>>, vector<16xi32>,
      %get3A_338 = arith.constant 16 : index
      %get3A_339 = tpu.vector_load %arg16[%get3A_338] {strides = array<i32>} : memref<64xi32, #tpu.memory_space<vmem>>, vector<16xi32>,
      %broadcast_in_dim3A_340 = vector.shape_cast %broadcast_in_dim3A_21 : vector<16xi32> to vector<16x1xi32>
      %gather3A_341 = vector.shape_cast %broadcast_in_dim3A_340 : vector<16x1xi32> to vector<16xi32>
      %gather3A_342 = tpu.dynamic_gather %get3A_337[%gather3A_341] in [0] : vector<16xi32>, vector<16xi32> -> vector<16xi32>
      %lt3A_343 = vector.broadcast %while3A_335#1 : i32 to vector<16xi32>
      %lt3A_344 = arith.cmpi slt, %iota3A, %lt3A_343 : vector<16xi32>
      %select_n3A_345 = arith.select %lt3A_344, %get3A_337, %gather3A_342 : vector<16xi1>, vector<16xi32>
      %add3A_346 = vector.broadcast %mul3A_20 : i32 to vector<16xi32>
      %add3A_347 = arith.addi %select_n3A_345, %add3A_346 : vector<16xi32>
      %add3A_348 = arith.constant 16 : i32
      %add3A_349 = vector.broadcast %add3A_348 : i32 to vector<16xi32>
      %add3A_350 = arith.addi %iota3A, %add3A_349 : vector<16xi32>
      %lt3A_351 = vector.broadcast %while3A_335#1 : i32 to vector<16xi32>
      %lt3A_352 = arith.cmpi slt, %add3A_350, %lt3A_351 : vector<16xi32>
      %select_n3A_353 = arith.select %lt3A_352, %get3A_339, %gather3A_342 : vector<16xi1>, vector<16xi32>
      %add3A_354 = vector.broadcast %mul3A_20 : i32 to vector<16xi32>
      %add3A_355 = arith.addi %select_n3A_353, %add3A_354 : vector<16xi32>
      %swap3A_356 = arith.constant 1 : i32
      %swap3A_357 = arith.constant 0 : i32
      %swap3A_358 = tpu.memref_slice %arg17[%swap3A_356, %swap3A_357] : memref<4x128xi32, #tpu.memory_space<vmem>> -> memref<1x128xi32, #tpu.memory_space<vmem>>
      %swap3A_359 = tpu.memref_squeeze %swap3A_358 : memref<1x128xi32, #tpu.memory_space<vmem>> -> memref<128xi32, #tpu.memory_space<vmem>>
      %swap3A_360 = arith.constant 32 : index
      %swap3A_361 = tpu.vector_load %swap3A_359[%swap3A_360] {strides = array<i32>} : memref<128xi32, #tpu.memory_space<vmem>>, vector<16xi32>,
      tpu.vector_store %swap3A_359[%swap3A_360], %add3A_347 {strides = array<i32>} : memref<128xi32, #tpu.memory_space<vmem>>, vector<16xi32>,
      %swap3A_362 = arith.constant 1 : i32
      %swap3A_363 = arith.constant 0 : i32
      %swap3A_364 = tpu.memref_slice %arg17[%swap3A_362, %swap3A_363] : memref<4x128xi32, #tpu.memory_space<vmem>> -> memref<1x128xi32, #tpu.memory_space<vmem>>
      %swap3A_365 = tpu.memref_squeeze %swap3A_364 : memref<1x128xi32, #tpu.memory_space<vmem>> -> memref<128xi32, #tpu.memory_space<vmem>>
      %swap3A_366 = arith.constant 48 : index
      %swap3A_367 = tpu.vector_load %swap3A_365[%swap3A_366] {strides = array<i32>} : memref<128xi32, #tpu.memory_space<vmem>>, vector<16xi32>,
      tpu.vector_store %swap3A_365[%swap3A_366], %add3A_355 {strides = array<i32>} : memref<128xi32, #tpu.memory_space<vmem>>, vector<16xi32>,
      %mul3A_368 = arith.constant 16 : i32
      %mul3A_369 = arith.muli %scan3A_27, %mul3A_368 : i32
      %add3A_370 = arith.constant 4 : i32
      %add3A_371 = arith.addi %mul3A_369, %add3A_370 : i32
      %add3A_372 = arith.constant 2 : i32
      %add3A_373 = arith.addi %add3A_371, %add3A_372 : i32
      %get3A_374 = arith.index_cast %add3A_373 : i32 to index
      %get3A_375 = tpu.vector_load %arg13[%get3A_374] {strides = array<i32>} : memref<272xf32, #tpu.memory_space<vmem>>, vector<16xf32>,
      %broadcast_in_dim3A_376 = vector.shape_cast %broadcast_in_dim3A_21 : vector<16xi32> to vector<16x1xi32>
      %gather3A_377 = vector.shape_cast %broadcast_in_dim3A_376 : vector<16x1xi32> to vector<16xi32>
      %gather3A_378 = tpu.dynamic_gather %get3A_375[%gather3A_377] in [0] : vector<16xf32>, vector<16xi32> -> vector<16xf32>
      %get3A_379 = arith.index_cast %add3A_373 : i32 to index
      %get3A_380 = tpu.vector_load %arg14[%get3A_379] {strides = array<i32>} : memref<272xf32, #tpu.memory_space<vmem>>, vector<16xf32>,
      %broadcast_in_dim3A_381 = vector.shape_cast %broadcast_in_dim3A_21 : vector<16xi32> to vector<16x1xi32>
      %gather3A_382 = vector.shape_cast %broadcast_in_dim3A_381 : vector<16x1xi32> to vector<16xi32>
      %gather3A_383 = tpu.dynamic_gather %get3A_380[%gather3A_382] in [0] : vector<16xf32>, vector<16xi32> -> vector<16xf32>
      %get3A_384 = arith.index_cast %add3A_373 : i32 to index
      %get3A_385 = tpu.vector_load %arg15[%get3A_384] {strides = array<i32>} : memref<272xf32, #tpu.memory_space<vmem>>, vector<16xf32>,
      %broadcast_in_dim3A_386 = vector.shape_cast %broadcast_in_dim3A_21 : vector<16xi32> to vector<16x1xi32>
      %gather3A_387 = vector.shape_cast %broadcast_in_dim3A_386 : vector<16x1xi32> to vector<16xi32>
      %gather3A_388 = tpu.dynamic_gather %get3A_385[%gather3A_387] in [0] : vector<16xf32>, vector<16xi32> -> vector<16xf32>
      %while3A_389 = arith.constant 0 : i32
      %while3A_390 = arith.constant 0 : i32
      %while3A_391:2 = scf.while (%while3A_1002 = %while3A_389, %while3A_1003 = %while3A_390) : (i32, i32) -> (i32, i32) {
        %lt3A_1004 = arith.constant 128 : i32
        %lt3A_1005 = arith.cmpi slt, %while3A_1002, %lt3A_1004 : i32
        %lt3A_1006 = arith.constant 32 : i32
        %lt3A_1007 = arith.cmpi slt, %while3A_1003, %lt3A_1006 : i32
        %and3A_1008 = arith.andi %lt3A_1005, %lt3A_1007 : i1
        scf.condition(%and3A_1008) %while3A_1002, %while3A_1003 : i32, i32
      } do {
      ^bb0(%while3A_1002: i32, %while3A_1003: i32):
        %mul3A_1004 = arith.constant 32 : i32
        %mul3A_1005 = arith.muli %while3A_1002, %mul3A_1004 : i32
        %get3A_1006 = arith.index_cast %mul3A_1005 : i32 to index
        %get3A_1007 = tpu.vector_load %arg10[%get3A_1006] {strides = array<i32>} : memref<4096xf32, #tpu.memory_space<vmem>>, vector<16xf32>,
        %get3A_1008 = arith.index_cast %mul3A_1005 : i32 to index
        %get3A_1009 = tpu.vector_load %arg11[%get3A_1008] {strides = array<i32>} : memref<4096xf32, #tpu.memory_space<vmem>>, vector<16xf32>,
        %get3A_1010 = arith.index_cast %mul3A_1005 : i32 to index
        %get3A_1011 = tpu.vector_load %arg12[%get3A_1010] {strides = array<i32>} : memref<4096xf32, #tpu.memory_space<vmem>>, vector<16xf32>,
        %sub3A_1012 = arith.subf %get3A_1007, %gather3A_378 : vector<16xf32>
        %sub3A_1013 = arith.subf %get3A_1009, %gather3A_383 : vector<16xf32>
        %sub3A_1014 = arith.subf %get3A_1011, %gather3A_388 : vector<16xf32>
        %mul3A_1015 = arith.mulf %sub3A_1012, %sub3A_1012 : vector<16xf32>
        %mul3A_1016 = arith.mulf %sub3A_1013, %sub3A_1013 : vector<16xf32>
        %add3A_1017 = arith.addf %mul3A_1015, %mul3A_1016 : vector<16xf32>
        %mul3A_1018 = arith.mulf %sub3A_1014, %sub3A_1014 : vector<16xf32>
        %add3A_1019 = arith.addf %add3A_1017, %mul3A_1018 : vector<16xf32>
        %le3A = arith.constant 4.000000e-02 : f32
        %le3A_1020 = vector.broadcast %le3A : f32 to vector<16xf32>
        %le3A_1021 = arith.cmpf ole, %add3A_1019, %le3A_1020 : vector<16xf32>
        %convert_element_type3A = arith.extui %le3A_1021 : vector<16xi1> to vector<16xi32>
        %broadcast_in_dim3A_1022 = arith.constant true
        %broadcast_in_dim3A_1023 = vector.broadcast %broadcast_in_dim3A_1022 : i1 to vector<16xi1>
        %masked_cumsum3A = tpu.scan <sum>, %convert_element_type3A masked %broadcast_in_dim3A_1023 : vector<16xi32>, vector<16xi1> -> vector<16xi32>
        %add3A_1024 = vector.broadcast %while3A_1003 : i32 to vector<16xi32>
        %add3A_1025 = arith.addi %add3A_1024, %masked_cumsum3A : vector<16xi32>
        %sub3A_1026 = arith.constant 1 : i32
        %sub3A_1027 = vector.broadcast %sub3A_1026 : i32 to vector<16xi32>
        %sub3A_1028 = arith.subi %add3A_1025, %sub3A_1027 : vector<16xi32>
        %min3A = arith.constant 48 : i32
        %min3A_1029 = vector.broadcast %min3A : i32 to vector<16xi32>
        %min3A_1030 = arith.minsi %sub3A_1028, %min3A_1029 : vector<16xi32>
        %jit3A_1031 = arith.constant 56 : i32
        %broadcast_in_dim3A_1032 = vector.broadcast %jit3A_1031 : i32 to vector<16xi32>
        %select_n3A_1033 = arith.select %le3A_1021, %min3A_1030, %broadcast_in_dim3A_1032 : vector<16xi1>, vector<16xi32>
        %add3A_1034 = vector.broadcast %mul3A_1005 : i32 to vector<16xi32>
        %add3A_1035 = arith.addi %iota3A, %add3A_1034 : vector<16xi32>
        tpu.vector_store_idx %arg16[%select_n3A_1033], %add3A_1035 : memref<64xi32, #tpu.memory_space<vmem>>[vector<16xi32>], vector<16xi32>,
        %slice3A = vector.extract_strided_slice %masked_cumsum3A {offsets = [15], sizes = [1], strides = [1]} : vector<16xi32> to vector<1xi32>
        %squeeze3A = vector.extract %slice3A[0] : i32 from vector<1xi32>
        %add3A_1036 = arith.addi %while3A_1003, %squeeze3A : i32
        %mul3A_1037 = arith.constant 32 : i32
        %mul3A_1038 = arith.muli %while3A_1002, %mul3A_1037 : i32
        %add3A_1039 = arith.constant 16 : i32
        %add3A_1040 = arith.addi %mul3A_1038, %add3A_1039 : i32
        %get3A_1041 = arith.index_cast %add3A_1040 : i32 to index
        %get3A_1042 = tpu.vector_load %arg10[%get3A_1041] {strides = array<i32>} : memref<4096xf32, #tpu.memory_space<vmem>>, vector<16xf32>,
        %get3A_1043 = arith.index_cast %add3A_1040 : i32 to index
        %get3A_1044 = tpu.vector_load %arg11[%get3A_1043] {strides = array<i32>} : memref<4096xf32, #tpu.memory_space<vmem>>, vector<16xf32>,
        %get3A_1045 = arith.index_cast %add3A_1040 : i32 to index
        %get3A_1046 = tpu.vector_load %arg12[%get3A_1045] {strides = array<i32>} : memref<4096xf32, #tpu.memory_space<vmem>>, vector<16xf32>,
        %sub3A_1047 = arith.subf %get3A_1042, %gather3A_378 : vector<16xf32>
        %sub3A_1048 = arith.subf %get3A_1044, %gather3A_383 : vector<16xf32>
        %sub3A_1049 = arith.subf %get3A_1046, %gather3A_388 : vector<16xf32>
        %mul3A_1050 = arith.mulf %sub3A_1047, %sub3A_1047 : vector<16xf32>
        %mul3A_1051 = arith.mulf %sub3A_1048, %sub3A_1048 : vector<16xf32>
        %add3A_1052 = arith.addf %mul3A_1050, %mul3A_1051 : vector<16xf32>
        %mul3A_1053 = arith.mulf %sub3A_1049, %sub3A_1049 : vector<16xf32>
        %add3A_1054 = arith.addf %add3A_1052, %mul3A_1053 : vector<16xf32>
        %le3A_1055 = arith.constant 4.000000e-02 : f32
        %le3A_1056 = vector.broadcast %le3A_1055 : f32 to vector<16xf32>
        %le3A_1057 = arith.cmpf ole, %add3A_1054, %le3A_1056 : vector<16xf32>
        %convert_element_type3A_1058 = arith.extui %le3A_1057 : vector<16xi1> to vector<16xi32>
        %broadcast_in_dim3A_1059 = arith.constant true
        %broadcast_in_dim3A_1060 = vector.broadcast %broadcast_in_dim3A_1059 : i1 to vector<16xi1>
        %masked_cumsum3A_1061 = tpu.scan <sum>, %convert_element_type3A_1058 masked %broadcast_in_dim3A_1060 : vector<16xi32>, vector<16xi1> -> vector<16xi32>
        %add3A_1062 = vector.broadcast %add3A_1036 : i32 to vector<16xi32>
        %add3A_1063 = arith.addi %add3A_1062, %masked_cumsum3A_1061 : vector<16xi32>
        %sub3A_1064 = arith.constant 1 : i32
        %sub3A_1065 = vector.broadcast %sub3A_1064 : i32 to vector<16xi32>
        %sub3A_1066 = arith.subi %add3A_1063, %sub3A_1065 : vector<16xi32>
        %min3A_1067 = arith.constant 48 : i32
        %min3A_1068 = vector.broadcast %min3A_1067 : i32 to vector<16xi32>
        %min3A_1069 = arith.minsi %sub3A_1066, %min3A_1068 : vector<16xi32>
        %jit3A_1070 = arith.constant 56 : i32
        %broadcast_in_dim3A_1071 = vector.broadcast %jit3A_1070 : i32 to vector<16xi32>
        %select_n3A_1072 = arith.select %le3A_1057, %min3A_1069, %broadcast_in_dim3A_1071 : vector<16xi1>, vector<16xi32>
        %add3A_1073 = vector.broadcast %add3A_1040 : i32 to vector<16xi32>
        %add3A_1074 = arith.addi %iota3A, %add3A_1073 : vector<16xi32>
        tpu.vector_store_idx %arg16[%select_n3A_1072], %add3A_1074 : memref<64xi32, #tpu.memory_space<vmem>>[vector<16xi32>], vector<16xi32>,
        %slice3A_1075 = vector.extract_strided_slice %masked_cumsum3A_1061 {offsets = [15], sizes = [1], strides = [1]} : vector<16xi32> to vector<1xi32>
        %squeeze3A_1076 = vector.extract %slice3A_1075[0] : i32 from vector<1xi32>
        %add3A_1077 = arith.addi %add3A_1036, %squeeze3A_1076 : i32
        %add3A_1078 = arith.constant 1 : i32
        %add3A_1079 = arith.addi %while3A_1002, %add3A_1078 : i32
        scf.yield %add3A_1079, %add3A_1077 : i32, i32
      }
      %get3A_392 = arith.constant 0 : index
      %get3A_393 = tpu.vector_load %arg16[%get3A_392] {strides = array<i32>} : memref<64xi32, #tpu.memory_space<vmem>>, vector<16xi32>,
      %get3A_394 = arith.constant 16 : index
      %get3A_395 = tpu.vector_load %arg16[%get3A_394] {strides = array<i32>} : memref<64xi32, #tpu.memory_space<vmem>>, vector<16xi32>,
      %broadcast_in_dim3A_396 = vector.shape_cast %broadcast_in_dim3A_21 : vector<16xi32> to vector<16x1xi32>
      %gather3A_397 = vector.shape_cast %broadcast_in_dim3A_396 : vector<16x1xi32> to vector<16xi32>
      %gather3A_398 = tpu.dynamic_gather %get3A_393[%gather3A_397] in [0] : vector<16xi32>, vector<16xi32> -> vector<16xi32>
      %lt3A_399 = vector.broadcast %while3A_391#1 : i32 to vector<16xi32>
      %lt3A_400 = arith.cmpi slt, %iota3A, %lt3A_399 : vector<16xi32>
      %select_n3A_401 = arith.select %lt3A_400, %get3A_393, %gather3A_398 : vector<16xi1>, vector<16xi32>
      %add3A_402 = vector.broadcast %mul3A_20 : i32 to vector<16xi32>
      %add3A_403 = arith.addi %select_n3A_401, %add3A_402 : vector<16xi32>
      %add3A_404 = arith.constant 16 : i32
      %add3A_405 = vector.broadcast %add3A_404 : i32 to vector<16xi32>
      %add3A_406 = arith.addi %iota3A, %add3A_405 : vector<16xi32>
      %lt3A_407 = vector.broadcast %while3A_391#1 : i32 to vector<16xi32>
      %lt3A_408 = arith.cmpi slt, %add3A_406, %lt3A_407 : vector<16xi32>
      %select_n3A_409 = arith.select %lt3A_408, %get3A_395, %gather3A_398 : vector<16xi1>, vector<16xi32>
      %add3A_410 = vector.broadcast %mul3A_20 : i32 to vector<16xi32>
      %add3A_411 = arith.addi %select_n3A_409, %add3A_410 : vector<16xi32>
      %swap3A_412 = arith.constant 1 : i32
      %swap3A_413 = arith.constant 0 : i32
      %swap3A_414 = tpu.memref_slice %arg17[%swap3A_412, %swap3A_413] : memref<4x128xi32, #tpu.memory_space<vmem>> -> memref<1x128xi32, #tpu.memory_space<vmem>>
      %swap3A_415 = tpu.memref_squeeze %swap3A_414 : memref<1x128xi32, #tpu.memory_space<vmem>> -> memref<128xi32, #tpu.memory_space<vmem>>
      %swap3A_416 = arith.constant 64 : index
      %swap3A_417 = tpu.vector_load %swap3A_415[%swap3A_416] {strides = array<i32>} : memref<128xi32, #tpu.memory_space<vmem>>, vector<16xi32>,
      tpu.vector_store %swap3A_415[%swap3A_416], %add3A_403 {strides = array<i32>} : memref<128xi32, #tpu.memory_space<vmem>>, vector<16xi32>,
      %swap3A_418 = arith.constant 1 : i32
      %swap3A_419 = arith.constant 0 : i32
      %swap3A_420 = tpu.memref_slice %arg17[%swap3A_418, %swap3A_419] : memref<4x128xi32, #tpu.memory_space<vmem>> -> memref<1x128xi32, #tpu.memory_space<vmem>>
      %swap3A_421 = tpu.memref_squeeze %swap3A_420 : memref<1x128xi32, #tpu.memory_space<vmem>> -> memref<128xi32, #tpu.memory_space<vmem>>
      %swap3A_422 = arith.constant 80 : index
      %swap3A_423 = tpu.vector_load %swap3A_421[%swap3A_422] {strides = array<i32>} : memref<128xi32, #tpu.memory_space<vmem>>, vector<16xi32>,
      tpu.vector_store %swap3A_421[%swap3A_422], %add3A_411 {strides = array<i32>} : memref<128xi32, #tpu.memory_space<vmem>>, vector<16xi32>,
      %mul3A_424 = arith.constant 16 : i32
      %mul3A_425 = arith.muli %scan3A_27, %mul3A_424 : i32
      %add3A_426 = arith.constant 4 : i32
      %add3A_427 = arith.addi %mul3A_425, %add3A_426 : i32
      %add3A_428 = arith.constant 3 : i32
      %add3A_429 = arith.addi %add3A_427, %add3A_428 : i32
      %get3A_430 = arith.index_cast %add3A_429 : i32 to index
      %get3A_431 = tpu.vector_load %arg13[%get3A_430] {strides = array<i32>} : memref<272xf32, #tpu.memory_space<vmem>>, vector<16xf32>,
      %broadcast_in_dim3A_432 = vector.shape_cast %broadcast_in_dim3A_21 : vector<16xi32> to vector<16x1xi32>
      %gather3A_433 = vector.shape_cast %broadcast_in_dim3A_432 : vector<16x1xi32> to vector<16xi32>
      %gather3A_434 = tpu.dynamic_gather %get3A_431[%gather3A_433] in [0] : vector<16xf32>, vector<16xi32> -> vector<16xf32>
      %get3A_435 = arith.index_cast %add3A_429 : i32 to index
      %get3A_436 = tpu.vector_load %arg14[%get3A_435] {strides = array<i32>} : memref<272xf32, #tpu.memory_space<vmem>>, vector<16xf32>,
      %broadcast_in_dim3A_437 = vector.shape_cast %broadcast_in_dim3A_21 : vector<16xi32> to vector<16x1xi32>
      %gather3A_438 = vector.shape_cast %broadcast_in_dim3A_437 : vector<16x1xi32> to vector<16xi32>
      %gather3A_439 = tpu.dynamic_gather %get3A_436[%gather3A_438] in [0] : vector<16xf32>, vector<16xi32> -> vector<16xf32>
      %get3A_440 = arith.index_cast %add3A_429 : i32 to index
      %get3A_441 = tpu.vector_load %arg15[%get3A_440] {strides = array<i32>} : memref<272xf32, #tpu.memory_space<vmem>>, vector<16xf32>,
      %broadcast_in_dim3A_442 = vector.shape_cast %broadcast_in_dim3A_21 : vector<16xi32> to vector<16x1xi32>
      %gather3A_443 = vector.shape_cast %broadcast_in_dim3A_442 : vector<16x1xi32> to vector<16xi32>
      %gather3A_444 = tpu.dynamic_gather %get3A_441[%gather3A_443] in [0] : vector<16xf32>, vector<16xi32> -> vector<16xf32>
      %while3A_445 = arith.constant 0 : i32
      %while3A_446 = arith.constant 0 : i32
      %while3A_447:2 = scf.while (%while3A_1002 = %while3A_445, %while3A_1003 = %while3A_446) : (i32, i32) -> (i32, i32) {
        %lt3A_1004 = arith.constant 128 : i32
        %lt3A_1005 = arith.cmpi slt, %while3A_1002, %lt3A_1004 : i32
        %lt3A_1006 = arith.constant 32 : i32
        %lt3A_1007 = arith.cmpi slt, %while3A_1003, %lt3A_1006 : i32
        %and3A_1008 = arith.andi %lt3A_1005, %lt3A_1007 : i1
        scf.condition(%and3A_1008) %while3A_1002, %while3A_1003 : i32, i32
      } do {
      ^bb0(%while3A_1002: i32, %while3A_1003: i32):
        %mul3A_1004 = arith.constant 32 : i32
        %mul3A_1005 = arith.muli %while3A_1002, %mul3A_1004 : i32
        %get3A_1006 = arith.index_cast %mul3A_1005 : i32 to index
        %get3A_1007 = tpu.vector_load %arg10[%get3A_1006] {strides = array<i32>} : memref<4096xf32, #tpu.memory_space<vmem>>, vector<16xf32>,
        %get3A_1008 = arith.index_cast %mul3A_1005 : i32 to index
        %get3A_1009 = tpu.vector_load %arg11[%get3A_1008] {strides = array<i32>} : memref<4096xf32, #tpu.memory_space<vmem>>, vector<16xf32>,
        %get3A_1010 = arith.index_cast %mul3A_1005 : i32 to index
        %get3A_1011 = tpu.vector_load %arg12[%get3A_1010] {strides = array<i32>} : memref<4096xf32, #tpu.memory_space<vmem>>, vector<16xf32>,
        %sub3A_1012 = arith.subf %get3A_1007, %gather3A_434 : vector<16xf32>
        %sub3A_1013 = arith.subf %get3A_1009, %gather3A_439 : vector<16xf32>
        %sub3A_1014 = arith.subf %get3A_1011, %gather3A_444 : vector<16xf32>
        %mul3A_1015 = arith.mulf %sub3A_1012, %sub3A_1012 : vector<16xf32>
        %mul3A_1016 = arith.mulf %sub3A_1013, %sub3A_1013 : vector<16xf32>
        %add3A_1017 = arith.addf %mul3A_1015, %mul3A_1016 : vector<16xf32>
        %mul3A_1018 = arith.mulf %sub3A_1014, %sub3A_1014 : vector<16xf32>
        %add3A_1019 = arith.addf %add3A_1017, %mul3A_1018 : vector<16xf32>
        %le3A = arith.constant 4.000000e-02 : f32
        %le3A_1020 = vector.broadcast %le3A : f32 to vector<16xf32>
        %le3A_1021 = arith.cmpf ole, %add3A_1019, %le3A_1020 : vector<16xf32>
        %convert_element_type3A = arith.extui %le3A_1021 : vector<16xi1> to vector<16xi32>
        %broadcast_in_dim3A_1022 = arith.constant true
        %broadcast_in_dim3A_1023 = vector.broadcast %broadcast_in_dim3A_1022 : i1 to vector<16xi1>
        %masked_cumsum3A = tpu.scan <sum>, %convert_element_type3A masked %broadcast_in_dim3A_1023 : vector<16xi32>, vector<16xi1> -> vector<16xi32>
        %add3A_1024 = vector.broadcast %while3A_1003 : i32 to vector<16xi32>
        %add3A_1025 = arith.addi %add3A_1024, %masked_cumsum3A : vector<16xi32>
        %sub3A_1026 = arith.constant 1 : i32
        %sub3A_1027 = vector.broadcast %sub3A_1026 : i32 to vector<16xi32>
        %sub3A_1028 = arith.subi %add3A_1025, %sub3A_1027 : vector<16xi32>
        %min3A = arith.constant 48 : i32
        %min3A_1029 = vector.broadcast %min3A : i32 to vector<16xi32>
        %min3A_1030 = arith.minsi %sub3A_1028, %min3A_1029 : vector<16xi32>
        %jit3A_1031 = arith.constant 56 : i32
        %broadcast_in_dim3A_1032 = vector.broadcast %jit3A_1031 : i32 to vector<16xi32>
        %select_n3A_1033 = arith.select %le3A_1021, %min3A_1030, %broadcast_in_dim3A_1032 : vector<16xi1>, vector<16xi32>
        %add3A_1034 = vector.broadcast %mul3A_1005 : i32 to vector<16xi32>
        %add3A_1035 = arith.addi %iota3A, %add3A_1034 : vector<16xi32>
        tpu.vector_store_idx %arg16[%select_n3A_1033], %add3A_1035 : memref<64xi32, #tpu.memory_space<vmem>>[vector<16xi32>], vector<16xi32>,
        %slice3A = vector.extract_strided_slice %masked_cumsum3A {offsets = [15], sizes = [1], strides = [1]} : vector<16xi32> to vector<1xi32>
        %squeeze3A = vector.extract %slice3A[0] : i32 from vector<1xi32>
        %add3A_1036 = arith.addi %while3A_1003, %squeeze3A : i32
        %mul3A_1037 = arith.constant 32 : i32
        %mul3A_1038 = arith.muli %while3A_1002, %mul3A_1037 : i32
        %add3A_1039 = arith.constant 16 : i32
        %add3A_1040 = arith.addi %mul3A_1038, %add3A_1039 : i32
        %get3A_1041 = arith.index_cast %add3A_1040 : i32 to index
        %get3A_1042 = tpu.vector_load %arg10[%get3A_1041] {strides = array<i32>} : memref<4096xf32, #tpu.memory_space<vmem>>, vector<16xf32>,
        %get3A_1043 = arith.index_cast %add3A_1040 : i32 to index
        %get3A_1044 = tpu.vector_load %arg11[%get3A_1043] {strides = array<i32>} : memref<4096xf32, #tpu.memory_space<vmem>>, vector<16xf32>,
        %get3A_1045 = arith.index_cast %add3A_1040 : i32 to index
        %get3A_1046 = tpu.vector_load %arg12[%get3A_1045] {strides = array<i32>} : memref<4096xf32, #tpu.memory_space<vmem>>, vector<16xf32>,
        %sub3A_1047 = arith.subf %get3A_1042, %gather3A_434 : vector<16xf32>
        %sub3A_1048 = arith.subf %get3A_1044, %gather3A_439 : vector<16xf32>
        %sub3A_1049 = arith.subf %get3A_1046, %gather3A_444 : vector<16xf32>
        %mul3A_1050 = arith.mulf %sub3A_1047, %sub3A_1047 : vector<16xf32>
        %mul3A_1051 = arith.mulf %sub3A_1048, %sub3A_1048 : vector<16xf32>
        %add3A_1052 = arith.addf %mul3A_1050, %mul3A_1051 : vector<16xf32>
        %mul3A_1053 = arith.mulf %sub3A_1049, %sub3A_1049 : vector<16xf32>
        %add3A_1054 = arith.addf %add3A_1052, %mul3A_1053 : vector<16xf32>
        %le3A_1055 = arith.constant 4.000000e-02 : f32
        %le3A_1056 = vector.broadcast %le3A_1055 : f32 to vector<16xf32>
        %le3A_1057 = arith.cmpf ole, %add3A_1054, %le3A_1056 : vector<16xf32>
        %convert_element_type3A_1058 = arith.extui %le3A_1057 : vector<16xi1> to vector<16xi32>
        %broadcast_in_dim3A_1059 = arith.constant true
        %broadcast_in_dim3A_1060 = vector.broadcast %broadcast_in_dim3A_1059 : i1 to vector<16xi1>
        %masked_cumsum3A_1061 = tpu.scan <sum>, %convert_element_type3A_1058 masked %broadcast_in_dim3A_1060 : vector<16xi32>, vector<16xi1> -> vector<16xi32>
        %add3A_1062 = vector.broadcast %add3A_1036 : i32 to vector<16xi32>
        %add3A_1063 = arith.addi %add3A_1062, %masked_cumsum3A_1061 : vector<16xi32>
        %sub3A_1064 = arith.constant 1 : i32
        %sub3A_1065 = vector.broadcast %sub3A_1064 : i32 to vector<16xi32>
        %sub3A_1066 = arith.subi %add3A_1063, %sub3A_1065 : vector<16xi32>
        %min3A_1067 = arith.constant 48 : i32
        %min3A_1068 = vector.broadcast %min3A_1067 : i32 to vector<16xi32>
        %min3A_1069 = arith.minsi %sub3A_1066, %min3A_1068 : vector<16xi32>
        %jit3A_1070 = arith.constant 56 : i32
        %broadcast_in_dim3A_1071 = vector.broadcast %jit3A_1070 : i32 to vector<16xi32>
        %select_n3A_1072 = arith.select %le3A_1057, %min3A_1069, %broadcast_in_dim3A_1071 : vector<16xi1>, vector<16xi32>
        %add3A_1073 = vector.broadcast %add3A_1040 : i32 to vector<16xi32>
        %add3A_1074 = arith.addi %iota3A, %add3A_1073 : vector<16xi32>
        tpu.vector_store_idx %arg16[%select_n3A_1072], %add3A_1074 : memref<64xi32, #tpu.memory_space<vmem>>[vector<16xi32>], vector<16xi32>,
        %slice3A_1075 = vector.extract_strided_slice %masked_cumsum3A_1061 {offsets = [15], sizes = [1], strides = [1]} : vector<16xi32> to vector<1xi32>
        %squeeze3A_1076 = vector.extract %slice3A_1075[0] : i32 from vector<1xi32>
        %add3A_1077 = arith.addi %add3A_1036, %squeeze3A_1076 : i32
        %add3A_1078 = arith.constant 1 : i32
        %add3A_1079 = arith.addi %while3A_1002, %add3A_1078 : i32
        scf.yield %add3A_1079, %add3A_1077 : i32, i32
      }
      %get3A_448 = arith.constant 0 : index
      %get3A_449 = tpu.vector_load %arg16[%get3A_448] {strides = array<i32>} : memref<64xi32, #tpu.memory_space<vmem>>, vector<16xi32>,
      %get3A_450 = arith.constant 16 : index
      %get3A_451 = tpu.vector_load %arg16[%get3A_450] {strides = array<i32>} : memref<64xi32, #tpu.memory_space<vmem>>, vector<16xi32>,
      %broadcast_in_dim3A_452 = vector.shape_cast %broadcast_in_dim3A_21 : vector<16xi32> to vector<16x1xi32>
      %gather3A_453 = vector.shape_cast %broadcast_in_dim3A_452 : vector<16x1xi32> to vector<16xi32>
      %gather3A_454 = tpu.dynamic_gather %get3A_449[%gather3A_453] in [0] : vector<16xi32>, vector<16xi32> -> vector<16xi32>
      %lt3A_455 = vector.broadcast %while3A_447#1 : i32 to vector<16xi32>
      %lt3A_456 = arith.cmpi slt, %iota3A, %lt3A_455 : vector<16xi32>
      %select_n3A_457 = arith.select %lt3A_456, %get3A_449, %gather3A_454 : vector<16xi1>, vector<16xi32>
      %add3A_458 = vector.broadcast %mul3A_20 : i32 to vector<16xi32>
      %add3A_459 = arith.addi %select_n3A_457, %add3A_458 : vector<16xi32>
      %add3A_460 = arith.constant 16 : i32
      %add3A_461 = vector.broadcast %add3A_460 : i32 to vector<16xi32>
      %add3A_462 = arith.addi %iota3A, %add3A_461 : vector<16xi32>
      %lt3A_463 = vector.broadcast %while3A_447#1 : i32 to vector<16xi32>
      %lt3A_464 = arith.cmpi slt, %add3A_462, %lt3A_463 : vector<16xi32>
      %select_n3A_465 = arith.select %lt3A_464, %get3A_451, %gather3A_454 : vector<16xi1>, vector<16xi32>
      %add3A_466 = vector.broadcast %mul3A_20 : i32 to vector<16xi32>
      %add3A_467 = arith.addi %select_n3A_465, %add3A_466 : vector<16xi32>
      %swap3A_468 = arith.constant 1 : i32
      %swap3A_469 = arith.constant 0 : i32
      %swap3A_470 = tpu.memref_slice %arg17[%swap3A_468, %swap3A_469] : memref<4x128xi32, #tpu.memory_space<vmem>> -> memref<1x128xi32, #tpu.memory_space<vmem>>
      %swap3A_471 = tpu.memref_squeeze %swap3A_470 : memref<1x128xi32, #tpu.memory_space<vmem>> -> memref<128xi32, #tpu.memory_space<vmem>>
      %swap3A_472 = arith.constant 96 : index
      %swap3A_473 = tpu.vector_load %swap3A_471[%swap3A_472] {strides = array<i32>} : memref<128xi32, #tpu.memory_space<vmem>>, vector<16xi32>,
      tpu.vector_store %swap3A_471[%swap3A_472], %add3A_459 {strides = array<i32>} : memref<128xi32, #tpu.memory_space<vmem>>, vector<16xi32>,
      %swap3A_474 = arith.constant 1 : i32
      %swap3A_475 = arith.constant 0 : i32
      %swap3A_476 = tpu.memref_slice %arg17[%swap3A_474, %swap3A_475] : memref<4x128xi32, #tpu.memory_space<vmem>> -> memref<1x128xi32, #tpu.memory_space<vmem>>
      %swap3A_477 = tpu.memref_squeeze %swap3A_476 : memref<1x128xi32, #tpu.memory_space<vmem>> -> memref<128xi32, #tpu.memory_space<vmem>>
      %swap3A_478 = arith.constant 112 : index
      %swap3A_479 = tpu.vector_load %swap3A_477[%swap3A_478] {strides = array<i32>} : memref<128xi32, #tpu.memory_space<vmem>>, vector<16xi32>,
      tpu.vector_store %swap3A_477[%swap3A_478], %add3A_467 {strides = array<i32>} : memref<128xi32, #tpu.memory_space<vmem>>, vector<16xi32>,
      %dma_start3A_480 = arith.constant 1 : i32
      %dma_start3A_481 = arith.constant 128 : i32
      %dma_start3A_482 = arith.constant 0 : i32
      %dma_start3A_483 = tpu.memref_slice %arg18[%dma_start3A_481, %dma_start3A_482] : memref<512x64xf32, #tpu.memory_space<vmem>> -> memref<128x64xf32, #tpu.memory_space<vmem>>
      %dma_start3A_484 = arith.constant 0 : i32
      %dma_start3A_485 = tpu.memref_slice %arg17[%dma_start3A_480, %dma_start3A_484] : memref<4x128xi32, #tpu.memory_space<vmem>> -> memref<1x128xi32, #tpu.memory_space<vmem>>
      %dma_start3A_486 = tpu.memref_squeeze %dma_start3A_485 : memref<1x128xi32, #tpu.memory_space<vmem>> -> memref<128xi32, #tpu.memory_space<vmem>>
      %dma_start3A_487 = arith.constant 0 : i32
      %dma_start3A_488 = arith.constant 0 : i32
      %dma_start3A_489 = tpu.memref_slice %arg8[%dma_start3A_487, %dma_start3A_488] : memref<32768x64xf32, #tpu.memory_space<hbm>> -> memref<32768x64xf32, #tpu.memory_space<hbm>>
      tpu.enqueue_indirect_dma source(%dma_start3A_489 : memref<32768x64xf32, #tpu.memory_space<hbm>>) target(%dma_start3A_483 : memref<128x64xf32, #tpu.memory_space<vmem>>) offsets(%dma_start3A_486 : memref<128xi32, #tpu.memory_space<vmem>>) semaphore(%arg20 : memref<!tpu.dma_semaphore, #tpu.memory_space<semaphore_mem>>)
      %mul3A_490 = arith.constant 16 : i32
      %mul3A_491 = arith.muli %scan3A_27, %mul3A_490 : i32
      %add3A_492 = arith.constant 8 : i32
      %add3A_493 = arith.addi %mul3A_491, %add3A_492 : i32
      %add3A_494 = arith.constant 0 : i32
      %add3A_495 = arith.addi %add3A_493, %add3A_494 : i32
      %get3A_496 = arith.index_cast %add3A_495 : i32 to index
      %get3A_497 = tpu.vector_load %arg13[%get3A_496] {strides = array<i32>} : memref<272xf32, #tpu.memory_space<vmem>>, vector<16xf32>,
      %broadcast_in_dim3A_498 = vector.shape_cast %broadcast_in_dim3A_21 : vector<16xi32> to vector<16x1xi32>
      %gather3A_499 = vector.shape_cast %broadcast_in_dim3A_498 : vector<16x1xi32> to vector<16xi32>
      %gather3A_500 = tpu.dynamic_gather %get3A_497[%gather3A_499] in [0] : vector<16xf32>, vector<16xi32> -> vector<16xf32>
      %get3A_501 = arith.index_cast %add3A_495 : i32 to index
      %get3A_502 = tpu.vector_load %arg14[%get3A_501] {strides = array<i32>} : memref<272xf32, #tpu.memory_space<vmem>>, vector<16xf32>,
      %broadcast_in_dim3A_503 = vector.shape_cast %broadcast_in_dim3A_21 : vector<16xi32> to vector<16x1xi32>
      %gather3A_504 = vector.shape_cast %broadcast_in_dim3A_503 : vector<16x1xi32> to vector<16xi32>
      %gather3A_505 = tpu.dynamic_gather %get3A_502[%gather3A_504] in [0] : vector<16xf32>, vector<16xi32> -> vector<16xf32>
      %get3A_506 = arith.index_cast %add3A_495 : i32 to index
      %get3A_507 = tpu.vector_load %arg15[%get3A_506] {strides = array<i32>} : memref<272xf32, #tpu.memory_space<vmem>>, vector<16xf32>,
      %broadcast_in_dim3A_508 = vector.shape_cast %broadcast_in_dim3A_21 : vector<16xi32> to vector<16x1xi32>
      %gather3A_509 = vector.shape_cast %broadcast_in_dim3A_508 : vector<16x1xi32> to vector<16xi32>
      %gather3A_510 = tpu.dynamic_gather %get3A_507[%gather3A_509] in [0] : vector<16xf32>, vector<16xi32> -> vector<16xf32>
      %while3A_511 = arith.constant 0 : i32
      %while3A_512 = arith.constant 0 : i32
      %while3A_513:2 = scf.while (%while3A_1002 = %while3A_511, %while3A_1003 = %while3A_512) : (i32, i32) -> (i32, i32) {
        %lt3A_1004 = arith.constant 128 : i32
        %lt3A_1005 = arith.cmpi slt, %while3A_1002, %lt3A_1004 : i32
        %lt3A_1006 = arith.constant 32 : i32
        %lt3A_1007 = arith.cmpi slt, %while3A_1003, %lt3A_1006 : i32
        %and3A_1008 = arith.andi %lt3A_1005, %lt3A_1007 : i1
        scf.condition(%and3A_1008) %while3A_1002, %while3A_1003 : i32, i32
      } do {
      ^bb0(%while3A_1002: i32, %while3A_1003: i32):
        %mul3A_1004 = arith.constant 32 : i32
        %mul3A_1005 = arith.muli %while3A_1002, %mul3A_1004 : i32
        %get3A_1006 = arith.index_cast %mul3A_1005 : i32 to index
        %get3A_1007 = tpu.vector_load %arg10[%get3A_1006] {strides = array<i32>} : memref<4096xf32, #tpu.memory_space<vmem>>, vector<16xf32>,
        %get3A_1008 = arith.index_cast %mul3A_1005 : i32 to index
        %get3A_1009 = tpu.vector_load %arg11[%get3A_1008] {strides = array<i32>} : memref<4096xf32, #tpu.memory_space<vmem>>, vector<16xf32>,
        %get3A_1010 = arith.index_cast %mul3A_1005 : i32 to index
        %get3A_1011 = tpu.vector_load %arg12[%get3A_1010] {strides = array<i32>} : memref<4096xf32, #tpu.memory_space<vmem>>, vector<16xf32>,
        %sub3A_1012 = arith.subf %get3A_1007, %gather3A_500 : vector<16xf32>
        %sub3A_1013 = arith.subf %get3A_1009, %gather3A_505 : vector<16xf32>
        %sub3A_1014 = arith.subf %get3A_1011, %gather3A_510 : vector<16xf32>
        %mul3A_1015 = arith.mulf %sub3A_1012, %sub3A_1012 : vector<16xf32>
        %mul3A_1016 = arith.mulf %sub3A_1013, %sub3A_1013 : vector<16xf32>
        %add3A_1017 = arith.addf %mul3A_1015, %mul3A_1016 : vector<16xf32>
        %mul3A_1018 = arith.mulf %sub3A_1014, %sub3A_1014 : vector<16xf32>
        %add3A_1019 = arith.addf %add3A_1017, %mul3A_1018 : vector<16xf32>
        %le3A = arith.constant 4.000000e-02 : f32
        %le3A_1020 = vector.broadcast %le3A : f32 to vector<16xf32>
        %le3A_1021 = arith.cmpf ole, %add3A_1019, %le3A_1020 : vector<16xf32>
        %convert_element_type3A = arith.extui %le3A_1021 : vector<16xi1> to vector<16xi32>
        %broadcast_in_dim3A_1022 = arith.constant true
        %broadcast_in_dim3A_1023 = vector.broadcast %broadcast_in_dim3A_1022 : i1 to vector<16xi1>
        %masked_cumsum3A = tpu.scan <sum>, %convert_element_type3A masked %broadcast_in_dim3A_1023 : vector<16xi32>, vector<16xi1> -> vector<16xi32>
        %add3A_1024 = vector.broadcast %while3A_1003 : i32 to vector<16xi32>
        %add3A_1025 = arith.addi %add3A_1024, %masked_cumsum3A : vector<16xi32>
        %sub3A_1026 = arith.constant 1 : i32
        %sub3A_1027 = vector.broadcast %sub3A_1026 : i32 to vector<16xi32>
        %sub3A_1028 = arith.subi %add3A_1025, %sub3A_1027 : vector<16xi32>
        %min3A = arith.constant 48 : i32
        %min3A_1029 = vector.broadcast %min3A : i32 to vector<16xi32>
        %min3A_1030 = arith.minsi %sub3A_1028, %min3A_1029 : vector<16xi32>
        %jit3A_1031 = arith.constant 56 : i32
        %broadcast_in_dim3A_1032 = vector.broadcast %jit3A_1031 : i32 to vector<16xi32>
        %select_n3A_1033 = arith.select %le3A_1021, %min3A_1030, %broadcast_in_dim3A_1032 : vector<16xi1>, vector<16xi32>
        %add3A_1034 = vector.broadcast %mul3A_1005 : i32 to vector<16xi32>
        %add3A_1035 = arith.addi %iota3A, %add3A_1034 : vector<16xi32>
        tpu.vector_store_idx %arg16[%select_n3A_1033], %add3A_1035 : memref<64xi32, #tpu.memory_space<vmem>>[vector<16xi32>], vector<16xi32>,
        %slice3A = vector.extract_strided_slice %masked_cumsum3A {offsets = [15], sizes = [1], strides = [1]} : vector<16xi32> to vector<1xi32>
        %squeeze3A = vector.extract %slice3A[0] : i32 from vector<1xi32>
        %add3A_1036 = arith.addi %while3A_1003, %squeeze3A : i32
        %mul3A_1037 = arith.constant 32 : i32
        %mul3A_1038 = arith.muli %while3A_1002, %mul3A_1037 : i32
        %add3A_1039 = arith.constant 16 : i32
        %add3A_1040 = arith.addi %mul3A_1038, %add3A_1039 : i32
        %get3A_1041 = arith.index_cast %add3A_1040 : i32 to index
        %get3A_1042 = tpu.vector_load %arg10[%get3A_1041] {strides = array<i32>} : memref<4096xf32, #tpu.memory_space<vmem>>, vector<16xf32>,
        %get3A_1043 = arith.index_cast %add3A_1040 : i32 to index
        %get3A_1044 = tpu.vector_load %arg11[%get3A_1043] {strides = array<i32>} : memref<4096xf32, #tpu.memory_space<vmem>>, vector<16xf32>,
        %get3A_1045 = arith.index_cast %add3A_1040 : i32 to index
        %get3A_1046 = tpu.vector_load %arg12[%get3A_1045] {strides = array<i32>} : memref<4096xf32, #tpu.memory_space<vmem>>, vector<16xf32>,
        %sub3A_1047 = arith.subf %get3A_1042, %gather3A_500 : vector<16xf32>
        %sub3A_1048 = arith.subf %get3A_1044, %gather3A_505 : vector<16xf32>
        %sub3A_1049 = arith.subf %get3A_1046, %gather3A_510 : vector<16xf32>
        %mul3A_1050 = arith.mulf %sub3A_1047, %sub3A_1047 : vector<16xf32>
        %mul3A_1051 = arith.mulf %sub3A_1048, %sub3A_1048 : vector<16xf32>
        %add3A_1052 = arith.addf %mul3A_1050, %mul3A_1051 : vector<16xf32>
        %mul3A_1053 = arith.mulf %sub3A_1049, %sub3A_1049 : vector<16xf32>
        %add3A_1054 = arith.addf %add3A_1052, %mul3A_1053 : vector<16xf32>
        %le3A_1055 = arith.constant 4.000000e-02 : f32
        %le3A_1056 = vector.broadcast %le3A_1055 : f32 to vector<16xf32>
        %le3A_1057 = arith.cmpf ole, %add3A_1054, %le3A_1056 : vector<16xf32>
        %convert_element_type3A_1058 = arith.extui %le3A_1057 : vector<16xi1> to vector<16xi32>
        %broadcast_in_dim3A_1059 = arith.constant true
        %broadcast_in_dim3A_1060 = vector.broadcast %broadcast_in_dim3A_1059 : i1 to vector<16xi1>
        %masked_cumsum3A_1061 = tpu.scan <sum>, %convert_element_type3A_1058 masked %broadcast_in_dim3A_1060 : vector<16xi32>, vector<16xi1> -> vector<16xi32>
        %add3A_1062 = vector.broadcast %add3A_1036 : i32 to vector<16xi32>
        %add3A_1063 = arith.addi %add3A_1062, %masked_cumsum3A_1061 : vector<16xi32>
        %sub3A_1064 = arith.constant 1 : i32
        %sub3A_1065 = vector.broadcast %sub3A_1064 : i32 to vector<16xi32>
        %sub3A_1066 = arith.subi %add3A_1063, %sub3A_1065 : vector<16xi32>
        %min3A_1067 = arith.constant 48 : i32
        %min3A_1068 = vector.broadcast %min3A_1067 : i32 to vector<16xi32>
        %min3A_1069 = arith.minsi %sub3A_1066, %min3A_1068 : vector<16xi32>
        %jit3A_1070 = arith.constant 56 : i32
        %broadcast_in_dim3A_1071 = vector.broadcast %jit3A_1070 : i32 to vector<16xi32>
        %select_n3A_1072 = arith.select %le3A_1057, %min3A_1069, %broadcast_in_dim3A_1071 : vector<16xi1>, vector<16xi32>
        %add3A_1073 = vector.broadcast %add3A_1040 : i32 to vector<16xi32>
        %add3A_1074 = arith.addi %iota3A, %add3A_1073 : vector<16xi32>
        tpu.vector_store_idx %arg16[%select_n3A_1072], %add3A_1074 : memref<64xi32, #tpu.memory_space<vmem>>[vector<16xi32>], vector<16xi32>,
        %slice3A_1075 = vector.extract_strided_slice %masked_cumsum3A_1061 {offsets = [15], sizes = [1], strides = [1]} : vector<16xi32> to vector<1xi32>
        %squeeze3A_1076 = vector.extract %slice3A_1075[0] : i32 from vector<1xi32>
        %add3A_1077 = arith.addi %add3A_1036, %squeeze3A_1076 : i32
        %add3A_1078 = arith.constant 1 : i32
        %add3A_1079 = arith.addi %while3A_1002, %add3A_1078 : i32
        scf.yield %add3A_1079, %add3A_1077 : i32, i32
      }
      %get3A_514 = arith.constant 0 : index
      %get3A_515 = tpu.vector_load %arg16[%get3A_514] {strides = array<i32>} : memref<64xi32, #tpu.memory_space<vmem>>, vector<16xi32>,
      %get3A_516 = arith.constant 16 : index
      %get3A_517 = tpu.vector_load %arg16[%get3A_516] {strides = array<i32>} : memref<64xi32, #tpu.memory_space<vmem>>, vector<16xi32>,
      %broadcast_in_dim3A_518 = vector.shape_cast %broadcast_in_dim3A_21 : vector<16xi32> to vector<16x1xi32>
      %gather3A_519 = vector.shape_cast %broadcast_in_dim3A_518 : vector<16x1xi32> to vector<16xi32>
      %gather3A_520 = tpu.dynamic_gather %get3A_515[%gather3A_519] in [0] : vector<16xi32>, vector<16xi32> -> vector<16xi32>
      %lt3A_521 = vector.broadcast %while3A_513#1 : i32 to vector<16xi32>
      %lt3A_522 = arith.cmpi slt, %iota3A, %lt3A_521 : vector<16xi32>
      %select_n3A_523 = arith.select %lt3A_522, %get3A_515, %gather3A_520 : vector<16xi1>, vector<16xi32>
      %add3A_524 = vector.broadcast %mul3A_20 : i32 to vector<16xi32>
      %add3A_525 = arith.addi %select_n3A_523, %add3A_524 : vector<16xi32>
      %add3A_526 = arith.constant 16 : i32
      %add3A_527 = vector.broadcast %add3A_526 : i32 to vector<16xi32>
      %add3A_528 = arith.addi %iota3A, %add3A_527 : vector<16xi32>
      %lt3A_529 = vector.broadcast %while3A_513#1 : i32 to vector<16xi32>
      %lt3A_530 = arith.cmpi slt, %add3A_528, %lt3A_529 : vector<16xi32>
      %select_n3A_531 = arith.select %lt3A_530, %get3A_517, %gather3A_520 : vector<16xi1>, vector<16xi32>
      %add3A_532 = vector.broadcast %mul3A_20 : i32 to vector<16xi32>
      %add3A_533 = arith.addi %select_n3A_531, %add3A_532 : vector<16xi32>
      %swap3A_534 = arith.constant 2 : i32
      %swap3A_535 = arith.constant 0 : i32
      %swap3A_536 = tpu.memref_slice %arg17[%swap3A_534, %swap3A_535] : memref<4x128xi32, #tpu.memory_space<vmem>> -> memref<1x128xi32, #tpu.memory_space<vmem>>
      %swap3A_537 = tpu.memref_squeeze %swap3A_536 : memref<1x128xi32, #tpu.memory_space<vmem>> -> memref<128xi32, #tpu.memory_space<vmem>>
      %swap3A_538 = arith.constant 0 : index
      %swap3A_539 = tpu.vector_load %swap3A_537[%swap3A_538] {strides = array<i32>} : memref<128xi32, #tpu.memory_space<vmem>>, vector<16xi32>,
      tpu.vector_store %swap3A_537[%swap3A_538], %add3A_525 {strides = array<i32>} : memref<128xi32, #tpu.memory_space<vmem>>, vector<16xi32>,
      %swap3A_540 = arith.constant 2 : i32
      %swap3A_541 = arith.constant 0 : i32
      %swap3A_542 = tpu.memref_slice %arg17[%swap3A_540, %swap3A_541] : memref<4x128xi32, #tpu.memory_space<vmem>> -> memref<1x128xi32, #tpu.memory_space<vmem>>
      %swap3A_543 = tpu.memref_squeeze %swap3A_542 : memref<1x128xi32, #tpu.memory_space<vmem>> -> memref<128xi32, #tpu.memory_space<vmem>>
      %swap3A_544 = arith.constant 16 : index
      %swap3A_545 = tpu.vector_load %swap3A_543[%swap3A_544] {strides = array<i32>} : memref<128xi32, #tpu.memory_space<vmem>>, vector<16xi32>,
      tpu.vector_store %swap3A_543[%swap3A_544], %add3A_533 {strides = array<i32>} : memref<128xi32, #tpu.memory_space<vmem>>, vector<16xi32>,
      %mul3A_546 = arith.constant 16 : i32
      %mul3A_547 = arith.muli %scan3A_27, %mul3A_546 : i32
      %add3A_548 = arith.constant 8 : i32
      %add3A_549 = arith.addi %mul3A_547, %add3A_548 : i32
      %add3A_550 = arith.constant 1 : i32
      %add3A_551 = arith.addi %add3A_549, %add3A_550 : i32
      %get3A_552 = arith.index_cast %add3A_551 : i32 to index
      %get3A_553 = tpu.vector_load %arg13[%get3A_552] {strides = array<i32>} : memref<272xf32, #tpu.memory_space<vmem>>, vector<16xf32>,
      %broadcast_in_dim3A_554 = vector.shape_cast %broadcast_in_dim3A_21 : vector<16xi32> to vector<16x1xi32>
      %gather3A_555 = vector.shape_cast %broadcast_in_dim3A_554 : vector<16x1xi32> to vector<16xi32>
      %gather3A_556 = tpu.dynamic_gather %get3A_553[%gather3A_555] in [0] : vector<16xf32>, vector<16xi32> -> vector<16xf32>
      %get3A_557 = arith.index_cast %add3A_551 : i32 to index
      %get3A_558 = tpu.vector_load %arg14[%get3A_557] {strides = array<i32>} : memref<272xf32, #tpu.memory_space<vmem>>, vector<16xf32>,
      %broadcast_in_dim3A_559 = vector.shape_cast %broadcast_in_dim3A_21 : vector<16xi32> to vector<16x1xi32>
      %gather3A_560 = vector.shape_cast %broadcast_in_dim3A_559 : vector<16x1xi32> to vector<16xi32>
      %gather3A_561 = tpu.dynamic_gather %get3A_558[%gather3A_560] in [0] : vector<16xf32>, vector<16xi32> -> vector<16xf32>
      %get3A_562 = arith.index_cast %add3A_551 : i32 to index
      %get3A_563 = tpu.vector_load %arg15[%get3A_562] {strides = array<i32>} : memref<272xf32, #tpu.memory_space<vmem>>, vector<16xf32>,
      %broadcast_in_dim3A_564 = vector.shape_cast %broadcast_in_dim3A_21 : vector<16xi32> to vector<16x1xi32>
      %gather3A_565 = vector.shape_cast %broadcast_in_dim3A_564 : vector<16x1xi32> to vector<16xi32>
      %gather3A_566 = tpu.dynamic_gather %get3A_563[%gather3A_565] in [0] : vector<16xf32>, vector<16xi32> -> vector<16xf32>
      %while3A_567 = arith.constant 0 : i32
      %while3A_568 = arith.constant 0 : i32
      %while3A_569:2 = scf.while (%while3A_1002 = %while3A_567, %while3A_1003 = %while3A_568) : (i32, i32) -> (i32, i32) {
        %lt3A_1004 = arith.constant 128 : i32
        %lt3A_1005 = arith.cmpi slt, %while3A_1002, %lt3A_1004 : i32
        %lt3A_1006 = arith.constant 32 : i32
        %lt3A_1007 = arith.cmpi slt, %while3A_1003, %lt3A_1006 : i32
        %and3A_1008 = arith.andi %lt3A_1005, %lt3A_1007 : i1
        scf.condition(%and3A_1008) %while3A_1002, %while3A_1003 : i32, i32
      } do {
      ^bb0(%while3A_1002: i32, %while3A_1003: i32):
        %mul3A_1004 = arith.constant 32 : i32
        %mul3A_1005 = arith.muli %while3A_1002, %mul3A_1004 : i32
        %get3A_1006 = arith.index_cast %mul3A_1005 : i32 to index
        %get3A_1007 = tpu.vector_load %arg10[%get3A_1006] {strides = array<i32>} : memref<4096xf32, #tpu.memory_space<vmem>>, vector<16xf32>,
        %get3A_1008 = arith.index_cast %mul3A_1005 : i32 to index
        %get3A_1009 = tpu.vector_load %arg11[%get3A_1008] {strides = array<i32>} : memref<4096xf32, #tpu.memory_space<vmem>>, vector<16xf32>,
        %get3A_1010 = arith.index_cast %mul3A_1005 : i32 to index
        %get3A_1011 = tpu.vector_load %arg12[%get3A_1010] {strides = array<i32>} : memref<4096xf32, #tpu.memory_space<vmem>>, vector<16xf32>,
        %sub3A_1012 = arith.subf %get3A_1007, %gather3A_556 : vector<16xf32>
        %sub3A_1013 = arith.subf %get3A_1009, %gather3A_561 : vector<16xf32>
        %sub3A_1014 = arith.subf %get3A_1011, %gather3A_566 : vector<16xf32>
        %mul3A_1015 = arith.mulf %sub3A_1012, %sub3A_1012 : vector<16xf32>
        %mul3A_1016 = arith.mulf %sub3A_1013, %sub3A_1013 : vector<16xf32>
        %add3A_1017 = arith.addf %mul3A_1015, %mul3A_1016 : vector<16xf32>
        %mul3A_1018 = arith.mulf %sub3A_1014, %sub3A_1014 : vector<16xf32>
        %add3A_1019 = arith.addf %add3A_1017, %mul3A_1018 : vector<16xf32>
        %le3A = arith.constant 4.000000e-02 : f32
        %le3A_1020 = vector.broadcast %le3A : f32 to vector<16xf32>
        %le3A_1021 = arith.cmpf ole, %add3A_1019, %le3A_1020 : vector<16xf32>
        %convert_element_type3A = arith.extui %le3A_1021 : vector<16xi1> to vector<16xi32>
        %broadcast_in_dim3A_1022 = arith.constant true
        %broadcast_in_dim3A_1023 = vector.broadcast %broadcast_in_dim3A_1022 : i1 to vector<16xi1>
        %masked_cumsum3A = tpu.scan <sum>, %convert_element_type3A masked %broadcast_in_dim3A_1023 : vector<16xi32>, vector<16xi1> -> vector<16xi32>
        %add3A_1024 = vector.broadcast %while3A_1003 : i32 to vector<16xi32>
        %add3A_1025 = arith.addi %add3A_1024, %masked_cumsum3A : vector<16xi32>
        %sub3A_1026 = arith.constant 1 : i32
        %sub3A_1027 = vector.broadcast %sub3A_1026 : i32 to vector<16xi32>
        %sub3A_1028 = arith.subi %add3A_1025, %sub3A_1027 : vector<16xi32>
        %min3A = arith.constant 48 : i32
        %min3A_1029 = vector.broadcast %min3A : i32 to vector<16xi32>
        %min3A_1030 = arith.minsi %sub3A_1028, %min3A_1029 : vector<16xi32>
        %jit3A_1031 = arith.constant 56 : i32
        %broadcast_in_dim3A_1032 = vector.broadcast %jit3A_1031 : i32 to vector<16xi32>
        %select_n3A_1033 = arith.select %le3A_1021, %min3A_1030, %broadcast_in_dim3A_1032 : vector<16xi1>, vector<16xi32>
        %add3A_1034 = vector.broadcast %mul3A_1005 : i32 to vector<16xi32>
        %add3A_1035 = arith.addi %iota3A, %add3A_1034 : vector<16xi32>
        tpu.vector_store_idx %arg16[%select_n3A_1033], %add3A_1035 : memref<64xi32, #tpu.memory_space<vmem>>[vector<16xi32>], vector<16xi32>,
        %slice3A = vector.extract_strided_slice %masked_cumsum3A {offsets = [15], sizes = [1], strides = [1]} : vector<16xi32> to vector<1xi32>
        %squeeze3A = vector.extract %slice3A[0] : i32 from vector<1xi32>
        %add3A_1036 = arith.addi %while3A_1003, %squeeze3A : i32
        %mul3A_1037 = arith.constant 32 : i32
        %mul3A_1038 = arith.muli %while3A_1002, %mul3A_1037 : i32
        %add3A_1039 = arith.constant 16 : i32
        %add3A_1040 = arith.addi %mul3A_1038, %add3A_1039 : i32
        %get3A_1041 = arith.index_cast %add3A_1040 : i32 to index
        %get3A_1042 = tpu.vector_load %arg10[%get3A_1041] {strides = array<i32>} : memref<4096xf32, #tpu.memory_space<vmem>>, vector<16xf32>,
        %get3A_1043 = arith.index_cast %add3A_1040 : i32 to index
        %get3A_1044 = tpu.vector_load %arg11[%get3A_1043] {strides = array<i32>} : memref<4096xf32, #tpu.memory_space<vmem>>, vector<16xf32>,
        %get3A_1045 = arith.index_cast %add3A_1040 : i32 to index
        %get3A_1046 = tpu.vector_load %arg12[%get3A_1045] {strides = array<i32>} : memref<4096xf32, #tpu.memory_space<vmem>>, vector<16xf32>,
        %sub3A_1047 = arith.subf %get3A_1042, %gather3A_556 : vector<16xf32>
        %sub3A_1048 = arith.subf %get3A_1044, %gather3A_561 : vector<16xf32>
        %sub3A_1049 = arith.subf %get3A_1046, %gather3A_566 : vector<16xf32>
        %mul3A_1050 = arith.mulf %sub3A_1047, %sub3A_1047 : vector<16xf32>
        %mul3A_1051 = arith.mulf %sub3A_1048, %sub3A_1048 : vector<16xf32>
        %add3A_1052 = arith.addf %mul3A_1050, %mul3A_1051 : vector<16xf32>
        %mul3A_1053 = arith.mulf %sub3A_1049, %sub3A_1049 : vector<16xf32>
        %add3A_1054 = arith.addf %add3A_1052, %mul3A_1053 : vector<16xf32>
        %le3A_1055 = arith.constant 4.000000e-02 : f32
        %le3A_1056 = vector.broadcast %le3A_1055 : f32 to vector<16xf32>
        %le3A_1057 = arith.cmpf ole, %add3A_1054, %le3A_1056 : vector<16xf32>
        %convert_element_type3A_1058 = arith.extui %le3A_1057 : vector<16xi1> to vector<16xi32>
        %broadcast_in_dim3A_1059 = arith.constant true
        %broadcast_in_dim3A_1060 = vector.broadcast %broadcast_in_dim3A_1059 : i1 to vector<16xi1>
        %masked_cumsum3A_1061 = tpu.scan <sum>, %convert_element_type3A_1058 masked %broadcast_in_dim3A_1060 : vector<16xi32>, vector<16xi1> -> vector<16xi32>
        %add3A_1062 = vector.broadcast %add3A_1036 : i32 to vector<16xi32>
        %add3A_1063 = arith.addi %add3A_1062, %masked_cumsum3A_1061 : vector<16xi32>
        %sub3A_1064 = arith.constant 1 : i32
        %sub3A_1065 = vector.broadcast %sub3A_1064 : i32 to vector<16xi32>
        %sub3A_1066 = arith.subi %add3A_1063, %sub3A_1065 : vector<16xi32>
        %min3A_1067 = arith.constant 48 : i32
        %min3A_1068 = vector.broadcast %min3A_1067 : i32 to vector<16xi32>
        %min3A_1069 = arith.minsi %sub3A_1066, %min3A_1068 : vector<16xi32>
        %jit3A_1070 = arith.constant 56 : i32
        %broadcast_in_dim3A_1071 = vector.broadcast %jit3A_1070 : i32 to vector<16xi32>
        %select_n3A_1072 = arith.select %le3A_1057, %min3A_1069, %broadcast_in_dim3A_1071 : vector<16xi1>, vector<16xi32>
        %add3A_1073 = vector.broadcast %add3A_1040 : i32 to vector<16xi32>
        %add3A_1074 = arith.addi %iota3A, %add3A_1073 : vector<16xi32>
        tpu.vector_store_idx %arg16[%select_n3A_1072], %add3A_1074 : memref<64xi32, #tpu.memory_space<vmem>>[vector<16xi32>], vector<16xi32>,
        %slice3A_1075 = vector.extract_strided_slice %masked_cumsum3A_1061 {offsets = [15], sizes = [1], strides = [1]} : vector<16xi32> to vector<1xi32>
        %squeeze3A_1076 = vector.extract %slice3A_1075[0] : i32 from vector<1xi32>
        %add3A_1077 = arith.addi %add3A_1036, %squeeze3A_1076 : i32
        %add3A_1078 = arith.constant 1 : i32
        %add3A_1079 = arith.addi %while3A_1002, %add3A_1078 : i32
        scf.yield %add3A_1079, %add3A_1077 : i32, i32
      }
      %get3A_570 = arith.constant 0 : index
      %get3A_571 = tpu.vector_load %arg16[%get3A_570] {strides = array<i32>} : memref<64xi32, #tpu.memory_space<vmem>>, vector<16xi32>,
      %get3A_572 = arith.constant 16 : index
      %get3A_573 = tpu.vector_load %arg16[%get3A_572] {strides = array<i32>} : memref<64xi32, #tpu.memory_space<vmem>>, vector<16xi32>,
      %broadcast_in_dim3A_574 = vector.shape_cast %broadcast_in_dim3A_21 : vector<16xi32> to vector<16x1xi32>
      %gather3A_575 = vector.shape_cast %broadcast_in_dim3A_574 : vector<16x1xi32> to vector<16xi32>
      %gather3A_576 = tpu.dynamic_gather %get3A_571[%gather3A_575] in [0] : vector<16xi32>, vector<16xi32> -> vector<16xi32>
      %lt3A_577 = vector.broadcast %while3A_569#1 : i32 to vector<16xi32>
      %lt3A_578 = arith.cmpi slt, %iota3A, %lt3A_577 : vector<16xi32>
      %select_n3A_579 = arith.select %lt3A_578, %get3A_571, %gather3A_576 : vector<16xi1>, vector<16xi32>
      %add3A_580 = vector.broadcast %mul3A_20 : i32 to vector<16xi32>
      %add3A_581 = arith.addi %select_n3A_579, %add3A_580 : vector<16xi32>
      %add3A_582 = arith.constant 16 : i32
      %add3A_583 = vector.broadcast %add3A_582 : i32 to vector<16xi32>
      %add3A_584 = arith.addi %iota3A, %add3A_583 : vector<16xi32>
      %lt3A_585 = vector.broadcast %while3A_569#1 : i32 to vector<16xi32>
      %lt3A_586 = arith.cmpi slt, %add3A_584, %lt3A_585 : vector<16xi32>
      %select_n3A_587 = arith.select %lt3A_586, %get3A_573, %gather3A_576 : vector<16xi1>, vector<16xi32>
      %add3A_588 = vector.broadcast %mul3A_20 : i32 to vector<16xi32>
      %add3A_589 = arith.addi %select_n3A_587, %add3A_588 : vector<16xi32>
      %swap3A_590 = arith.constant 2 : i32
      %swap3A_591 = arith.constant 0 : i32
      %swap3A_592 = tpu.memref_slice %arg17[%swap3A_590, %swap3A_591] : memref<4x128xi32, #tpu.memory_space<vmem>> -> memref<1x128xi32, #tpu.memory_space<vmem>>
      %swap3A_593 = tpu.memref_squeeze %swap3A_592 : memref<1x128xi32, #tpu.memory_space<vmem>> -> memref<128xi32, #tpu.memory_space<vmem>>
      %swap3A_594 = arith.constant 32 : index
      %swap3A_595 = tpu.vector_load %swap3A_593[%swap3A_594] {strides = array<i32>} : memref<128xi32, #tpu.memory_space<vmem>>, vector<16xi32>,
      tpu.vector_store %swap3A_593[%swap3A_594], %add3A_581 {strides = array<i32>} : memref<128xi32, #tpu.memory_space<vmem>>, vector<16xi32>,
      %swap3A_596 = arith.constant 2 : i32
      %swap3A_597 = arith.constant 0 : i32
      %swap3A_598 = tpu.memref_slice %arg17[%swap3A_596, %swap3A_597] : memref<4x128xi32, #tpu.memory_space<vmem>> -> memref<1x128xi32, #tpu.memory_space<vmem>>
      %swap3A_599 = tpu.memref_squeeze %swap3A_598 : memref<1x128xi32, #tpu.memory_space<vmem>> -> memref<128xi32, #tpu.memory_space<vmem>>
      %swap3A_600 = arith.constant 48 : index
      %swap3A_601 = tpu.vector_load %swap3A_599[%swap3A_600] {strides = array<i32>} : memref<128xi32, #tpu.memory_space<vmem>>, vector<16xi32>,
      tpu.vector_store %swap3A_599[%swap3A_600], %add3A_589 {strides = array<i32>} : memref<128xi32, #tpu.memory_space<vmem>>, vector<16xi32>,
      %mul3A_602 = arith.constant 16 : i32
      %mul3A_603 = arith.muli %scan3A_27, %mul3A_602 : i32
      %add3A_604 = arith.constant 8 : i32
      %add3A_605 = arith.addi %mul3A_603, %add3A_604 : i32
      %add3A_606 = arith.constant 2 : i32
      %add3A_607 = arith.addi %add3A_605, %add3A_606 : i32
      %get3A_608 = arith.index_cast %add3A_607 : i32 to index
      %get3A_609 = tpu.vector_load %arg13[%get3A_608] {strides = array<i32>} : memref<272xf32, #tpu.memory_space<vmem>>, vector<16xf32>,
      %broadcast_in_dim3A_610 = vector.shape_cast %broadcast_in_dim3A_21 : vector<16xi32> to vector<16x1xi32>
      %gather3A_611 = vector.shape_cast %broadcast_in_dim3A_610 : vector<16x1xi32> to vector<16xi32>
      %gather3A_612 = tpu.dynamic_gather %get3A_609[%gather3A_611] in [0] : vector<16xf32>, vector<16xi32> -> vector<16xf32>
      %get3A_613 = arith.index_cast %add3A_607 : i32 to index
      %get3A_614 = tpu.vector_load %arg14[%get3A_613] {strides = array<i32>} : memref<272xf32, #tpu.memory_space<vmem>>, vector<16xf32>,
      %broadcast_in_dim3A_615 = vector.shape_cast %broadcast_in_dim3A_21 : vector<16xi32> to vector<16x1xi32>
      %gather3A_616 = vector.shape_cast %broadcast_in_dim3A_615 : vector<16x1xi32> to vector<16xi32>
      %gather3A_617 = tpu.dynamic_gather %get3A_614[%gather3A_616] in [0] : vector<16xf32>, vector<16xi32> -> vector<16xf32>
      %get3A_618 = arith.index_cast %add3A_607 : i32 to index
      %get3A_619 = tpu.vector_load %arg15[%get3A_618] {strides = array<i32>} : memref<272xf32, #tpu.memory_space<vmem>>, vector<16xf32>,
      %broadcast_in_dim3A_620 = vector.shape_cast %broadcast_in_dim3A_21 : vector<16xi32> to vector<16x1xi32>
      %gather3A_621 = vector.shape_cast %broadcast_in_dim3A_620 : vector<16x1xi32> to vector<16xi32>
      %gather3A_622 = tpu.dynamic_gather %get3A_619[%gather3A_621] in [0] : vector<16xf32>, vector<16xi32> -> vector<16xf32>
      %while3A_623 = arith.constant 0 : i32
      %while3A_624 = arith.constant 0 : i32
      %while3A_625:2 = scf.while (%while3A_1002 = %while3A_623, %while3A_1003 = %while3A_624) : (i32, i32) -> (i32, i32) {
        %lt3A_1004 = arith.constant 128 : i32
        %lt3A_1005 = arith.cmpi slt, %while3A_1002, %lt3A_1004 : i32
        %lt3A_1006 = arith.constant 32 : i32
        %lt3A_1007 = arith.cmpi slt, %while3A_1003, %lt3A_1006 : i32
        %and3A_1008 = arith.andi %lt3A_1005, %lt3A_1007 : i1
        scf.condition(%and3A_1008) %while3A_1002, %while3A_1003 : i32, i32
      } do {
      ^bb0(%while3A_1002: i32, %while3A_1003: i32):
        %mul3A_1004 = arith.constant 32 : i32
        %mul3A_1005 = arith.muli %while3A_1002, %mul3A_1004 : i32
        %get3A_1006 = arith.index_cast %mul3A_1005 : i32 to index
        %get3A_1007 = tpu.vector_load %arg10[%get3A_1006] {strides = array<i32>} : memref<4096xf32, #tpu.memory_space<vmem>>, vector<16xf32>,
        %get3A_1008 = arith.index_cast %mul3A_1005 : i32 to index
        %get3A_1009 = tpu.vector_load %arg11[%get3A_1008] {strides = array<i32>} : memref<4096xf32, #tpu.memory_space<vmem>>, vector<16xf32>,
        %get3A_1010 = arith.index_cast %mul3A_1005 : i32 to index
        %get3A_1011 = tpu.vector_load %arg12[%get3A_1010] {strides = array<i32>} : memref<4096xf32, #tpu.memory_space<vmem>>, vector<16xf32>,
        %sub3A_1012 = arith.subf %get3A_1007, %gather3A_612 : vector<16xf32>
        %sub3A_1013 = arith.subf %get3A_1009, %gather3A_617 : vector<16xf32>
        %sub3A_1014 = arith.subf %get3A_1011, %gather3A_622 : vector<16xf32>
        %mul3A_1015 = arith.mulf %sub3A_1012, %sub3A_1012 : vector<16xf32>
        %mul3A_1016 = arith.mulf %sub3A_1013, %sub3A_1013 : vector<16xf32>
        %add3A_1017 = arith.addf %mul3A_1015, %mul3A_1016 : vector<16xf32>
        %mul3A_1018 = arith.mulf %sub3A_1014, %sub3A_1014 : vector<16xf32>
        %add3A_1019 = arith.addf %add3A_1017, %mul3A_1018 : vector<16xf32>
        %le3A = arith.constant 4.000000e-02 : f32
        %le3A_1020 = vector.broadcast %le3A : f32 to vector<16xf32>
        %le3A_1021 = arith.cmpf ole, %add3A_1019, %le3A_1020 : vector<16xf32>
        %convert_element_type3A = arith.extui %le3A_1021 : vector<16xi1> to vector<16xi32>
        %broadcast_in_dim3A_1022 = arith.constant true
        %broadcast_in_dim3A_1023 = vector.broadcast %broadcast_in_dim3A_1022 : i1 to vector<16xi1>
        %masked_cumsum3A = tpu.scan <sum>, %convert_element_type3A masked %broadcast_in_dim3A_1023 : vector<16xi32>, vector<16xi1> -> vector<16xi32>
        %add3A_1024 = vector.broadcast %while3A_1003 : i32 to vector<16xi32>
        %add3A_1025 = arith.addi %add3A_1024, %masked_cumsum3A : vector<16xi32>
        %sub3A_1026 = arith.constant 1 : i32
        %sub3A_1027 = vector.broadcast %sub3A_1026 : i32 to vector<16xi32>
        %sub3A_1028 = arith.subi %add3A_1025, %sub3A_1027 : vector<16xi32>
        %min3A = arith.constant 48 : i32
        %min3A_1029 = vector.broadcast %min3A : i32 to vector<16xi32>
        %min3A_1030 = arith.minsi %sub3A_1028, %min3A_1029 : vector<16xi32>
        %jit3A_1031 = arith.constant 56 : i32
        %broadcast_in_dim3A_1032 = vector.broadcast %jit3A_1031 : i32 to vector<16xi32>
        %select_n3A_1033 = arith.select %le3A_1021, %min3A_1030, %broadcast_in_dim3A_1032 : vector<16xi1>, vector<16xi32>
        %add3A_1034 = vector.broadcast %mul3A_1005 : i32 to vector<16xi32>
        %add3A_1035 = arith.addi %iota3A, %add3A_1034 : vector<16xi32>
        tpu.vector_store_idx %arg16[%select_n3A_1033], %add3A_1035 : memref<64xi32, #tpu.memory_space<vmem>>[vector<16xi32>], vector<16xi32>,
        %slice3A = vector.extract_strided_slice %masked_cumsum3A {offsets = [15], sizes = [1], strides = [1]} : vector<16xi32> to vector<1xi32>
        %squeeze3A = vector.extract %slice3A[0] : i32 from vector<1xi32>
        %add3A_1036 = arith.addi %while3A_1003, %squeeze3A : i32
        %mul3A_1037 = arith.constant 32 : i32
        %mul3A_1038 = arith.muli %while3A_1002, %mul3A_1037 : i32
        %add3A_1039 = arith.constant 16 : i32
        %add3A_1040 = arith.addi %mul3A_1038, %add3A_1039 : i32
        %get3A_1041 = arith.index_cast %add3A_1040 : i32 to index
        %get3A_1042 = tpu.vector_load %arg10[%get3A_1041] {strides = array<i32>} : memref<4096xf32, #tpu.memory_space<vmem>>, vector<16xf32>,
        %get3A_1043 = arith.index_cast %add3A_1040 : i32 to index
        %get3A_1044 = tpu.vector_load %arg11[%get3A_1043] {strides = array<i32>} : memref<4096xf32, #tpu.memory_space<vmem>>, vector<16xf32>,
        %get3A_1045 = arith.index_cast %add3A_1040 : i32 to index
        %get3A_1046 = tpu.vector_load %arg12[%get3A_1045] {strides = array<i32>} : memref<4096xf32, #tpu.memory_space<vmem>>, vector<16xf32>,
        %sub3A_1047 = arith.subf %get3A_1042, %gather3A_612 : vector<16xf32>
        %sub3A_1048 = arith.subf %get3A_1044, %gather3A_617 : vector<16xf32>
        %sub3A_1049 = arith.subf %get3A_1046, %gather3A_622 : vector<16xf32>
        %mul3A_1050 = arith.mulf %sub3A_1047, %sub3A_1047 : vector<16xf32>
        %mul3A_1051 = arith.mulf %sub3A_1048, %sub3A_1048 : vector<16xf32>
        %add3A_1052 = arith.addf %mul3A_1050, %mul3A_1051 : vector<16xf32>
        %mul3A_1053 = arith.mulf %sub3A_1049, %sub3A_1049 : vector<16xf32>
        %add3A_1054 = arith.addf %add3A_1052, %mul3A_1053 : vector<16xf32>
        %le3A_1055 = arith.constant 4.000000e-02 : f32
        %le3A_1056 = vector.broadcast %le3A_1055 : f32 to vector<16xf32>
        %le3A_1057 = arith.cmpf ole, %add3A_1054, %le3A_1056 : vector<16xf32>
        %convert_element_type3A_1058 = arith.extui %le3A_1057 : vector<16xi1> to vector<16xi32>
        %broadcast_in_dim3A_1059 = arith.constant true
        %broadcast_in_dim3A_1060 = vector.broadcast %broadcast_in_dim3A_1059 : i1 to vector<16xi1>
        %masked_cumsum3A_1061 = tpu.scan <sum>, %convert_element_type3A_1058 masked %broadcast_in_dim3A_1060 : vector<16xi32>, vector<16xi1> -> vector<16xi32>
        %add3A_1062 = vector.broadcast %add3A_1036 : i32 to vector<16xi32>
        %add3A_1063 = arith.addi %add3A_1062, %masked_cumsum3A_1061 : vector<16xi32>
        %sub3A_1064 = arith.constant 1 : i32
        %sub3A_1065 = vector.broadcast %sub3A_1064 : i32 to vector<16xi32>
        %sub3A_1066 = arith.subi %add3A_1063, %sub3A_1065 : vector<16xi32>
        %min3A_1067 = arith.constant 48 : i32
        %min3A_1068 = vector.broadcast %min3A_1067 : i32 to vector<16xi32>
        %min3A_1069 = arith.minsi %sub3A_1066, %min3A_1068 : vector<16xi32>
        %jit3A_1070 = arith.constant 56 : i32
        %broadcast_in_dim3A_1071 = vector.broadcast %jit3A_1070 : i32 to vector<16xi32>
        %select_n3A_1072 = arith.select %le3A_1057, %min3A_1069, %broadcast_in_dim3A_1071 : vector<16xi1>, vector<16xi32>
        %add3A_1073 = vector.broadcast %add3A_1040 : i32 to vector<16xi32>
        %add3A_1074 = arith.addi %iota3A, %add3A_1073 : vector<16xi32>
        tpu.vector_store_idx %arg16[%select_n3A_1072], %add3A_1074 : memref<64xi32, #tpu.memory_space<vmem>>[vector<16xi32>], vector<16xi32>,
        %slice3A_1075 = vector.extract_strided_slice %masked_cumsum3A_1061 {offsets = [15], sizes = [1], strides = [1]} : vector<16xi32> to vector<1xi32>
        %squeeze3A_1076 = vector.extract %slice3A_1075[0] : i32 from vector<1xi32>
        %add3A_1077 = arith.addi %add3A_1036, %squeeze3A_1076 : i32
        %add3A_1078 = arith.constant 1 : i32
        %add3A_1079 = arith.addi %while3A_1002, %add3A_1078 : i32
        scf.yield %add3A_1079, %add3A_1077 : i32, i32
      }
      %get3A_626 = arith.constant 0 : index
      %get3A_627 = tpu.vector_load %arg16[%get3A_626] {strides = array<i32>} : memref<64xi32, #tpu.memory_space<vmem>>, vector<16xi32>,
      %get3A_628 = arith.constant 16 : index
      %get3A_629 = tpu.vector_load %arg16[%get3A_628] {strides = array<i32>} : memref<64xi32, #tpu.memory_space<vmem>>, vector<16xi32>,
      %broadcast_in_dim3A_630 = vector.shape_cast %broadcast_in_dim3A_21 : vector<16xi32> to vector<16x1xi32>
      %gather3A_631 = vector.shape_cast %broadcast_in_dim3A_630 : vector<16x1xi32> to vector<16xi32>
      %gather3A_632 = tpu.dynamic_gather %get3A_627[%gather3A_631] in [0] : vector<16xi32>, vector<16xi32> -> vector<16xi32>
      %lt3A_633 = vector.broadcast %while3A_625#1 : i32 to vector<16xi32>
      %lt3A_634 = arith.cmpi slt, %iota3A, %lt3A_633 : vector<16xi32>
      %select_n3A_635 = arith.select %lt3A_634, %get3A_627, %gather3A_632 : vector<16xi1>, vector<16xi32>
      %add3A_636 = vector.broadcast %mul3A_20 : i32 to vector<16xi32>
      %add3A_637 = arith.addi %select_n3A_635, %add3A_636 : vector<16xi32>
      %add3A_638 = arith.constant 16 : i32
      %add3A_639 = vector.broadcast %add3A_638 : i32 to vector<16xi32>
      %add3A_640 = arith.addi %iota3A, %add3A_639 : vector<16xi32>
      %lt3A_641 = vector.broadcast %while3A_625#1 : i32 to vector<16xi32>
      %lt3A_642 = arith.cmpi slt, %add3A_640, %lt3A_641 : vector<16xi32>
      %select_n3A_643 = arith.select %lt3A_642, %get3A_629, %gather3A_632 : vector<16xi1>, vector<16xi32>
      %add3A_644 = vector.broadcast %mul3A_20 : i32 to vector<16xi32>
      %add3A_645 = arith.addi %select_n3A_643, %add3A_644 : vector<16xi32>
      %swap3A_646 = arith.constant 2 : i32
      %swap3A_647 = arith.constant 0 : i32
      %swap3A_648 = tpu.memref_slice %arg17[%swap3A_646, %swap3A_647] : memref<4x128xi32, #tpu.memory_space<vmem>> -> memref<1x128xi32, #tpu.memory_space<vmem>>
      %swap3A_649 = tpu.memref_squeeze %swap3A_648 : memref<1x128xi32, #tpu.memory_space<vmem>> -> memref<128xi32, #tpu.memory_space<vmem>>
      %swap3A_650 = arith.constant 64 : index
      %swap3A_651 = tpu.vector_load %swap3A_649[%swap3A_650] {strides = array<i32>} : memref<128xi32, #tpu.memory_space<vmem>>, vector<16xi32>,
      tpu.vector_store %swap3A_649[%swap3A_650], %add3A_637 {strides = array<i32>} : memref<128xi32, #tpu.memory_space<vmem>>, vector<16xi32>,
      %swap3A_652 = arith.constant 2 : i32
      %swap3A_653 = arith.constant 0 : i32
      %swap3A_654 = tpu.memref_slice %arg17[%swap3A_652, %swap3A_653] : memref<4x128xi32, #tpu.memory_space<vmem>> -> memref<1x128xi32, #tpu.memory_space<vmem>>
      %swap3A_655 = tpu.memref_squeeze %swap3A_654 : memref<1x128xi32, #tpu.memory_space<vmem>> -> memref<128xi32, #tpu.memory_space<vmem>>
      %swap3A_656 = arith.constant 80 : index
      %swap3A_657 = tpu.vector_load %swap3A_655[%swap3A_656] {strides = array<i32>} : memref<128xi32, #tpu.memory_space<vmem>>, vector<16xi32>,
      tpu.vector_store %swap3A_655[%swap3A_656], %add3A_645 {strides = array<i32>} : memref<128xi32, #tpu.memory_space<vmem>>, vector<16xi32>,
      %mul3A_658 = arith.constant 16 : i32
      %mul3A_659 = arith.muli %scan3A_27, %mul3A_658 : i32
      %add3A_660 = arith.constant 8 : i32
      %add3A_661 = arith.addi %mul3A_659, %add3A_660 : i32
      %add3A_662 = arith.constant 3 : i32
      %add3A_663 = arith.addi %add3A_661, %add3A_662 : i32
      %get3A_664 = arith.index_cast %add3A_663 : i32 to index
      %get3A_665 = tpu.vector_load %arg13[%get3A_664] {strides = array<i32>} : memref<272xf32, #tpu.memory_space<vmem>>, vector<16xf32>,
      %broadcast_in_dim3A_666 = vector.shape_cast %broadcast_in_dim3A_21 : vector<16xi32> to vector<16x1xi32>
      %gather3A_667 = vector.shape_cast %broadcast_in_dim3A_666 : vector<16x1xi32> to vector<16xi32>
      %gather3A_668 = tpu.dynamic_gather %get3A_665[%gather3A_667] in [0] : vector<16xf32>, vector<16xi32> -> vector<16xf32>
      %get3A_669 = arith.index_cast %add3A_663 : i32 to index
      %get3A_670 = tpu.vector_load %arg14[%get3A_669] {strides = array<i32>} : memref<272xf32, #tpu.memory_space<vmem>>, vector<16xf32>,
      %broadcast_in_dim3A_671 = vector.shape_cast %broadcast_in_dim3A_21 : vector<16xi32> to vector<16x1xi32>
      %gather3A_672 = vector.shape_cast %broadcast_in_dim3A_671 : vector<16x1xi32> to vector<16xi32>
      %gather3A_673 = tpu.dynamic_gather %get3A_670[%gather3A_672] in [0] : vector<16xf32>, vector<16xi32> -> vector<16xf32>
      %get3A_674 = arith.index_cast %add3A_663 : i32 to index
      %get3A_675 = tpu.vector_load %arg15[%get3A_674] {strides = array<i32>} : memref<272xf32, #tpu.memory_space<vmem>>, vector<16xf32>,
      %broadcast_in_dim3A_676 = vector.shape_cast %broadcast_in_dim3A_21 : vector<16xi32> to vector<16x1xi32>
      %gather3A_677 = vector.shape_cast %broadcast_in_dim3A_676 : vector<16x1xi32> to vector<16xi32>
      %gather3A_678 = tpu.dynamic_gather %get3A_675[%gather3A_677] in [0] : vector<16xf32>, vector<16xi32> -> vector<16xf32>
      %while3A_679 = arith.constant 0 : i32
      %while3A_680 = arith.constant 0 : i32
      %while3A_681:2 = scf.while (%while3A_1002 = %while3A_679, %while3A_1003 = %while3A_680) : (i32, i32) -> (i32, i32) {
        %lt3A_1004 = arith.constant 128 : i32
        %lt3A_1005 = arith.cmpi slt, %while3A_1002, %lt3A_1004 : i32
        %lt3A_1006 = arith.constant 32 : i32
        %lt3A_1007 = arith.cmpi slt, %while3A_1003, %lt3A_1006 : i32
        %and3A_1008 = arith.andi %lt3A_1005, %lt3A_1007 : i1
        scf.condition(%and3A_1008) %while3A_1002, %while3A_1003 : i32, i32
      } do {
      ^bb0(%while3A_1002: i32, %while3A_1003: i32):
        %mul3A_1004 = arith.constant 32 : i32
        %mul3A_1005 = arith.muli %while3A_1002, %mul3A_1004 : i32
        %get3A_1006 = arith.index_cast %mul3A_1005 : i32 to index
        %get3A_1007 = tpu.vector_load %arg10[%get3A_1006] {strides = array<i32>} : memref<4096xf32, #tpu.memory_space<vmem>>, vector<16xf32>,
        %get3A_1008 = arith.index_cast %mul3A_1005 : i32 to index
        %get3A_1009 = tpu.vector_load %arg11[%get3A_1008] {strides = array<i32>} : memref<4096xf32, #tpu.memory_space<vmem>>, vector<16xf32>,
        %get3A_1010 = arith.index_cast %mul3A_1005 : i32 to index
        %get3A_1011 = tpu.vector_load %arg12[%get3A_1010] {strides = array<i32>} : memref<4096xf32, #tpu.memory_space<vmem>>, vector<16xf32>,
        %sub3A_1012 = arith.subf %get3A_1007, %gather3A_668 : vector<16xf32>
        %sub3A_1013 = arith.subf %get3A_1009, %gather3A_673 : vector<16xf32>
        %sub3A_1014 = arith.subf %get3A_1011, %gather3A_678 : vector<16xf32>
        %mul3A_1015 = arith.mulf %sub3A_1012, %sub3A_1012 : vector<16xf32>
        %mul3A_1016 = arith.mulf %sub3A_1013, %sub3A_1013 : vector<16xf32>
        %add3A_1017 = arith.addf %mul3A_1015, %mul3A_1016 : vector<16xf32>
        %mul3A_1018 = arith.mulf %sub3A_1014, %sub3A_1014 : vector<16xf32>
        %add3A_1019 = arith.addf %add3A_1017, %mul3A_1018 : vector<16xf32>
        %le3A = arith.constant 4.000000e-02 : f32
        %le3A_1020 = vector.broadcast %le3A : f32 to vector<16xf32>
        %le3A_1021 = arith.cmpf ole, %add3A_1019, %le3A_1020 : vector<16xf32>
        %convert_element_type3A = arith.extui %le3A_1021 : vector<16xi1> to vector<16xi32>
        %broadcast_in_dim3A_1022 = arith.constant true
        %broadcast_in_dim3A_1023 = vector.broadcast %broadcast_in_dim3A_1022 : i1 to vector<16xi1>
        %masked_cumsum3A = tpu.scan <sum>, %convert_element_type3A masked %broadcast_in_dim3A_1023 : vector<16xi32>, vector<16xi1> -> vector<16xi32>
        %add3A_1024 = vector.broadcast %while3A_1003 : i32 to vector<16xi32>
        %add3A_1025 = arith.addi %add3A_1024, %masked_cumsum3A : vector<16xi32>
        %sub3A_1026 = arith.constant 1 : i32
        %sub3A_1027 = vector.broadcast %sub3A_1026 : i32 to vector<16xi32>
        %sub3A_1028 = arith.subi %add3A_1025, %sub3A_1027 : vector<16xi32>
        %min3A = arith.constant 48 : i32
        %min3A_1029 = vector.broadcast %min3A : i32 to vector<16xi32>
        %min3A_1030 = arith.minsi %sub3A_1028, %min3A_1029 : vector<16xi32>
        %jit3A_1031 = arith.constant 56 : i32
        %broadcast_in_dim3A_1032 = vector.broadcast %jit3A_1031 : i32 to vector<16xi32>
        %select_n3A_1033 = arith.select %le3A_1021, %min3A_1030, %broadcast_in_dim3A_1032 : vector<16xi1>, vector<16xi32>
        %add3A_1034 = vector.broadcast %mul3A_1005 : i32 to vector<16xi32>
        %add3A_1035 = arith.addi %iota3A, %add3A_1034 : vector<16xi32>
        tpu.vector_store_idx %arg16[%select_n3A_1033], %add3A_1035 : memref<64xi32, #tpu.memory_space<vmem>>[vector<16xi32>], vector<16xi32>,
        %slice3A = vector.extract_strided_slice %masked_cumsum3A {offsets = [15], sizes = [1], strides = [1]} : vector<16xi32> to vector<1xi32>
        %squeeze3A = vector.extract %slice3A[0] : i32 from vector<1xi32>
        %add3A_1036 = arith.addi %while3A_1003, %squeeze3A : i32
        %mul3A_1037 = arith.constant 32 : i32
        %mul3A_1038 = arith.muli %while3A_1002, %mul3A_1037 : i32
        %add3A_1039 = arith.constant 16 : i32
        %add3A_1040 = arith.addi %mul3A_1038, %add3A_1039 : i32
        %get3A_1041 = arith.index_cast %add3A_1040 : i32 to index
        %get3A_1042 = tpu.vector_load %arg10[%get3A_1041] {strides = array<i32>} : memref<4096xf32, #tpu.memory_space<vmem>>, vector<16xf32>,
        %get3A_1043 = arith.index_cast %add3A_1040 : i32 to index
        %get3A_1044 = tpu.vector_load %arg11[%get3A_1043] {strides = array<i32>} : memref<4096xf32, #tpu.memory_space<vmem>>, vector<16xf32>,
        %get3A_1045 = arith.index_cast %add3A_1040 : i32 to index
        %get3A_1046 = tpu.vector_load %arg12[%get3A_1045] {strides = array<i32>} : memref<4096xf32, #tpu.memory_space<vmem>>, vector<16xf32>,
        %sub3A_1047 = arith.subf %get3A_1042, %gather3A_668 : vector<16xf32>
        %sub3A_1048 = arith.subf %get3A_1044, %gather3A_673 : vector<16xf32>
        %sub3A_1049 = arith.subf %get3A_1046, %gather3A_678 : vector<16xf32>
        %mul3A_1050 = arith.mulf %sub3A_1047, %sub3A_1047 : vector<16xf32>
        %mul3A_1051 = arith.mulf %sub3A_1048, %sub3A_1048 : vector<16xf32>
        %add3A_1052 = arith.addf %mul3A_1050, %mul3A_1051 : vector<16xf32>
        %mul3A_1053 = arith.mulf %sub3A_1049, %sub3A_1049 : vector<16xf32>
        %add3A_1054 = arith.addf %add3A_1052, %mul3A_1053 : vector<16xf32>
        %le3A_1055 = arith.constant 4.000000e-02 : f32
        %le3A_1056 = vector.broadcast %le3A_1055 : f32 to vector<16xf32>
        %le3A_1057 = arith.cmpf ole, %add3A_1054, %le3A_1056 : vector<16xf32>
        %convert_element_type3A_1058 = arith.extui %le3A_1057 : vector<16xi1> to vector<16xi32>
        %broadcast_in_dim3A_1059 = arith.constant true
        %broadcast_in_dim3A_1060 = vector.broadcast %broadcast_in_dim3A_1059 : i1 to vector<16xi1>
        %masked_cumsum3A_1061 = tpu.scan <sum>, %convert_element_type3A_1058 masked %broadcast_in_dim3A_1060 : vector<16xi32>, vector<16xi1> -> vector<16xi32>
        %add3A_1062 = vector.broadcast %add3A_1036 : i32 to vector<16xi32>
        %add3A_1063 = arith.addi %add3A_1062, %masked_cumsum3A_1061 : vector<16xi32>
        %sub3A_1064 = arith.constant 1 : i32
        %sub3A_1065 = vector.broadcast %sub3A_1064 : i32 to vector<16xi32>
        %sub3A_1066 = arith.subi %add3A_1063, %sub3A_1065 : vector<16xi32>
        %min3A_1067 = arith.constant 48 : i32
        %min3A_1068 = vector.broadcast %min3A_1067 : i32 to vector<16xi32>
        %min3A_1069 = arith.minsi %sub3A_1066, %min3A_1068 : vector<16xi32>
        %jit3A_1070 = arith.constant 56 : i32
        %broadcast_in_dim3A_1071 = vector.broadcast %jit3A_1070 : i32 to vector<16xi32>
        %select_n3A_1072 = arith.select %le3A_1057, %min3A_1069, %broadcast_in_dim3A_1071 : vector<16xi1>, vector<16xi32>
        %add3A_1073 = vector.broadcast %add3A_1040 : i32 to vector<16xi32>
        %add3A_1074 = arith.addi %iota3A, %add3A_1073 : vector<16xi32>
        tpu.vector_store_idx %arg16[%select_n3A_1072], %add3A_1074 : memref<64xi32, #tpu.memory_space<vmem>>[vector<16xi32>], vector<16xi32>,
        %slice3A_1075 = vector.extract_strided_slice %masked_cumsum3A_1061 {offsets = [15], sizes = [1], strides = [1]} : vector<16xi32> to vector<1xi32>
        %squeeze3A_1076 = vector.extract %slice3A_1075[0] : i32 from vector<1xi32>
        %add3A_1077 = arith.addi %add3A_1036, %squeeze3A_1076 : i32
        %add3A_1078 = arith.constant 1 : i32
        %add3A_1079 = arith.addi %while3A_1002, %add3A_1078 : i32
        scf.yield %add3A_1079, %add3A_1077 : i32, i32
      }
      %get3A_682 = arith.constant 0 : index
      %get3A_683 = tpu.vector_load %arg16[%get3A_682] {strides = array<i32>} : memref<64xi32, #tpu.memory_space<vmem>>, vector<16xi32>,
      %get3A_684 = arith.constant 16 : index
      %get3A_685 = tpu.vector_load %arg16[%get3A_684] {strides = array<i32>} : memref<64xi32, #tpu.memory_space<vmem>>, vector<16xi32>,
      %broadcast_in_dim3A_686 = vector.shape_cast %broadcast_in_dim3A_21 : vector<16xi32> to vector<16x1xi32>
      %gather3A_687 = vector.shape_cast %broadcast_in_dim3A_686 : vector<16x1xi32> to vector<16xi32>
      %gather3A_688 = tpu.dynamic_gather %get3A_683[%gather3A_687] in [0] : vector<16xi32>, vector<16xi32> -> vector<16xi32>
      %lt3A_689 = vector.broadcast %while3A_681#1 : i32 to vector<16xi32>
      %lt3A_690 = arith.cmpi slt, %iota3A, %lt3A_689 : vector<16xi32>
      %select_n3A_691 = arith.select %lt3A_690, %get3A_683, %gather3A_688 : vector<16xi1>, vector<16xi32>
      %add3A_692 = vector.broadcast %mul3A_20 : i32 to vector<16xi32>
      %add3A_693 = arith.addi %select_n3A_691, %add3A_692 : vector<16xi32>
      %add3A_694 = arith.constant 16 : i32
      %add3A_695 = vector.broadcast %add3A_694 : i32 to vector<16xi32>
      %add3A_696 = arith.addi %iota3A, %add3A_695 : vector<16xi32>
      %lt3A_697 = vector.broadcast %while3A_681#1 : i32 to vector<16xi32>
      %lt3A_698 = arith.cmpi slt, %add3A_696, %lt3A_697 : vector<16xi32>
      %select_n3A_699 = arith.select %lt3A_698, %get3A_685, %gather3A_688 : vector<16xi1>, vector<16xi32>
      %add3A_700 = vector.broadcast %mul3A_20 : i32 to vector<16xi32>
      %add3A_701 = arith.addi %select_n3A_699, %add3A_700 : vector<16xi32>
      %swap3A_702 = arith.constant 2 : i32
      %swap3A_703 = arith.constant 0 : i32
      %swap3A_704 = tpu.memref_slice %arg17[%swap3A_702, %swap3A_703] : memref<4x128xi32, #tpu.memory_space<vmem>> -> memref<1x128xi32, #tpu.memory_space<vmem>>
      %swap3A_705 = tpu.memref_squeeze %swap3A_704 : memref<1x128xi32, #tpu.memory_space<vmem>> -> memref<128xi32, #tpu.memory_space<vmem>>
      %swap3A_706 = arith.constant 96 : index
      %swap3A_707 = tpu.vector_load %swap3A_705[%swap3A_706] {strides = array<i32>} : memref<128xi32, #tpu.memory_space<vmem>>, vector<16xi32>,
      tpu.vector_store %swap3A_705[%swap3A_706], %add3A_693 {strides = array<i32>} : memref<128xi32, #tpu.memory_space<vmem>>, vector<16xi32>,
      %swap3A_708 = arith.constant 2 : i32
      %swap3A_709 = arith.constant 0 : i32
      %swap3A_710 = tpu.memref_slice %arg17[%swap3A_708, %swap3A_709] : memref<4x128xi32, #tpu.memory_space<vmem>> -> memref<1x128xi32, #tpu.memory_space<vmem>>
      %swap3A_711 = tpu.memref_squeeze %swap3A_710 : memref<1x128xi32, #tpu.memory_space<vmem>> -> memref<128xi32, #tpu.memory_space<vmem>>
      %swap3A_712 = arith.constant 112 : index
      %swap3A_713 = tpu.vector_load %swap3A_711[%swap3A_712] {strides = array<i32>} : memref<128xi32, #tpu.memory_space<vmem>>, vector<16xi32>,
      tpu.vector_store %swap3A_711[%swap3A_712], %add3A_701 {strides = array<i32>} : memref<128xi32, #tpu.memory_space<vmem>>, vector<16xi32>,
      %dma_start3A_714 = arith.constant 2 : i32
      %dma_start3A_715 = arith.constant 256 : i32
      %dma_start3A_716 = arith.constant 0 : i32
      %dma_start3A_717 = tpu.memref_slice %arg18[%dma_start3A_715, %dma_start3A_716] : memref<512x64xf32, #tpu.memory_space<vmem>> -> memref<128x64xf32, #tpu.memory_space<vmem>>
      %dma_start3A_718 = arith.constant 0 : i32
      %dma_start3A_719 = tpu.memref_slice %arg17[%dma_start3A_714, %dma_start3A_718] : memref<4x128xi32, #tpu.memory_space<vmem>> -> memref<1x128xi32, #tpu.memory_space<vmem>>
      %dma_start3A_720 = tpu.memref_squeeze %dma_start3A_719 : memref<1x128xi32, #tpu.memory_space<vmem>> -> memref<128xi32, #tpu.memory_space<vmem>>
      %dma_start3A_721 = arith.constant 0 : i32
      %dma_start3A_722 = arith.constant 0 : i32
      %dma_start3A_723 = tpu.memref_slice %arg8[%dma_start3A_721, %dma_start3A_722] : memref<32768x64xf32, #tpu.memory_space<hbm>> -> memref<32768x64xf32, #tpu.memory_space<hbm>>
      tpu.enqueue_indirect_dma source(%dma_start3A_723 : memref<32768x64xf32, #tpu.memory_space<hbm>>) target(%dma_start3A_717 : memref<128x64xf32, #tpu.memory_space<vmem>>) offsets(%dma_start3A_720 : memref<128xi32, #tpu.memory_space<vmem>>) semaphore(%arg21 : memref<!tpu.dma_semaphore, #tpu.memory_space<semaphore_mem>>)
      %mul3A_724 = arith.constant 16 : i32
      %mul3A_725 = arith.muli %scan3A_27, %mul3A_724 : i32
      %add3A_726 = arith.constant 12 : i32
      %add3A_727 = arith.addi %mul3A_725, %add3A_726 : i32
      %add3A_728 = arith.constant 0 : i32
      %add3A_729 = arith.addi %add3A_727, %add3A_728 : i32
      %get3A_730 = arith.index_cast %add3A_729 : i32 to index
      %get3A_731 = tpu.vector_load %arg13[%get3A_730] {strides = array<i32>} : memref<272xf32, #tpu.memory_space<vmem>>, vector<16xf32>,
      %broadcast_in_dim3A_732 = vector.shape_cast %broadcast_in_dim3A_21 : vector<16xi32> to vector<16x1xi32>
      %gather3A_733 = vector.shape_cast %broadcast_in_dim3A_732 : vector<16x1xi32> to vector<16xi32>
      %gather3A_734 = tpu.dynamic_gather %get3A_731[%gather3A_733] in [0] : vector<16xf32>, vector<16xi32> -> vector<16xf32>
      %get3A_735 = arith.index_cast %add3A_729 : i32 to index
      %get3A_736 = tpu.vector_load %arg14[%get3A_735] {strides = array<i32>} : memref<272xf32, #tpu.memory_space<vmem>>, vector<16xf32>,
      %broadcast_in_dim3A_737 = vector.shape_cast %broadcast_in_dim3A_21 : vector<16xi32> to vector<16x1xi32>
      %gather3A_738 = vector.shape_cast %broadcast_in_dim3A_737 : vector<16x1xi32> to vector<16xi32>
      %gather3A_739 = tpu.dynamic_gather %get3A_736[%gather3A_738] in [0] : vector<16xf32>, vector<16xi32> -> vector<16xf32>
      %get3A_740 = arith.index_cast %add3A_729 : i32 to index
      %get3A_741 = tpu.vector_load %arg15[%get3A_740] {strides = array<i32>} : memref<272xf32, #tpu.memory_space<vmem>>, vector<16xf32>,
      %broadcast_in_dim3A_742 = vector.shape_cast %broadcast_in_dim3A_21 : vector<16xi32> to vector<16x1xi32>
      %gather3A_743 = vector.shape_cast %broadcast_in_dim3A_742 : vector<16x1xi32> to vector<16xi32>
      %gather3A_744 = tpu.dynamic_gather %get3A_741[%gather3A_743] in [0] : vector<16xf32>, vector<16xi32> -> vector<16xf32>
      %while3A_745 = arith.constant 0 : i32
      %while3A_746 = arith.constant 0 : i32
      %while3A_747:2 = scf.while (%while3A_1002 = %while3A_745, %while3A_1003 = %while3A_746) : (i32, i32) -> (i32, i32) {
        %lt3A_1004 = arith.constant 128 : i32
        %lt3A_1005 = arith.cmpi slt, %while3A_1002, %lt3A_1004 : i32
        %lt3A_1006 = arith.constant 32 : i32
        %lt3A_1007 = arith.cmpi slt, %while3A_1003, %lt3A_1006 : i32
        %and3A_1008 = arith.andi %lt3A_1005, %lt3A_1007 : i1
        scf.condition(%and3A_1008) %while3A_1002, %while3A_1003 : i32, i32
      } do {
      ^bb0(%while3A_1002: i32, %while3A_1003: i32):
        %mul3A_1004 = arith.constant 32 : i32
        %mul3A_1005 = arith.muli %while3A_1002, %mul3A_1004 : i32
        %get3A_1006 = arith.index_cast %mul3A_1005 : i32 to index
        %get3A_1007 = tpu.vector_load %arg10[%get3A_1006] {strides = array<i32>} : memref<4096xf32, #tpu.memory_space<vmem>>, vector<16xf32>,
        %get3A_1008 = arith.index_cast %mul3A_1005 : i32 to index
        %get3A_1009 = tpu.vector_load %arg11[%get3A_1008] {strides = array<i32>} : memref<4096xf32, #tpu.memory_space<vmem>>, vector<16xf32>,
        %get3A_1010 = arith.index_cast %mul3A_1005 : i32 to index
        %get3A_1011 = tpu.vector_load %arg12[%get3A_1010] {strides = array<i32>} : memref<4096xf32, #tpu.memory_space<vmem>>, vector<16xf32>,
        %sub3A_1012 = arith.subf %get3A_1007, %gather3A_734 : vector<16xf32>
        %sub3A_1013 = arith.subf %get3A_1009, %gather3A_739 : vector<16xf32>
        %sub3A_1014 = arith.subf %get3A_1011, %gather3A_744 : vector<16xf32>
        %mul3A_1015 = arith.mulf %sub3A_1012, %sub3A_1012 : vector<16xf32>
        %mul3A_1016 = arith.mulf %sub3A_1013, %sub3A_1013 : vector<16xf32>
        %add3A_1017 = arith.addf %mul3A_1015, %mul3A_1016 : vector<16xf32>
        %mul3A_1018 = arith.mulf %sub3A_1014, %sub3A_1014 : vector<16xf32>
        %add3A_1019 = arith.addf %add3A_1017, %mul3A_1018 : vector<16xf32>
        %le3A = arith.constant 4.000000e-02 : f32
        %le3A_1020 = vector.broadcast %le3A : f32 to vector<16xf32>
        %le3A_1021 = arith.cmpf ole, %add3A_1019, %le3A_1020 : vector<16xf32>
        %convert_element_type3A = arith.extui %le3A_1021 : vector<16xi1> to vector<16xi32>
        %broadcast_in_dim3A_1022 = arith.constant true
        %broadcast_in_dim3A_1023 = vector.broadcast %broadcast_in_dim3A_1022 : i1 to vector<16xi1>
        %masked_cumsum3A = tpu.scan <sum>, %convert_element_type3A masked %broadcast_in_dim3A_1023 : vector<16xi32>, vector<16xi1> -> vector<16xi32>
        %add3A_1024 = vector.broadcast %while3A_1003 : i32 to vector<16xi32>
        %add3A_1025 = arith.addi %add3A_1024, %masked_cumsum3A : vector<16xi32>
        %sub3A_1026 = arith.constant 1 : i32
        %sub3A_1027 = vector.broadcast %sub3A_1026 : i32 to vector<16xi32>
        %sub3A_1028 = arith.subi %add3A_1025, %sub3A_1027 : vector<16xi32>
        %min3A = arith.constant 48 : i32
        %min3A_1029 = vector.broadcast %min3A : i32 to vector<16xi32>
        %min3A_1030 = arith.minsi %sub3A_1028, %min3A_1029 : vector<16xi32>
        %jit3A_1031 = arith.constant 56 : i32
        %broadcast_in_dim3A_1032 = vector.broadcast %jit3A_1031 : i32 to vector<16xi32>
        %select_n3A_1033 = arith.select %le3A_1021, %min3A_1030, %broadcast_in_dim3A_1032 : vector<16xi1>, vector<16xi32>
        %add3A_1034 = vector.broadcast %mul3A_1005 : i32 to vector<16xi32>
        %add3A_1035 = arith.addi %iota3A, %add3A_1034 : vector<16xi32>
        tpu.vector_store_idx %arg16[%select_n3A_1033], %add3A_1035 : memref<64xi32, #tpu.memory_space<vmem>>[vector<16xi32>], vector<16xi32>,
        %slice3A = vector.extract_strided_slice %masked_cumsum3A {offsets = [15], sizes = [1], strides = [1]} : vector<16xi32> to vector<1xi32>
        %squeeze3A = vector.extract %slice3A[0] : i32 from vector<1xi32>
        %add3A_1036 = arith.addi %while3A_1003, %squeeze3A : i32
        %mul3A_1037 = arith.constant 32 : i32
        %mul3A_1038 = arith.muli %while3A_1002, %mul3A_1037 : i32
        %add3A_1039 = arith.constant 16 : i32
        %add3A_1040 = arith.addi %mul3A_1038, %add3A_1039 : i32
        %get3A_1041 = arith.index_cast %add3A_1040 : i32 to index
        %get3A_1042 = tpu.vector_load %arg10[%get3A_1041] {strides = array<i32>} : memref<4096xf32, #tpu.memory_space<vmem>>, vector<16xf32>,
        %get3A_1043 = arith.index_cast %add3A_1040 : i32 to index
        %get3A_1044 = tpu.vector_load %arg11[%get3A_1043] {strides = array<i32>} : memref<4096xf32, #tpu.memory_space<vmem>>, vector<16xf32>,
        %get3A_1045 = arith.index_cast %add3A_1040 : i32 to index
        %get3A_1046 = tpu.vector_load %arg12[%get3A_1045] {strides = array<i32>} : memref<4096xf32, #tpu.memory_space<vmem>>, vector<16xf32>,
        %sub3A_1047 = arith.subf %get3A_1042, %gather3A_734 : vector<16xf32>
        %sub3A_1048 = arith.subf %get3A_1044, %gather3A_739 : vector<16xf32>
        %sub3A_1049 = arith.subf %get3A_1046, %gather3A_744 : vector<16xf32>
        %mul3A_1050 = arith.mulf %sub3A_1047, %sub3A_1047 : vector<16xf32>
        %mul3A_1051 = arith.mulf %sub3A_1048, %sub3A_1048 : vector<16xf32>
        %add3A_1052 = arith.addf %mul3A_1050, %mul3A_1051 : vector<16xf32>
        %mul3A_1053 = arith.mulf %sub3A_1049, %sub3A_1049 : vector<16xf32>
        %add3A_1054 = arith.addf %add3A_1052, %mul3A_1053 : vector<16xf32>
        %le3A_1055 = arith.constant 4.000000e-02 : f32
        %le3A_1056 = vector.broadcast %le3A_1055 : f32 to vector<16xf32>
        %le3A_1057 = arith.cmpf ole, %add3A_1054, %le3A_1056 : vector<16xf32>
        %convert_element_type3A_1058 = arith.extui %le3A_1057 : vector<16xi1> to vector<16xi32>
        %broadcast_in_dim3A_1059 = arith.constant true
        %broadcast_in_dim3A_1060 = vector.broadcast %broadcast_in_dim3A_1059 : i1 to vector<16xi1>
        %masked_cumsum3A_1061 = tpu.scan <sum>, %convert_element_type3A_1058 masked %broadcast_in_dim3A_1060 : vector<16xi32>, vector<16xi1> -> vector<16xi32>
        %add3A_1062 = vector.broadcast %add3A_1036 : i32 to vector<16xi32>
        %add3A_1063 = arith.addi %add3A_1062, %masked_cumsum3A_1061 : vector<16xi32>
        %sub3A_1064 = arith.constant 1 : i32
        %sub3A_1065 = vector.broadcast %sub3A_1064 : i32 to vector<16xi32>
        %sub3A_1066 = arith.subi %add3A_1063, %sub3A_1065 : vector<16xi32>
        %min3A_1067 = arith.constant 48 : i32
        %min3A_1068 = vector.broadcast %min3A_1067 : i32 to vector<16xi32>
        %min3A_1069 = arith.minsi %sub3A_1066, %min3A_1068 : vector<16xi32>
        %jit3A_1070 = arith.constant 56 : i32
        %broadcast_in_dim3A_1071 = vector.broadcast %jit3A_1070 : i32 to vector<16xi32>
        %select_n3A_1072 = arith.select %le3A_1057, %min3A_1069, %broadcast_in_dim3A_1071 : vector<16xi1>, vector<16xi32>
        %add3A_1073 = vector.broadcast %add3A_1040 : i32 to vector<16xi32>
        %add3A_1074 = arith.addi %iota3A, %add3A_1073 : vector<16xi32>
        tpu.vector_store_idx %arg16[%select_n3A_1072], %add3A_1074 : memref<64xi32, #tpu.memory_space<vmem>>[vector<16xi32>], vector<16xi32>,
        %slice3A_1075 = vector.extract_strided_slice %masked_cumsum3A_1061 {offsets = [15], sizes = [1], strides = [1]} : vector<16xi32> to vector<1xi32>
        %squeeze3A_1076 = vector.extract %slice3A_1075[0] : i32 from vector<1xi32>
        %add3A_1077 = arith.addi %add3A_1036, %squeeze3A_1076 : i32
        %add3A_1078 = arith.constant 1 : i32
        %add3A_1079 = arith.addi %while3A_1002, %add3A_1078 : i32
        scf.yield %add3A_1079, %add3A_1077 : i32, i32
      }
      %get3A_748 = arith.constant 0 : index
      %get3A_749 = tpu.vector_load %arg16[%get3A_748] {strides = array<i32>} : memref<64xi32, #tpu.memory_space<vmem>>, vector<16xi32>,
      %get3A_750 = arith.constant 16 : index
      %get3A_751 = tpu.vector_load %arg16[%get3A_750] {strides = array<i32>} : memref<64xi32, #tpu.memory_space<vmem>>, vector<16xi32>,
      %broadcast_in_dim3A_752 = vector.shape_cast %broadcast_in_dim3A_21 : vector<16xi32> to vector<16x1xi32>
      %gather3A_753 = vector.shape_cast %broadcast_in_dim3A_752 : vector<16x1xi32> to vector<16xi32>
      %gather3A_754 = tpu.dynamic_gather %get3A_749[%gather3A_753] in [0] : vector<16xi32>, vector<16xi32> -> vector<16xi32>
      %lt3A_755 = vector.broadcast %while3A_747#1 : i32 to vector<16xi32>
      %lt3A_756 = arith.cmpi slt, %iota3A, %lt3A_755 : vector<16xi32>
      %select_n3A_757 = arith.select %lt3A_756, %get3A_749, %gather3A_754 : vector<16xi1>, vector<16xi32>
      %add3A_758 = vector.broadcast %mul3A_20 : i32 to vector<16xi32>
      %add3A_759 = arith.addi %select_n3A_757, %add3A_758 : vector<16xi32>
      %add3A_760 = arith.constant 16 : i32
      %add3A_761 = vector.broadcast %add3A_760 : i32 to vector<16xi32>
      %add3A_762 = arith.addi %iota3A, %add3A_761 : vector<16xi32>
      %lt3A_763 = vector.broadcast %while3A_747#1 : i32 to vector<16xi32>
      %lt3A_764 = arith.cmpi slt, %add3A_762, %lt3A_763 : vector<16xi32>
      %select_n3A_765 = arith.select %lt3A_764, %get3A_751, %gather3A_754 : vector<16xi1>, vector<16xi32>
      %add3A_766 = vector.broadcast %mul3A_20 : i32 to vector<16xi32>
      %add3A_767 = arith.addi %select_n3A_765, %add3A_766 : vector<16xi32>
      %swap3A_768 = arith.constant 3 : i32
      %swap3A_769 = arith.constant 0 : i32
      %swap3A_770 = tpu.memref_slice %arg17[%swap3A_768, %swap3A_769] : memref<4x128xi32, #tpu.memory_space<vmem>> -> memref<1x128xi32, #tpu.memory_space<vmem>>
      %swap3A_771 = tpu.memref_squeeze %swap3A_770 : memref<1x128xi32, #tpu.memory_space<vmem>> -> memref<128xi32, #tpu.memory_space<vmem>>
      %swap3A_772 = arith.constant 0 : index
      %swap3A_773 = tpu.vector_load %swap3A_771[%swap3A_772] {strides = array<i32>} : memref<128xi32, #tpu.memory_space<vmem>>, vector<16xi32>,
      tpu.vector_store %swap3A_771[%swap3A_772], %add3A_759 {strides = array<i32>} : memref<128xi32, #tpu.memory_space<vmem>>, vector<16xi32>,
      %swap3A_774 = arith.constant 3 : i32
      %swap3A_775 = arith.constant 0 : i32
      %swap3A_776 = tpu.memref_slice %arg17[%swap3A_774, %swap3A_775] : memref<4x128xi32, #tpu.memory_space<vmem>> -> memref<1x128xi32, #tpu.memory_space<vmem>>
      %swap3A_777 = tpu.memref_squeeze %swap3A_776 : memref<1x128xi32, #tpu.memory_space<vmem>> -> memref<128xi32, #tpu.memory_space<vmem>>
      %swap3A_778 = arith.constant 16 : index
      %swap3A_779 = tpu.vector_load %swap3A_777[%swap3A_778] {strides = array<i32>} : memref<128xi32, #tpu.memory_space<vmem>>, vector<16xi32>,
      tpu.vector_store %swap3A_777[%swap3A_778], %add3A_767 {strides = array<i32>} : memref<128xi32, #tpu.memory_space<vmem>>, vector<16xi32>,
      %mul3A_780 = arith.constant 16 : i32
      %mul3A_781 = arith.muli %scan3A_27, %mul3A_780 : i32
      %add3A_782 = arith.constant 12 : i32
      %add3A_783 = arith.addi %mul3A_781, %add3A_782 : i32
      %add3A_784 = arith.constant 1 : i32
      %add3A_785 = arith.addi %add3A_783, %add3A_784 : i32
      %get3A_786 = arith.index_cast %add3A_785 : i32 to index
      %get3A_787 = tpu.vector_load %arg13[%get3A_786] {strides = array<i32>} : memref<272xf32, #tpu.memory_space<vmem>>, vector<16xf32>,
      %broadcast_in_dim3A_788 = vector.shape_cast %broadcast_in_dim3A_21 : vector<16xi32> to vector<16x1xi32>
      %gather3A_789 = vector.shape_cast %broadcast_in_dim3A_788 : vector<16x1xi32> to vector<16xi32>
      %gather3A_790 = tpu.dynamic_gather %get3A_787[%gather3A_789] in [0] : vector<16xf32>, vector<16xi32> -> vector<16xf32>
      %get3A_791 = arith.index_cast %add3A_785 : i32 to index
      %get3A_792 = tpu.vector_load %arg14[%get3A_791] {strides = array<i32>} : memref<272xf32, #tpu.memory_space<vmem>>, vector<16xf32>,
      %broadcast_in_dim3A_793 = vector.shape_cast %broadcast_in_dim3A_21 : vector<16xi32> to vector<16x1xi32>
      %gather3A_794 = vector.shape_cast %broadcast_in_dim3A_793 : vector<16x1xi32> to vector<16xi32>
      %gather3A_795 = tpu.dynamic_gather %get3A_792[%gather3A_794] in [0] : vector<16xf32>, vector<16xi32> -> vector<16xf32>
      %get3A_796 = arith.index_cast %add3A_785 : i32 to index
      %get3A_797 = tpu.vector_load %arg15[%get3A_796] {strides = array<i32>} : memref<272xf32, #tpu.memory_space<vmem>>, vector<16xf32>,
      %broadcast_in_dim3A_798 = vector.shape_cast %broadcast_in_dim3A_21 : vector<16xi32> to vector<16x1xi32>
      %gather3A_799 = vector.shape_cast %broadcast_in_dim3A_798 : vector<16x1xi32> to vector<16xi32>
      %gather3A_800 = tpu.dynamic_gather %get3A_797[%gather3A_799] in [0] : vector<16xf32>, vector<16xi32> -> vector<16xf32>
      %while3A_801 = arith.constant 0 : i32
      %while3A_802 = arith.constant 0 : i32
      %while3A_803:2 = scf.while (%while3A_1002 = %while3A_801, %while3A_1003 = %while3A_802) : (i32, i32) -> (i32, i32) {
        %lt3A_1004 = arith.constant 128 : i32
        %lt3A_1005 = arith.cmpi slt, %while3A_1002, %lt3A_1004 : i32
        %lt3A_1006 = arith.constant 32 : i32
        %lt3A_1007 = arith.cmpi slt, %while3A_1003, %lt3A_1006 : i32
        %and3A_1008 = arith.andi %lt3A_1005, %lt3A_1007 : i1
        scf.condition(%and3A_1008) %while3A_1002, %while3A_1003 : i32, i32
      } do {
      ^bb0(%while3A_1002: i32, %while3A_1003: i32):
        %mul3A_1004 = arith.constant 32 : i32
        %mul3A_1005 = arith.muli %while3A_1002, %mul3A_1004 : i32
        %get3A_1006 = arith.index_cast %mul3A_1005 : i32 to index
        %get3A_1007 = tpu.vector_load %arg10[%get3A_1006] {strides = array<i32>} : memref<4096xf32, #tpu.memory_space<vmem>>, vector<16xf32>,
        %get3A_1008 = arith.index_cast %mul3A_1005 : i32 to index
        %get3A_1009 = tpu.vector_load %arg11[%get3A_1008] {strides = array<i32>} : memref<4096xf32, #tpu.memory_space<vmem>>, vector<16xf32>,
        %get3A_1010 = arith.index_cast %mul3A_1005 : i32 to index
        %get3A_1011 = tpu.vector_load %arg12[%get3A_1010] {strides = array<i32>} : memref<4096xf32, #tpu.memory_space<vmem>>, vector<16xf32>,
        %sub3A_1012 = arith.subf %get3A_1007, %gather3A_790 : vector<16xf32>
        %sub3A_1013 = arith.subf %get3A_1009, %gather3A_795 : vector<16xf32>
        %sub3A_1014 = arith.subf %get3A_1011, %gather3A_800 : vector<16xf32>
        %mul3A_1015 = arith.mulf %sub3A_1012, %sub3A_1012 : vector<16xf32>
        %mul3A_1016 = arith.mulf %sub3A_1013, %sub3A_1013 : vector<16xf32>
        %add3A_1017 = arith.addf %mul3A_1015, %mul3A_1016 : vector<16xf32>
        %mul3A_1018 = arith.mulf %sub3A_1014, %sub3A_1014 : vector<16xf32>
        %add3A_1019 = arith.addf %add3A_1017, %mul3A_1018 : vector<16xf32>
        %le3A = arith.constant 4.000000e-02 : f32
        %le3A_1020 = vector.broadcast %le3A : f32 to vector<16xf32>
        %le3A_1021 = arith.cmpf ole, %add3A_1019, %le3A_1020 : vector<16xf32>
        %convert_element_type3A = arith.extui %le3A_1021 : vector<16xi1> to vector<16xi32>
        %broadcast_in_dim3A_1022 = arith.constant true
        %broadcast_in_dim3A_1023 = vector.broadcast %broadcast_in_dim3A_1022 : i1 to vector<16xi1>
        %masked_cumsum3A = tpu.scan <sum>, %convert_element_type3A masked %broadcast_in_dim3A_1023 : vector<16xi32>, vector<16xi1> -> vector<16xi32>
        %add3A_1024 = vector.broadcast %while3A_1003 : i32 to vector<16xi32>
        %add3A_1025 = arith.addi %add3A_1024, %masked_cumsum3A : vector<16xi32>
        %sub3A_1026 = arith.constant 1 : i32
        %sub3A_1027 = vector.broadcast %sub3A_1026 : i32 to vector<16xi32>
        %sub3A_1028 = arith.subi %add3A_1025, %sub3A_1027 : vector<16xi32>
        %min3A = arith.constant 48 : i32
        %min3A_1029 = vector.broadcast %min3A : i32 to vector<16xi32>
        %min3A_1030 = arith.minsi %sub3A_1028, %min3A_1029 : vector<16xi32>
        %jit3A_1031 = arith.constant 56 : i32
        %broadcast_in_dim3A_1032 = vector.broadcast %jit3A_1031 : i32 to vector<16xi32>
        %select_n3A_1033 = arith.select %le3A_1021, %min3A_1030, %broadcast_in_dim3A_1032 : vector<16xi1>, vector<16xi32>
        %add3A_1034 = vector.broadcast %mul3A_1005 : i32 to vector<16xi32>
        %add3A_1035 = arith.addi %iota3A, %add3A_1034 : vector<16xi32>
        tpu.vector_store_idx %arg16[%select_n3A_1033], %add3A_1035 : memref<64xi32, #tpu.memory_space<vmem>>[vector<16xi32>], vector<16xi32>,
        %slice3A = vector.extract_strided_slice %masked_cumsum3A {offsets = [15], sizes = [1], strides = [1]} : vector<16xi32> to vector<1xi32>
        %squeeze3A = vector.extract %slice3A[0] : i32 from vector<1xi32>
        %add3A_1036 = arith.addi %while3A_1003, %squeeze3A : i32
        %mul3A_1037 = arith.constant 32 : i32
        %mul3A_1038 = arith.muli %while3A_1002, %mul3A_1037 : i32
        %add3A_1039 = arith.constant 16 : i32
        %add3A_1040 = arith.addi %mul3A_1038, %add3A_1039 : i32
        %get3A_1041 = arith.index_cast %add3A_1040 : i32 to index
        %get3A_1042 = tpu.vector_load %arg10[%get3A_1041] {strides = array<i32>} : memref<4096xf32, #tpu.memory_space<vmem>>, vector<16xf32>,
        %get3A_1043 = arith.index_cast %add3A_1040 : i32 to index
        %get3A_1044 = tpu.vector_load %arg11[%get3A_1043] {strides = array<i32>} : memref<4096xf32, #tpu.memory_space<vmem>>, vector<16xf32>,
        %get3A_1045 = arith.index_cast %add3A_1040 : i32 to index
        %get3A_1046 = tpu.vector_load %arg12[%get3A_1045] {strides = array<i32>} : memref<4096xf32, #tpu.memory_space<vmem>>, vector<16xf32>,
        %sub3A_1047 = arith.subf %get3A_1042, %gather3A_790 : vector<16xf32>
        %sub3A_1048 = arith.subf %get3A_1044, %gather3A_795 : vector<16xf32>
        %sub3A_1049 = arith.subf %get3A_1046, %gather3A_800 : vector<16xf32>
        %mul3A_1050 = arith.mulf %sub3A_1047, %sub3A_1047 : vector<16xf32>
        %mul3A_1051 = arith.mulf %sub3A_1048, %sub3A_1048 : vector<16xf32>
        %add3A_1052 = arith.addf %mul3A_1050, %mul3A_1051 : vector<16xf32>
        %mul3A_1053 = arith.mulf %sub3A_1049, %sub3A_1049 : vector<16xf32>
        %add3A_1054 = arith.addf %add3A_1052, %mul3A_1053 : vector<16xf32>
        %le3A_1055 = arith.constant 4.000000e-02 : f32
        %le3A_1056 = vector.broadcast %le3A_1055 : f32 to vector<16xf32>
        %le3A_1057 = arith.cmpf ole, %add3A_1054, %le3A_1056 : vector<16xf32>
        %convert_element_type3A_1058 = arith.extui %le3A_1057 : vector<16xi1> to vector<16xi32>
        %broadcast_in_dim3A_1059 = arith.constant true
        %broadcast_in_dim3A_1060 = vector.broadcast %broadcast_in_dim3A_1059 : i1 to vector<16xi1>
        %masked_cumsum3A_1061 = tpu.scan <sum>, %convert_element_type3A_1058 masked %broadcast_in_dim3A_1060 : vector<16xi32>, vector<16xi1> -> vector<16xi32>
        %add3A_1062 = vector.broadcast %add3A_1036 : i32 to vector<16xi32>
        %add3A_1063 = arith.addi %add3A_1062, %masked_cumsum3A_1061 : vector<16xi32>
        %sub3A_1064 = arith.constant 1 : i32
        %sub3A_1065 = vector.broadcast %sub3A_1064 : i32 to vector<16xi32>
        %sub3A_1066 = arith.subi %add3A_1063, %sub3A_1065 : vector<16xi32>
        %min3A_1067 = arith.constant 48 : i32
        %min3A_1068 = vector.broadcast %min3A_1067 : i32 to vector<16xi32>
        %min3A_1069 = arith.minsi %sub3A_1066, %min3A_1068 : vector<16xi32>
        %jit3A_1070 = arith.constant 56 : i32
        %broadcast_in_dim3A_1071 = vector.broadcast %jit3A_1070 : i32 to vector<16xi32>
        %select_n3A_1072 = arith.select %le3A_1057, %min3A_1069, %broadcast_in_dim3A_1071 : vector<16xi1>, vector<16xi32>
        %add3A_1073 = vector.broadcast %add3A_1040 : i32 to vector<16xi32>
        %add3A_1074 = arith.addi %iota3A, %add3A_1073 : vector<16xi32>
        tpu.vector_store_idx %arg16[%select_n3A_1072], %add3A_1074 : memref<64xi32, #tpu.memory_space<vmem>>[vector<16xi32>], vector<16xi32>,
        %slice3A_1075 = vector.extract_strided_slice %masked_cumsum3A_1061 {offsets = [15], sizes = [1], strides = [1]} : vector<16xi32> to vector<1xi32>
        %squeeze3A_1076 = vector.extract %slice3A_1075[0] : i32 from vector<1xi32>
        %add3A_1077 = arith.addi %add3A_1036, %squeeze3A_1076 : i32
        %add3A_1078 = arith.constant 1 : i32
        %add3A_1079 = arith.addi %while3A_1002, %add3A_1078 : i32
        scf.yield %add3A_1079, %add3A_1077 : i32, i32
      }
      %get3A_804 = arith.constant 0 : index
      %get3A_805 = tpu.vector_load %arg16[%get3A_804] {strides = array<i32>} : memref<64xi32, #tpu.memory_space<vmem>>, vector<16xi32>,
      %get3A_806 = arith.constant 16 : index
      %get3A_807 = tpu.vector_load %arg16[%get3A_806] {strides = array<i32>} : memref<64xi32, #tpu.memory_space<vmem>>, vector<16xi32>,
      %broadcast_in_dim3A_808 = vector.shape_cast %broadcast_in_dim3A_21 : vector<16xi32> to vector<16x1xi32>
      %gather3A_809 = vector.shape_cast %broadcast_in_dim3A_808 : vector<16x1xi32> to vector<16xi32>
      %gather3A_810 = tpu.dynamic_gather %get3A_805[%gather3A_809] in [0] : vector<16xi32>, vector<16xi32> -> vector<16xi32>
      %lt3A_811 = vector.broadcast %while3A_803#1 : i32 to vector<16xi32>
      %lt3A_812 = arith.cmpi slt, %iota3A, %lt3A_811 : vector<16xi32>
      %select_n3A_813 = arith.select %lt3A_812, %get3A_805, %gather3A_810 : vector<16xi1>, vector<16xi32>
      %add3A_814 = vector.broadcast %mul3A_20 : i32 to vector<16xi32>
      %add3A_815 = arith.addi %select_n3A_813, %add3A_814 : vector<16xi32>
      %add3A_816 = arith.constant 16 : i32
      %add3A_817 = vector.broadcast %add3A_816 : i32 to vector<16xi32>
      %add3A_818 = arith.addi %iota3A, %add3A_817 : vector<16xi32>
      %lt3A_819 = vector.broadcast %while3A_803#1 : i32 to vector<16xi32>
      %lt3A_820 = arith.cmpi slt, %add3A_818, %lt3A_819 : vector<16xi32>
      %select_n3A_821 = arith.select %lt3A_820, %get3A_807, %gather3A_810 : vector<16xi1>, vector<16xi32>
      %add3A_822 = vector.broadcast %mul3A_20 : i32 to vector<16xi32>
      %add3A_823 = arith.addi %select_n3A_821, %add3A_822 : vector<16xi32>
      %swap3A_824 = arith.constant 3 : i32
      %swap3A_825 = arith.constant 0 : i32
      %swap3A_826 = tpu.memref_slice %arg17[%swap3A_824, %swap3A_825] : memref<4x128xi32, #tpu.memory_space<vmem>> -> memref<1x128xi32, #tpu.memory_space<vmem>>
      %swap3A_827 = tpu.memref_squeeze %swap3A_826 : memref<1x128xi32, #tpu.memory_space<vmem>> -> memref<128xi32, #tpu.memory_space<vmem>>
      %swap3A_828 = arith.constant 32 : index
      %swap3A_829 = tpu.vector_load %swap3A_827[%swap3A_828] {strides = array<i32>} : memref<128xi32, #tpu.memory_space<vmem>>, vector<16xi32>,
      tpu.vector_store %swap3A_827[%swap3A_828], %add3A_815 {strides = array<i32>} : memref<128xi32, #tpu.memory_space<vmem>>, vector<16xi32>,
      %swap3A_830 = arith.constant 3 : i32
      %swap3A_831 = arith.constant 0 : i32
      %swap3A_832 = tpu.memref_slice %arg17[%swap3A_830, %swap3A_831] : memref<4x128xi32, #tpu.memory_space<vmem>> -> memref<1x128xi32, #tpu.memory_space<vmem>>
      %swap3A_833 = tpu.memref_squeeze %swap3A_832 : memref<1x128xi32, #tpu.memory_space<vmem>> -> memref<128xi32, #tpu.memory_space<vmem>>
      %swap3A_834 = arith.constant 48 : index
      %swap3A_835 = tpu.vector_load %swap3A_833[%swap3A_834] {strides = array<i32>} : memref<128xi32, #tpu.memory_space<vmem>>, vector<16xi32>,
      tpu.vector_store %swap3A_833[%swap3A_834], %add3A_823 {strides = array<i32>} : memref<128xi32, #tpu.memory_space<vmem>>, vector<16xi32>,
      %mul3A_836 = arith.constant 16 : i32
      %mul3A_837 = arith.muli %scan3A_27, %mul3A_836 : i32
      %add3A_838 = arith.constant 12 : i32
      %add3A_839 = arith.addi %mul3A_837, %add3A_838 : i32
      %add3A_840 = arith.constant 2 : i32
      %add3A_841 = arith.addi %add3A_839, %add3A_840 : i32
      %get3A_842 = arith.index_cast %add3A_841 : i32 to index
      %get3A_843 = tpu.vector_load %arg13[%get3A_842] {strides = array<i32>} : memref<272xf32, #tpu.memory_space<vmem>>, vector<16xf32>,
      %broadcast_in_dim3A_844 = vector.shape_cast %broadcast_in_dim3A_21 : vector<16xi32> to vector<16x1xi32>
      %gather3A_845 = vector.shape_cast %broadcast_in_dim3A_844 : vector<16x1xi32> to vector<16xi32>
      %gather3A_846 = tpu.dynamic_gather %get3A_843[%gather3A_845] in [0] : vector<16xf32>, vector<16xi32> -> vector<16xf32>
      %get3A_847 = arith.index_cast %add3A_841 : i32 to index
      %get3A_848 = tpu.vector_load %arg14[%get3A_847] {strides = array<i32>} : memref<272xf32, #tpu.memory_space<vmem>>, vector<16xf32>,
      %broadcast_in_dim3A_849 = vector.shape_cast %broadcast_in_dim3A_21 : vector<16xi32> to vector<16x1xi32>
      %gather3A_850 = vector.shape_cast %broadcast_in_dim3A_849 : vector<16x1xi32> to vector<16xi32>
      %gather3A_851 = tpu.dynamic_gather %get3A_848[%gather3A_850] in [0] : vector<16xf32>, vector<16xi32> -> vector<16xf32>
      %get3A_852 = arith.index_cast %add3A_841 : i32 to index
      %get3A_853 = tpu.vector_load %arg15[%get3A_852] {strides = array<i32>} : memref<272xf32, #tpu.memory_space<vmem>>, vector<16xf32>,
      %broadcast_in_dim3A_854 = vector.shape_cast %broadcast_in_dim3A_21 : vector<16xi32> to vector<16x1xi32>
      %gather3A_855 = vector.shape_cast %broadcast_in_dim3A_854 : vector<16x1xi32> to vector<16xi32>
      %gather3A_856 = tpu.dynamic_gather %get3A_853[%gather3A_855] in [0] : vector<16xf32>, vector<16xi32> -> vector<16xf32>
      %while3A_857 = arith.constant 0 : i32
      %while3A_858 = arith.constant 0 : i32
      %while3A_859:2 = scf.while (%while3A_1002 = %while3A_857, %while3A_1003 = %while3A_858) : (i32, i32) -> (i32, i32) {
        %lt3A_1004 = arith.constant 128 : i32
        %lt3A_1005 = arith.cmpi slt, %while3A_1002, %lt3A_1004 : i32
        %lt3A_1006 = arith.constant 32 : i32
        %lt3A_1007 = arith.cmpi slt, %while3A_1003, %lt3A_1006 : i32
        %and3A_1008 = arith.andi %lt3A_1005, %lt3A_1007 : i1
        scf.condition(%and3A_1008) %while3A_1002, %while3A_1003 : i32, i32
      } do {
      ^bb0(%while3A_1002: i32, %while3A_1003: i32):
        %mul3A_1004 = arith.constant 32 : i32
        %mul3A_1005 = arith.muli %while3A_1002, %mul3A_1004 : i32
        %get3A_1006 = arith.index_cast %mul3A_1005 : i32 to index
        %get3A_1007 = tpu.vector_load %arg10[%get3A_1006] {strides = array<i32>} : memref<4096xf32, #tpu.memory_space<vmem>>, vector<16xf32>,
        %get3A_1008 = arith.index_cast %mul3A_1005 : i32 to index
        %get3A_1009 = tpu.vector_load %arg11[%get3A_1008] {strides = array<i32>} : memref<4096xf32, #tpu.memory_space<vmem>>, vector<16xf32>,
        %get3A_1010 = arith.index_cast %mul3A_1005 : i32 to index
        %get3A_1011 = tpu.vector_load %arg12[%get3A_1010] {strides = array<i32>} : memref<4096xf32, #tpu.memory_space<vmem>>, vector<16xf32>,
        %sub3A_1012 = arith.subf %get3A_1007, %gather3A_846 : vector<16xf32>
        %sub3A_1013 = arith.subf %get3A_1009, %gather3A_851 : vector<16xf32>
        %sub3A_1014 = arith.subf %get3A_1011, %gather3A_856 : vector<16xf32>
        %mul3A_1015 = arith.mulf %sub3A_1012, %sub3A_1012 : vector<16xf32>
        %mul3A_1016 = arith.mulf %sub3A_1013, %sub3A_1013 : vector<16xf32>
        %add3A_1017 = arith.addf %mul3A_1015, %mul3A_1016 : vector<16xf32>
        %mul3A_1018 = arith.mulf %sub3A_1014, %sub3A_1014 : vector<16xf32>
        %add3A_1019 = arith.addf %add3A_1017, %mul3A_1018 : vector<16xf32>
        %le3A = arith.constant 4.000000e-02 : f32
        %le3A_1020 = vector.broadcast %le3A : f32 to vector<16xf32>
        %le3A_1021 = arith.cmpf ole, %add3A_1019, %le3A_1020 : vector<16xf32>
        %convert_element_type3A = arith.extui %le3A_1021 : vector<16xi1> to vector<16xi32>
        %broadcast_in_dim3A_1022 = arith.constant true
        %broadcast_in_dim3A_1023 = vector.broadcast %broadcast_in_dim3A_1022 : i1 to vector<16xi1>
        %masked_cumsum3A = tpu.scan <sum>, %convert_element_type3A masked %broadcast_in_dim3A_1023 : vector<16xi32>, vector<16xi1> -> vector<16xi32>
        %add3A_1024 = vector.broadcast %while3A_1003 : i32 to vector<16xi32>
        %add3A_1025 = arith.addi %add3A_1024, %masked_cumsum3A : vector<16xi32>
        %sub3A_1026 = arith.constant 1 : i32
        %sub3A_1027 = vector.broadcast %sub3A_1026 : i32 to vector<16xi32>
        %sub3A_1028 = arith.subi %add3A_1025, %sub3A_1027 : vector<16xi32>
        %min3A = arith.constant 48 : i32
        %min3A_1029 = vector.broadcast %min3A : i32 to vector<16xi32>
        %min3A_1030 = arith.minsi %sub3A_1028, %min3A_1029 : vector<16xi32>
        %jit3A_1031 = arith.constant 56 : i32
        %broadcast_in_dim3A_1032 = vector.broadcast %jit3A_1031 : i32 to vector<16xi32>
        %select_n3A_1033 = arith.select %le3A_1021, %min3A_1030, %broadcast_in_dim3A_1032 : vector<16xi1>, vector<16xi32>
        %add3A_1034 = vector.broadcast %mul3A_1005 : i32 to vector<16xi32>
        %add3A_1035 = arith.addi %iota3A, %add3A_1034 : vector<16xi32>
        tpu.vector_store_idx %arg16[%select_n3A_1033], %add3A_1035 : memref<64xi32, #tpu.memory_space<vmem>>[vector<16xi32>], vector<16xi32>,
        %slice3A = vector.extract_strided_slice %masked_cumsum3A {offsets = [15], sizes = [1], strides = [1]} : vector<16xi32> to vector<1xi32>
        %squeeze3A = vector.extract %slice3A[0] : i32 from vector<1xi32>
        %add3A_1036 = arith.addi %while3A_1003, %squeeze3A : i32
        %mul3A_1037 = arith.constant 32 : i32
        %mul3A_1038 = arith.muli %while3A_1002, %mul3A_1037 : i32
        %add3A_1039 = arith.constant 16 : i32
        %add3A_1040 = arith.addi %mul3A_1038, %add3A_1039 : i32
        %get3A_1041 = arith.index_cast %add3A_1040 : i32 to index
        %get3A_1042 = tpu.vector_load %arg10[%get3A_1041] {strides = array<i32>} : memref<4096xf32, #tpu.memory_space<vmem>>, vector<16xf32>,
        %get3A_1043 = arith.index_cast %add3A_1040 : i32 to index
        %get3A_1044 = tpu.vector_load %arg11[%get3A_1043] {strides = array<i32>} : memref<4096xf32, #tpu.memory_space<vmem>>, vector<16xf32>,
        %get3A_1045 = arith.index_cast %add3A_1040 : i32 to index
        %get3A_1046 = tpu.vector_load %arg12[%get3A_1045] {strides = array<i32>} : memref<4096xf32, #tpu.memory_space<vmem>>, vector<16xf32>,
        %sub3A_1047 = arith.subf %get3A_1042, %gather3A_846 : vector<16xf32>
        %sub3A_1048 = arith.subf %get3A_1044, %gather3A_851 : vector<16xf32>
        %sub3A_1049 = arith.subf %get3A_1046, %gather3A_856 : vector<16xf32>
        %mul3A_1050 = arith.mulf %sub3A_1047, %sub3A_1047 : vector<16xf32>
        %mul3A_1051 = arith.mulf %sub3A_1048, %sub3A_1048 : vector<16xf32>
        %add3A_1052 = arith.addf %mul3A_1050, %mul3A_1051 : vector<16xf32>
        %mul3A_1053 = arith.mulf %sub3A_1049, %sub3A_1049 : vector<16xf32>
        %add3A_1054 = arith.addf %add3A_1052, %mul3A_1053 : vector<16xf32>
        %le3A_1055 = arith.constant 4.000000e-02 : f32
        %le3A_1056 = vector.broadcast %le3A_1055 : f32 to vector<16xf32>
        %le3A_1057 = arith.cmpf ole, %add3A_1054, %le3A_1056 : vector<16xf32>
        %convert_element_type3A_1058 = arith.extui %le3A_1057 : vector<16xi1> to vector<16xi32>
        %broadcast_in_dim3A_1059 = arith.constant true
        %broadcast_in_dim3A_1060 = vector.broadcast %broadcast_in_dim3A_1059 : i1 to vector<16xi1>
        %masked_cumsum3A_1061 = tpu.scan <sum>, %convert_element_type3A_1058 masked %broadcast_in_dim3A_1060 : vector<16xi32>, vector<16xi1> -> vector<16xi32>
        %add3A_1062 = vector.broadcast %add3A_1036 : i32 to vector<16xi32>
        %add3A_1063 = arith.addi %add3A_1062, %masked_cumsum3A_1061 : vector<16xi32>
        %sub3A_1064 = arith.constant 1 : i32
        %sub3A_1065 = vector.broadcast %sub3A_1064 : i32 to vector<16xi32>
        %sub3A_1066 = arith.subi %add3A_1063, %sub3A_1065 : vector<16xi32>
        %min3A_1067 = arith.constant 48 : i32
        %min3A_1068 = vector.broadcast %min3A_1067 : i32 to vector<16xi32>
        %min3A_1069 = arith.minsi %sub3A_1066, %min3A_1068 : vector<16xi32>
        %jit3A_1070 = arith.constant 56 : i32
        %broadcast_in_dim3A_1071 = vector.broadcast %jit3A_1070 : i32 to vector<16xi32>
        %select_n3A_1072 = arith.select %le3A_1057, %min3A_1069, %broadcast_in_dim3A_1071 : vector<16xi1>, vector<16xi32>
        %add3A_1073 = vector.broadcast %add3A_1040 : i32 to vector<16xi32>
        %add3A_1074 = arith.addi %iota3A, %add3A_1073 : vector<16xi32>
        tpu.vector_store_idx %arg16[%select_n3A_1072], %add3A_1074 : memref<64xi32, #tpu.memory_space<vmem>>[vector<16xi32>], vector<16xi32>,
        %slice3A_1075 = vector.extract_strided_slice %masked_cumsum3A_1061 {offsets = [15], sizes = [1], strides = [1]} : vector<16xi32> to vector<1xi32>
        %squeeze3A_1076 = vector.extract %slice3A_1075[0] : i32 from vector<1xi32>
        %add3A_1077 = arith.addi %add3A_1036, %squeeze3A_1076 : i32
        %add3A_1078 = arith.constant 1 : i32
        %add3A_1079 = arith.addi %while3A_1002, %add3A_1078 : i32
        scf.yield %add3A_1079, %add3A_1077 : i32, i32
      }
      %get3A_860 = arith.constant 0 : index
      %get3A_861 = tpu.vector_load %arg16[%get3A_860] {strides = array<i32>} : memref<64xi32, #tpu.memory_space<vmem>>, vector<16xi32>,
      %get3A_862 = arith.constant 16 : index
      %get3A_863 = tpu.vector_load %arg16[%get3A_862] {strides = array<i32>} : memref<64xi32, #tpu.memory_space<vmem>>, vector<16xi32>,
      %broadcast_in_dim3A_864 = vector.shape_cast %broadcast_in_dim3A_21 : vector<16xi32> to vector<16x1xi32>
      %gather3A_865 = vector.shape_cast %broadcast_in_dim3A_864 : vector<16x1xi32> to vector<16xi32>
      %gather3A_866 = tpu.dynamic_gather %get3A_861[%gather3A_865] in [0] : vector<16xi32>, vector<16xi32> -> vector<16xi32>
      %lt3A_867 = vector.broadcast %while3A_859#1 : i32 to vector<16xi32>
      %lt3A_868 = arith.cmpi slt, %iota3A, %lt3A_867 : vector<16xi32>
      %select_n3A_869 = arith.select %lt3A_868, %get3A_861, %gather3A_866 : vector<16xi1>, vector<16xi32>
      %add3A_870 = vector.broadcast %mul3A_20 : i32 to vector<16xi32>
      %add3A_871 = arith.addi %select_n3A_869, %add3A_870 : vector<16xi32>
      %add3A_872 = arith.constant 16 : i32
      %add3A_873 = vector.broadcast %add3A_872 : i32 to vector<16xi32>
      %add3A_874 = arith.addi %iota3A, %add3A_873 : vector<16xi32>
      %lt3A_875 = vector.broadcast %while3A_859#1 : i32 to vector<16xi32>
      %lt3A_876 = arith.cmpi slt, %add3A_874, %lt3A_875 : vector<16xi32>
      %select_n3A_877 = arith.select %lt3A_876, %get3A_863, %gather3A_866 : vector<16xi1>, vector<16xi32>
      %add3A_878 = vector.broadcast %mul3A_20 : i32 to vector<16xi32>
      %add3A_879 = arith.addi %select_n3A_877, %add3A_878 : vector<16xi32>
      %swap3A_880 = arith.constant 3 : i32
      %swap3A_881 = arith.constant 0 : i32
      %swap3A_882 = tpu.memref_slice %arg17[%swap3A_880, %swap3A_881] : memref<4x128xi32, #tpu.memory_space<vmem>> -> memref<1x128xi32, #tpu.memory_space<vmem>>
      %swap3A_883 = tpu.memref_squeeze %swap3A_882 : memref<1x128xi32, #tpu.memory_space<vmem>> -> memref<128xi32, #tpu.memory_space<vmem>>
      %swap3A_884 = arith.constant 64 : index
      %swap3A_885 = tpu.vector_load %swap3A_883[%swap3A_884] {strides = array<i32>} : memref<128xi32, #tpu.memory_space<vmem>>, vector<16xi32>,
      tpu.vector_store %swap3A_883[%swap3A_884], %add3A_871 {strides = array<i32>} : memref<128xi32, #tpu.memory_space<vmem>>, vector<16xi32>,
      %swap3A_886 = arith.constant 3 : i32
      %swap3A_887 = arith.constant 0 : i32
      %swap3A_888 = tpu.memref_slice %arg17[%swap3A_886, %swap3A_887] : memref<4x128xi32, #tpu.memory_space<vmem>> -> memref<1x128xi32, #tpu.memory_space<vmem>>
      %swap3A_889 = tpu.memref_squeeze %swap3A_888 : memref<1x128xi32, #tpu.memory_space<vmem>> -> memref<128xi32, #tpu.memory_space<vmem>>
      %swap3A_890 = arith.constant 80 : index
      %swap3A_891 = tpu.vector_load %swap3A_889[%swap3A_890] {strides = array<i32>} : memref<128xi32, #tpu.memory_space<vmem>>, vector<16xi32>,
      tpu.vector_store %swap3A_889[%swap3A_890], %add3A_879 {strides = array<i32>} : memref<128xi32, #tpu.memory_space<vmem>>, vector<16xi32>,
      %mul3A_892 = arith.constant 16 : i32
      %mul3A_893 = arith.muli %scan3A_27, %mul3A_892 : i32
      %add3A_894 = arith.constant 12 : i32
      %add3A_895 = arith.addi %mul3A_893, %add3A_894 : i32
      %add3A_896 = arith.constant 3 : i32
      %add3A_897 = arith.addi %add3A_895, %add3A_896 : i32
      %get3A_898 = arith.index_cast %add3A_897 : i32 to index
      %get3A_899 = tpu.vector_load %arg13[%get3A_898] {strides = array<i32>} : memref<272xf32, #tpu.memory_space<vmem>>, vector<16xf32>,
      %broadcast_in_dim3A_900 = vector.shape_cast %broadcast_in_dim3A_21 : vector<16xi32> to vector<16x1xi32>
      %gather3A_901 = vector.shape_cast %broadcast_in_dim3A_900 : vector<16x1xi32> to vector<16xi32>
      %gather3A_902 = tpu.dynamic_gather %get3A_899[%gather3A_901] in [0] : vector<16xf32>, vector<16xi32> -> vector<16xf32>
      %get3A_903 = arith.index_cast %add3A_897 : i32 to index
      %get3A_904 = tpu.vector_load %arg14[%get3A_903] {strides = array<i32>} : memref<272xf32, #tpu.memory_space<vmem>>, vector<16xf32>,
      %broadcast_in_dim3A_905 = vector.shape_cast %broadcast_in_dim3A_21 : vector<16xi32> to vector<16x1xi32>
      %gather3A_906 = vector.shape_cast %broadcast_in_dim3A_905 : vector<16x1xi32> to vector<16xi32>
      %gather3A_907 = tpu.dynamic_gather %get3A_904[%gather3A_906] in [0] : vector<16xf32>, vector<16xi32> -> vector<16xf32>
      %get3A_908 = arith.index_cast %add3A_897 : i32 to index
      %get3A_909 = tpu.vector_load %arg15[%get3A_908] {strides = array<i32>} : memref<272xf32, #tpu.memory_space<vmem>>, vector<16xf32>,
      %broadcast_in_dim3A_910 = vector.shape_cast %broadcast_in_dim3A_21 : vector<16xi32> to vector<16x1xi32>
      %gather3A_911 = vector.shape_cast %broadcast_in_dim3A_910 : vector<16x1xi32> to vector<16xi32>
      %gather3A_912 = tpu.dynamic_gather %get3A_909[%gather3A_911] in [0] : vector<16xf32>, vector<16xi32> -> vector<16xf32>
      %while3A_913 = arith.constant 0 : i32
      %while3A_914 = arith.constant 0 : i32
      %while3A_915:2 = scf.while (%while3A_1002 = %while3A_913, %while3A_1003 = %while3A_914) : (i32, i32) -> (i32, i32) {
        %lt3A_1004 = arith.constant 128 : i32
        %lt3A_1005 = arith.cmpi slt, %while3A_1002, %lt3A_1004 : i32
        %lt3A_1006 = arith.constant 32 : i32
        %lt3A_1007 = arith.cmpi slt, %while3A_1003, %lt3A_1006 : i32
        %and3A_1008 = arith.andi %lt3A_1005, %lt3A_1007 : i1
        scf.condition(%and3A_1008) %while3A_1002, %while3A_1003 : i32, i32
      } do {
      ^bb0(%while3A_1002: i32, %while3A_1003: i32):
        %mul3A_1004 = arith.constant 32 : i32
        %mul3A_1005 = arith.muli %while3A_1002, %mul3A_1004 : i32
        %get3A_1006 = arith.index_cast %mul3A_1005 : i32 to index
        %get3A_1007 = tpu.vector_load %arg10[%get3A_1006] {strides = array<i32>} : memref<4096xf32, #tpu.memory_space<vmem>>, vector<16xf32>,
        %get3A_1008 = arith.index_cast %mul3A_1005 : i32 to index
        %get3A_1009 = tpu.vector_load %arg11[%get3A_1008] {strides = array<i32>} : memref<4096xf32, #tpu.memory_space<vmem>>, vector<16xf32>,
        %get3A_1010 = arith.index_cast %mul3A_1005 : i32 to index
        %get3A_1011 = tpu.vector_load %arg12[%get3A_1010] {strides = array<i32>} : memref<4096xf32, #tpu.memory_space<vmem>>, vector<16xf32>,
        %sub3A_1012 = arith.subf %get3A_1007, %gather3A_902 : vector<16xf32>
        %sub3A_1013 = arith.subf %get3A_1009, %gather3A_907 : vector<16xf32>
        %sub3A_1014 = arith.subf %get3A_1011, %gather3A_912 : vector<16xf32>
        %mul3A_1015 = arith.mulf %sub3A_1012, %sub3A_1012 : vector<16xf32>
        %mul3A_1016 = arith.mulf %sub3A_1013, %sub3A_1013 : vector<16xf32>
        %add3A_1017 = arith.addf %mul3A_1015, %mul3A_1016 : vector<16xf32>
        %mul3A_1018 = arith.mulf %sub3A_1014, %sub3A_1014 : vector<16xf32>
        %add3A_1019 = arith.addf %add3A_1017, %mul3A_1018 : vector<16xf32>
        %le3A = arith.constant 4.000000e-02 : f32
        %le3A_1020 = vector.broadcast %le3A : f32 to vector<16xf32>
        %le3A_1021 = arith.cmpf ole, %add3A_1019, %le3A_1020 : vector<16xf32>
        %convert_element_type3A = arith.extui %le3A_1021 : vector<16xi1> to vector<16xi32>
        %broadcast_in_dim3A_1022 = arith.constant true
        %broadcast_in_dim3A_1023 = vector.broadcast %broadcast_in_dim3A_1022 : i1 to vector<16xi1>
        %masked_cumsum3A = tpu.scan <sum>, %convert_element_type3A masked %broadcast_in_dim3A_1023 : vector<16xi32>, vector<16xi1> -> vector<16xi32>
        %add3A_1024 = vector.broadcast %while3A_1003 : i32 to vector<16xi32>
        %add3A_1025 = arith.addi %add3A_1024, %masked_cumsum3A : vector<16xi32>
        %sub3A_1026 = arith.constant 1 : i32
        %sub3A_1027 = vector.broadcast %sub3A_1026 : i32 to vector<16xi32>
        %sub3A_1028 = arith.subi %add3A_1025, %sub3A_1027 : vector<16xi32>
        %min3A = arith.constant 48 : i32
        %min3A_1029 = vector.broadcast %min3A : i32 to vector<16xi32>
        %min3A_1030 = arith.minsi %sub3A_1028, %min3A_1029 : vector<16xi32>
        %jit3A_1031 = arith.constant 56 : i32
        %broadcast_in_dim3A_1032 = vector.broadcast %jit3A_1031 : i32 to vector<16xi32>
        %select_n3A_1033 = arith.select %le3A_1021, %min3A_1030, %broadcast_in_dim3A_1032 : vector<16xi1>, vector<16xi32>
        %add3A_1034 = vector.broadcast %mul3A_1005 : i32 to vector<16xi32>
        %add3A_1035 = arith.addi %iota3A, %add3A_1034 : vector<16xi32>
        tpu.vector_store_idx %arg16[%select_n3A_1033], %add3A_1035 : memref<64xi32, #tpu.memory_space<vmem>>[vector<16xi32>], vector<16xi32>,
        %slice3A = vector.extract_strided_slice %masked_cumsum3A {offsets = [15], sizes = [1], strides = [1]} : vector<16xi32> to vector<1xi32>
        %squeeze3A = vector.extract %slice3A[0] : i32 from vector<1xi32>
        %add3A_1036 = arith.addi %while3A_1003, %squeeze3A : i32
        %mul3A_1037 = arith.constant 32 : i32
        %mul3A_1038 = arith.muli %while3A_1002, %mul3A_1037 : i32
        %add3A_1039 = arith.constant 16 : i32
        %add3A_1040 = arith.addi %mul3A_1038, %add3A_1039 : i32
        %get3A_1041 = arith.index_cast %add3A_1040 : i32 to index
        %get3A_1042 = tpu.vector_load %arg10[%get3A_1041] {strides = array<i32>} : memref<4096xf32, #tpu.memory_space<vmem>>, vector<16xf32>,
        %get3A_1043 = arith.index_cast %add3A_1040 : i32 to index
        %get3A_1044 = tpu.vector_load %arg11[%get3A_1043] {strides = array<i32>} : memref<4096xf32, #tpu.memory_space<vmem>>, vector<16xf32>,
        %get3A_1045 = arith.index_cast %add3A_1040 : i32 to index
        %get3A_1046 = tpu.vector_load %arg12[%get3A_1045] {strides = array<i32>} : memref<4096xf32, #tpu.memory_space<vmem>>, vector<16xf32>,
        %sub3A_1047 = arith.subf %get3A_1042, %gather3A_902 : vector<16xf32>
        %sub3A_1048 = arith.subf %get3A_1044, %gather3A_907 : vector<16xf32>
        %sub3A_1049 = arith.subf %get3A_1046, %gather3A_912 : vector<16xf32>
        %mul3A_1050 = arith.mulf %sub3A_1047, %sub3A_1047 : vector<16xf32>
        %mul3A_1051 = arith.mulf %sub3A_1048, %sub3A_1048 : vector<16xf32>
        %add3A_1052 = arith.addf %mul3A_1050, %mul3A_1051 : vector<16xf32>
        %mul3A_1053 = arith.mulf %sub3A_1049, %sub3A_1049 : vector<16xf32>
        %add3A_1054 = arith.addf %add3A_1052, %mul3A_1053 : vector<16xf32>
        %le3A_1055 = arith.constant 4.000000e-02 : f32
        %le3A_1056 = vector.broadcast %le3A_1055 : f32 to vector<16xf32>
        %le3A_1057 = arith.cmpf ole, %add3A_1054, %le3A_1056 : vector<16xf32>
        %convert_element_type3A_1058 = arith.extui %le3A_1057 : vector<16xi1> to vector<16xi32>
        %broadcast_in_dim3A_1059 = arith.constant true
        %broadcast_in_dim3A_1060 = vector.broadcast %broadcast_in_dim3A_1059 : i1 to vector<16xi1>
        %masked_cumsum3A_1061 = tpu.scan <sum>, %convert_element_type3A_1058 masked %broadcast_in_dim3A_1060 : vector<16xi32>, vector<16xi1> -> vector<16xi32>
        %add3A_1062 = vector.broadcast %add3A_1036 : i32 to vector<16xi32>
        %add3A_1063 = arith.addi %add3A_1062, %masked_cumsum3A_1061 : vector<16xi32>
        %sub3A_1064 = arith.constant 1 : i32
        %sub3A_1065 = vector.broadcast %sub3A_1064 : i32 to vector<16xi32>
        %sub3A_1066 = arith.subi %add3A_1063, %sub3A_1065 : vector<16xi32>
        %min3A_1067 = arith.constant 48 : i32
        %min3A_1068 = vector.broadcast %min3A_1067 : i32 to vector<16xi32>
        %min3A_1069 = arith.minsi %sub3A_1066, %min3A_1068 : vector<16xi32>
        %jit3A_1070 = arith.constant 56 : i32
        %broadcast_in_dim3A_1071 = vector.broadcast %jit3A_1070 : i32 to vector<16xi32>
        %select_n3A_1072 = arith.select %le3A_1057, %min3A_1069, %broadcast_in_dim3A_1071 : vector<16xi1>, vector<16xi32>
        %add3A_1073 = vector.broadcast %add3A_1040 : i32 to vector<16xi32>
        %add3A_1074 = arith.addi %iota3A, %add3A_1073 : vector<16xi32>
        tpu.vector_store_idx %arg16[%select_n3A_1072], %add3A_1074 : memref<64xi32, #tpu.memory_space<vmem>>[vector<16xi32>], vector<16xi32>,
        %slice3A_1075 = vector.extract_strided_slice %masked_cumsum3A_1061 {offsets = [15], sizes = [1], strides = [1]} : vector<16xi32> to vector<1xi32>
        %squeeze3A_1076 = vector.extract %slice3A_1075[0] : i32 from vector<1xi32>
        %add3A_1077 = arith.addi %add3A_1036, %squeeze3A_1076 : i32
        %add3A_1078 = arith.constant 1 : i32
        %add3A_1079 = arith.addi %while3A_1002, %add3A_1078 : i32
        scf.yield %add3A_1079, %add3A_1077 : i32, i32
      }
      %get3A_916 = arith.constant 0 : index
      %get3A_917 = tpu.vector_load %arg16[%get3A_916] {strides = array<i32>} : memref<64xi32, #tpu.memory_space<vmem>>, vector<16xi32>,
      %get3A_918 = arith.constant 16 : index
      %get3A_919 = tpu.vector_load %arg16[%get3A_918] {strides = array<i32>} : memref<64xi32, #tpu.memory_space<vmem>>, vector<16xi32>,
      %broadcast_in_dim3A_920 = vector.shape_cast %broadcast_in_dim3A_21 : vector<16xi32> to vector<16x1xi32>
      %gather3A_921 = vector.shape_cast %broadcast_in_dim3A_920 : vector<16x1xi32> to vector<16xi32>
      %gather3A_922 = tpu.dynamic_gather %get3A_917[%gather3A_921] in [0] : vector<16xi32>, vector<16xi32> -> vector<16xi32>
      %lt3A_923 = vector.broadcast %while3A_915#1 : i32 to vector<16xi32>
      %lt3A_924 = arith.cmpi slt, %iota3A, %lt3A_923 : vector<16xi32>
      %select_n3A_925 = arith.select %lt3A_924, %get3A_917, %gather3A_922 : vector<16xi1>, vector<16xi32>
      %add3A_926 = vector.broadcast %mul3A_20 : i32 to vector<16xi32>
      %add3A_927 = arith.addi %select_n3A_925, %add3A_926 : vector<16xi32>
      %add3A_928 = arith.constant 16 : i32
      %add3A_929 = vector.broadcast %add3A_928 : i32 to vector<16xi32>
      %add3A_930 = arith.addi %iota3A, %add3A_929 : vector<16xi32>
      %lt3A_931 = vector.broadcast %while3A_915#1 : i32 to vector<16xi32>
      %lt3A_932 = arith.cmpi slt, %add3A_930, %lt3A_931 : vector<16xi32>
      %select_n3A_933 = arith.select %lt3A_932, %get3A_919, %gather3A_922 : vector<16xi1>, vector<16xi32>
      %add3A_934 = vector.broadcast %mul3A_20 : i32 to vector<16xi32>
      %add3A_935 = arith.addi %select_n3A_933, %add3A_934 : vector<16xi32>
      %swap3A_936 = arith.constant 3 : i32
      %swap3A_937 = arith.constant 0 : i32
      %swap3A_938 = tpu.memref_slice %arg17[%swap3A_936, %swap3A_937] : memref<4x128xi32, #tpu.memory_space<vmem>> -> memref<1x128xi32, #tpu.memory_space<vmem>>
      %swap3A_939 = tpu.memref_squeeze %swap3A_938 : memref<1x128xi32, #tpu.memory_space<vmem>> -> memref<128xi32, #tpu.memory_space<vmem>>
      %swap3A_940 = arith.constant 96 : index
      %swap3A_941 = tpu.vector_load %swap3A_939[%swap3A_940] {strides = array<i32>} : memref<128xi32, #tpu.memory_space<vmem>>, vector<16xi32>,
      tpu.vector_store %swap3A_939[%swap3A_940], %add3A_927 {strides = array<i32>} : memref<128xi32, #tpu.memory_space<vmem>>, vector<16xi32>,
      %swap3A_942 = arith.constant 3 : i32
      %swap3A_943 = arith.constant 0 : i32
      %swap3A_944 = tpu.memref_slice %arg17[%swap3A_942, %swap3A_943] : memref<4x128xi32, #tpu.memory_space<vmem>> -> memref<1x128xi32, #tpu.memory_space<vmem>>
      %swap3A_945 = tpu.memref_squeeze %swap3A_944 : memref<1x128xi32, #tpu.memory_space<vmem>> -> memref<128xi32, #tpu.memory_space<vmem>>
      %swap3A_946 = arith.constant 112 : index
      %swap3A_947 = tpu.vector_load %swap3A_945[%swap3A_946] {strides = array<i32>} : memref<128xi32, #tpu.memory_space<vmem>>, vector<16xi32>,
      tpu.vector_store %swap3A_945[%swap3A_946], %add3A_935 {strides = array<i32>} : memref<128xi32, #tpu.memory_space<vmem>>, vector<16xi32>,
      %dma_start3A_948 = arith.constant 3 : i32
      %dma_start3A_949 = arith.constant 384 : i32
      %dma_start3A_950 = arith.constant 0 : i32
      %dma_start3A_951 = tpu.memref_slice %arg18[%dma_start3A_949, %dma_start3A_950] : memref<512x64xf32, #tpu.memory_space<vmem>> -> memref<128x64xf32, #tpu.memory_space<vmem>>
      %dma_start3A_952 = arith.constant 0 : i32
      %dma_start3A_953 = tpu.memref_slice %arg17[%dma_start3A_948, %dma_start3A_952] : memref<4x128xi32, #tpu.memory_space<vmem>> -> memref<1x128xi32, #tpu.memory_space<vmem>>
      %dma_start3A_954 = tpu.memref_squeeze %dma_start3A_953 : memref<1x128xi32, #tpu.memory_space<vmem>> -> memref<128xi32, #tpu.memory_space<vmem>>
      %dma_start3A_955 = arith.constant 0 : i32
      %dma_start3A_956 = arith.constant 0 : i32
      %dma_start3A_957 = tpu.memref_slice %arg8[%dma_start3A_955, %dma_start3A_956] : memref<32768x64xf32, #tpu.memory_space<hbm>> -> memref<32768x64xf32, #tpu.memory_space<hbm>>
      tpu.enqueue_indirect_dma source(%dma_start3A_957 : memref<32768x64xf32, #tpu.memory_space<hbm>>) target(%dma_start3A_951 : memref<128x64xf32, #tpu.memory_space<vmem>>) offsets(%dma_start3A_954 : memref<128xi32, #tpu.memory_space<vmem>>) semaphore(%arg22 : memref<!tpu.dma_semaphore, #tpu.memory_space<semaphore_mem>>)
      %dma_wait3A = arith.constant 0 : i32
      %dma_wait3A_958 = arith.constant 0 : i32
      %dma_wait3A_959 = arith.constant 0 : i32
      %dma_wait3A_960 = tpu.memref_slice %arg18[%dma_wait3A_958, %dma_wait3A_959] : memref<512x64xf32, #tpu.memory_space<vmem>> -> memref<128x64xf32, #tpu.memory_space<vmem>>
      %dma_wait3A_961 = arith.constant 0 : i32
      %dma_wait3A_962 = tpu.memref_slice %arg17[%dma_wait3A, %dma_wait3A_961] : memref<4x128xi32, #tpu.memory_space<vmem>> -> memref<1x128xi32, #tpu.memory_space<vmem>>
      %dma_wait3A_963 = tpu.memref_squeeze %dma_wait3A_962 : memref<1x128xi32, #tpu.memory_space<vmem>> -> memref<128xi32, #tpu.memory_space<vmem>>
      %dma_wait3A_964 = arith.constant 0 : i32
      %dma_wait3A_965 = arith.constant 0 : i32
      %dma_wait3A_966 = tpu.memref_slice %arg8[%dma_wait3A_964, %dma_wait3A_965] : memref<32768x64xf32, #tpu.memory_space<hbm>> -> memref<32768x64xf32, #tpu.memory_space<hbm>>
      tpu.wait_indirect_dma semaphore(%arg19 : memref<!tpu.dma_semaphore, #tpu.memory_space<semaphore_mem>>) src(%dma_wait3A_966 : memref<32768x64xf32, #tpu.memory_space<hbm>>) dst(%dma_wait3A_960 : memref<128x64xf32, #tpu.memory_space<vmem>>)
      %dma_wait3A_967 = arith.constant 1 : i32
      %dma_wait3A_968 = arith.constant 128 : i32
      %dma_wait3A_969 = arith.constant 0 : i32
      %dma_wait3A_970 = tpu.memref_slice %arg18[%dma_wait3A_968, %dma_wait3A_969] : memref<512x64xf32, #tpu.memory_space<vmem>> -> memref<128x64xf32, #tpu.memory_space<vmem>>
      %dma_wait3A_971 = arith.constant 0 : i32
      %dma_wait3A_972 = tpu.memref_slice %arg17[%dma_wait3A_967, %dma_wait3A_971] : memref<4x128xi32, #tpu.memory_space<vmem>> -> memref<1x128xi32, #tpu.memory_space<vmem>>
      %dma_wait3A_973 = tpu.memref_squeeze %dma_wait3A_972 : memref<1x128xi32, #tpu.memory_space<vmem>> -> memref<128xi32, #tpu.memory_space<vmem>>
      %dma_wait3A_974 = arith.constant 0 : i32
      %dma_wait3A_975 = arith.constant 0 : i32
      %dma_wait3A_976 = tpu.memref_slice %arg8[%dma_wait3A_974, %dma_wait3A_975] : memref<32768x64xf32, #tpu.memory_space<hbm>> -> memref<32768x64xf32, #tpu.memory_space<hbm>>
      tpu.wait_indirect_dma semaphore(%arg20 : memref<!tpu.dma_semaphore, #tpu.memory_space<semaphore_mem>>) src(%dma_wait3A_976 : memref<32768x64xf32, #tpu.memory_space<hbm>>) dst(%dma_wait3A_970 : memref<128x64xf32, #tpu.memory_space<vmem>>)
      %dma_wait3A_977 = arith.constant 2 : i32
      %dma_wait3A_978 = arith.constant 256 : i32
      %dma_wait3A_979 = arith.constant 0 : i32
      %dma_wait3A_980 = tpu.memref_slice %arg18[%dma_wait3A_978, %dma_wait3A_979] : memref<512x64xf32, #tpu.memory_space<vmem>> -> memref<128x64xf32, #tpu.memory_space<vmem>>
      %dma_wait3A_981 = arith.constant 0 : i32
      %dma_wait3A_982 = tpu.memref_slice %arg17[%dma_wait3A_977, %dma_wait3A_981] : memref<4x128xi32, #tpu.memory_space<vmem>> -> memref<1x128xi32, #tpu.memory_space<vmem>>
      %dma_wait3A_983 = tpu.memref_squeeze %dma_wait3A_982 : memref<1x128xi32, #tpu.memory_space<vmem>> -> memref<128xi32, #tpu.memory_space<vmem>>
      %dma_wait3A_984 = arith.constant 0 : i32
      %dma_wait3A_985 = arith.constant 0 : i32
      %dma_wait3A_986 = tpu.memref_slice %arg8[%dma_wait3A_984, %dma_wait3A_985] : memref<32768x64xf32, #tpu.memory_space<hbm>> -> memref<32768x64xf32, #tpu.memory_space<hbm>>
      tpu.wait_indirect_dma semaphore(%arg21 : memref<!tpu.dma_semaphore, #tpu.memory_space<semaphore_mem>>) src(%dma_wait3A_986 : memref<32768x64xf32, #tpu.memory_space<hbm>>) dst(%dma_wait3A_980 : memref<128x64xf32, #tpu.memory_space<vmem>>)
      %dma_wait3A_987 = arith.constant 3 : i32
      %dma_wait3A_988 = arith.constant 384 : i32
      %dma_wait3A_989 = arith.constant 0 : i32
      %dma_wait3A_990 = tpu.memref_slice %arg18[%dma_wait3A_988, %dma_wait3A_989] : memref<512x64xf32, #tpu.memory_space<vmem>> -> memref<128x64xf32, #tpu.memory_space<vmem>>
      %dma_wait3A_991 = arith.constant 0 : i32
      %dma_wait3A_992 = tpu.memref_slice %arg17[%dma_wait3A_987, %dma_wait3A_991] : memref<4x128xi32, #tpu.memory_space<vmem>> -> memref<1x128xi32, #tpu.memory_space<vmem>>
      %dma_wait3A_993 = tpu.memref_squeeze %dma_wait3A_992 : memref<1x128xi32, #tpu.memory_space<vmem>> -> memref<128xi32, #tpu.memory_space<vmem>>
      %dma_wait3A_994 = arith.constant 0 : i32
      %dma_wait3A_995 = arith.constant 0 : i32
      %dma_wait3A_996 = tpu.memref_slice %arg8[%dma_wait3A_994, %dma_wait3A_995] : memref<32768x64xf32, #tpu.memory_space<hbm>> -> memref<32768x64xf32, #tpu.memory_space<hbm>>
      tpu.wait_indirect_dma semaphore(%arg22 : memref<!tpu.dma_semaphore, #tpu.memory_space<semaphore_mem>>) src(%dma_wait3A_996 : memref<32768x64xf32, #tpu.memory_space<hbm>>) dst(%dma_wait3A_990 : memref<128x64xf32, #tpu.memory_space<vmem>>)
      %mul3A_997 = arith.constant 16 : i32
      %mul3A_998 = arith.muli %scan3A_27, %mul3A_997 : i32
      %add3A_999 = arith.addi %mul3A_18, %mul3A_998 : i32
      %mul3A_1000 = arith.constant 32 : i32
      %mul3A_1001 = arith.muli %add3A_999, %mul3A_1000 : i32
      "tpu.region"() ({
        %run_scoped3A = tpu.sem_alloc : memref<!tpu.dma_semaphore, #tpu.memory_space<semaphore_mem>>
        %dma_start3A_1002 = arith.constant 0 : i32
        %dma_start3A_1003 = tpu.memref_slice %arg9[%mul3A_1001, %dma_start3A_1002] : memref<262144x64xf32, #tpu.memory_space<hbm>> -> memref<512x64xf32, #tpu.memory_space<hbm>>
        %dma_start3A_1004 = arith.constant 0 : i32
        %dma_start3A_1005 = tpu.memref_slice %arg9[%mul3A_1001, %dma_start3A_1004] : memref<262144x64xf32, #tpu.memory_space<hbm>> -> memref<512x64xf32, #tpu.memory_space<hbm>>
        tpu.enqueue_dma source(%arg18 : memref<512x64xf32, #tpu.memory_space<vmem>>) target(%dma_start3A_1005 : memref<512x64xf32, #tpu.memory_space<hbm>>) target_semaphore(%run_scoped3A : memref<!tpu.dma_semaphore, #tpu.memory_space<semaphore_mem>>)
        %dma_wait3A_1006 = arith.constant 0 : i32
        %dma_wait3A_1007 = tpu.memref_slice %arg9[%mul3A_1001, %dma_wait3A_1006] : memref<262144x64xf32, #tpu.memory_space<hbm>> -> memref<512x64xf32, #tpu.memory_space<hbm>>
        %dma_wait3A_1008 = arith.constant 0 : i32
        %dma_wait3A_1009 = tpu.memref_slice %arg9[%mul3A_1001, %dma_wait3A_1008] : memref<262144x64xf32, #tpu.memory_space<hbm>> -> memref<512x64xf32, #tpu.memory_space<hbm>>
        tpu.wait_dma2 semaphore(%run_scoped3A : memref<!tpu.dma_semaphore, #tpu.memory_space<semaphore_mem>>) src(%arg18 : memref<512x64xf32, #tpu.memory_space<vmem>>) dst(%dma_wait3A_1009 : memref<512x64xf32, #tpu.memory_space<hbm>>)
        tpu.yield
      }) : () -> ()
    }
    %scan3A_26 = arith.constant 16 : i32
    return
  }
}

module attributes {stable_mosaic.version = 14 : i64} {
  func.func @_fps_body(%arg0: memref<8x4096xf32, #tpu.memory_space<vmem>>, %arg1: memref<8x4096xf32, #tpu.memory_space<vmem>>, %arg2: memref<8x4096xf32, #tpu.memory_space<vmem>>, %arg3: memref<8x1024xf32, #tpu.memory_space<vmem>>, %arg4: memref<8x1024xf32, #tpu.memory_space<vmem>>, %arg5: memref<8x1024xf32, #tpu.memory_space<vmem>>) attributes {dimension_semantics = [], scalar_prefetch = 0 : i64, scratch_operands = 0 : i64, tpu.core_type = #tpu.core_type<tc>} {
    %get3A = arith.constant 0 : index
    %get3A_0 = arith.constant 0 : index
    %get3A_1 = vector.load %arg0[%get3A, %get3A_0] : memref<8x4096xf32, #tpu.memory_space<vmem>>, vector<8x4096xf32>
    %get3A_2 = arith.constant 0 : index
    %get3A_3 = arith.constant 0 : index
    %get3A_4 = vector.load %arg1[%get3A_2, %get3A_3] : memref<8x4096xf32, #tpu.memory_space<vmem>>, vector<8x4096xf32>
    %get3A_5 = arith.constant 0 : index
    %get3A_6 = arith.constant 0 : index
    %get3A_7 = vector.load %arg2[%get3A_5, %get3A_6] : memref<8x4096xf32, #tpu.memory_space<vmem>>, vector<8x4096xf32>
    %iota3A = tpu.iota {dimensions = array<i32: 1>} : vector<8x4096xi32>
    %iota3A_8 = tpu.iota {dimensions = array<i32: 1>} : vector<8x1024xi32>
    %broadcast_in_dim3A = arith.constant 1.000000e+10 : f32
    %broadcast_in_dim3A_9 = vector.broadcast %broadcast_in_dim3A : f32 to vector<8x4096xf32>
    %broadcast_in_dim3A_10 = arith.constant 0 : i32
    %broadcast_in_dim3A_11 = vector.broadcast %broadcast_in_dim3A_10 : i32 to vector<8x1xi32>
    %broadcast_in_dim3A_12 = arith.constant 0.000000e+00 : f32
    %broadcast_in_dim3A_13 = vector.broadcast %broadcast_in_dim3A_12 : f32 to vector<8x1024xf32>
    %scan3A = arith.constant 0 : i32
    %scan3A_14 = arith.constant 1024 : i32
    %scan3A_15 = arith.addi %scan3A, %scan3A_14 : i32
    %scan3A_16 = arith.constant 1 : i32
    %scan3A_17:5 = scf.for %scan3A_27 = %scan3A to %scan3A_15 step %scan3A_16 iter_args(%scan3A_28 = %broadcast_in_dim3A_9, %scan3A_29 = %broadcast_in_dim3A_11, %scan3A_30 = %broadcast_in_dim3A_13, %scan3A_31 = %broadcast_in_dim3A_13, %scan3A_32 = %broadcast_in_dim3A_13) -> (vector<8x4096xf32>, vector<8x1xi32>, vector<8x1024xf32>, vector<8x1024xf32>, vector<8x1024xf32>)  : i32 {
      %eq3A = vector.broadcast %scan3A_29 : vector<8x1xi32> to vector<8x4096xi32>
      %eq3A_33 = arith.cmpi eq, %iota3A, %eq3A : vector<8x4096xi32>
      %jit3A = arith.constant 0.000000e+00 : f32
      %broadcast_in_dim3A_34 = vector.broadcast %jit3A : f32 to vector<8x4096xf32>
      %select_n3A = arith.select %eq3A_33, %get3A_1, %broadcast_in_dim3A_34 : vector<8x4096xi1>, vector<8x4096xf32>
      %reduce_sum3A = arith.constant dense<0.000000e+00> : vector<8xf32>
      %reduce_sum3A_35 = vector.multi_reduction <add>, %select_n3A, %reduce_sum3A [1] : vector<8x4096xf32> to vector<8xf32>
      %broadcast_in_dim3A_36 = vector.shape_cast %reduce_sum3A_35 : vector<8xf32> to vector<8x1xf32>
      %jit3A_37 = arith.constant 0.000000e+00 : f32
      %broadcast_in_dim3A_38 = vector.broadcast %jit3A_37 : f32 to vector<8x4096xf32>
      %select_n3A_39 = arith.select %eq3A_33, %get3A_4, %broadcast_in_dim3A_38 : vector<8x4096xi1>, vector<8x4096xf32>
      %reduce_sum3A_40 = arith.constant dense<0.000000e+00> : vector<8xf32>
      %reduce_sum3A_41 = vector.multi_reduction <add>, %select_n3A_39, %reduce_sum3A_40 [1] : vector<8x4096xf32> to vector<8xf32>
      %broadcast_in_dim3A_42 = vector.shape_cast %reduce_sum3A_41 : vector<8xf32> to vector<8x1xf32>
      %jit3A_43 = arith.constant 0.000000e+00 : f32
      %broadcast_in_dim3A_44 = vector.broadcast %jit3A_43 : f32 to vector<8x4096xf32>
      %select_n3A_45 = arith.select %eq3A_33, %get3A_7, %broadcast_in_dim3A_44 : vector<8x4096xi1>, vector<8x4096xf32>
      %reduce_sum3A_46 = arith.constant dense<0.000000e+00> : vector<8xf32>
      %reduce_sum3A_47 = vector.multi_reduction <add>, %select_n3A_45, %reduce_sum3A_46 [1] : vector<8x4096xf32> to vector<8xf32>
      %broadcast_in_dim3A_48 = vector.shape_cast %reduce_sum3A_47 : vector<8xf32> to vector<8x1xf32>
      %eq3A_49 = vector.broadcast %scan3A_27 : i32 to vector<8x1024xi32>
      %eq3A_50 = arith.cmpi eq, %iota3A_8, %eq3A_49 : vector<8x1024xi32>
      %jit3A_51 = arith.constant 0.000000e+00 : f32
      %broadcast_in_dim3A_52 = vector.shape_cast %broadcast_in_dim3A_36 : vector<8x1xf32> to vector<8x1xf32>
      %broadcast_in_dim3A_53 = vector.broadcast %broadcast_in_dim3A_52 : vector<8x1xf32> to vector<8x1024xf32>
      %broadcast_in_dim3A_54 = vector.broadcast %jit3A_51 : f32 to vector<8x1024xf32>
      %select_n3A_55 = arith.select %eq3A_50, %broadcast_in_dim3A_53, %broadcast_in_dim3A_54 : vector<8x1024xi1>, vector<8x1024xf32>
      %add3A = arith.addf %scan3A_30, %select_n3A_55 : vector<8x1024xf32>
      %jit3A_56 = arith.constant 0.000000e+00 : f32
      %broadcast_in_dim3A_57 = vector.shape_cast %broadcast_in_dim3A_42 : vector<8x1xf32> to vector<8x1xf32>
      %broadcast_in_dim3A_58 = vector.broadcast %broadcast_in_dim3A_57 : vector<8x1xf32> to vector<8x1024xf32>
      %broadcast_in_dim3A_59 = vector.broadcast %jit3A_56 : f32 to vector<8x1024xf32>
      %select_n3A_60 = arith.select %eq3A_50, %broadcast_in_dim3A_58, %broadcast_in_dim3A_59 : vector<8x1024xi1>, vector<8x1024xf32>
      %add3A_61 = arith.addf %scan3A_31, %select_n3A_60 : vector<8x1024xf32>
      %jit3A_62 = arith.constant 0.000000e+00 : f32
      %broadcast_in_dim3A_63 = vector.shape_cast %broadcast_in_dim3A_48 : vector<8x1xf32> to vector<8x1xf32>
      %broadcast_in_dim3A_64 = vector.broadcast %broadcast_in_dim3A_63 : vector<8x1xf32> to vector<8x1024xf32>
      %broadcast_in_dim3A_65 = vector.broadcast %jit3A_62 : f32 to vector<8x1024xf32>
      %select_n3A_66 = arith.select %eq3A_50, %broadcast_in_dim3A_64, %broadcast_in_dim3A_65 : vector<8x1024xi1>, vector<8x1024xf32>
      %add3A_67 = arith.addf %scan3A_32, %select_n3A_66 : vector<8x1024xf32>
      %sub3A = vector.broadcast %broadcast_in_dim3A_36 : vector<8x1xf32> to vector<8x4096xf32>
      %sub3A_68 = arith.subf %get3A_1, %sub3A : vector<8x4096xf32>
      %sub3A_69 = vector.broadcast %broadcast_in_dim3A_42 : vector<8x1xf32> to vector<8x4096xf32>
      %sub3A_70 = arith.subf %get3A_4, %sub3A_69 : vector<8x4096xf32>
      %sub3A_71 = vector.broadcast %broadcast_in_dim3A_48 : vector<8x1xf32> to vector<8x4096xf32>
      %sub3A_72 = arith.subf %get3A_7, %sub3A_71 : vector<8x4096xf32>
      %mul3A = arith.mulf %sub3A_68, %sub3A_68 : vector<8x4096xf32>
      %convert_element_type3A = arith.truncf %mul3A : vector<8x4096xf32> to vector<8x4096xbf16>
      %convert_element_type3A_73 = arith.extf %convert_element_type3A : vector<8x4096xbf16> to vector<8x4096xf32>
      %sub3A_74 = arith.subf %mul3A, %convert_element_type3A_73 : vector<8x4096xf32>
      %convert_element_type3A_75 = arith.truncf %sub3A_74 : vector<8x4096xf32> to vector<8x4096xbf16>
      %convert_element_type3A_76 = arith.extf %convert_element_type3A_75 : vector<8x4096xbf16> to vector<8x4096xf32>
      %sub3A_77 = arith.subf %mul3A, %convert_element_type3A_73 : vector<8x4096xf32>
      %sub3A_78 = arith.subf %sub3A_77, %convert_element_type3A_76 : vector<8x4096xf32>
      %convert_element_type3A_79 = arith.truncf %sub3A_78 : vector<8x4096xf32> to vector<8x4096xbf16>
      %convert_element_type3A_80 = arith.extf %convert_element_type3A_79 : vector<8x4096xbf16> to vector<8x4096xf32>
      %mul3A_81 = arith.mulf %sub3A_70, %sub3A_70 : vector<8x4096xf32>
      %convert_element_type3A_82 = arith.truncf %mul3A_81 : vector<8x4096xf32> to vector<8x4096xbf16>
      %convert_element_type3A_83 = arith.extf %convert_element_type3A_82 : vector<8x4096xbf16> to vector<8x4096xf32>
      %sub3A_84 = arith.subf %mul3A_81, %convert_element_type3A_83 : vector<8x4096xf32>
      %convert_element_type3A_85 = arith.truncf %sub3A_84 : vector<8x4096xf32> to vector<8x4096xbf16>
      %convert_element_type3A_86 = arith.extf %convert_element_type3A_85 : vector<8x4096xbf16> to vector<8x4096xf32>
      %sub3A_87 = arith.subf %mul3A_81, %convert_element_type3A_83 : vector<8x4096xf32>
      %sub3A_88 = arith.subf %sub3A_87, %convert_element_type3A_86 : vector<8x4096xf32>
      %convert_element_type3A_89 = arith.truncf %sub3A_88 : vector<8x4096xf32> to vector<8x4096xbf16>
      %convert_element_type3A_90 = arith.extf %convert_element_type3A_89 : vector<8x4096xbf16> to vector<8x4096xf32>
      %mul3A_91 = arith.mulf %sub3A_72, %sub3A_72 : vector<8x4096xf32>
      %convert_element_type3A_92 = arith.truncf %mul3A_91 : vector<8x4096xf32> to vector<8x4096xbf16>
      %convert_element_type3A_93 = arith.extf %convert_element_type3A_92 : vector<8x4096xbf16> to vector<8x4096xf32>
      %sub3A_94 = arith.subf %mul3A_91, %convert_element_type3A_93 : vector<8x4096xf32>
      %convert_element_type3A_95 = arith.truncf %sub3A_94 : vector<8x4096xf32> to vector<8x4096xbf16>
      %convert_element_type3A_96 = arith.extf %convert_element_type3A_95 : vector<8x4096xbf16> to vector<8x4096xf32>
      %sub3A_97 = arith.subf %mul3A_91, %convert_element_type3A_93 : vector<8x4096xf32>
      %sub3A_98 = arith.subf %sub3A_97, %convert_element_type3A_96 : vector<8x4096xf32>
      %convert_element_type3A_99 = arith.truncf %sub3A_98 : vector<8x4096xf32> to vector<8x4096xbf16>
      %convert_element_type3A_100 = arith.extf %convert_element_type3A_99 : vector<8x4096xbf16> to vector<8x4096xf32>
      %broadcast_in_dim3A_101 = arith.constant 0.000000e+00 : f32
      %broadcast_in_dim3A_102 = vector.broadcast %broadcast_in_dim3A_101 : f32 to vector<8x4096xf32>
      %add3A_103 = arith.addf %convert_element_type3A_73, %convert_element_type3A_83 : vector<8x4096xf32>
      %add3A_104 = arith.addf %add3A_103, %convert_element_type3A_93 : vector<8x4096xf32>
      %add3A_105 = arith.addf %broadcast_in_dim3A_102, %add3A_104 : vector<8x4096xf32>
      %add3A_106 = arith.addf %convert_element_type3A_76, %convert_element_type3A_86 : vector<8x4096xf32>
      %add3A_107 = arith.addf %add3A_106, %convert_element_type3A_96 : vector<8x4096xf32>
      %add3A_108 = arith.addf %add3A_105, %add3A_107 : vector<8x4096xf32>
      %add3A_109 = arith.addf %convert_element_type3A_80, %convert_element_type3A_90 : vector<8x4096xf32>
      %add3A_110 = arith.addf %add3A_109, %convert_element_type3A_100 : vector<8x4096xf32>
      %add3A_111 = arith.addf %add3A_108, %add3A_110 : vector<8x4096xf32>
      %min3A = arith.minimumf %scan3A_28, %add3A_111 : vector<8x4096xf32>
      %reduce_max3A = arith.constant dense<0xFF800000> : vector<8xf32>
      %reduce_max3A_112 = vector.multi_reduction <maximumf>, %min3A, %reduce_max3A [1] : vector<8x4096xf32> to vector<8xf32>
      %broadcast_in_dim3A_113 = vector.shape_cast %reduce_max3A_112 : vector<8xf32> to vector<8x1xf32>
      %eq3A_114 = vector.broadcast %broadcast_in_dim3A_113 : vector<8x1xf32> to vector<8x4096xf32>
      %eq3A_115 = arith.cmpf oeq, %min3A, %eq3A_114 : vector<8x4096xf32>
      %jit3A_116 = arith.constant 4096 : i32
      %broadcast_in_dim3A_117 = vector.broadcast %jit3A_116 : i32 to vector<8x4096xi32>
      %select_n3A_118 = arith.select %eq3A_115, %iota3A, %broadcast_in_dim3A_117 : vector<8x4096xi1>, vector<8x4096xi32>
      %reduce_min3A = arith.constant dense<2147483647> : vector<8xi32>
      %reduce_min3A_119 = vector.multi_reduction <minsi>, %select_n3A_118, %reduce_min3A [1] : vector<8x4096xi32> to vector<8xi32>
      %broadcast_in_dim3A_120 = vector.shape_cast %reduce_min3A_119 : vector<8xi32> to vector<8x1xi32>
      scf.yield %min3A, %broadcast_in_dim3A_120, %add3A, %add3A_61, %add3A_67 : vector<8x4096xf32>, vector<8x1xi32>, vector<8x1024xf32>, vector<8x1024xf32>, vector<8x1024xf32>
    }
    %scan3A_18 = arith.constant 1024 : i32
    %swap3A = arith.constant 0 : index
    %swap3A_19 = arith.constant 0 : index
    %swap3A_20 = vector.load %arg3[%swap3A, %swap3A_19] : memref<8x1024xf32, #tpu.memory_space<vmem>>, vector<8x1024xf32>
    tpu.vector_store %arg3[%swap3A, %swap3A_19], %scan3A_17#2 {strides = array<i32>} : memref<8x1024xf32, #tpu.memory_space<vmem>>, vector<8x1024xf32>,
    %swap3A_21 = arith.constant 0 : index
    %swap3A_22 = arith.constant 0 : index
    %swap3A_23 = vector.load %arg4[%swap3A_21, %swap3A_22] : memref<8x1024xf32, #tpu.memory_space<vmem>>, vector<8x1024xf32>
    tpu.vector_store %arg4[%swap3A_21, %swap3A_22], %scan3A_17#3 {strides = array<i32>} : memref<8x1024xf32, #tpu.memory_space<vmem>>, vector<8x1024xf32>,
    %swap3A_24 = arith.constant 0 : index
    %swap3A_25 = arith.constant 0 : index
    %swap3A_26 = vector.load %arg5[%swap3A_24, %swap3A_25] : memref<8x1024xf32, #tpu.memory_space<vmem>>, vector<8x1024xf32>
    tpu.vector_store %arg5[%swap3A_24, %swap3A_25], %scan3A_17#4 {strides = array<i32>} : memref<8x1024xf32, #tpu.memory_space<vmem>>, vector<8x1024xf32>,
    return
  }
}

module attributes {stable_mosaic.version = 14 : i64} {
  func.func @_pre_body(%arg0: i32, %arg1: memref<1x4096x136xf32, #tpu.memory_space<vmem>>, %arg2: memref<1x1024x4xf32, #tpu.memory_space<vmem>>, %arg3: memref<136x64xf32, #tpu.memory_space<vmem>>, %arg4: memref<1x64xf32, #tpu.memory_space<vmem>>, %arg5: memref<4x64xf32, #tpu.memory_space<vmem>>, %arg6: memref<1x4096x64xf32, #tpu.memory_space<vmem>>, %arg7: memref<1x1024x64xf32, #tpu.memory_space<vmem>>) attributes {dimension_semantics = [#tpu.dimension_semantics<arbitrary>], iteration_bounds = array<i64: 8>, scalar_prefetch = 0 : i64, scratch_operands = 0 : i64, tpu.core_type = #tpu.core_type<tc>, window_params = [{transform_indices = @transform_0, window_bounds = array<i64: 1, 4096, 136>}, {transform_indices = @transform_1, window_bounds = array<i64: 1, 1024, 4>}, {pipeline_mode = #tpu.pipeline_mode<synchronous>, transform_indices = @transform_2, window_bounds = array<i64: 136, 64>}, {pipeline_mode = #tpu.pipeline_mode<synchronous>, transform_indices = @transform_3, window_bounds = array<i64: 1, 64>}, {pipeline_mode = #tpu.pipeline_mode<synchronous>, transform_indices = @transform_4, window_bounds = array<i64: 4, 64>}, {transform_indices = @transform_5, window_bounds = array<i64: 1, 4096, 64>}, {transform_indices = @transform_6, window_bounds = array<i64: 1, 1024, 64>}]} {
    %get3A = arith.constant 0 : index
    %get3A_0 = arith.constant 0 : index
    %get3A_1 = arith.constant 0 : index
    %get3A_2 = vector.load %arg1[%get3A, %get3A_0, %get3A_1] : memref<1x4096x136xf32, #tpu.memory_space<vmem>>, vector<1x4096x136xf32>
    %get3A_3 = vector.shape_cast %get3A_2 : vector<1x4096x136xf32> to vector<4096x136xf32>
    %get3A_4 = arith.constant 0 : index
    %get3A_5 = arith.constant 0 : index
    %get3A_6 = arith.constant 0 : index
    %get3A_7 = vector.load %arg2[%get3A_4, %get3A_5, %get3A_6] : memref<1x1024x4xf32, #tpu.memory_space<vmem>>, vector<1x1024x4xf32>
    %get3A_8 = vector.shape_cast %get3A_7 : vector<1x1024x4xf32> to vector<1024x4xf32>
    %get3A_9 = arith.constant 0 : index
    %get3A_10 = arith.constant 0 : index
    %get3A_11 = vector.load %arg3[%get3A_9, %get3A_10] : memref<136x64xf32, #tpu.memory_space<vmem>>, vector<136x64xf32>
    %get3A_12 = arith.constant 0 : index
    %get3A_13 = arith.constant 0 : index
    %get3A_14 = vector.load %arg5[%get3A_12, %get3A_13] : memref<4x64xf32, #tpu.memory_space<vmem>>, vector<4x64xf32>
    %get3A_15 = arith.constant 0 : index
    %get3A_16 = arith.constant 0 : index
    %get3A_17 = vector.load %arg4[%get3A_15, %get3A_16] : memref<1x64xf32, #tpu.memory_space<vmem>>, vector<1x64xf32>
    %dot_general3A = arith.constant dense<0.000000e+00> : vector<4096x64xf32>
    %dot_general3A_18 = tpu.matmul %get3A_3, %get3A_11, %dot_general3A {dimension_numbers = #tpu.dot_dimension_numbers<[1], [0], [0], [1], [0, 0, 1, 1], [], []>, precision = #tpu.contract_precision<fp32>, transpose_lhs_hint = false} : vector<4096x136xf32>, vector<136x64xf32>, vector<4096x64xf32> -> vector<4096x64xf32>
    %add3A = vector.broadcast %get3A_17 : vector<1x64xf32> to vector<4096x64xf32>
    %add3A_19 = arith.addf %dot_general3A_18, %add3A : vector<4096x64xf32>
    %swap3A = arith.constant 0 : index
    %swap3A_20 = arith.constant 0 : index
    %swap3A_21 = arith.constant 0 : index
    %swap3A_22 = vector.load %arg6[%swap3A, %swap3A_20, %swap3A_21] : memref<1x4096x64xf32, #tpu.memory_space<vmem>>, vector<1x4096x64xf32>
    %swap3A_23 = vector.shape_cast %swap3A_22 : vector<1x4096x64xf32> to vector<4096x64xf32>
    %swap3A_24 = vector.shape_cast %add3A_19 : vector<4096x64xf32> to vector<1x4096x64xf32>
    tpu.vector_store %arg6[%swap3A, %swap3A_20, %swap3A_21], %swap3A_24 {strides = array<i32>} : memref<1x4096x64xf32, #tpu.memory_space<vmem>>, vector<1x4096x64xf32>,
    %dot_general3A_25 = arith.constant dense<0.000000e+00> : vector<1024x64xf32>
    %dot_general3A_26 = tpu.matmul %get3A_8, %get3A_14, %dot_general3A_25 {dimension_numbers = #tpu.dot_dimension_numbers<[1], [0], [0], [1], [0, 0, 1, 1], [], []>, precision = #tpu.contract_precision<fp32>, transpose_lhs_hint = false} : vector<1024x4xf32>, vector<4x64xf32>, vector<1024x64xf32> -> vector<1024x64xf32>
    %neg3A = arith.constant 0.000000e+00 : f32
    %neg3A_27 = vector.broadcast %neg3A : f32 to vector<1024x64xf32>
    %neg3A_28 = arith.subf %neg3A_27, %dot_general3A_26 : vector<1024x64xf32>
    %swap3A_29 = arith.constant 0 : index
    %swap3A_30 = arith.constant 0 : index
    %swap3A_31 = arith.constant 0 : index
    %swap3A_32 = vector.load %arg7[%swap3A_29, %swap3A_30, %swap3A_31] : memref<1x1024x64xf32, #tpu.memory_space<vmem>>, vector<1x1024x64xf32>
    %swap3A_33 = vector.shape_cast %swap3A_32 : vector<1x1024x64xf32> to vector<1024x64xf32>
    %swap3A_34 = vector.shape_cast %neg3A_28 : vector<1024x64xf32> to vector<1x1024x64xf32>
    tpu.vector_store %arg7[%swap3A_29, %swap3A_30, %swap3A_31], %swap3A_34 {strides = array<i32>} : memref<1x1024x64xf32, #tpu.memory_space<vmem>>, vector<1x1024x64xf32>,
    return
  }
  func.func @transform_0(%arg0: i32) -> (i32, i32, i32) {
    %c0_i32 = arith.constant 0 : i32
    %c0_i32_0 = arith.constant 0 : i32
    %c0_i32_1 = arith.constant 0 : i32
    return %arg0, %c0_i32, %c0_i32_0 : i32, i32, i32
  }
  func.func @transform_1(%arg0: i32) -> (i32, i32, i32) {
    %c0_i32 = arith.constant 0 : i32
    %c0_i32_0 = arith.constant 0 : i32
    %c0_i32_1 = arith.constant 0 : i32
    return %arg0, %c0_i32, %c0_i32_0 : i32, i32, i32
  }
  func.func @transform_2(%arg0: i32) -> (i32, i32) {
    %c0_i32 = arith.constant 0 : i32
    %c0_i32_0 = arith.constant 0 : i32
    %c0_i32_1 = arith.constant 0 : i32
    return %c0_i32, %c0_i32_0 : i32, i32
  }
  func.func @transform_3(%arg0: i32) -> (i32, i32) {
    %c0_i32 = arith.constant 0 : i32
    %c0_i32_0 = arith.constant 0 : i32
    %c0_i32_1 = arith.constant 0 : i32
    return %c0_i32, %c0_i32_0 : i32, i32
  }
  func.func @transform_4(%arg0: i32) -> (i32, i32) {
    %c0_i32 = arith.constant 0 : i32
    %c0_i32_0 = arith.constant 0 : i32
    %c0_i32_1 = arith.constant 0 : i32
    return %c0_i32, %c0_i32_0 : i32, i32
  }
  func.func @transform_5(%arg0: i32) -> (i32, i32, i32) {
    %c0_i32 = arith.constant 0 : i32
    %c0_i32_0 = arith.constant 0 : i32
    %c0_i32_1 = arith.constant 0 : i32
    return %arg0, %c0_i32, %c0_i32_0 : i32, i32, i32
  }
  func.func @transform_6(%arg0: i32) -> (i32, i32, i32) {
    %c0_i32 = arith.constant 0 : i32
    %c0_i32_0 = arith.constant 0 : i32
    %c0_i32_1 = arith.constant 0 : i32
    return %arg0, %c0_i32, %c0_i32_0 : i32, i32, i32
  }
}

module attributes {stable_mosaic.version = 14 : i64} {
  func.func @_mlp_body(%arg0: i32, %arg1: memref<128x32x64xf32, #tpu.memory_space<vmem>>, %arg2: memref<128x64xf32, #tpu.memory_space<vmem>>, %arg3: memref<64x64xf32, #tpu.memory_space<vmem>>, %arg4: memref<1x64xf32, #tpu.memory_space<vmem>>, %arg5: memref<128x64xf32, #tpu.memory_space<vmem>>, %arg6: memref<1x128xf32, #tpu.memory_space<vmem>>, %arg7: memref<128x128xf32, #tpu.memory_space<vmem>>) attributes {dimension_semantics = [#tpu.dimension_semantics<arbitrary>], iteration_bounds = array<i64: 64>, scalar_prefetch = 0 : i64, scratch_operands = 0 : i64, tpu.core_type = #tpu.core_type<tc>, window_params = [{transform_indices = @transform_0, window_bounds = array<i64: 128, 32, 64>}, {transform_indices = @transform_1, window_bounds = array<i64: 128, 64>}, {pipeline_mode = #tpu.pipeline_mode<synchronous>, transform_indices = @transform_2, window_bounds = array<i64: 64, 64>}, {pipeline_mode = #tpu.pipeline_mode<synchronous>, transform_indices = @transform_3, window_bounds = array<i64: 1, 64>}, {pipeline_mode = #tpu.pipeline_mode<synchronous>, transform_indices = @transform_4, window_bounds = array<i64: 128, 64>}, {pipeline_mode = #tpu.pipeline_mode<synchronous>, transform_indices = @transform_5, window_bounds = array<i64: 1, 128>}, {transform_indices = @transform_6, window_bounds = array<i64: 128, 128>}]} {
    %get3A = arith.constant 0 : index
    %get3A_0 = arith.constant 0 : index
    %get3A_1 = arith.constant 0 : index
    %get3A_2 = vector.load %arg1[%get3A, %get3A_0, %get3A_1] : memref<128x32x64xf32, #tpu.memory_space<vmem>>, vector<128x32x64xf32>
    %get3A_3 = arith.constant 0 : index
    %get3A_4 = arith.constant 0 : index
    %get3A_5 = vector.load %arg2[%get3A_3, %get3A_4] : memref<128x64xf32, #tpu.memory_space<vmem>>, vector<128x64xf32>
    %broadcast_in_dim3A = vector.shape_cast %get3A_5 : vector<128x64xf32> to vector<128x1x64xf32>
    %add3A = vector.broadcast %broadcast_in_dim3A : vector<128x1x64xf32> to vector<128x32x64xf32>
    %add3A_6 = arith.addf %get3A_2, %add3A : vector<128x32x64xf32>
    %max3A = arith.constant 0.000000e+00 : f32
    %max3A_7 = vector.broadcast %max3A : f32 to vector<128x32x64xf32>
    %max3A_8 = arith.maximumf %add3A_6, %max3A_7 : vector<128x32x64xf32>
    %reshape3A = vector.shape_cast %max3A_8 : vector<128x32x64xf32> to vector<4096x64xf32>
    %get3A_9 = arith.constant 0 : index
    %get3A_10 = arith.constant 0 : index
    %get3A_11 = vector.load %arg3[%get3A_9, %get3A_10] : memref<64x64xf32, #tpu.memory_space<vmem>>, vector<64x64xf32>
    %dot_general3A = arith.constant dense<0.000000e+00> : vector<4096x64xf32>
    %dot_general3A_12 = tpu.matmul %reshape3A, %get3A_11, %dot_general3A {dimension_numbers = #tpu.dot_dimension_numbers<[1], [1], [0], [0], [0, 0, 1, 0], [], []>, transpose_lhs_hint = false} : vector<4096x64xf32>, vector<64x64xf32>, vector<4096x64xf32> -> vector<4096x64xf32>
    %get3A_13 = arith.constant 0 : index
    %get3A_14 = arith.constant 0 : index
    %get3A_15 = vector.load %arg4[%get3A_13, %get3A_14] : memref<1x64xf32, #tpu.memory_space<vmem>>, vector<1x64xf32>
    %add3A_16 = vector.broadcast %get3A_15 : vector<1x64xf32> to vector<4096x64xf32>
    %add3A_17 = arith.addf %dot_general3A_12, %add3A_16 : vector<4096x64xf32>
    %max3A_18 = arith.constant 0.000000e+00 : f32
    %max3A_19 = vector.broadcast %max3A_18 : f32 to vector<4096x64xf32>
    %max3A_20 = arith.maximumf %add3A_17, %max3A_19 : vector<4096x64xf32>
    %get3A_21 = arith.constant 0 : index
    %get3A_22 = arith.constant 0 : index
    %get3A_23 = vector.load %arg5[%get3A_21, %get3A_22] : memref<128x64xf32, #tpu.memory_space<vmem>>, vector<128x64xf32>
    %dot_general3A_24 = arith.constant dense<0.000000e+00> : vector<4096x128xf32>
    %dot_general3A_25 = tpu.matmul %max3A_20, %get3A_23, %dot_general3A_24 {dimension_numbers = #tpu.dot_dimension_numbers<[1], [1], [0], [0], [0, 0, 1, 0], [], []>, transpose_lhs_hint = false} : vector<4096x64xf32>, vector<128x64xf32>, vector<4096x128xf32> -> vector<4096x128xf32>
    %get3A_26 = arith.constant 0 : index
    %get3A_27 = arith.constant 0 : index
    %get3A_28 = vector.load %arg6[%get3A_26, %get3A_27] : memref<1x128xf32, #tpu.memory_space<vmem>>, vector<1x128xf32>
    %add3A_29 = vector.broadcast %get3A_28 : vector<1x128xf32> to vector<4096x128xf32>
    %add3A_30 = arith.addf %dot_general3A_25, %add3A_29 : vector<4096x128xf32>
    %max3A_31 = arith.constant 0.000000e+00 : f32
    %max3A_32 = vector.broadcast %max3A_31 : f32 to vector<4096x128xf32>
    %max3A_33 = arith.maximumf %add3A_30, %max3A_32 : vector<4096x128xf32>
    %reshape3A_34 = vector.shape_cast %max3A_33 : vector<4096x128xf32> to vector<128x32x128xf32>
    %reduce_max3A = arith.constant dense<0xFF800000> : vector<128x128xf32>
    %reduce_max3A_35 = vector.multi_reduction <maximumf>, %reshape3A_34, %reduce_max3A [1] : vector<128x32x128xf32> to vector<128x128xf32>
    %swap3A = arith.constant 0 : index
    %swap3A_36 = arith.constant 0 : index
    %swap3A_37 = vector.load %arg7[%swap3A, %swap3A_36] : memref<128x128xf32, #tpu.memory_space<vmem>>, vector<128x128xf32>
    tpu.vector_store %arg7[%swap3A, %swap3A_36], %reduce_max3A_35 {strides = array<i32>} : memref<128x128xf32, #tpu.memory_space<vmem>>, vector<128x128xf32>,
    return
  }
  func.func @transform_0(%arg0: i32) -> (i32, i32, i32) {
    %c0_i32 = arith.constant 0 : i32
    %c0_i32_0 = arith.constant 0 : i32
    %c0_i32_1 = arith.constant 0 : i32
    return %arg0, %c0_i32, %c0_i32_0 : i32, i32, i32
  }
  func.func @transform_1(%arg0: i32) -> (i32, i32) {
    %c0_i32 = arith.constant 0 : i32
    %c0_i32_0 = arith.constant 0 : i32
    return %arg0, %c0_i32 : i32, i32
  }
  func.func @transform_2(%arg0: i32) -> (i32, i32) {
    %c0_i32 = arith.constant 0 : i32
    %c0_i32_0 = arith.constant 0 : i32
    %c0_i32_1 = arith.constant 0 : i32
    return %c0_i32, %c0_i32_0 : i32, i32
  }
  func.func @transform_3(%arg0: i32) -> (i32, i32) {
    %c0_i32 = arith.constant 0 : i32
    %c0_i32_0 = arith.constant 0 : i32
    %c0_i32_1 = arith.constant 0 : i32
    return %c0_i32, %c0_i32_0 : i32, i32
  }
  func.func @transform_4(%arg0: i32) -> (i32, i32) {
    %c0_i32 = arith.constant 0 : i32
    %c0_i32_0 = arith.constant 0 : i32
    %c0_i32_1 = arith.constant 0 : i32
    return %c0_i32, %c0_i32_0 : i32, i32
  }
  func.func @transform_5(%arg0: i32) -> (i32, i32) {
    %c0_i32 = arith.constant 0 : i32
    %c0_i32_0 = arith.constant 0 : i32
    %c0_i32_1 = arith.constant 0 : i32
    return %c0_i32, %c0_i32_0 : i32, i32
  }
  func.func @transform_6(%arg0: i32) -> (i32, i32) {
    %c0_i32 = arith.constant 0 : i32
    %c0_i32_0 = arith.constant 0 : i32
    return %arg0, %c0_i32 : i32, i32
  }
}

</mosaic_0001>

<sc_bundles>
// kernel: kernel.6.cloned.1.call-start
scs
__scs_entry_jumppad:
0x0: {  	(pc) =	sbr.rel $0x88, $3  }
0x1: {  	(tag) =	ssettag $0x0;
	lr =	simm.s32 $0x1  }
0x2: {  	[smem:$0x3F99] =	sst lr;
	_ =	strace $0xD0000000  }
0x3: {  	_ = 	snop  }
0x4: {  	_ = 	snop  }
0x5: {  	_ = 	snop  }
0x6: {  	_ = 	snop  }
0x7: {  	_ = 	snop  }
__scs_overlays_trampoline_lowered:
0x8: {  	[smem:$0x3FA8] =	sst s0  }
0x9: {  	[smem:$0x3FA9] =	sst s1  }
0xa: {  	[smem:$0x3FAA] =	sst s2  }
0xb: {  	[smem:$0x3FAB] =	sst s3  }
0xc: {  	[smem:$0x3FAC] =	sst s4  }
0xd: {  	[smem:$0x3FAD] =	sst s5  }
0xe: {  	[smem:$0x3FAE] =	sst s6  }
0xf: {  	[smem:$0x3FAF] =	sst s7  }
0x10: {  	[smem:$0x3FB0] =	sst s8  }
0x11: {  	[smem:$0x3FB1] =	sst s9;
	s0 =	simm.s32 @!p0 $0x0  }
0x12: {  	s1 =	sld [smem:$0x3F97];
	s0 =	simm.s32 @p0 $0x1  }
0x13: {  	[smem:$0x3FB2] =	sst s0;
	s0 =	simm.s32 @!p1 $0x0  }
0x14: {  	s2 =	sld [smem:$0x3F96];
	s0 =	simm.s32 @p1 $0x1  }
0x15: {  	[smem:$0x3FB3] =	sst s0;
	s0 =	simm.s32 @!p2 $0x0  }
0x16: {  	s3 =	sld [smem:$0x3FDB];
	s0 =	simm.s32 @p2 $0x1  }
0x17: {  	s4 =	simm.s32 $0x1BF5;
	[smem:$0x3FB5] =	sst s0  }
0x18: {  	s0 =	sld [smem:$0x3F98];
	_ =	swait.ge [sflag:s4], $0x0  }
0x19: {  	s7 =	sld [smem:$0x3F99]  }
0x1a: {  	s8 =	sadd.s32 $0xFFFFE003, lr  }
0x1b: {  	s9 =	sadd.s32 $0xFFFFFEF7, lr;
	s5 =	simm.s32 $0xFFFFFFFF;
	p2 =	slt.u32 s8, $0xFFFFF086  }
0x1c: {  	p1 =	slt.u32 s9, $0xF7A;
	s5 =	simm.s32 @!p2 $0x0  }
0x1d: {  	s5 =	simm.s32 @p1 $0x1;
	p0 =	seq.s32 s7, s2  }
0x1e: {  	s7 =	smul.u32 @!p0 $0xF7A, s2;
	p2 =	seq.s32 @!p0 s5, $0x0  }
0x1f: {  	s9 =	smul.u32 $0xF7A, s1;
	s8 =	simm.s32 @!p0 $0x1BF5;
	p2 =	por !p2, p0  }
0x20: {  	[sflag:s8] =	ssyncset.s32 @!p0 $0xFFFFF086;
	s6 =	sadd.s32 @!p0 s3, s7;
	s7 =	simm.s32 @!p0 $0x108  }
0x21: {  	s3 =	sadd.s32 s3, s9;
	s6 =	sadd.s32 @!p0 $0x88, s6;
	s7 =	simm.s32 @p2 $0x1082  }
0x22: {  	[simem:s7], [sflag:s8] =	dma.local @!p0 [hbm:s6], $0xF7A  }
0x23: {  	s9 =	sor.u32 $0xD0000000, s2;
	s6 =	simm.s32 $0x108;
	_ =	swait.ge @!p0 [sflag:s8], $0x0  }
0x24: {  	s3 =	sadd.s32 $0x88, s3;
	s6 =	simm.s32 @!p1 $0x1082;
	[sflag:s4] =	ssyncset.s32 $0xFFFFF086  }
0x25: {  	[simem:s6], [sflag:s4] =	dma.local [hbm:s3], $0xF7A  }
0x26: {  	[smem:$0x3F99] =	sst s1;
	(tag) =	ssettag s2;
	_ =	strace s9  }
0x27: {  	s1 =	sld [smem:$0x3FA9]  }
0x28: {  	s2 =	sld [smem:$0x3FAA]  }
0x29: {  	s4 =	sld [smem:$0x3FAC]  }
0x2a: {  	p0 =	seq.s32 s5, $0x0;
	s5 =	sld [smem:$0x3FAD]  }
0x2b: {  	s6 =	sld [smem:$0x3FAE]  }
0x2c: {  	s7 =	sld [smem:$0x3FAF]  }
0x2d: {  	s3 =	simm.s32 $0x108;
	s8 =	sld [smem:$0x3FB0]  }
0x2e: {  	s3 =	simm.s32 @!p0 $0x1082;
	s9 =	sld [smem:$0x3FB1]  }
0x2f: {  	lr =	sadd.s32 s0, s3;
	s0 =	sld [smem:$0x3FA8]  }
0x30: {  	s3 =	sld [smem:$0x3FAB]  }
0x31: {  	[smem:$0x3FB4] =	sst s10  }
0x32: {  	s10 =	sld [smem:$0x3FB2];
	_ =	sdelay $0x3  }
0x33: {  	p0 =	seq.s32 s10, $0x1;
	s10 =	sld [smem:$0x3FB4];
	_ =	sdelay $0x3  }
0x34: {  	[smem:$0x3FB4] =	sst s10  }
0x35: {  	s10 =	sld [smem:$0x3FB3];
	_ =	sdelay $0x3  }
0x36: {  	p1 =	seq.s32 s10, $0x1;
	s10 =	sld [smem:$0x3FB4];
	_ =	sdelay $0x3  }
0x37: {  	[smem:$0x3FB4] =	sst s10  }
0x38: {  	s10 =	sld [smem:$0x3FB5]  }
0x39: {  	_ = 	snop;
	(pc) =	sbr.ind lr, $3  }
0x3a: {  	_ = 	snop  }
0x3b: {  	_ = 	snop  }
0x3c: {  	p2 =	seq.s32 s10, $0x1;
	s10 =	sld [smem:$0x3FB4]  }
0x3d: {  	_ =	shalt  }
0x3e: {  	_ =	shalt  }
0x3f: {  	_ =	shalt  }
0x40: {  	_ =	shalt  }
0x41: {  	_ =	shalt  }
0x42: {  	_ =	shalt  }
0x43: {  	_ =	shalt  }
0x44: {  	_ =	shalt  }
0x45: {  	_ =	shalt  }
0x46: {  	_ =	shalt  }
0x47: {  	_ =	shalt  }
0x48: {  	_ =	shalt  }
0x49: {  	_ =	shalt  }
0x4a: {  	_ =	shalt  }
0x4b: {  	_ =	shalt  }
0x4c: {  	_ =	shalt  }
0x4d: {  	_ =	shalt  }
0x4e: {  	_ =	shalt  }
0x4f: {  	_ =	shalt  }
0x50: {  	_ =	shalt  }
0x51: {  	_ =	shalt  }
0x52: {  	_ =	shalt  }
0x53: {  	_ =	shalt  }
0x54: {  	_ =	shalt  }
0x55: {  	_ =	shalt  }
0x56: {  	_ =	shalt  }
0x57: {  	_ =	shalt  }
0x58: {  	_ =	shalt  }
0x59: {  	_ =	shalt  }
0x5a: {  	_ =	shalt  }
0x5b: {  	_ =	shalt  }
0x5c: {  	_ =	shalt  }
0x5d: {  	_ =	shalt  }
0x5e: {  	_ =	shalt  }
0x5f: {  	_ =	shalt  }
0x60: {  	_ =	shalt  }
0x61: {  	_ =	shalt  }
0x62: {  	_ =	shalt  }
0x63: {  	_ =	shalt  }
0x64: {  	_ =	shalt  }
0x65: {  	_ =	shalt  }
0x66: {  	_ =	shalt  }
0x67: {  	_ =	shalt  }
0x68: {  	_ =	shalt  }
0x69: {  	_ =	shalt  }
0x6a: {  	_ =	shalt  }
0x6b: {  	_ =	shalt  }
0x6c: {  	_ =	shalt  }
0x6d: {  	_ =	shalt  }
0x6e: {  	_ =	shalt  }
0x6f: {  	_ =	shalt  }
0x70: {  	_ =	shalt  }
0x71: {  	_ =	shalt  }
0x72: {  	_ =	shalt  }
0x73: {  	_ =	shalt  }
0x74: {  	_ =	shalt  }
0x75: {  	_ =	shalt  }
0x76: {  	_ =	shalt  }
0x77: {  	_ =	shalt  }
0x78: {  	_ =	shalt  }
0x79: {  	_ =	shalt  }
0x7a: {  	_ =	shalt  }
0x7b: {  	_ =	shalt  }
0x7c: {  	_ =	shalt  }
0x7d: {  	_ =	shalt  }
0x7e: {  	_ =	shalt  }
0x7f: {  	_ =	shalt  }
0x80: {  	_ =	shalt  }
0x81: {  	_ =	shalt  }
0x82: {  	_ =	shalt  }
0x83: {  	_ =	shalt  }
0x84: {  	_ =	shalt  }
0x85: {  	_ =	shalt  }
0x86: {  	_ =	shalt  }
0x87: {  	_ =	shalt  }
.Lfunc_end0:
.L_simem_size_0:
called_computation_lowered:
.L_overlay_start_0:
0x88: {  	s2 =	sld [smem:$0x3FD9]  }
0x89: {  	s3 =	sld [smem:$0x3FFE];
	_ =	sdelay $0x1  }
0x8a: {  	s1 =	srdreg.scid  }
0x8b: {  	s0 =	sand.u32 $0x1, s1  }
0x8c: {  	s14 =	sshll.u32 s0, $0xA;
	s2 =	sadd.s32 s3, s2  }
0x8d: {  	s2 =	sadd.s32 s2, s14  }
0x8e: {  	[smem:$0x3FC0] =	sst s2  }
0x8f: {  	_ = 	snop  }
0x90: {  	s2 =	sld [smem:$0x3FD0];
	_ =	sdelay $0x2  }
0x91: {  	s15 =	simm.s32 $0xA;
	s4 =	simm.s32 $0x10  }
0x92: {  	[smem:s4], [sflag:s15] =	dma.local [hbm:s2], $0x1  }
0x93: {  	_ =	swait.eq [sflag:s15], $0x1  }
0x94: {  	[sflag:s15] =	ssyncset.done $0x0  }
0x95: {  	[sflag:s15] =	ssyncadd.s32 $0xFFFFFFFF  }
0x96: {  	s16 =	sld [smem:$0x11];
	(tm) =	ssettm $0x1  }
0x97: {  	s17 =	sld [smem:$0x3FFB];
	_ =	sdelay $0x3  }
0x98: {  	_ =	strace s17  }
0x99: {  	s3 =	sld [smem:$0x3FFC];
	_ =	sdelay $0x3  }
0x9a: {  	_ =	strace s3  }
0x9b: {  	s3 =	sld [smem:$0x3FFD];
	_ =	sdelay $0x3  }
0x9c: {  	_ =	strace s3  }
0x9d: {  	_ =	strace $0x8FFFFFFF  }
0x9e: {  	s18 =	sld [smem:$0x3FDB];
	_ =	sdelay $0x1  }
0x9f: {  	s19 =	simm.s32 $_scs_section_size  }
0xa0: {  	s5 =	simm.s32 $_size__tile_overlayer_lowered;
	s6 =	simm.s32 $_tile_overlayer_lowered  }
0xa1: {  	s22 =	simm.s32 $0x1BFF;
	s21 =	sshll.u32 s6, $0x1;
	s3 =	sadd.s32 s19, s18  }
0xa2: {  	s7 =	simm.s32 $0x0;
	s20 =	sshll.u32 s5, $0x1;
	s5 =	sadd.s32 s21, s3  }
0xa3: {  	[timem:s7], [sflag:s22] =	dma.local [hbm:s5], s20  }
0xa4: {  	_ =	swait.ge [sflag:s22], s20  }
0xa5: {  	s4 =	ssub.s32 $0x0, s20;
	[sflag:s22] =	ssyncset.done $0x0  }
0xa6: {  	[sflag:s22] =	ssyncadd.s32 s4;
	_ =	sdelay $0x1  }
0xa7: {  	s23 =	simm.s32 $0x1B8B  }
0xa8: {  	_ =	swait.ge [sflag:s23], $0x1  }
0xa9: {  	[sflag:s23] =	ssyncset.done $0x0  }
0xaa: {  	s25 =	simm.s32 $0x1B8E;
	s24 =	sld [smem:$0x3FFE];
	[sflag:s23] =	ssyncadd.s32 $0xFFFFFFFF  }
0xab: {  	s26 =	simm.s32 $execute0_lowered;
	[smem:$0x3FD2] =	sst s25  }
0xac: {  	s5 =	sshll.u32 s26, $0x1;
	_ =	strace $0x80000046;
	[dreg:$0x1] =	wrdreg $0xFFFFFFFF  }
0xad: {  	s28 =	simm.s32 $_size_execute0_lowered;
	s3 =	sadd.s32 s3, s5;
	[dreg:$0x0] =	wrdreg $0x0  }
0xae: {  	s5 =	sshll.u32 s28, $0x1;
	[dreg:$0x2] =	wrdreg s3  }
0xaf: {  	[dreg:$0x3] =	wrdreg s5  }
0xb0: {  	[dreg:$0x4] =	wrdreg $0xC0  }
0xb1: {  	_ =	task [dreg:s7], $0x5FFFF  }
0xb2: {  	[dreg:$0x1] =	wrdreg $0xFFFFFFFF  }
0xb3: {  	[dreg:$0x0] =	wrdreg $0x60  }
0xb4: {  	[dreg:$0x2] =	wrdreg s16  }
0xb5: {  	[dreg:$0x3] =	wrdreg s24  }
0xb6: {  	[dreg:$0x4] =	wrdreg $0x9  }
0xb7: {  	_ =	task.clear_ibuf [dreg:s7], $0x5FFFF;
	_ =	strace $0x90000046  }
0xb8: {  	s29 =	simm.s32 $0x9;
	_ =	strace $0x80000048  }
0xb9: {  	_ =	swait.ge [sflag:s29], $0x1  }
0xba: {  	[sflag:s29] =	ssyncadd.s32 $0xFFFFFFFF  }
0xbb: {  	_ =	strace $0x90000048  }
0xbc: {  	_ =	sfence  }
0xbd: {  	s30 =	sld [smem:$0x0];
	_ =	sdelay $0x2  }
0xbe: {  	s31 =	sshll.u32 s1, $0xD;
	s1 =	sshrl.u32 s1, $0x2  }
0xbf: {  	s3 =	sand.u32 $0x4000, s31;
	s1 =	sadd.s32 s1, s30  }
0xc0: {  	s0 =	sor.u32 s3, s0;
	s1 =	sshll.u32 s1, $0x11  }
0xc1: {  	s0 =	sor.u32 s1, s0  }
0xc2: {  	s0 =	sadd.s32 $0x8F2B, s0  }
0xc3: {  	[sflag:s0] =	ssyncadd.remote.s32 $0x1  }
0xc4: {  	_ =	sfence.sel $0xFFFF  }
0xc5: {  	[dreg:$0x0] =	wrdreg $0xFFFFFFFF;
	(pc) =	sbr.abs _section_cstart, $3  }
0xc6: {  	[dreg:$0x1] =	wrdreg $0xFFFFFFFF  }
0xc7: {  	_ =	task.clear_ibuf [dreg:s7], $0x2FFFF;
	_ =	strace $0x9FFFFFFF  }
0xc8: {  	(tm) =	ssettm $0x7FFFFFFF  }
0xc9: {  	_ =	shalt  }
tec
execute0_lowered:
.L_overlay_start_1:
0x0: {  	(tag) =	ssettag $0x1  }
0x1: {  	s0 =	srdreg.scid;
	s5 =	rddreg [dreg:$0x0]  }
0x2: {  	s2 =	stileid.u32;
	s6 =	rddreg [dreg:$0x1]  }
0x3: {  	s3 =	simm.s32 $0x1;
	s13 =	simm.s32 $0x5;
	s19 =	simm.s32 $0x3330  }
0x4: {  	s20 =	simm.s32 $0x80;
	s21 =	simm.s32 $0x3370;
	s22 =	simm.s32 $0x3570  }
0x5: {  	s28 =	simm.s32 $0x34F0;
	s29 =	simm.s32 $0x9570;
	s0 =	sand.u32 $0x1, s0  }
0x6: {  	s30 =	simm.s32 $0x2;
	s31 =	simm.s32 $0x3;
	s1 =	sshll.u32 s0, $0x4  }
0x7: {  	s0 =	ssub.s32 $0x2, s0;
	s1 =	sor.u32 s2, s1;
	s2 =	sand.u32 $0x3, s2  }
0x8: {  	s11 =	sshrl.u32 s0, $0x1;
	p0 =	seq.s32 s1, $0x0;
	p1 =	sne.s32 s2, $0x0  }
0x9: {  	s2 =	simm.s32 $0x0;
	s4 =	sshrl.u32 s1, $0x2;
	s23 =	sshll.u32 s1, $0x5  }
0xa: {  	s1 =	sshll.u32 s1, $0x10;
	s0 =	ssub.s32 s0, s11;
	p0 =	por !p1, !p0  }
0xb: {  	[smem:$0x7FF] =	sst s2;
	s10 =	sadd.s32 s23, s6;
	s1 =	sadd.s32 s1, s6  }
0xc: {  	s12 =	smax.u32 s0, $0x1;
	s23 =	simm.s32 $0x33F0;
	p0 =	por !p0, !p0  }
0xd: {  	s0 =	simm.s32 $0x0;
	_ =	strace $0x80000047;
	s3 =	simm.s32 @!p0 $0x0  }
0xe: {  	s26 =	sadd.s32 $0x42000, s10;
	s11 =	sadd.s32 $0x44400, s1;
	s3 =	ssub.s32 s4, s3  }
0xf: {  	s1 =	simm.s32 $0x4;
	[dreg:$0x6] =	wrdreg s26;
	s7 =	sshll.u32 s3, $0xC  }
0x10: {  	s26 =	simm.s32 $0x7570;
	s4 =	sadd.s32 $0x1800, s6;
	s8 =	sshrl.u32 s7, $0x3  }
0x11: {  	s3 =	simm.s32 $0x1;
	s9 =	sadd.s32 s8, s6;
	s5 =	sadd.s32 s5, s8  }
0x12: {  	[dreg:$0x3] =	wrdreg s5;
	s24 =	sadd.s32 $0x43400, s9;
	s25 =	sadd.s32 $0x42400, s9  }
0x13: {  	v0 =	vlaneseq.u32;
	s9 =	sadd.s32 $0x41C00, s10;
	s10 =	sadd.s32 $0x41800, s10;
	[dreg:$0x4] =	wrdreg s24  }
0x14: {  	v2 =	vimm.s32 $0x0;
	v3 =	vor.u32 $0x10, v0;
	v1 =	vmov s7;
	[dreg:$0x5] =	wrdreg s25;
	s24 =	simm.s32 $0x5570;
	s25 =	simm.s32 $0x3470  }
.LBB2_1:
0x15: {  	s5 =	rddreg [dreg:$0x3]  }
0x16: {  	[tilespmem:s2], [sflag:$0x5] =	stream.linear.gather [hbm4b:s5+s2], $0x1000, $0x38;
	[tilespmem:$0xB570] =	vst v63  }
0x17: {  	_ =	swait.ge [sflag:s13], $0x1000  }
0x18: {  	[sflag:s13] =	ssyncset.done $0x0  }
0x19: {  	s6 =	simm.s32 $0x1000;
	s7 =	rddreg [dreg:$0x4];
	[sflag:s13] =	ssyncadd.s32 $0xFFFFF000  }
0x1a: {  	[tilespmem:s6], [sflag:$0x5] =	stream.linear.gather [hbm4b:s7+s2], $0x1000, $0x38;
	[tilespmem:$0xB570] =	vst v63  }
0x1b: {  	_ =	swait.ge [sflag:s13], $0x1000  }
0x1c: {  	[sflag:s13] =	ssyncset.done $0x0  }
0x1d: {  	s14 =	simm.s32 $0x2000;
	s8 =	rddreg [dreg:$0x5];
	[sflag:s13] =	ssyncadd.s32 $0xFFFFF000  }
0x1e: {  	[tilespmem:s14], [sflag:$0x5] =	stream.linear.gather [hbm4b:s8+s2], $0x1000, $0x38;
	[tilespmem:$0xB570] =	vst v63  }
0x1f: {  	_ =	swait.ge [sflag:s13], $0x1000  }
0x20: {  	[sflag:s13] =	ssyncset.done $0x0  }
0x21: {  	s16 =	simm.s32 $0x3000;
	s15 =	rddreg [dreg:$0x6];
	[sflag:s13] =	ssyncadd.s32 $0xFFFFF000  }
0x22: {  	[tilespmem:s16], [sflag:$0x5] =	stream.linear.gather [hbm4b:s15+s2], $0x100, $0x38;
	[tilespmem:$0xB570] =	vst v63  }
0x23: {  	_ =	swait.ge [sflag:s13], $0x100  }
0x24: {  	[sflag:s13] =	ssyncset.done $0x0  }
0x25: {  	s17 =	simm.s32 $0x3110;
	[sflag:s13] =	ssyncadd.s32 $0xFFFFFF00  }
0x26: {  	[tilespmem:s17], [sflag:$0x5] =	stream.linear.gather [hbm4b:s9+s2], $0x100, $0x38;
	[tilespmem:$0xB570] =	vst v63  }
0x27: {  	_ =	swait.ge [sflag:s13], $0x100  }
0x28: {  	[sflag:s13] =	ssyncset.done $0x0  }
0x29: {  	s18 =	simm.s32 $0x3220;
	[sflag:s13] =	ssyncadd.s32 $0xFFFFFF00  }
0x2a: {  	[tilespmem:s18], [sflag:$0x5] =	stream.linear.gather [hbm4b:s10+s2], $0x100, $0x38;
	[tilespmem:$0xB570] =	vst v63  }
0x2b: {  	_ =	swait.ge [sflag:s13], $0x100  }
0x2c: {  	[sflag:s13] =	ssyncset.done $0x0  }
0x2d: {  	s14 =	simm.s32 $0x0;
	[sflag:s13] =	ssyncadd.s32 $0xFFFFFF00  }
.LBB2_2:
0x2e: {  	s15 =	sshll.u32 s14, $0x4  }
0x2f: {  	v4 =	vld [tilespmem:s15+$0x3000]  }
0x30: {  	v5 =	vld [tilespmem:s15+$0x3110]  }
0x31: {  	v6 =	vld [tilespmem:s15+$0x3220];
	_ =	sdelay $0x3  }
0x32: {  	s6 =	simm.s32 $0x0;
	s16 =	simm.s32 $0x10;
	s17 =	simm.s32 $0x1010;
	v4 =	vperm.xlane v4, v2  }
0x33: {  	s18 =	simm.s32 $0x2010;
	s5 =	simm.s32 $0x10;
	s7 =	simm.s32 $0x0;
	v5 =	vperm.xlane v5, v2;
	v6 =	vperm.xlane v6, v2  }
.LBB2_3:
0x34: {  	v7 =	vld [tilespmem:s5+$0xFFFFFFF0]  }
0x35: {  	v8 =	vld [tilespmem:s17+$0xFFFFFFF0];
	_ =	sdelay $0x1  }
0x36: {  	v9 =	vld [tilespmem:s18+$0xFFFFFFF0];
	_ =	sdelay $0x2  }
0x37: {  	v7 =	vsub.f32 v7, v4;
	v8 =	vsub.f32 v8, v5;
	_ =	sdelay $0x1  }
0x38: {  	v9 =	vsub.f32 v9, v6;
	v7 =	vmul.f32 v7, v7;
	v8 =	vmul.f32 v8, v8;
	_ =	sdelay $0x1  }
0x39: {  	v7 =	vadd.f32 v8, v7;
	v8 =	vmul.f32 v9, v9;
	_ =	sdelay $0x1  }
0x3a: {  	v7 =	vadd.f32 v8, v7;
	_ =	sdelay $0x1  }
0x3b: {  	vm0 =	vle.f32 v7, $3.999999910e-02  }
0x3c: {  	v7 =	vsel vm0, $0x1, v2  }
0x3d: {  	(xrf0) =	vadd.scan.msk.s32 $0xffff, v7;
	_ =	sdelay $0x2  }
0x3e: {  	v7 =	vmov s7  }
0x3f: {  	v7 =	vadd.s32 $0xFFFFFFFF, v7  }
0x40: {  	v7 =	vbroadcast v7, $0x0  }
0x41: {  	v8, _, _ =	vpop (xrf0)  }
0x42: {  	v7 =	vadd.s32 v8, v7  }
0x43: {  	vm1 =	vlt.s32 v7, $0x30  }
0x44: {  	v7 =	vnsel vm1, $0x30, v7  }
0x45: {  	v7 =	vnsel vm0, $0x38, v7;
	_ =	sdelay $0x2  }
0x46: {  	s8 =	sadd.s32 $0xFFFFFFF0, s16  }
0x47: {  	v62 =	vor.u32 s8, v0  }
0x48: {  	[tilespmem:v7+s19+$0x0] =	vst.idx.msk $0xffff, v62  }
0x49: {  	v7 =	vld [tilespmem:s5+$0x0]  }
0x4a: {  	v9 =	vld [tilespmem:s17+$0x0];
	_ =	sdelay $0x1  }
0x4b: {  	v10 =	vld [tilespmem:s18+$0x0];
	_ =	sdelay $0x2  }
0x4c: {  	v7 =	vsub.f32 v7, v4;
	v9 =	vsub.f32 v9, v5;
	_ =	sdelay $0x1  }
0x4d: {  	v10 =	vsub.f32 v10, v6;
	v7 =	vmul.f32 v7, v7;
	v9 =	vmul.f32 v9, v9;
	_ =	sdelay $0x1  }
0x4e: {  	v63 =	vmul.f32 v10, v10;
	v7 =	vadd.f32 v9, v7;
	_ =	sdelay $0x1  }
0x4f: {  	v7 =	vadd.f32 v63, v7;
	_ =	sdelay $0x1  }
0x50: {  	vm14 =	vle.f32 v7, $3.999999910e-02  }
0x51: {  	v7 =	vsel vm14, $0x1, v2  }
0x52: {  	(xrf0) =	vadd.scan.msk.s32 $0xffff, v7  }
0x53: {  	(v2sf) =	vpush v8, $0xF;
	_ =	sdelay $0x4  }
0x54: {  	v7, _, _ =	vpop (xrf0)  }
0x55: {  	(v2sf) =	vpush v7, $0xF;
	_ =	sdelay $0x8  }
0x56: {  	s8 =	spop (v2sf)  }
0x57: {  	s7 =	sadd.s32 s7, s8  }
0x58: {  	v8 =	vmov s7  }
0x59: {  	v8 =	vadd.s32 $0xFFFFFFFF, v8  }
0x5a: {  	v8 =	vbroadcast v8, $0x0;
	_ =	sdelay $0x1  }
0x5b: {  	v7 =	vadd.s32 v7, v8;
	s8 =	spop (v2sf)  }
0x5c: {  	p0 =	sgt.u32 s6, $0x7E;
	vm15 =	vlt.s32 v7, $0x30;
	s7 =	sadd.s32 s7, s8  }
0x5d: {  	v7 =	vnsel vm15, $0x30, v7;
	p1 =	slt.s32 @!p0 s7, $0x20  }
0x5e: {  	v7 =	vnsel vm14, $0x38, v7;
	p0 =	por p0, !p1  }
.Ltmp0:
0x5f: {  	_ = 	snop;
	(pc) =	sbr.rel @!p0 .LBB2_3-.Ltmp0, $3  }
0x60: {  	_ =	sdelay $0x1  }
0x61: {  	s6 =	sadd.s32 $0x1, s6;
	s5 =	sadd.s32 $0x20, s5;
	v8 =	vor.u32 s16, v0  }
0x62: {  	s17 =	sadd.s32 $0x20, s17;
	s18 =	sadd.s32 $0x20, s18;
	s16 =	sadd.s32 $0x20, s16;
	[tilespmem:v7+s19+$0x0] =	vst.idx.msk $0xffff, v8  }
0x63: {  	v4 =	vld [tilespmem:$0x3330];
	_ =	sdelay $0x2  }
0x64: {  	v5 =	vld [tilespmem:$0x3340];
	_ =	sdelay $0x1  }
0x65: {  	v7 =	vmov s7;
	v6 =	vperm.xlane v4, v2  }
0x66: {  	vm0 =	vgt.s32 v7, v0  }
0x67: {  	vm15 =	vgt.s32 v7, v3;
	v4 =	vsel vm0, v4, v6  }
0x68: {  	v5 =	vsel vm15, v5, v6;
	v4 =	vadd.s32 v1, v4  }
0x69: {  	v5 =	vadd.s32 v1, v5;
	[tilespmem:$0x3370] =	vst v4  }
0x6a: {  	[tilespmem:$0x3380] =	vst v5  }
0x6b: {  	v4 =	vld [tilespmem:s15+$0x3001]  }
0x6c: {  	v5 =	vld [tilespmem:s15+$0x3111]  }
0x6d: {  	v6 =	vld [tilespmem:s15+$0x3221];
	_ =	sdelay $0x3  }
0x6e: {  	s6 =	simm.s32 $0x0;
	s16 =	simm.s32 $0x10;
	s17 =	simm.s32 $0x1010;
	v4 =	vperm.xlane v4, v2  }
0x6f: {  	s18 =	simm.s32 $0x2010;
	s5 =	simm.s32 $0x10;
	s7 =	simm.s32 $0x0;
	v5 =	vperm.xlane v5, v2;
	v6 =	vperm.xlane v6, v2  }
.LBB2_5:
0x70: {  	v7 =	vld [tilespmem:s5+$0xFFFFFFF0]  }
0x71: {  	v8 =	vld [tilespmem:s17+$0xFFFFFFF0];
	_ =	sdelay $0x1  }
0x72: {  	v9 =	vld [tilespmem:s18+$0xFFFFFFF0];
	_ =	sdelay $0x2  }
0x73: {  	v7 =	vsub.f32 v7, v4;
	v8 =	vsub.f32 v8, v5;
	_ =	sdelay $0x1  }
0x74: {  	v9 =	vsub.f32 v9, v6;
	v7 =	vmul.f32 v7, v7;
	v8 =	vmul.f32 v8, v8;
	_ =	sdelay $0x1  }
0x75: {  	v7 =	vadd.f32 v8, v7;
	v8 =	vmul.f32 v9, v9;
	_ =	sdelay $0x1  }
0x76: {  	v7 =	vadd.f32 v8, v7;
	_ =	sdelay $0x1  }
0x77: {  	vm0 =	vle.f32 v7, $3.999999910e-02  }
0x78: {  	v7 =	vsel vm0, $0x1, v2  }
0x79: {  	(xrf0) =	vadd.scan.msk.s32 $0xffff, v7;
	_ =	sdelay $0x2  }
0x7a: {  	v7 =	vmov s7  }
0x7b: {  	v7 =	vadd.s32 $0xFFFFFFFF, v7  }
0x7c: {  	v7 =	vbroadcast v7, $0x0  }
0x7d: {  	v8, _, _ =	vpop (xrf0)  }
0x7e: {  	v7 =	vadd.s32 v8, v7  }
0x7f: {  	vm1 =	vlt.s32 v7, $0x30  }
0x80: {  	v7 =	vnsel vm1, $0x30, v7  }
0x81: {  	v7 =	vnsel vm0, $0x38, v7;
	_ =	sdelay $0x2  }
0x82: {  	s8 =	sadd.s32 $0xFFFFFFF0, s16  }
0x83: {  	v62 =	vor.u32 s8, v0  }
0x84: {  	[tilespmem:v7+s19+$0x0] =	vst.idx.msk $0xffff, v62  }
0x85: {  	v7 =	vld [tilespmem:s5+$0x0]  }
0x86: {  	v9 =	vld [tilespmem:s17+$0x0];
	_ =	sdelay $0x1  }
0x87: {  	v10 =	vld [tilespmem:s18+$0x0];
	_ =	sdelay $0x2  }
0x88: {  	v7 =	vsub.f32 v7, v4;
	v9 =	vsub.f32 v9, v5;
	_ =	sdelay $0x1  }
0x89: {  	v10 =	vsub.f32 v10, v6;
	v7 =	vmul.f32 v7, v7;
	v9 =	vmul.f32 v9, v9;
	_ =	sdelay $0x1  }
0x8a: {  	v63 =	vmul.f32 v10, v10;
	v7 =	vadd.f32 v9, v7;
	_ =	sdelay $0x1  }
0x8b: {  	v7 =	vadd.f32 v63, v7;
	_ =	sdelay $0x1  }
0x8c: {  	vm14 =	vle.f32 v7, $3.999999910e-02  }
0x8d: {  	v7 =	vsel vm14, $0x1, v2  }
0x8e: {  	(xrf0) =	vadd.scan.msk.s32 $0xffff, v7  }
0x8f: {  	(v2sf) =	vpush v8, $0xF;
	_ =	sdelay $0x4  }
0x90: {  	v7, _, _ =	vpop (xrf0)  }
0x91: {  	(v2sf) =	vpush v7, $0xF;
	_ =	sdelay $0x8  }
0x92: {  	s8 =	spop (v2sf)  }
0x93: {  	s7 =	sadd.s32 s7, s8  }
0x94: {  	v8 =	vmov s7  }
0x95: {  	v8 =	vadd.s32 $0xFFFFFFFF, v8  }
0x96: {  	v8 =	vbroadcast v8, $0x0;
	_ =	sdelay $0x1  }
0x97: {  	v7 =	vadd.s32 v7, v8;
	s8 =	spop (v2sf)  }
0x98: {  	p0 =	sgt.u32 s6, $0x7E;
	vm15 =	vlt.s32 v7, $0x30;
	s7 =	sadd.s32 s7, s8  }
0x99: {  	v7 =	vnsel vm15, $0x30, v7;
	p1 =	slt.s32 @!p0 s7, $0x20  }
0x9a: {  	v7 =	vnsel vm14, $0x38, v7;
	p0 =	por p0, !p1  }
.Ltmp1:
0x9b: {  	_ = 	snop;
	(pc) =	sbr.rel @!p0 .LBB2_5-.Ltmp1, $3  }
0x9c: {  	_ =	sdelay $0x1  }
0x9d: {  	s6 =	sadd.s32 $0x1, s6;
	s5 =	sadd.s32 $0x20, s5;
	v8 =	vor.u32 s16, v0  }
0x9e: {  	s17 =	sadd.s32 $0x20, s17;
	s18 =	sadd.s32 $0x20, s18;
	s16 =	sadd.s32 $0x20, s16;
	[tilespmem:v7+s19+$0x0] =	vst.idx.msk $0xffff, v8  }
0x9f: {  	v4 =	vld [tilespmem:$0x3330];
	_ =	sdelay $0x2  }
0xa0: {  	v5 =	vld [tilespmem:$0x3340];
	_ =	sdelay $0x1  }
0xa1: {  	v7 =	vmov s7;
	v6 =	vperm.xlane v4, v2  }
0xa2: {  	vm0 =	vgt.s32 v7, v0  }
0xa3: {  	vm15 =	vgt.s32 v7, v3;
	v4 =	vsel vm0, v4, v6  }
0xa4: {  	v5 =	vsel vm15, v5, v6;
	v4 =	vadd.s32 v1, v4  }
0xa5: {  	v5 =	vadd.s32 v1, v5;
	[tilespmem:$0x3390] =	vst v4  }
0xa6: {  	[tilespmem:$0x33A0] =	vst v5  }
0xa7: {  	v4 =	vld [tilespmem:s15+$0x3002]  }
0xa8: {  	v5 =	vld [tilespmem:s15+$0x3112]  }
0xa9: {  	v6 =	vld [tilespmem:s15+$0x3222];
	_ =	sdelay $0x3  }
0xaa: {  	s6 =	simm.s32 $0x0;
	s16 =	simm.s32 $0x10;
	s17 =	simm.s32 $0x1010;
	v4 =	vperm.xlane v4, v2  }
0xab: {  	s18 =	simm.s32 $0x2010;
	s5 =	simm.s32 $0x10;
	s7 =	simm.s32 $0x0;
	v5 =	vperm.xlane v5, v2;
	v6 =	vperm.xlane v6, v2  }
.LBB2_7:
0xac: {  	v7 =	vld [tilespmem:s5+$0xFFFFFFF0]  }
0xad: {  	v8 =	vld [tilespmem:s17+$0xFFFFFFF0];
	_ =	sdelay $0x1  }
0xae: {  	v9 =	vld [tilespmem:s18+$0xFFFFFFF0];
	_ =	sdelay $0x2  }
0xaf: {  	v7 =	vsub.f32 v7, v4;
	v8 =	vsub.f32 v8, v5;
	_ =	sdelay $0x1  }
0xb0: {  	v9 =	vsub.f32 v9, v6;
	v7 =	vmul.f32 v7, v7;
	v8 =	vmul.f32 v8, v8;
	_ =	sdelay $0x1  }
0xb1: {  	v7 =	vadd.f32 v8, v7;
	v8 =	vmul.f32 v9, v9;
	_ =	sdelay $0x1  }
0xb2: {  	v7 =	vadd.f32 v8, v7;
	_ =	sdelay $0x1  }
0xb3: {  	vm0 =	vle.f32 v7, $3.999999910e-02  }
0xb4: {  	v7 =	vsel vm0, $0x1, v2  }
0xb5: {  	(xrf0) =	vadd.scan.msk.s32 $0xffff, v7;
	_ =	sdelay $0x2  }
0xb6: {  	v7 =	vmov s7  }
0xb7: {  	v7 =	vadd.s32 $0xFFFFFFFF, v7  }
0xb8: {  	v7 =	vbroadcast v7, $0x0  }
0xb9: {  	v8, _, _ =	vpop (xrf0)  }
0xba: {  	v7 =	vadd.s32 v8, v7  }
0xbb: {  	vm1 =	vlt.s32 v7, $0x30  }
0xbc: {  	v7 =	vnsel vm1, $0x30, v7  }
0xbd: {  	v7 =	vnsel vm0, $0x38, v7;
	_ =	sdelay $0x2  }
0xbe: {  	s8 =	sadd.s32 $0xFFFFFFF0, s16  }
0xbf: {  	v62 =	vor.u32 s8, v0  }
0xc0: {  	[tilespmem:v7+s19+$0x0] =	vst.idx.msk $0xffff, v62  }
0xc1: {  	v7 =	vld [tilespmem:s5+$0x0]  }
0xc2: {  	v9 =	vld [tilespmem:s17+$0x0];
	_ =	sdelay $0x1  }
0xc3: {  	v10 =	vld [tilespmem:s18+$0x0];
	_ =	sdelay $0x2  }
0xc4: {  	v7 =	vsub.f32 v7, v4;
	v9 =	vsub.f32 v9, v5;
	_ =	sdelay $0x1  }
0xc5: {  	v10 =	vsub.f32 v10, v6;
	v7 =	vmul.f32 v7, v7;
	v9 =	vmul.f32 v9, v9;
	_ =	sdelay $0x1  }
0xc6: {  	v63 =	vmul.f32 v10, v10;
	v7 =	vadd.f32 v9, v7;
	_ =	sdelay $0x1  }
0xc7: {  	v7 =	vadd.f32 v63, v7;
	_ =	sdelay $0x1  }
0xc8: {  	vm14 =	vle.f32 v7, $3.999999910e-02  }
0xc9: {  	v7 =	vsel vm14, $0x1, v2  }
0xca: {  	(xrf0) =	vadd.scan.msk.s32 $0xffff, v7  }
0xcb: {  	(v2sf) =	vpush v8, $0xF;
	_ =	sdelay $0x4  }
0xcc: {  	v7, _, _ =	vpop (xrf0)  }
0xcd: {  	(v2sf) =	vpush v7, $0xF;
	_ =	sdelay $0x8  }
0xce: {  	s8 =	spop (v2sf)  }
0xcf: {  	s7 =	sadd.s32 s7, s8  }
0xd0: {  	v8 =	vmov s7  }
0xd1: {  	v8 =	vadd.s32 $0xFFFFFFFF, v8  }
0xd2: {  	v8 =	vbroadcast v8, $0x0;
	_ =	sdelay $0x1  }
0xd3: {  	v7 =	vadd.s32 v7, v8;
	s8 =	spop (v2sf)  }
0xd4: {  	p0 =	sgt.u32 s6, $0x7E;
	vm15 =	vlt.s32 v7, $0x30;
	s7 =	sadd.s32 s7, s8  }
0xd5: {  	v7 =	vnsel vm15, $0x30, v7;
	p1 =	slt.s32 @!p0 s7, $0x20  }
0xd6: {  	v7 =	vnsel vm14, $0x38, v7;
	p0 =	por p0, !p1  }
.Ltmp2:
0xd7: {  	_ = 	snop;
	(pc) =	sbr.rel @!p0 .LBB2_7-.Ltmp2, $3  }
0xd8: {  	_ =	sdelay $0x1  }
0xd9: {  	s6 =	sadd.s32 $0x1, s6;
	s5 =	sadd.s32 $0x20, s5;
	v8 =	vor.u32 s16, v0  }
0xda: {  	s17 =	sadd.s32 $0x20, s17;
	s18 =	sadd.s32 $0x20, s18;
	s16 =	sadd.s32 $0x20, s16;
	[tilespmem:v7+s19+$0x0] =	vst.idx.msk $0xffff, v8  }
0xdb: {  	v4 =	vld [tilespmem:$0x3330];
	_ =	sdelay $0x2  }
0xdc: {  	v5 =	vld [tilespmem:$0x3340];
	_ =	sdelay $0x1  }
0xdd: {  	v7 =	vmov s7;
	v6 =	vperm.xlane v4, v2  }
0xde: {  	vm0 =	vgt.s32 v7, v0  }
0xdf: {  	vm15 =	vgt.s32 v7, v3;
	v4 =	vsel vm0, v4, v6  }
0xe0: {  	v5 =	vsel vm15, v5, v6;
	v4 =	vadd.s32 v1, v4  }
0xe1: {  	v5 =	vadd.s32 v1, v5;
	[tilespmem:$0x33B0] =	vst v4  }
0xe2: {  	[tilespmem:$0x33C0] =	vst v5  }
0xe3: {  	v4 =	vld [tilespmem:s15+$0x3003]  }
0xe4: {  	v5 =	vld [tilespmem:s15+$0x3113]  }
0xe5: {  	v6 =	vld [tilespmem:s15+$0x3223];
	_ =	sdelay $0x3  }
0xe6: {  	s6 =	simm.s32 $0x0;
	s16 =	simm.s32 $0x10;
	s17 =	simm.s32 $0x1010;
	v4 =	vperm.xlane v4, v2  }
0xe7: {  	s18 =	simm.s32 $0x2010;
	s5 =	simm.s32 $0x10;
	s7 =	simm.s32 $0x0;
	v5 =	vperm.xlane v5, v2;
	v6 =	vperm.xlane v6, v2  }
.LBB2_9:
0xe8: {  	v7 =	vld [tilespmem:s5+$0xFFFFFFF0]  }
0xe9: {  	v8 =	vld [tilespmem:s17+$0xFFFFFFF0];
	_ =	sdelay $0x1  }
0xea: {  	v9 =	vld [tilespmem:s18+$0xFFFFFFF0];
	_ =	sdelay $0x2  }
0xeb: {  	v7 =	vsub.f32 v7, v4;
	v8 =	vsub.f32 v8, v5;
	_ =	sdelay $0x1  }
0xec: {  	v9 =	vsub.f32 v9, v6;
	v7 =	vmul.f32 v7, v7;
	v8 =	vmul.f32 v8, v8;
	_ =	sdelay $0x1  }
0xed: {  	v7 =	vadd.f32 v8, v7;
	v8 =	vmul.f32 v9, v9;
	_ =	sdelay $0x1  }
0xee: {  	v7 =	vadd.f32 v8, v7;
	_ =	sdelay $0x1  }
0xef: {  	vm0 =	vle.f32 v7, $3.999999910e-02  }
0xf0: {  	v7 =	vsel vm0, $0x1, v2  }
0xf1: {  	(xrf0) =	vadd.scan.msk.s32 $0xffff, v7;
	_ =	sdelay $0x2  }
0xf2: {  	v7 =	vmov s7  }
0xf3: {  	v7 =	vadd.s32 $0xFFFFFFFF, v7  }
0xf4: {  	v7 =	vbroadcast v7, $0x0  }
0xf5: {  	v8, _, _ =	vpop (xrf0)  }
0xf6: {  	v7 =	vadd.s32 v8, v7  }
0xf7: {  	vm1 =	vlt.s32 v7, $0x30  }
0xf8: {  	v7 =	vnsel vm1, $0x30, v7  }
0xf9: {  	v7 =	vnsel vm0, $0x38, v7;
	_ =	sdelay $0x2  }
0xfa: {  	s8 =	sadd.s32 $0xFFFFFFF0, s16  }
0xfb: {  	v62 =	vor.u32 s8, v0  }
0xfc: {  	[tilespmem:v7+s19+$0x0] =	vst.idx.msk $0xffff, v62  }
0xfd: {  	v7 =	vld [tilespmem:s5+$0x0]  }
0xfe: {  	v9 =	vld [tilespmem:s17+$0x0];
	_ =	sdelay $0x1  }
0xff: {  	v10 =	vld [tilespmem:s18+$0x0];
	_ =	sdelay $0x2  }
0x100: {  	v7 =	vsub.f32 v7, v4;
	v9 =	vsub.f32 v9, v5;
	_ =	sdelay $0x1  }
0x101: {  	v10 =	vsub.f32 v10, v6;
	v7 =	vmul.f32 v7, v7;
	v9 =	vmul.f32 v9, v9;
	_ =	sdelay $0x1  }
0x102: {  	v63 =	vmul.f32 v10, v10;
	v7 =	vadd.f32 v9, v7;
	_ =	sdelay $0x1  }
0x103: {  	v7 =	vadd.f32 v63, v7;
	_ =	sdelay $0x1  }
0x104: {  	vm14 =	vle.f32 v7, $3.999999910e-02  }
0x105: {  	v7 =	vsel vm14, $0x1, v2  }
0x106: {  	(xrf0) =	vadd.scan.msk.s32 $0xffff, v7  }
0x107: {  	(v2sf) =	vpush v8, $0xF;
	_ =	sdelay $0x4  }
0x108: {  	v7, _, _ =	vpop (xrf0)  }
0x109: {  	(v2sf) =	vpush v7, $0xF;
	_ =	sdelay $0x8  }
0x10a: {  	s8 =	spop (v2sf)  }
0x10b: {  	s7 =	sadd.s32 s7, s8  }
0x10c: {  	v8 =	vmov s7  }
0x10d: {  	v8 =	vadd.s32 $0xFFFFFFFF, v8  }
0x10e: {  	v8 =	vbroadcast v8, $0x0;
	_ =	sdelay $0x1  }
0x10f: {  	v7 =	vadd.s32 v7, v8;
	s8 =	spop (v2sf)  }
0x110: {  	p0 =	sgt.u32 s6, $0x7E;
	vm15 =	vlt.s32 v7, $0x30;
	s7 =	sadd.s32 s7, s8  }
0x111: {  	v7 =	vnsel vm15, $0x30, v7;
	p1 =	slt.s32 @!p0 s7, $0x20  }
0x112: {  	v7 =	vnsel vm14, $0x38, v7;
	p0 =	por p0, !p1  }
.Ltmp3:
0x113: {  	_ = 	snop;
	(pc) =	sbr.rel @!p0 .LBB2_9-.Ltmp3, $3  }
0x114: {  	_ =	sdelay $0x1  }
0x115: {  	s6 =	sadd.s32 $0x1, s6;
	s5 =	sadd.s32 $0x20, s5;
	v8 =	vor.u32 s16, v0  }
0x116: {  	s17 =	sadd.s32 $0x20, s17;
	s18 =	sadd.s32 $0x20, s18;
	s16 =	sadd.s32 $0x20, s16;
	[tilespmem:v7+s19+$0x0] =	vst.idx.msk $0xffff, v8  }
0x117: {  	v4 =	vld [tilespmem:$0x3330];
	_ =	sdelay $0x2  }
0x118: {  	v5 =	vld [tilespmem:$0x3340];
	_ =	sdelay $0x1  }
0x119: {  	v7 =	vmov s7;
	v6 =	vperm.xlane v4, v2  }
0x11a: {  	vm0 =	vgt.s32 v7, v0  }
0x11b: {  	vm15 =	vgt.s32 v7, v3;
	v4 =	vsel vm0, v4, v6  }
0x11c: {  	v5 =	vsel vm15, v5, v6;
	v4 =	vadd.s32 v1, v4  }
0x11d: {  	v5 =	vadd.s32 v1, v5;
	[tilespmem:$0x33D0] =	vst v4  }
0x11e: {  	[tilespmem:$0x33E0] =	vst v5  }
0x11f: {  	[tilespmem:s22], [sflag:$0x1] =	stream.indirect.gather [hbm4b:s4+s20], $0x40, s21, s20, $0xb8;
	[tilespmem:$0xB570] =	vst v63  }
0x120: {  	v4 =	vld [tilespmem:s15+$0x3004]  }
0x121: {  	v5 =	vld [tilespmem:s15+$0x3114]  }
0x122: {  	v6 =	vld [tilespmem:s15+$0x3224];
	_ =	sdelay $0x3  }
0x123: {  	s6 =	simm.s32 $0x0;
	s16 =	simm.s32 $0x10;
	s17 =	simm.s32 $0x1010;
	v4 =	vperm.xlane v4, v2  }
0x124: {  	s18 =	simm.s32 $0x2010;
	s5 =	simm.s32 $0x10;
	s7 =	simm.s32 $0x0;
	v5 =	vperm.xlane v5, v2;
	v6 =	vperm.xlane v6, v2  }
.LBB2_11:
0x125: {  	v7 =	vld [tilespmem:s5+$0xFFFFFFF0]  }
0x126: {  	v8 =	vld [tilespmem:s17+$0xFFFFFFF0];
	_ =	sdelay $0x1  }
0x127: {  	v9 =	vld [tilespmem:s18+$0xFFFFFFF0];
	_ =	sdelay $0x2  }
0x128: {  	v7 =	vsub.f32 v7, v4;
	v8 =	vsub.f32 v8, v5;
	_ =	sdelay $0x1  }
0x129: {  	v9 =	vsub.f32 v9, v6;
	v7 =	vmul.f32 v7, v7;
	v8 =	vmul.f32 v8, v8;
	_ =	sdelay $0x1  }
0x12a: {  	v7 =	vadd.f32 v8, v7;
	v8 =	vmul.f32 v9, v9;
	_ =	sdelay $0x1  }
0x12b: {  	v7 =	vadd.f32 v8, v7;
	_ =	sdelay $0x1  }
0x12c: {  	vm0 =	vle.f32 v7, $3.999999910e-02  }
0x12d: {  	v7 =	vsel vm0, $0x1, v2  }
0x12e: {  	(xrf0) =	vadd.scan.msk.s32 $0xffff, v7;
	_ =	sdelay $0x2  }
0x12f: {  	v7 =	vmov s7  }
0x130: {  	v7 =	vadd.s32 $0xFFFFFFFF, v7  }
0x131: {  	v7 =	vbroadcast v7, $0x0  }
0x132: {  	v8, _, _ =	vpop (xrf0)  }
0x133: {  	v7 =	vadd.s32 v8, v7  }
0x134: {  	vm1 =	vlt.s32 v7, $0x30  }
0x135: {  	v7 =	vnsel vm1, $0x30, v7  }
0x136: {  	v7 =	vnsel vm0, $0x38, v7;
	_ =	sdelay $0x2  }
0x137: {  	s8 =	sadd.s32 $0xFFFFFFF0, s16  }
0x138: {  	v62 =	vor.u32 s8, v0  }
0x139: {  	[tilespmem:v7+s19+$0x0] =	vst.idx.msk $0xffff, v62  }
0x13a: {  	v7 =	vld [tilespmem:s5+$0x0]  }
0x13b: {  	v9 =	vld [tilespmem:s17+$0x0];
	_ =	sdelay $0x1  }
0x13c: {  	v10 =	vld [tilespmem:s18+$0x0];
	_ =	sdelay $0x2  }
0x13d: {  	v7 =	vsub.f32 v7, v4;
	v9 =	vsub.f32 v9, v5;
	_ =	sdelay $0x1  }
0x13e: {  	v10 =	vsub.f32 v10, v6;
	v7 =	vmul.f32 v7, v7;
	v9 =	vmul.f32 v9, v9;
	_ =	sdelay $0x1  }
0x13f: {  	v63 =	vmul.f32 v10, v10;
	v7 =	vadd.f32 v9, v7;
	_ =	sdelay $0x1  }
0x140: {  	v7 =	vadd.f32 v63, v7;
	_ =	sdelay $0x1  }
0x141: {  	vm14 =	vle.f32 v7, $3.999999910e-02  }
0x142: {  	v7 =	vsel vm14, $0x1, v2  }
0x143: {  	(xrf0) =	vadd.scan.msk.s32 $0xffff, v7  }
0x144: {  	(v2sf) =	vpush v8, $0xF;
	_ =	sdelay $0x4  }
0x145: {  	v7, _, _ =	vpop (xrf0)  }
0x146: {  	(v2sf) =	vpush v7, $0xF;
	_ =	sdelay $0x8  }
0x147: {  	s8 =	spop (v2sf)  }
0x148: {  	s7 =	sadd.s32 s7, s8  }
0x149: {  	v8 =	vmov s7  }
0x14a: {  	v8 =	vadd.s32 $0xFFFFFFFF, v8  }
0x14b: {  	v8 =	vbroadcast v8, $0x0;
	_ =	sdelay $0x1  }
0x14c: {  	v7 =	vadd.s32 v7, v8;
	s8 =	spop (v2sf)  }
0x14d: {  	p0 =	sgt.u32 s6, $0x7E;
	vm15 =	vlt.s32 v7, $0x30;
	s7 =	sadd.s32 s7, s8  }
0x14e: {  	v7 =	vnsel vm15, $0x30, v7;
	p1 =	slt.s32 @!p0 s7, $0x20  }
0x14f: {  	v7 =	vnsel vm14, $0x38, v7;
	p0 =	por p0, !p1  }
.Ltmp4:
0x150: {  	_ = 	snop;
	(pc) =	sbr.rel @!p0 .LBB2_11-.Ltmp4, $3  }
0x151: {  	_ =	sdelay $0x1  }
0x152: {  	s6 =	sadd.s32 $0x1, s6;
	s5 =	sadd.s32 $0x20, s5;
	v8 =	vor.u32 s16, v0  }
0x153: {  	s17 =	sadd.s32 $0x20, s17;
	s18 =	sadd.s32 $0x20, s18;
	s16 =	sadd.s32 $0x20, s16;
	[tilespmem:v7+s19+$0x0] =	vst.idx.msk $0xffff, v8  }
0x154: {  	v4 =	vld [tilespmem:$0x3330];
	_ =	sdelay $0x2  }
0x155: {  	v5 =	vld [tilespmem:$0x3340];
	_ =	sdelay $0x1  }
0x156: {  	v7 =	vmov s7;
	v6 =	vperm.xlane v4, v2  }
0x157: {  	vm0 =	vgt.s32 v7, v0  }
0x158: {  	vm15 =	vgt.s32 v7, v3;
	v4 =	vsel vm0, v4, v6  }
0x159: {  	v5 =	vsel vm15, v5, v6;
	v4 =	vadd.s32 v1, v4  }
0x15a: {  	v5 =	vadd.s32 v1, v5;
	[tilespmem:$0x33F0] =	vst v4  }
0x15b: {  	[tilespmem:$0x3400] =	vst v5  }
0x15c: {  	v4 =	vld [tilespmem:s15+$0x3005]  }
0x15d: {  	v5 =	vld [tilespmem:s15+$0x3115]  }
0x15e: {  	v6 =	vld [tilespmem:s15+$0x3225];
	_ =	sdelay $0x3  }
0x15f: {  	s6 =	simm.s32 $0x0;
	s16 =	simm.s32 $0x10;
	s17 =	simm.s32 $0x1010;
	v4 =	vperm.xlane v4, v2  }
0x160: {  	s18 =	simm.s32 $0x2010;
	s5 =	simm.s32 $0x10;
	s7 =	simm.s32 $0x0;
	v5 =	vperm.xlane v5, v2;
	v6 =	vperm.xlane v6, v2  }
.LBB2_13:
0x161: {  	v7 =	vld [tilespmem:s5+$0xFFFFFFF0]  }
0x162: {  	v8 =	vld [tilespmem:s17+$0xFFFFFFF0];
	_ =	sdelay $0x1  }
0x163: {  	v9 =	vld [tilespmem:s18+$0xFFFFFFF0];
	_ =	sdelay $0x2  }
0x164: {  	v7 =	vsub.f32 v7, v4;
	v8 =	vsub.f32 v8, v5;
	_ =	sdelay $0x1  }
0x165: {  	v9 =	vsub.f32 v9, v6;
	v7 =	vmul.f32 v7, v7;
	v8 =	vmul.f32 v8, v8;
	_ =	sdelay $0x1  }
0x166: {  	v7 =	vadd.f32 v8, v7;
	v8 =	vmul.f32 v9, v9;
	_ =	sdelay $0x1  }
0x167: {  	v7 =	vadd.f32 v8, v7;
	_ =	sdelay $0x1  }
0x168: {  	vm0 =	vle.f32 v7, $3.999999910e-02  }
0x169: {  	v7 =	vsel vm0, $0x1, v2  }
0x16a: {  	(xrf0) =	vadd.scan.msk.s32 $0xffff, v7;
	_ =	sdelay $0x2  }
0x16b: {  	v7 =	vmov s7  }
0x16c: {  	v7 =	vadd.s32 $0xFFFFFFFF, v7  }
0x16d: {  	v7 =	vbroadcast v7, $0x0  }
0x16e: {  	v8, _, _ =	vpop (xrf0)  }
0x16f: {  	v7 =	vadd.s32 v8, v7  }
0x170: {  	vm1 =	vlt.s32 v7, $0x30  }
0x171: {  	v7 =	vnsel vm1, $0x30, v7  }
0x172: {  	v7 =	vnsel vm0, $0x38, v7;
	_ =	sdelay $0x2  }
0x173: {  	s8 =	sadd.s32 $0xFFFFFFF0, s16  }
0x174: {  	v62 =	vor.u32 s8, v0  }
0x175: {  	[tilespmem:v7+s19+$0x0] =	vst.idx.msk $0xffff, v62  }
0x176: {  	v7 =	vld [tilespmem:s5+$0x0]  }
0x177: {  	v9 =	vld [tilespmem:s17+$0x0];
	_ =	sdelay $0x1  }
0x178: {  	v10 =	vld [tilespmem:s18+$0x0];
	_ =	sdelay $0x2  }
0x179: {  	v7 =	vsub.f32 v7, v4;
	v9 =	vsub.f32 v9, v5;
	_ =	sdelay $0x1  }
0x17a: {  	v10 =	vsub.f32 v10, v6;
	v7 =	vmul.f32 v7, v7;
	v9 =	vmul.f32 v9, v9;
	_ =	sdelay $0x1  }
0x17b: {  	v63 =	vmul.f32 v10, v10;
	v7 =	vadd.f32 v9, v7;
	_ =	sdelay $0x1  }
0x17c: {  	v7 =	vadd.f32 v63, v7;
	_ =	sdelay $0x1  }
0x17d: {  	vm14 =	vle.f32 v7, $3.999999910e-02  }
0x17e: {  	v7 =	vsel vm14, $0x1, v2  }
0x17f: {  	(xrf0) =	vadd.scan.msk.s32 $0xffff, v7  }
0x180: {  	(v2sf) =	vpush v8, $0xF;
	_ =	sdelay $0x4  }
0x181: {  	v7, _, _ =	vpop (xrf0)  }
0x182: {  	(v2sf) =	vpush v7, $0xF;
	_ =	sdelay $0x8  }
0x183: {  	s8 =	spop (v2sf)  }
0x184: {  	s7 =	sadd.s32 s7, s8  }
0x185: {  	v8 =	vmov s7  }
0x186: {  	v8 =	vadd.s32 $0xFFFFFFFF, v8  }
0x187: {  	v8 =	vbroadcast v8, $0x0;
	_ =	sdelay $0x1  }
0x188: {  	v7 =	vadd.s32 v7, v8;
	s8 =	spop (v2sf)  }
0x189: {  	p0 =	sgt.u32 s6, $0x7E;
	vm15 =	vlt.s32 v7, $0x30;
	s7 =	sadd.s32 s7, s8  }
0x18a: {  	v7 =	vnsel vm15, $0x30, v7;
	p1 =	slt.s32 @!p0 s7, $0x20  }
0x18b: {  	v7 =	vnsel vm14, $0x38, v7;
	p0 =	por p0, !p1  }
.Ltmp5:
0x18c: {  	_ = 	snop;
	(pc) =	sbr.rel @!p0 .LBB2_13-.Ltmp5, $3  }
0x18d: {  	_ =	sdelay $0x1  }
0x18e: {  	s6 =	sadd.s32 $0x1, s6;
	s5 =	sadd.s32 $0x20, s5;
	v8 =	vor.u32 s16, v0  }
0x18f: {  	s17 =	sadd.s32 $0x20, s17;
	s18 =	sadd.s32 $0x20, s18;
	s16 =	sadd.s32 $0x20, s16;
	[tilespmem:v7+s19+$0x0] =	vst.idx.msk $0xffff, v8  }
0x190: {  	v4 =	vld [tilespmem:$0x3330];
	_ =	sdelay $0x2  }
0x191: {  	v5 =	vld [tilespmem:$0x3340];
	_ =	sdelay $0x1  }
0x192: {  	v7 =	vmov s7;
	v6 =	vperm.xlane v4, v2  }
0x193: {  	vm0 =	vgt.s32 v7, v0  }
0x194: {  	vm15 =	vgt.s32 v7, v3;
	v4 =	vsel vm0, v4, v6  }
0x195: {  	v5 =	vsel vm15, v5, v6;
	v4 =	vadd.s32 v1, v4  }
0x196: {  	v5 =	vadd.s32 v1, v5;
	[tilespmem:$0x3410] =	vst v4  }
0x197: {  	[tilespmem:$0x3420] =	vst v5  }
0x198: {  	v4 =	vld [tilespmem:s15+$0x3006]  }
0x199: {  	v5 =	vld [tilespmem:s15+$0x3116]  }
0x19a: {  	v6 =	vld [tilespmem:s15+$0x3226];
	_ =	sdelay $0x3  }
0x19b: {  	s6 =	simm.s32 $0x0;
	s16 =	simm.s32 $0x10;
	s17 =	simm.s32 $0x1010;
	v4 =	vperm.xlane v4, v2  }
0x19c: {  	s18 =	simm.s32 $0x2010;
	s5 =	simm.s32 $0x10;
	s7 =	simm.s32 $0x0;
	v5 =	vperm.xlane v5, v2;
	v6 =	vperm.xlane v6, v2  }
.LBB2_15:
0x19d: {  	v7 =	vld [tilespmem:s5+$0xFFFFFFF0]  }
0x19e: {  	v8 =	vld [tilespmem:s17+$0xFFFFFFF0];
	_ =	sdelay $0x1  }
0x19f: {  	v9 =	vld [tilespmem:s18+$0xFFFFFFF0];
	_ =	sdelay $0x2  }
0x1a0: {  	v7 =	vsub.f32 v7, v4;
	v8 =	vsub.f32 v8, v5;
	_ =	sdelay $0x1  }
0x1a1: {  	v9 =	vsub.f32 v9, v6;
	v7 =	vmul.f32 v7, v7;
	v8 =	vmul.f32 v8, v8;
	_ =	sdelay $0x1  }
0x1a2: {  	v7 =	vadd.f32 v8, v7;
	v8 =	vmul.f32 v9, v9;
	_ =	sdelay $0x1  }
0x1a3: {  	v7 =	vadd.f32 v8, v7;
	_ =	sdelay $0x1  }
0x1a4: {  	vm0 =	vle.f32 v7, $3.999999910e-02  }
0x1a5: {  	v7 =	vsel vm0, $0x1, v2  }
0x1a6: {  	(xrf0) =	vadd.scan.msk.s32 $0xffff, v7;
	_ =	sdelay $0x2  }
0x1a7: {  	v7 =	vmov s7  }
0x1a8: {  	v7 =	vadd.s32 $0xFFFFFFFF, v7  }
0x1a9: {  	v7 =	vbroadcast v7, $0x0  }
0x1aa: {  	v8, _, _ =	vpop (xrf0)  }
0x1ab: {  	v7 =	vadd.s32 v8, v7  }
0x1ac: {  	vm1 =	vlt.s32 v7, $0x30  }
0x1ad: {  	v7 =	vnsel vm1, $0x30, v7  }
0x1ae: {  	v7 =	vnsel vm0, $0x38, v7;
	_ =	sdelay $0x2  }
0x1af: {  	s8 =	sadd.s32 $0xFFFFFFF0, s16  }
0x1b0: {  	v62 =	vor.u32 s8, v0  }
0x1b1: {  	[tilespmem:v7+s19+$0x0] =	vst.idx.msk $0xffff, v62  }
0x1b2: {  	v7 =	vld [tilespmem:s5+$0x0]  }
0x1b3: {  	v9 =	vld [tilespmem:s17+$0x0];
	_ =	sdelay $0x1  }
0x1b4: {  	v10 =	vld [tilespmem:s18+$0x0];
	_ =	sdelay $0x2  }
0x1b5: {  	v7 =	vsub.f32 v7, v4;
	v9 =	vsub.f32 v9, v5;
	_ =	sdelay $0x1  }
0x1b6: {  	v10 =	vsub.f32 v10, v6;
	v7 =	vmul.f32 v7, v7;
	v9 =	vmul.f32 v9, v9;
	_ =	sdelay $0x1  }
0x1b7: {  	v63 =	vmul.f32 v10, v10;
	v7 =	vadd.f32 v9, v7;
	_ =	sdelay $0x1  }
0x1b8: {  	v7 =	vadd.f32 v63, v7;
	_ =	sdelay $0x1  }
0x1b9: {  	vm14 =	vle.f32 v7, $3.999999910e-02  }
0x1ba: {  	v7 =	vsel vm14, $0x1, v2  }
0x1bb: {  	(xrf0) =	vadd.scan.msk.s32 $0xffff, v7  }
0x1bc: {  	(v2sf) =	vpush v8, $0xF;
	_ =	sdelay $0x4  }
0x1bd: {  	v7, _, _ =	vpop (xrf0)  }
0x1be: {  	(v2sf) =	vpush v7, $0xF;
	_ =	sdelay $0x8  }
0x1bf: {  	s8 =	spop (v2sf)  }
0x1c0: {  	s7 =	sadd.s32 s7, s8  }
0x1c1: {  	v8 =	vmov s7  }
0x1c2: {  	v8 =	vadd.s32 $0xFFFFFFFF, v8  }
0x1c3: {  	v8 =	vbroadcast v8, $0x0;
	_ =	sdelay $0x1  }
0x1c4: {  	v7 =	vadd.s32 v7, v8;
	s8 =	spop (v2sf)  }
0x1c5: {  	p0 =	sgt.u32 s6, $0x7E;
	vm15 =	vlt.s32 v7, $0x30;
	s7 =	sadd.s32 s7, s8  }
0x1c6: {  	v7 =	vnsel vm15, $0x30, v7;
	p1 =	slt.s32 @!p0 s7, $0x20  }
0x1c7: {  	v7 =	vnsel vm14, $0x38, v7;
	p0 =	por p0, !p1  }
.Ltmp6:
0x1c8: {  	_ = 	snop;
	(pc) =	sbr.rel @!p0 .LBB2_15-.Ltmp6, $3  }
0x1c9: {  	_ =	sdelay $0x1  }
0x1ca: {  	s6 =	sadd.s32 $0x1, s6;
	s5 =	sadd.s32 $0x20, s5;
	v8 =	vor.u32 s16, v0  }
0x1cb: {  	s17 =	sadd.s32 $0x20, s17;
	s18 =	sadd.s32 $0x20, s18;
	s16 =	sadd.s32 $0x20, s16;
	[tilespmem:v7+s19+$0x0] =	vst.idx.msk $0xffff, v8  }
0x1cc: {  	v4 =	vld [tilespmem:$0x3330];
	_ =	sdelay $0x2  }
0x1cd: {  	v5 =	vld [tilespmem:$0x3340];
	_ =	sdelay $0x1  }
0x1ce: {  	v7 =	vmov s7;
	v6 =	vperm.xlane v4, v2  }
0x1cf: {  	vm0 =	vgt.s32 v7, v0  }
0x1d0: {  	vm15 =	vgt.s32 v7, v3;
	v4 =	vsel vm0, v4, v6  }
0x1d1: {  	v5 =	vsel vm15, v5, v6;
	v4 =	vadd.s32 v1, v4  }
0x1d2: {  	v5 =	vadd.s32 v1, v5;
	[tilespmem:$0x3430] =	vst v4  }
0x1d3: {  	[tilespmem:$0x3440] =	vst v5  }
0x1d4: {  	v4 =	vld [tilespmem:s15+$0x3007]  }
0x1d5: {  	v5 =	vld [tilespmem:s15+$0x3117]  }
0x1d6: {  	v6 =	vld [tilespmem:s15+$0x3227];
	_ =	sdelay $0x3  }
0x1d7: {  	s6 =	simm.s32 $0x0;
	s16 =	simm.s32 $0x10;
	s17 =	simm.s32 $0x1010;
	v4 =	vperm.xlane v4, v2  }
0x1d8: {  	s18 =	simm.s32 $0x2010;
	s5 =	simm.s32 $0x10;
	s7 =	simm.s32 $0x0;
	v5 =	vperm.xlane v5, v2;
	v6 =	vperm.xlane v6, v2  }
.LBB2_17:
0x1d9: {  	v7 =	vld [tilespmem:s5+$0xFFFFFFF0]  }
0x1da: {  	v8 =	vld [tilespmem:s17+$0xFFFFFFF0];
	_ =	sdelay $0x1  }
0x1db: {  	v9 =	vld [tilespmem:s18+$0xFFFFFFF0];
	_ =	sdelay $0x2  }
0x1dc: {  	v7 =	vsub.f32 v7, v4;
	v8 =	vsub.f32 v8, v5;
	_ =	sdelay $0x1  }
0x1dd: {  	v9 =	vsub.f32 v9, v6;
	v7 =	vmul.f32 v7, v7;
	v8 =	vmul.f32 v8, v8;
	_ =	sdelay $0x1  }
0x1de: {  	v7 =	vadd.f32 v8, v7;
	v8 =	vmul.f32 v9, v9;
	_ =	sdelay $0x1  }
0x1df: {  	v7 =	vadd.f32 v8, v7;
	_ =	sdelay $0x1  }
0x1e0: {  	vm0 =	vle.f32 v7, $3.999999910e-02  }
0x1e1: {  	v7 =	vsel vm0, $0x1, v2  }
0x1e2: {  	(xrf0) =	vadd.scan.msk.s32 $0xffff, v7;
	_ =	sdelay $0x2  }
0x1e3: {  	v7 =	vmov s7  }
0x1e4: {  	v7 =	vadd.s32 $0xFFFFFFFF, v7  }
0x1e5: {  	v7 =	vbroadcast v7, $0x0  }
0x1e6: {  	v8, _, _ =	vpop (xrf0)  }
0x1e7: {  	v7 =	vadd.s32 v8, v7  }
0x1e8: {  	vm1 =	vlt.s32 v7, $0x30  }
0x1e9: {  	v7 =	vnsel vm1, $0x30, v7  }
0x1ea: {  	v7 =	vnsel vm0, $0x38, v7;
	_ =	sdelay $0x2  }
0x1eb: {  	s8 =	sadd.s32 $0xFFFFFFF0, s16  }
0x1ec: {  	v62 =	vor.u32 s8, v0  }
0x1ed: {  	[tilespmem:v7+s19+$0x0] =	vst.idx.msk $0xffff, v62  }
0x1ee: {  	v7 =	vld [tilespmem:s5+$0x0]  }
0x1ef: {  	v9 =	vld [tilespmem:s17+$0x0];
	_ =	sdelay $0x1  }
0x1f0: {  	v10 =	vld [tilespmem:s18+$0x0];
	_ =	sdelay $0x2  }
0x1f1: {  	v7 =	vsub.f32 v7, v4;
	v9 =	vsub.f32 v9, v5;
	_ =	sdelay $0x1  }
0x1f2: {  	v10 =	vsub.f32 v10, v6;
	v7 =	vmul.f32 v7, v7;
	v9 =	vmul.f32 v9, v9;
	_ =	sdelay $0x1  }
0x1f3: {  	v63 =	vmul.f32 v10, v10;
	v7 =	vadd.f32 v9, v7;
	_ =	sdelay $0x1  }
0x1f4: {  	v7 =	vadd.f32 v63, v7;
	_ =	sdelay $0x1  }
0x1f5: {  	vm14 =	vle.f32 v7, $3.999999910e-02  }
0x1f6: {  	v7 =	vsel vm14, $0x1, v2  }
0x1f7: {  	(xrf0) =	vadd.scan.msk.s32 $0xffff, v7  }
0x1f8: {  	(v2sf) =	vpush v8, $0xF;
	_ =	sdelay $0x4  }
0x1f9: {  	v7, _, _ =	vpop (xrf0)  }
0x1fa: {  	(v2sf) =	vpush v7, $0xF;
	_ =	sdelay $0x8  }
0x1fb: {  	s8 =	spop (v2sf)  }
0x1fc: {  	s7 =	sadd.s32 s7, s8  }
0x1fd: {  	v8 =	vmov s7  }
0x1fe: {  	v8 =	vadd.s32 $0xFFFFFFFF, v8  }
0x1ff: {  	v8 =	vbroadcast v8, $0x0;
	_ =	sdelay $0x1  }
0x200: {  	v7 =	vadd.s32 v7, v8;
	s8 =	spop (v2sf)  }
0x201: {  	p0 =	sgt.u32 s6, $0x7E;
	vm15 =	vlt.s32 v7, $0x30;
	s7 =	sadd.s32 s7, s8  }
0x202: {  	v7 =	vnsel vm15, $0x30, v7;
	p1 =	slt.s32 @!p0 s7, $0x20  }
0x203: {  	v7 =	vnsel vm14, $0x38, v7;
	p0 =	por p0, !p1  }
.Ltmp7:
0x204: {  	_ = 	snop;
	(pc) =	sbr.rel @!p0 .LBB2_17-.Ltmp7, $3  }
0x205: {  	_ =	sdelay $0x1  }
0x206: {  	s6 =	sadd.s32 $0x1, s6;
	s5 =	sadd.s32 $0x20, s5;
	v8 =	vor.u32 s16, v0  }
0x207: {  	s17 =	sadd.s32 $0x20, s17;
	s18 =	sadd.s32 $0x20, s18;
	s16 =	sadd.s32 $0x20, s16;
	[tilespmem:v7+s19+$0x0] =	vst.idx.msk $0xffff, v8  }
0x208: {  	v4 =	vld [tilespmem:$0x3330];
	_ =	sdelay $0x2  }
0x209: {  	v5 =	vld [tilespmem:$0x3340];
	_ =	sdelay $0x1  }
0x20a: {  	v7 =	vmov s7;
	v6 =	vperm.xlane v4, v2  }
0x20b: {  	vm0 =	vgt.s32 v7, v0  }
0x20c: {  	vm15 =	vgt.s32 v7, v3;
	v4 =	vsel vm0, v4, v6  }
0x20d: {  	v5 =	vsel vm15, v5, v6;
	v4 =	vadd.s32 v1, v4  }
0x20e: {  	v5 =	vadd.s32 v1, v5;
	[tilespmem:$0x3450] =	vst v4  }
0x20f: {  	[tilespmem:$0x3460] =	vst v5  }
0x210: {  	[tilespmem:s24], [sflag:$0x2] =	stream.indirect.gather [hbm4b:s4+s20], $0x40, s23, s20, $0xb8;
	[tilespmem:$0xB570] =	vst v63  }
0x211: {  	v4 =	vld [tilespmem:s15+$0x3008]  }
0x212: {  	v5 =	vld [tilespmem:s15+$0x3118]  }
0x213: {  	v6 =	vld [tilespmem:s15+$0x3228];
	_ =	sdelay $0x3  }
0x214: {  	s6 =	simm.s32 $0x0;
	s16 =	simm.s32 $0x10;
	s17 =	simm.s32 $0x1010;
	v4 =	vperm.xlane v4, v2  }
0x215: {  	s18 =	simm.s32 $0x2010;
	s5 =	simm.s32 $0x10;
	s7 =	simm.s32 $0x0;
	v5 =	vperm.xlane v5, v2;
	v6 =	vperm.xlane v6, v2  }
.LBB2_19:
0x216: {  	v7 =	vld [tilespmem:s5+$0xFFFFFFF0]  }
0x217: {  	v8 =	vld [tilespmem:s17+$0xFFFFFFF0];
	_ =	sdelay $0x1  }
0x218: {  	v9 =	vld [tilespmem:s18+$0xFFFFFFF0];
	_ =	sdelay $0x2  }
0x219: {  	v7 =	vsub.f32 v7, v4;
	v8 =	vsub.f32 v8, v5;
	_ =	sdelay $0x1  }
0x21a: {  	v9 =	vsub.f32 v9, v6;
	v7 =	vmul.f32 v7, v7;
	v8 =	vmul.f32 v8, v8;
	_ =	sdelay $0x1  }
0x21b: {  	v7 =	vadd.f32 v8, v7;
	v8 =	vmul.f32 v9, v9;
	_ =	sdelay $0x1  }
0x21c: {  	v7 =	vadd.f32 v8, v7;
	_ =	sdelay $0x1  }
0x21d: {  	vm0 =	vle.f32 v7, $3.999999910e-02  }
0x21e: {  	v7 =	vsel vm0, $0x1, v2  }
0x21f: {  	(xrf0) =	vadd.scan.msk.s32 $0xffff, v7;
	_ =	sdelay $0x2  }
0x220: {  	v7 =	vmov s7  }
0x221: {  	v7 =	vadd.s32 $0xFFFFFFFF, v7  }
0x222: {  	v7 =	vbroadcast v7, $0x0  }
0x223: {  	v8, _, _ =	vpop (xrf0)  }
0x224: {  	v7 =	vadd.s32 v8, v7  }
0x225: {  	vm1 =	vlt.s32 v7, $0x30  }
0x226: {  	v7 =	vnsel vm1, $0x30, v7  }
0x227: {  	v7 =	vnsel vm0, $0x38, v7;
	_ =	sdelay $0x2  }
0x228: {  	s8 =	sadd.s32 $0xFFFFFFF0, s16  }
0x229: {  	v62 =	vor.u32 s8, v0  }
0x22a: {  	[tilespmem:v7+s19+$0x0] =	vst.idx.msk $0xffff, v62  }
0x22b: {  	v7 =	vld [tilespmem:s5+$0x0]  }
0x22c: {  	v9 =	vld [tilespmem:s17+$0x0];
	_ =	sdelay $0x1  }
0x22d: {  	v10 =	vld [tilespmem:s18+$0x0];
	_ =	sdelay $0x2  }
0x22e: {  	v7 =	vsub.f32 v7, v4;
	v9 =	vsub.f32 v9, v5;
	_ =	sdelay $0x1  }
0x22f: {  	v10 =	vsub.f32 v10, v6;
	v7 =	vmul.f32 v7, v7;
	v9 =	vmul.f32 v9, v9;
	_ =	sdelay $0x1  }
0x230: {  	v63 =	vmul.f32 v10, v10;
	v7 =	vadd.f32 v9, v7;
	_ =	sdelay $0x1  }
0x231: {  	v7 =	vadd.f32 v63, v7;
	_ =	sdelay $0x1  }
0x232: {  	vm14 =	vle.f32 v7, $3.999999910e-02  }
0x233: {  	v7 =	vsel vm14, $0x1, v2  }
0x234: {  	(xrf0) =	vadd.scan.msk.s32 $0xffff, v7  }
0x235: {  	(v2sf) =	vpush v8, $0xF;
	_ =	sdelay $0x4  }
0x236: {  	v7, _, _ =	vpop (xrf0)  }
0x237: {  	(v2sf) =	vpush v7, $0xF;
	_ =	sdelay $0x8  }
0x238: {  	s8 =	spop (v2sf)  }
0x239: {  	s7 =	sadd.s32 s7, s8  }
0x23a: {  	v8 =	vmov s7  }
0x23b: {  	v8 =	vadd.s32 $0xFFFFFFFF, v8  }
0x23c: {  	v8 =	vbroadcast v8, $0x0;
	_ =	sdelay $0x1  }
0x23d: {  	v7 =	vadd.s32 v7, v8;
	s8 =	spop (v2sf)  }
0x23e: {  	p0 =	sgt.u32 s6, $0x7E;
	vm15 =	vlt.s32 v7, $0x30;
	s7 =	sadd.s32 s7, s8  }
0x23f: {  	v7 =	vnsel vm15, $0x30, v7;
	p1 =	slt.s32 @!p0 s7, $0x20  }
0x240: {  	v7 =	vnsel vm14, $0x38, v7;
	p0 =	por p0, !p1  }
.Ltmp8:
0x241: {  	_ = 	snop;
	(pc) =	sbr.rel @!p0 .LBB2_19-.Ltmp8, $3  }
0x242: {  	_ =	sdelay $0x1  }
0x243: {  	s6 =	sadd.s32 $0x1, s6;
	s5 =	sadd.s32 $0x20, s5;
	v8 =	vor.u32 s16, v0  }
0x244: {  	s17 =	sadd.s32 $0x20, s17;
	s18 =	sadd.s32 $0x20, s18;
	s16 =	sadd.s32 $0x20, s16;
	[tilespmem:v7+s19+$0x0] =	vst.idx.msk $0xffff, v8  }
0x245: {  	v4 =	vld [tilespmem:$0x3330];
	_ =	sdelay $0x2  }
0x246: {  	v5 =	vld [tilespmem:$0x3340];
	_ =	sdelay $0x1  }
0x247: {  	v7 =	vmov s7;
	v6 =	vperm.xlane v4, v2  }
0x248: {  	vm0 =	vgt.s32 v7, v0  }
0x249: {  	vm15 =	vgt.s32 v7, v3;
	v4 =	vsel vm0, v4, v6  }
0x24a: {  	v5 =	vsel vm15, v5, v6;
	v4 =	vadd.s32 v1, v4  }
0x24b: {  	v5 =	vadd.s32 v1, v5;
	[tilespmem:$0x3470] =	vst v4  }
0x24c: {  	[tilespmem:$0x3480] =	vst v5  }
0x24d: {  	v4 =	vld [tilespmem:s15+$0x3009]  }
0x24e: {  	v5 =	vld [tilespmem:s15+$0x3119]  }
0x24f: {  	v6 =	vld [tilespmem:s15+$0x3229];
	_ =	sdelay $0x3  }
0x250: {  	s6 =	simm.s32 $0x0;
	s16 =	simm.s32 $0x10;
	s17 =	simm.s32 $0x1010;
	v4 =	vperm.xlane v4, v2  }
0x251: {  	s18 =	simm.s32 $0x2010;
	s5 =	simm.s32 $0x10;
	s7 =	simm.s32 $0x0;
	v5 =	vperm.xlane v5, v2;
	v6 =	vperm.xlane v6, v2  }
.LBB2_21:
0x252: {  	v7 =	vld [tilespmem:s5+$0xFFFFFFF0]  }
0x253: {  	v8 =	vld [tilespmem:s17+$0xFFFFFFF0];
	_ =	sdelay $0x1  }
0x254: {  	v9 =	vld [tilespmem:s18+$0xFFFFFFF0];
	_ =	sdelay $0x2  }
0x255: {  	v7 =	vsub.f32 v7, v4;
	v8 =	vsub.f32 v8, v5;
	_ =	sdelay $0x1  }
0x256: {  	v9 =	vsub.f32 v9, v6;
	v7 =	vmul.f32 v7, v7;
	v8 =	vmul.f32 v8, v8;
	_ =	sdelay $0x1  }
0x257: {  	v7 =	vadd.f32 v8, v7;
	v8 =	vmul.f32 v9, v9;
	_ =	sdelay $0x1  }
0x258: {  	v7 =	vadd.f32 v8, v7;
	_ =	sdelay $0x1  }
0x259: {  	vm0 =	vle.f32 v7, $3.999999910e-02  }
0x25a: {  	v7 =	vsel vm0, $0x1, v2  }
0x25b: {  	(xrf0) =	vadd.scan.msk.s32 $0xffff, v7;
	_ =	sdelay $0x2  }
0x25c: {  	v7 =	vmov s7  }
0x25d: {  	v7 =	vadd.s32 $0xFFFFFFFF, v7  }
0x25e: {  	v7 =	vbroadcast v7, $0x0  }
0x25f: {  	v8, _, _ =	vpop (xrf0)  }
0x260: {  	v7 =	vadd.s32 v8, v7  }
0x261: {  	vm1 =	vlt.s32 v7, $0x30  }
0x262: {  	v7 =	vnsel vm1, $0x30, v7  }
0x263: {  	v7 =	vnsel vm0, $0x38, v7;
	_ =	sdelay $0x2  }
0x264: {  	s8 =	sadd.s32 $0xFFFFFFF0, s16  }
0x265: {  	v62 =	vor.u32 s8, v0  }
0x266: {  	[tilespmem:v7+s19+$0x0] =	vst.idx.msk $0xffff, v62  }
0x267: {  	v7 =	vld [tilespmem:s5+$0x0]  }
0x268: {  	v9 =	vld [tilespmem:s17+$0x0];
	_ =	sdelay $0x1  }
0x269: {  	v10 =	vld [tilespmem:s18+$0x0];
	_ =	sdelay $0x2  }
0x26a: {  	v7 =	vsub.f32 v7, v4;
	v9 =	vsub.f32 v9, v5;
	_ =	sdelay $0x1  }
0x26b: {  	v10 =	vsub.f32 v10, v6;
	v7 =	vmul.f32 v7, v7;
	v9 =	vmul.f32 v9, v9;
	_ =	sdelay $0x1  }
0x26c: {  	v63 =	vmul.f32 v10, v10;
	v7 =	vadd.f32 v9, v7;
	_ =	sdelay $0x1  }
0x26d: {  	v7 =	vadd.f32 v63, v7;
	_ =	sdelay $0x1  }
0x26e: {  	vm14 =	vle.f32 v7, $3.999999910e-02  }
0x26f: {  	v7 =	vsel vm14, $0x1, v2  }
0x270: {  	(xrf0) =	vadd.scan.msk.s32 $0xffff, v7  }
0x271: {  	(v2sf) =	vpush v8, $0xF;
	_ =	sdelay $0x4  }
0x272: {  	v7, _, _ =	vpop (xrf0)  }
0x273: {  	(v2sf) =	vpush v7, $0xF;
	_ =	sdelay $0x8  }
0x274: {  	s8 =	spop (v2sf)  }
0x275: {  	s7 =	sadd.s32 s7, s8  }
0x276: {  	v8 =	vmov s7  }
0x277: {  	v8 =	vadd.s32 $0xFFFFFFFF, v8  }
0x278: {  	v8 =	vbroadcast v8, $0x0;
	_ =	sdelay $0x1  }
0x279: {  	v7 =	vadd.s32 v7, v8;
	s8 =	spop (v2sf)  }
0x27a: {  	p0 =	sgt.u32 s6, $0x7E;
	vm15 =	vlt.s32 v7, $0x30;
	s7 =	sadd.s32 s7, s8  }
0x27b: {  	v7 =	vnsel vm15, $0x30, v7;
	p1 =	slt.s32 @!p0 s7, $0x20  }
0x27c: {  	v7 =	vnsel vm14, $0x38, v7;
	p0 =	por p0, !p1  }
.Ltmp9:
0x27d: {  	_ = 	snop;
	(pc) =	sbr.rel @!p0 .LBB2_21-.Ltmp9, $3  }
0x27e: {  	_ =	sdelay $0x1  }
0x27f: {  	s6 =	sadd.s32 $0x1, s6;
	s5 =	sadd.s32 $0x20, s5;
	v8 =	vor.u32 s16, v0  }
0x280: {  	s17 =	sadd.s32 $0x20, s17;
	s18 =	sadd.s32 $0x20, s18;
	s16 =	sadd.s32 $0x20, s16;
	[tilespmem:v7+s19+$0x0] =	vst.idx.msk $0xffff, v8  }
0x281: {  	v4 =	vld [tilespmem:$0x3330];
	_ =	sdelay $0x2  }
0x282: {  	v5 =	vld [tilespmem:$0x3340];
	_ =	sdelay $0x1  }
0x283: {  	v7 =	vmov s7;
	v6 =	vperm.xlane v4, v2  }
0x284: {  	vm0 =	vgt.s32 v7, v0  }
0x285: {  	vm15 =	vgt.s32 v7, v3;
	v4 =	vsel vm0, v4, v6  }
0x286: {  	v5 =	vsel vm15, v5, v6;
	v4 =	vadd.s32 v1, v4  }
0x287: {  	v5 =	vadd.s32 v1, v5;
	[tilespmem:$0x3490] =	vst v4  }
0x288: {  	[tilespmem:$0x34A0] =	vst v5  }
0x289: {  	v4 =	vld [tilespmem:s15+$0x300A]  }
0x28a: {  	v5 =	vld [tilespmem:s15+$0x311A]  }
0x28b: {  	v6 =	vld [tilespmem:s15+$0x322A];
	_ =	sdelay $0x3  }
0x28c: {  	s6 =	simm.s32 $0x0;
	s16 =	simm.s32 $0x10;
	s17 =	simm.s32 $0x1010;
	v4 =	vperm.xlane v4, v2  }
0x28d: {  	s18 =	simm.s32 $0x2010;
	s5 =	simm.s32 $0x10;
	s7 =	simm.s32 $0x0;
	v5 =	vperm.xlane v5, v2;
	v6 =	vperm.xlane v6, v2  }
.LBB2_23:
0x28e: {  	v7 =	vld [tilespmem:s5+$0xFFFFFFF0]  }
0x28f: {  	v8 =	vld [tilespmem:s17+$0xFFFFFFF0];
	_ =	sdelay $0x1  }
0x290: {  	v9 =	vld [tilespmem:s18+$0xFFFFFFF0];
	_ =	sdelay $0x2  }
0x291: {  	v7 =	vsub.f32 v7, v4;
	v8 =	vsub.f32 v8, v5;
	_ =	sdelay $0x1  }
0x292: {  	v9 =	vsub.f32 v9, v6;
	v7 =	vmul.f32 v7, v7;
	v8 =	vmul.f32 v8, v8;
	_ =	sdelay $0x1  }
0x293: {  	v7 =	vadd.f32 v8, v7;
	v8 =	vmul.f32 v9, v9;
	_ =	sdelay $0x1  }
0x294: {  	v7 =	vadd.f32 v8, v7;
	_ =	sdelay $0x1  }
0x295: {  	vm0 =	vle.f32 v7, $3.999999910e-02  }
0x296: {  	v7 =	vsel vm0, $0x1, v2  }
0x297: {  	(xrf0) =	vadd.scan.msk.s32 $0xffff, v7;
	_ =	sdelay $0x2  }
0x298: {  	v7 =	vmov s7  }
0x299: {  	v7 =	vadd.s32 $0xFFFFFFFF, v7  }
0x29a: {  	v7 =	vbroadcast v7, $0x0  }
0x29b: {  	v8, _, _ =	vpop (xrf0)  }
0x29c: {  	v7 =	vadd.s32 v8, v7  }
0x29d: {  	vm1 =	vlt.s32 v7, $0x30  }
0x29e: {  	v7 =	vnsel vm1, $0x30, v7  }
0x29f: {  	v7 =	vnsel vm0, $0x38, v7;
	_ =	sdelay $0x2  }
0x2a0: {  	s8 =	sadd.s32 $0xFFFFFFF0, s16  }
0x2a1: {  	v62 =	vor.u32 s8, v0  }
0x2a2: {  	[tilespmem:v7+s19+$0x0] =	vst.idx.msk $0xffff, v62  }
0x2a3: {  	v7 =	vld [tilespmem:s5+$0x0]  }
0x2a4: {  	v9 =	vld [tilespmem:s17+$0x0];
	_ =	sdelay $0x1  }
0x2a5: {  	v10 =	vld [tilespmem:s18+$0x0];
	_ =	sdelay $0x2  }
0x2a6: {  	v7 =	vsub.f32 v7, v4;
	v9 =	vsub.f32 v9, v5;
	_ =	sdelay $0x1  }
0x2a7: {  	v10 =	vsub.f32 v10, v6;
	v7 =	vmul.f32 v7, v7;
	v9 =	vmul.f32 v9, v9;
	_ =	sdelay $0x1  }
0x2a8: {  	v63 =	vmul.f32 v10, v10;
	v7 =	vadd.f32 v9, v7;
	_ =	sdelay $0x1  }
0x2a9: {  	v7 =	vadd.f32 v63, v7;
	_ =	sdelay $0x1  }
0x2aa: {  	vm14 =	vle.f32 v7, $3.999999910e-02  }
0x2ab: {  	v7 =	vsel vm14, $0x1, v2  }
0x2ac: {  	(xrf0) =	vadd.scan.msk.s32 $0xffff, v7  }
0x2ad: {  	(v2sf) =	vpush v8, $0xF;
	_ =	sdelay $0x4  }
0x2ae: {  	v7, _, _ =	vpop (xrf0)  }
0x2af: {  	(v2sf) =	vpush v7, $0xF;
	_ =	sdelay $0x8  }
0x2b0: {  	s8 =	spop (v2sf)  }
0x2b1: {  	s7 =	sadd.s32 s7, s8  }
0x2b2: {  	v8 =	vmov s7  }
0x2b3: {  	v8 =	vadd.s32 $0xFFFFFFFF, v8  }
0x2b4: {  	v8 =	vbroadcast v8, $0x0;
	_ =	sdelay $0x1  }
0x2b5: {  	v7 =	vadd.s32 v7, v8;
	s8 =	spop (v2sf)  }
0x2b6: {  	p0 =	sgt.u32 s6, $0x7E;
	vm15 =	vlt.s32 v7, $0x30;
	s7 =	sadd.s32 s7, s8  }
0x2b7: {  	v7 =	vnsel vm15, $0x30, v7;
	p1 =	slt.s32 @!p0 s7, $0x20  }
0x2b8: {  	v7 =	vnsel vm14, $0x38, v7;
	p0 =	por p0, !p1  }
.Ltmp10:
0x2b9: {  	_ = 	snop;
	(pc) =	sbr.rel @!p0 .LBB2_23-.Ltmp10, $3  }
0x2ba: {  	_ =	sdelay $0x1  }
0x2bb: {  	s6 =	sadd.s32 $0x1, s6;
	s5 =	sadd.s32 $0x20, s5;
	v8 =	vor.u32 s16, v0  }
0x2bc: {  	s17 =	sadd.s32 $0x20, s17;
	s18 =	sadd.s32 $0x20, s18;
	s16 =	sadd.s32 $0x20, s16;
	[tilespmem:v7+s19+$0x0] =	vst.idx.msk $0xffff, v8  }
0x2bd: {  	v4 =	vld [tilespmem:$0x3330];
	_ =	sdelay $0x2  }
0x2be: {  	v5 =	vld [tilespmem:$0x3340];
	_ =	sdelay $0x1  }
0x2bf: {  	v7 =	vmov s7;
	v6 =	vperm.xlane v4, v2  }
0x2c0: {  	vm0 =	vgt.s32 v7, v0  }
0x2c1: {  	vm15 =	vgt.s32 v7, v3;
	v4 =	vsel vm0, v4, v6  }
0x2c2: {  	v5 =	vsel vm15, v5, v6;
	v4 =	vadd.s32 v1, v4  }
0x2c3: {  	v5 =	vadd.s32 v1, v5;
	[tilespmem:$0x34B0] =	vst v4  }
0x2c4: {  	[tilespmem:$0x34C0] =	vst v5  }
0x2c5: {  	v4 =	vld [tilespmem:s15+$0x300B]  }
0x2c6: {  	v5 =	vld [tilespmem:s15+$0x311B]  }
0x2c7: {  	v6 =	vld [tilespmem:s15+$0x322B];
	_ =	sdelay $0x3  }
0x2c8: {  	s6 =	simm.s32 $0x0;
	s16 =	simm.s32 $0x10;
	s17 =	simm.s32 $0x1010;
	v4 =	vperm.xlane v4, v2  }
0x2c9: {  	s18 =	simm.s32 $0x2010;
	s5 =	simm.s32 $0x10;
	s7 =	simm.s32 $0x0;
	v5 =	vperm.xlane v5, v2;
	v6 =	vperm.xlane v6, v2  }
.LBB2_25:
0x2ca: {  	v7 =	vld [tilespmem:s5+$0xFFFFFFF0]  }
0x2cb: {  	v8 =	vld [tilespmem:s17+$0xFFFFFFF0];
	_ =	sdelay $0x1  }
0x2cc: {  	v9 =	vld [tilespmem:s18+$0xFFFFFFF0];
	_ =	sdelay $0x2  }
0x2cd: {  	v7 =	vsub.f32 v7, v4;
	v8 =	vsub.f32 v8, v5;
	_ =	sdelay $0x1  }
0x2ce: {  	v9 =	vsub.f32 v9, v6;
	v7 =	vmul.f32 v7, v7;
	v8 =	vmul.f32 v8, v8;
	_ =	sdelay $0x1  }
0x2cf: {  	v7 =	vadd.f32 v8, v7;
	v8 =	vmul.f32 v9, v9;
	_ =	sdelay $0x1  }
0x2d0: {  	v7 =	vadd.f32 v8, v7;
	_ =	sdelay $0x1  }
0x2d1: {  	vm0 =	vle.f32 v7, $3.999999910e-02  }
0x2d2: {  	v7 =	vsel vm0, $0x1, v2  }
0x2d3: {  	(xrf0) =	vadd.scan.msk.s32 $0xffff, v7;
	_ =	sdelay $0x2  }
0x2d4: {  	v7 =	vmov s7  }
0x2d5: {  	v7 =	vadd.s32 $0xFFFFFFFF, v7  }
0x2d6: {  	v7 =	vbroadcast v7, $0x0  }
0x2d7: {  	v8, _, _ =	vpop (xrf0)  }
0x2d8: {  	v7 =	vadd.s32 v8, v7  }
0x2d9: {  	vm1 =	vlt.s32 v7, $0x30  }
0x2da: {  	v7 =	vnsel vm1, $0x30, v7  }
0x2db: {  	v7 =	vnsel vm0, $0x38, v7;
	_ =	sdelay $0x2  }
0x2dc: {  	s8 =	sadd.s32 $0xFFFFFFF0, s16  }
0x2dd: {  	v62 =	vor.u32 s8, v0  }
0x2de: {  	[tilespmem:v7+s19+$0x0] =	vst.idx.msk $0xffff, v62  }
0x2df: {  	v7 =	vld [tilespmem:s5+$0x0]  }
0x2e0: {  	v9 =	vld [tilespmem:s17+$0x0];
	_ =	sdelay $0x1  }
0x2e1: {  	v10 =	vld [tilespmem:s18+$0x0];
	_ =	sdelay $0x2  }
0x2e2: {  	v7 =	vsub.f32 v7, v4;
	v9 =	vsub.f32 v9, v5;
	_ =	sdelay $0x1  }
0x2e3: {  	v10 =	vsub.f32 v10, v6;
	v7 =	vmul.f32 v7, v7;
	v9 =	vmul.f32 v9, v9;
	_ =	sdelay $0x1  }
0x2e4: {  	v63 =	vmul.f32 v10, v10;
	v7 =	vadd.f32 v9, v7;
	_ =	sdelay $0x1  }
0x2e5: {  	v7 =	vadd.f32 v63, v7;
	_ =	sdelay $0x1  }
0x2e6: {  	vm14 =	vle.f32 v7, $3.999999910e-02  }
0x2e7: {  	v7 =	vsel vm14, $0x1, v2  }
0x2e8: {  	(xrf0) =	vadd.scan.msk.s32 $0xffff, v7  }
0x2e9: {  	(v2sf) =	vpush v8, $0xF;
	_ =	sdelay $0x4  }
0x2ea: {  	v7, _, _ =	vpop (xrf0)  }
0x2eb: {  	(v2sf) =	vpush v7, $0xF;
	_ =	sdelay $0x8  }
0x2ec: {  	s8 =	spop (v2sf)  }
0x2ed: {  	s7 =	sadd.s32 s7, s8  }
0x2ee: {  	v8 =	vmov s7  }
0x2ef: {  	v8 =	vadd.s32 $0xFFFFFFFF, v8  }
0x2f0: {  	v8 =	vbroadcast v8, $0x0;
	_ =	sdelay $0x1  }
0x2f1: {  	v7 =	vadd.s32 v7, v8;
	s8 =	spop (v2sf)  }
0x2f2: {  	p0 =	sgt.u32 s6, $0x7E;
	vm15 =	vlt.s32 v7, $0x30;
	s7 =	sadd.s32 s7, s8  }
0x2f3: {  	v7 =	vnsel vm15, $0x30, v7;
	p1 =	slt.s32 @!p0 s7, $0x20  }
0x2f4: {  	v7 =	vnsel vm14, $0x38, v7;
	p0 =	por p0, !p1  }
.Ltmp11:
0x2f5: {  	_ = 	snop;
	(pc) =	sbr.rel @!p0 .LBB2_25-.Ltmp11, $3  }
0x2f6: {  	_ =	sdelay $0x1  }
0x2f7: {  	s6 =	sadd.s32 $0x1, s6;
	s5 =	sadd.s32 $0x20, s5;
	v8 =	vor.u32 s16, v0  }
0x2f8: {  	s17 =	sadd.s32 $0x20, s17;
	s18 =	sadd.s32 $0x20, s18;
	s16 =	sadd.s32 $0x20, s16;
	[tilespmem:v7+s19+$0x0] =	vst.idx.msk $0xffff, v8  }
0x2f9: {  	v4 =	vld [tilespmem:$0x3330];
	_ =	sdelay $0x2  }
0x2fa: {  	v5 =	vld [tilespmem:$0x3340];
	_ =	sdelay $0x1  }
0x2fb: {  	v7 =	vmov s7;
	v6 =	vperm.xlane v4, v2  }
0x2fc: {  	vm0 =	vgt.s32 v7, v0  }
0x2fd: {  	vm15 =	vgt.s32 v7, v3;
	v4 =	vsel vm0, v4, v6  }
0x2fe: {  	v5 =	vsel vm15, v5, v6;
	v4 =	vadd.s32 v1, v4  }
0x2ff: {  	v5 =	vadd.s32 v1, v5;
	[tilespmem:$0x34D0] =	vst v4  }
0x300: {  	[tilespmem:$0x34E0] =	vst v5  }
0x301: {  	[tilespmem:s26], [sflag:$0x3] =	stream.indirect.gather [hbm4b:s4+s20], $0x40, s25, s20, $0xb8;
	[tilespmem:$0xB570] =	vst v63  }
0x302: {  	v4 =	vld [tilespmem:s15+$0x300C]  }
0x303: {  	v5 =	vld [tilespmem:s15+$0x311C]  }
0x304: {  	v6 =	vld [tilespmem:s15+$0x322C];
	_ =	sdelay $0x3  }
0x305: {  	s6 =	simm.s32 $0x0;
	s16 =	simm.s32 $0x10;
	s17 =	simm.s32 $0x1010;
	v4 =	vperm.xlane v4, v2  }
0x306: {  	s18 =	simm.s32 $0x2010;
	s5 =	simm.s32 $0x10;
	s7 =	simm.s32 $0x0;
	v5 =	vperm.xlane v5, v2;
	v6 =	vperm.xlane v6, v2  }
.LBB2_27:
0x307: {  	v7 =	vld [tilespmem:s5+$0xFFFFFFF0]  }
0x308: {  	v8 =	vld [tilespmem:s17+$0xFFFFFFF0];
	_ =	sdelay $0x1  }
0x309: {  	v9 =	vld [tilespmem:s18+$0xFFFFFFF0];
	_ =	sdelay $0x2  }
0x30a: {  	v7 =	vsub.f32 v7, v4;
	v8 =	vsub.f32 v8, v5;
	_ =	sdelay $0x1  }
0x30b: {  	v9 =	vsub.f32 v9, v6;
	v7 =	vmul.f32 v7, v7;
	v8 =	vmul.f32 v8, v8;
	_ =	sdelay $0x1  }
0x30c: {  	v7 =	vadd.f32 v8, v7;
	v8 =	vmul.f32 v9, v9;
	_ =	sdelay $0x1  }
0x30d: {  	v7 =	vadd.f32 v8, v7;
	_ =	sdelay $0x1  }
0x30e: {  	vm0 =	vle.f32 v7, $3.999999910e-02  }
0x30f: {  	v7 =	vsel vm0, $0x1, v2  }
0x310: {  	(xrf0) =	vadd.scan.msk.s32 $0xffff, v7;
	_ =	sdelay $0x2  }
0x311: {  	v7 =	vmov s7  }
0x312: {  	v7 =	vadd.s32 $0xFFFFFFFF, v7  }
0x313: {  	v7 =	vbroadcast v7, $0x0  }
0x314: {  	v8, _, _ =	vpop (xrf0)  }
0x315: {  	v7 =	vadd.s32 v8, v7  }
0x316: {  	vm1 =	vlt.s32 v7, $0x30  }
0x317: {  	v7 =	vnsel vm1, $0x30, v7  }
0x318: {  	v7 =	vnsel vm0, $0x38, v7;
	_ =	sdelay $0x2  }
0x319: {  	s8 =	sadd.s32 $0xFFFFFFF0, s16  }
0x31a: {  	v62 =	vor.u32 s8, v0  }
0x31b: {  	[tilespmem:v7+s19+$0x0] =	vst.idx.msk $0xffff, v62  }
0x31c: {  	v7 =	vld [tilespmem:s5+$0x0]  }
0x31d: {  	v9 =	vld [tilespmem:s17+$0x0];
	_ =	sdelay $0x1  }
0x31e: {  	v10 =	vld [tilespmem:s18+$0x0];
	_ =	sdelay $0x2  }
0x31f: {  	v7 =	vsub.f32 v7, v4;
	v9 =	vsub.f32 v9, v5;
	_ =	sdelay $0x1  }
0x320: {  	v10 =	vsub.f32 v10, v6;
	v7 =	vmul.f32 v7, v7;
	v9 =	vmul.f32 v9, v9;
	_ =	sdelay $0x1  }
0x321: {  	v63 =	vmul.f32 v10, v10;
	v7 =	vadd.f32 v9, v7;
	_ =	sdelay $0x1  }
0x322: {  	v7 =	vadd.f32 v63, v7;
	_ =	sdelay $0x1  }
0x323: {  	vm14 =	vle.f32 v7, $3.999999910e-02  }
0x324: {  	v7 =	vsel vm14, $0x1, v2  }
0x325: {  	(xrf0) =	vadd.scan.msk.s32 $0xffff, v7  }
0x326: {  	(v2sf) =	vpush v8, $0xF;
	_ =	sdelay $0x4  }
0x327: {  	v7, _, _ =	vpop (xrf0)  }
0x328: {  	(v2sf) =	vpush v7, $0xF;
	_ =	sdelay $0x8  }
0x329: {  	s8 =	spop (v2sf)  }
0x32a: {  	s7 =	sadd.s32 s7, s8  }
0x32b: {  	v8 =	vmov s7  }
0x32c: {  	v8 =	vadd.s32 $0xFFFFFFFF, v8  }
0x32d: {  	v8 =	vbroadcast v8, $0x0;
	_ =	sdelay $0x1  }
0x32e: {  	v7 =	vadd.s32 v7, v8;
	s8 =	spop (v2sf)  }
0x32f: {  	p0 =	sgt.u32 s6, $0x7E;
	vm15 =	vlt.s32 v7, $0x30;
	s7 =	sadd.s32 s7, s8  }
0x330: {  	v7 =	vnsel vm15, $0x30, v7;
	p1 =	slt.s32 @!p0 s7, $0x20  }
0x331: {  	v7 =	vnsel vm14, $0x38, v7;
	p0 =	por p0, !p1  }
.Ltmp12:
0x332: {  	_ = 	snop;
	(pc) =	sbr.rel @!p0 .LBB2_27-.Ltmp12, $3  }
0x333: {  	_ =	sdelay $0x1  }
0x334: {  	s6 =	sadd.s32 $0x1, s6;
	s5 =	sadd.s32 $0x20, s5;
	v8 =	vor.u32 s16, v0  }
0x335: {  	s17 =	sadd.s32 $0x20, s17;
	s18 =	sadd.s32 $0x20, s18;
	s16 =	sadd.s32 $0x20, s16;
	[tilespmem:v7+s19+$0x0] =	vst.idx.msk $0xffff, v8  }
0x336: {  	v4 =	vld [tilespmem:$0x3330];
	_ =	sdelay $0x2  }
0x337: {  	v5 =	vld [tilespmem:$0x3340];
	_ =	sdelay $0x1  }
0x338: {  	v7 =	vmov s7;
	v6 =	vperm.xlane v4, v2  }
0x339: {  	vm0 =	vgt.s32 v7, v0  }
0x33a: {  	vm15 =	vgt.s32 v7, v3;
	v4 =	vsel vm0, v4, v6  }
0x33b: {  	v5 =	vsel vm15, v5, v6;
	v4 =	vadd.s32 v1, v4  }
0x33c: {  	v5 =	vadd.s32 v1, v5;
	[tilespmem:$0x34F0] =	vst v4  }
0x33d: {  	[tilespmem:$0x3500] =	vst v5  }
0x33e: {  	v4 =	vld [tilespmem:s15+$0x300D]  }
0x33f: {  	v5 =	vld [tilespmem:s15+$0x311D]  }
0x340: {  	v6 =	vld [tilespmem:s15+$0x322D];
	_ =	sdelay $0x3  }
0x341: {  	s6 =	simm.s32 $0x0;
	s16 =	simm.s32 $0x10;
	s17 =	simm.s32 $0x1010;
	v4 =	vperm.xlane v4, v2  }
0x342: {  	s18 =	simm.s32 $0x2010;
	s5 =	simm.s32 $0x10;
	s7 =	simm.s32 $0x0;
	v5 =	vperm.xlane v5, v2;
	v6 =	vperm.xlane v6, v2  }
.LBB2_29:
0x343: {  	v7 =	vld [tilespmem:s5+$0xFFFFFFF0]  }
0x344: {  	v8 =	vld [tilespmem:s17+$0xFFFFFFF0];
	_ =	sdelay $0x1  }
0x345: {  	v9 =	vld [tilespmem:s18+$0xFFFFFFF0];
	_ =	sdelay $0x2  }
0x346: {  	v7 =	vsub.f32 v7, v4;
	v8 =	vsub.f32 v8, v5;
	_ =	sdelay $0x1  }
0x347: {  	v9 =	vsub.f32 v9, v6;
	v7 =	vmul.f32 v7, v7;
	v8 =	vmul.f32 v8, v8;
	_ =	sdelay $0x1  }
0x348: {  	v7 =	vadd.f32 v8, v7;
	v8 =	vmul.f32 v9, v9;
	_ =	sdelay $0x1  }
0x349: {  	v7 =	vadd.f32 v8, v7;
	_ =	sdelay $0x1  }
0x34a: {  	vm0 =	vle.f32 v7, $3.999999910e-02  }
0x34b: {  	v7 =	vsel vm0, $0x1, v2  }
0x34c: {  	(xrf0) =	vadd.scan.msk.s32 $0xffff, v7;
	_ =	sdelay $0x2  }
0x34d: {  	v7 =	vmov s7  }
0x34e: {  	v7 =	vadd.s32 $0xFFFFFFFF, v7  }
0x34f: {  	v7 =	vbroadcast v7, $0x0  }
0x350: {  	v8, _, _ =	vpop (xrf0)  }
0x351: {  	v7 =	vadd.s32 v8, v7  }
0x352: {  	vm1 =	vlt.s32 v7, $0x30  }
0x353: {  	v7 =	vnsel vm1, $0x30, v7  }
0x354: {  	v7 =	vnsel vm0, $0x38, v7;
	_ =	sdelay $0x2  }
0x355: {  	s8 =	sadd.s32 $0xFFFFFFF0, s16  }
0x356: {  	v62 =	vor.u32 s8, v0  }
0x357: {  	[tilespmem:v7+s19+$0x0] =	vst.idx.msk $0xffff, v62  }
0x358: {  	v7 =	vld [tilespmem:s5+$0x0]  }
0x359: {  	v9 =	vld [tilespmem:s17+$0x0];
	_ =	sdelay $0x1  }
0x35a: {  	v10 =	vld [tilespmem:s18+$0x0];
	_ =	sdelay $0x2  }
0x35b: {  	v7 =	vsub.f32 v7, v4;
	v9 =	vsub.f32 v9, v5;
	_ =	sdelay $0x1  }
0x35c: {  	v10 =	vsub.f32 v10, v6;
	v7 =	vmul.f32 v7, v7;
	v9 =	vmul.f32 v9, v9;
	_ =	sdelay $0x1  }
0x35d: {  	v63 =	vmul.f32 v10, v10;
	v7 =	vadd.f32 v9, v7;
	_ =	sdelay $0x1  }
0x35e: {  	v7 =	vadd.f32 v63, v7;
	_ =	sdelay $0x1  }
0x35f: {  	vm14 =	vle.f32 v7, $3.999999910e-02  }
0x360: {  	v7 =	vsel vm14, $0x1, v2  }
0x361: {  	(xrf0) =	vadd.scan.msk.s32 $0xffff, v7  }
0x362: {  	(v2sf) =	vpush v8, $0xF;
	_ =	sdelay $0x4  }
0x363: {  	v7, _, _ =	vpop (xrf0)  }
0x364: {  	(v2sf) =	vpush v7, $0xF;
	_ =	sdelay $0x8  }
0x365: {  	s8 =	spop (v2sf)  }
0x366: {  	s7 =	sadd.s32 s7, s8  }
0x367: {  	v8 =	vmov s7  }
0x368: {  	v8 =	vadd.s32 $0xFFFFFFFF, v8  }
0x369: {  	v8 =	vbroadcast v8, $0x0;
	_ =	sdelay $0x1  }
0x36a: {  	v7 =	vadd.s32 v7, v8;
	s8 =	spop (v2sf)  }
0x36b: {  	p0 =	sgt.u32 s6, $0x7E;
	vm15 =	vlt.s32 v7, $0x30;
	s7 =	sadd.s32 s7, s8  }
0x36c: {  	v7 =	vnsel vm15, $0x30, v7;
	p1 =	slt.s32 @!p0 s7, $0x20  }
0x36d: {  	v7 =	vnsel vm14, $0x38, v7;
	p0 =	por p0, !p1  }
.Ltmp13:
0x36e: {  	_ = 	snop;
	(pc) =	sbr.rel @!p0 .LBB2_29-.Ltmp13, $3  }
0x36f: {  	_ =	sdelay $0x1  }
0x370: {  	s6 =	sadd.s32 $0x1, s6;
	s5 =	sadd.s32 $0x20, s5;
	v8 =	vor.u32 s16, v0  }
0x371: {  	s17 =	sadd.s32 $0x20, s17;
	s18 =	sadd.s32 $0x20, s18;
	s16 =	sadd.s32 $0x20, s16;
	[tilespmem:v7+s19+$0x0] =	vst.idx.msk $0xffff, v8  }
0x372: {  	v4 =	vld [tilespmem:$0x3330];
	_ =	sdelay $0x2  }
0x373: {  	v5 =	vld [tilespmem:$0x3340];
	_ =	sdelay $0x1  }
0x374: {  	v7 =	vmov s7;
	v6 =	vperm.xlane v4, v2  }
0x375: {  	vm0 =	vgt.s32 v7, v0  }
0x376: {  	vm15 =	vgt.s32 v7, v3;
	v4 =	vsel vm0, v4, v6  }
0x377: {  	v5 =	vsel vm15, v5, v6;
	v4 =	vadd.s32 v1, v4  }
0x378: {  	v5 =	vadd.s32 v1, v5;
	[tilespmem:$0x3510] =	vst v4  }
0x379: {  	[tilespmem:$0x3520] =	vst v5  }
0x37a: {  	v4 =	vld [tilespmem:s15+$0x300E]  }
0x37b: {  	v5 =	vld [tilespmem:s15+$0x311E]  }
0x37c: {  	v6 =	vld [tilespmem:s15+$0x322E];
	_ =	sdelay $0x3  }
0x37d: {  	s6 =	simm.s32 $0x0;
	s16 =	simm.s32 $0x10;
	s17 =	simm.s32 $0x1010;
	v4 =	vperm.xlane v4, v2  }
0x37e: {  	s18 =	simm.s32 $0x2010;
	s5 =	simm.s32 $0x10;
	s7 =	simm.s32 $0x0;
	v5 =	vperm.xlane v5, v2;
	v6 =	vperm.xlane v6, v2  }
.LBB2_31:
0x37f: {  	v7 =	vld [tilespmem:s5+$0xFFFFFFF0]  }
0x380: {  	v8 =	vld [tilespmem:s17+$0xFFFFFFF0];
	_ =	sdelay $0x1  }
0x381: {  	v9 =	vld [tilespmem:s18+$0xFFFFFFF0];
	_ =	sdelay $0x2  }
0x382: {  	v7 =	vsub.f32 v7, v4;
	v8 =	vsub.f32 v8, v5;
	_ =	sdelay $0x1  }
0x383: {  	v9 =	vsub.f32 v9, v6;
	v7 =	vmul.f32 v7, v7;
	v8 =	vmul.f32 v8, v8;
	_ =	sdelay $0x1  }
0x384: {  	v7 =	vadd.f32 v8, v7;
	v8 =	vmul.f32 v9, v9;
	_ =	sdelay $0x1  }
0x385: {  	v7 =	vadd.f32 v8, v7;
	_ =	sdelay $0x1  }
0x386: {  	vm0 =	vle.f32 v7, $3.999999910e-02  }
0x387: {  	v7 =	vsel vm0, $0x1, v2  }
0x388: {  	(xrf0) =	vadd.scan.msk.s32 $0xffff, v7;
	_ =	sdelay $0x2  }
0x389: {  	v7 =	vmov s7  }
0x38a: {  	v7 =	vadd.s32 $0xFFFFFFFF, v7  }
0x38b: {  	v7 =	vbroadcast v7, $0x0  }
0x38c: {  	v8, _, _ =	vpop (xrf0)  }
0x38d: {  	v7 =	vadd.s32 v8, v7  }
0x38e: {  	vm1 =	vlt.s32 v7, $0x30  }
0x38f: {  	v7 =	vnsel vm1, $0x30, v7  }
0x390: {  	v7 =	vnsel vm0, $0x38, v7;
	_ =	sdelay $0x2  }
0x391: {  	s8 =	sadd.s32 $0xFFFFFFF0, s16  }
0x392: {  	v62 =	vor.u32 s8, v0  }
0x393: {  	[tilespmem:v7+s19+$0x0] =	vst.idx.msk $0xffff, v62  }
0x394: {  	v7 =	vld [tilespmem:s5+$0x0]  }
0x395: {  	v9 =	vld [tilespmem:s17+$0x0];
	_ =	sdelay $0x1  }
0x396: {  	v10 =	vld [tilespmem:s18+$0x0];
	_ =	sdelay $0x2  }
0x397: {  	v7 =	vsub.f32 v7, v4;
	v9 =	vsub.f32 v9, v5;
	_ =	sdelay $0x1  }
0x398: {  	v10 =	vsub.f32 v10, v6;
	v7 =	vmul.f32 v7, v7;
	v9 =	vmul.f32 v9, v9;
	_ =	sdelay $0x1  }
0x399: {  	v63 =	vmul.f32 v10, v10;
	v7 =	vadd.f32 v9, v7;
	_ =	sdelay $0x1  }
0x39a: {  	v7 =	vadd.f32 v63, v7;
	_ =	sdelay $0x1  }
0x39b: {  	vm14 =	vle.f32 v7, $3.999999910e-02  }
0x39c: {  	v7 =	vsel vm14, $0x1, v2  }
0x39d: {  	(xrf0) =	vadd.scan.msk.s32 $0xffff, v7  }
0x39e: {  	(v2sf) =	vpush v8, $0xF;
	_ =	sdelay $0x4  }
0x39f: {  	v7, _, _ =	vpop (xrf0)  }
0x3a0: {  	(v2sf) =	vpush v7, $0xF;
	_ =	sdelay $0x8  }
0x3a1: {  	s8 =	spop (v2sf)  }
0x3a2: {  	s7 =	sadd.s32 s7, s8  }
0x3a3: {  	v8 =	vmov s7  }
0x3a4: {  	v8 =	vadd.s32 $0xFFFFFFFF, v8  }
0x3a5: {  	v8 =	vbroadcast v8, $0x0;
	_ =	sdelay $0x1  }
0x3a6: {  	v7 =	vadd.s32 v7, v8;
	s8 =	spop (v2sf)  }
0x3a7: {  	p0 =	sgt.u32 s6, $0x7E;
	vm15 =	vlt.s32 v7, $0x30;
	s7 =	sadd.s32 s7, s8  }
0x3a8: {  	v7 =	vnsel vm15, $0x30, v7;
	p1 =	slt.s32 @!p0 s7, $0x20  }
0x3a9: {  	v7 =	vnsel vm14, $0x38, v7;
	p0 =	por p0, !p1  }
.Ltmp14:
0x3aa: {  	_ = 	snop;
	(pc) =	sbr.rel @!p0 .LBB2_31-.Ltmp14, $3  }
0x3ab: {  	_ =	sdelay $0x1  }
0x3ac: {  	s6 =	sadd.s32 $0x1, s6;
	s5 =	sadd.s32 $0x20, s5;
	v8 =	vor.u32 s16, v0  }
0x3ad: {  	s17 =	sadd.s32 $0x20, s17;
	s18 =	sadd.s32 $0x20, s18;
	s16 =	sadd.s32 $0x20, s16;
	[tilespmem:v7+s19+$0x0] =	vst.idx.msk $0xffff, v8  }
0x3ae: {  	v4 =	vld [tilespmem:$0x3330];
	_ =	sdelay $0x2  }
0x3af: {  	v5 =	vld [tilespmem:$0x3340];
	_ =	sdelay $0x1  }
0x3b0: {  	v7 =	vmov s7;
	v6 =	vperm.xlane v4, v2  }
0x3b1: {  	vm0 =	vgt.s32 v7, v0  }
0x3b2: {  	vm15 =	vgt.s32 v7, v3;
	v4 =	vsel vm0, v4, v6  }
0x3b3: {  	v5 =	vsel vm15, v5, v6;
	v4 =	vadd.s32 v1, v4  }
0x3b4: {  	v5 =	vadd.s32 v1, v5;
	[tilespmem:$0x3530] =	vst v4  }
0x3b5: {  	[tilespmem:$0x3540] =	vst v5  }
0x3b6: {  	v4 =	vld [tilespmem:s15+$0x300F]  }
0x3b7: {  	v5 =	vld [tilespmem:s15+$0x311F]  }
0x3b8: {  	v6 =	vld [tilespmem:s15+$0x322F];
	_ =	sdelay $0x3  }
0x3b9: {  	s6 =	simm.s32 $0x0;
	s16 =	simm.s32 $0x1010;
	s17 =	simm.s32 $0x2010;
	v4 =	vperm.xlane v4, v2  }
0x3ba: {  	s5 =	simm.s32 $0x10;
	s7 =	simm.s32 $0x0;
	s15 =	simm.s32 $0x10;
	v5 =	vperm.xlane v5, v2;
	v6 =	vperm.xlane v6, v2  }
.LBB2_33:
0x3bb: {  	v7 =	vld [tilespmem:s5+$0xFFFFFFF0]  }
0x3bc: {  	v8 =	vld [tilespmem:s16+$0xFFFFFFF0];
	_ =	sdelay $0x1  }
0x3bd: {  	v9 =	vld [tilespmem:s17+$0xFFFFFFF0];
	_ =	sdelay $0x2  }
0x3be: {  	v7 =	vsub.f32 v7, v4;
	v8 =	vsub.f32 v8, v5;
	_ =	sdelay $0x1  }
0x3bf: {  	v9 =	vsub.f32 v9, v6;
	v7 =	vmul.f32 v7, v7;
	v8 =	vmul.f32 v8, v8;
	_ =	sdelay $0x1  }
0x3c0: {  	v7 =	vadd.f32 v8, v7;
	v8 =	vmul.f32 v9, v9;
	_ =	sdelay $0x1  }
0x3c1: {  	v7 =	vadd.f32 v8, v7;
	_ =	sdelay $0x1  }
0x3c2: {  	vm0 =	vle.f32 v7, $3.999999910e-02  }
0x3c3: {  	v7 =	vsel vm0, $0x1, v2  }
0x3c4: {  	(xrf0) =	vadd.scan.msk.s32 $0xffff, v7;
	_ =	sdelay $0x2  }
0x3c5: {  	v7 =	vmov s7  }
0x3c6: {  	v7 =	vadd.s32 $0xFFFFFFFF, v7  }
0x3c7: {  	v7 =	vbroadcast v7, $0x0  }
0x3c8: {  	v8, _, _ =	vpop (xrf0)  }
0x3c9: {  	v7 =	vadd.s32 v8, v7  }
0x3ca: {  	vm1 =	vlt.s32 v7, $0x30  }
0x3cb: {  	v7 =	vnsel vm1, $0x30, v7  }
0x3cc: {  	v7 =	vnsel vm0, $0x38, v7;
	_ =	sdelay $0x2  }
0x3cd: {  	s8 =	sadd.s32 $0xFFFFFFF0, s15  }
0x3ce: {  	v62 =	vor.u32 s8, v0  }
0x3cf: {  	[tilespmem:v7+s19+$0x0] =	vst.idx.msk $0xffff, v62  }
0x3d0: {  	v7 =	vld [tilespmem:s5+$0x0]  }
0x3d1: {  	v9 =	vld [tilespmem:s16+$0x0];
	_ =	sdelay $0x1  }
0x3d2: {  	v10 =	vld [tilespmem:s17+$0x0];
	_ =	sdelay $0x2  }
0x3d3: {  	v7 =	vsub.f32 v7, v4;
	v9 =	vsub.f32 v9, v5;
	_ =	sdelay $0x1  }
0x3d4: {  	v10 =	vsub.f32 v10, v6;
	v7 =	vmul.f32 v7, v7;
	v9 =	vmul.f32 v9, v9;
	_ =	sdelay $0x1  }
0x3d5: {  	v63 =	vmul.f32 v10, v10;
	v7 =	vadd.f32 v9, v7;
	_ =	sdelay $0x1  }
0x3d6: {  	v7 =	vadd.f32 v63, v7;
	_ =	sdelay $0x1  }
0x3d7: {  	vm14 =	vle.f32 v7, $3.999999910e-02  }
0x3d8: {  	v7 =	vsel vm14, $0x1, v2  }
0x3d9: {  	(xrf0) =	vadd.scan.msk.s32 $0xffff, v7  }
0x3da: {  	(v2sf) =	vpush v8, $0xF;
	_ =	sdelay $0x4  }
0x3db: {  	v7, _, _ =	vpop (xrf0)  }
0x3dc: {  	(v2sf) =	vpush v7, $0xF;
	_ =	sdelay $0x8  }
0x3dd: {  	s18 =	spop (v2sf)  }
0x3de: {  	s8 =	sadd.s32 s7, s18  }
0x3df: {  	v8 =	vmov s8  }
0x3e0: {  	v8 =	vadd.s32 $0xFFFFFFFF, v8  }
0x3e1: {  	v8 =	vbroadcast v8, $0x0;
	_ =	sdelay $0x1  }
0x3e2: {  	v7 =	vadd.s32 v7, v8;
	s18 =	spop (v2sf)  }
0x3e3: {  	p0 =	sgt.u32 s6, $0x7E;
	vm15 =	vlt.s32 v7, $0x30;
	s7 =	sadd.s32 s8, s18  }
0x3e4: {  	v7 =	vnsel vm15, $0x30, v7;
	p1 =	slt.s32 @!p0 s7, $0x20  }
0x3e5: {  	v7 =	vnsel vm14, $0x38, v7;
	p0 =	por p0, !p1  }
.Ltmp15:
0x3e6: {  	_ = 	snop;
	(pc) =	sbr.rel @!p0 .LBB2_33-.Ltmp15, $3  }
0x3e7: {  	_ =	sdelay $0x1  }
0x3e8: {  	s6 =	sadd.s32 $0x1, s6;
	s5 =	sadd.s32 $0x20, s5;
	v8 =	vor.u32 s15, v0  }
0x3e9: {  	s16 =	sadd.s32 $0x20, s16;
	s17 =	sadd.s32 $0x20, s17;
	s15 =	sadd.s32 $0x20, s15;
	[tilespmem:v7+s19+$0x0] =	vst.idx.msk $0xffff, v8  }
0x3ea: {  	v4 =	vld [tilespmem:$0x3330];
	_ =	sdelay $0x2  }
0x3eb: {  	v5 =	vld [tilespmem:$0x3340];
	_ =	sdelay $0x1  }
0x3ec: {  	v7 =	vmov s7;
	v6 =	vperm.xlane v4, v2  }
0x3ed: {  	vm0 =	vgt.s32 v7, v0  }
0x3ee: {  	vm15 =	vgt.s32 v7, v3;
	v4 =	vsel vm0, v4, v6  }
0x3ef: {  	v5 =	vsel vm15, v5, v6;
	v4 =	vadd.s32 v1, v4  }
0x3f0: {  	v5 =	vadd.s32 v1, v5;
	[tilespmem:$0x3550] =	vst v4  }
0x3f1: {  	[tilespmem:$0x3560] =	vst v5  }
0x3f2: {  	[tilespmem:s29], [sflag:$0x4] =	stream.indirect.gather [hbm4b:s4+s20], $0x40, s28, s20, $0xb8;
	[tilespmem:$0xB570] =	vst v63  }
0x3f3: {  	_ =	swait.ge [sflag:s3], $0x2000  }
0x3f4: {  	[sflag:s3] =	ssyncset.done $0x0  }
0x3f5: {  	[sflag:s3] =	ssyncadd.s32 $0xFFFFE000  }
0x3f6: {  	_ =	swait.ge [sflag:s30], $0x2000  }
0x3f7: {  	[sflag:s30] =	ssyncset.done $0x0  }
0x3f8: {  	[sflag:s30] =	ssyncadd.s32 $0xFFFFE000  }
0x3f9: {  	_ =	swait.ge [sflag:s31], $0x2000  }
0x3fa: {  	[sflag:s31] =	ssyncset.done $0x0  }
0x3fb: {  	[sflag:s31] =	ssyncadd.s32 $0xFFFFE000  }
0x3fc: {  	s5 =	sshll.u32 s14, $0xC;
	s14 =	sadd.s32 $0x1, s14;
	_ =	swait.ge [sflag:s1], $0x2000  }
0x3fd: {  	p0 =	sne.s32 s14, $0x10;
	[sflag:s1] =	ssyncset.done $0x0  }
.Ltmp16:
0x3fe: {  	s5 =	sadd.s32 s5, s11;
	[sflag:s1] =	ssyncadd.s32 $0xFFFFE000;
	(pc) =	sbr.rel @p0 .LBB2_2-.Ltmp16, $4  }
0x3ff: {  	[hbm4b:s5+s2] =	stream.linear.scatter [tilespmem:s22], [sflag:$0x5], $0x8000, $0x38;
	[tilespmem:$0xB570] =	vst v63  }
0x400: {  	_ =	swait.ge [sflag:s13], $0x8000  }
0x401: {  	[sflag:s13] =	ssyncset.done $0x0  }
0x402: {  	[sflag:s13] =	ssyncadd.s32 $0xFFFF8000  }
0x403: {  	s0 =	sadd.s32 $0x1, s0  }
0x404: {  	p0 =	sne.s32 s0, s12  }
.Ltmp17:
0x405: {  	_ = 	snop;
	(pc) =	sbr.rel @p0 .LBB2_1-.Ltmp17, $1  }
0x406: {  	_ =	sdelay $0x3  }
0x407: {  	_ =	sfence.sel $0x180000  }
0x408: {  	[bflag:$0x0] =	sbarrier.arrive $0xFFFF  }
0x409: {  	_ =	strace $0x90000047  }
0x40a: {  	s0 =	stileid.u32;
	[bflag:$0x2] =	sbarrier.arrive $0xFFFF  }
0x40b: {  	p0 =	sne.s32 s0, $0x0;
	s0 =	rddreg [dreg:$0x2]  }
0x40c: {  	s0 =	sadd.s32 @!p0 $0x100000, s0  }
0x40d: {  	[sflag:s0] =	ssyncadd.tile.s32 @!p0 $0x1;
	_ =	shalt  }
.Lfunc_end2:
_tile_overlayer_lowered:
.L_overlay_start_2:
0x40e: {  	(tag) =	ssettag $0x2  }
0x40f: {  	s0 =	rddreg [dreg:$0x0];
	s2 =	stileid.u32  }
0x410: {  	s1 =	rddreg [dreg:$0x1];
	p0 =	sne.s32 s2, $0x0  }
0x411: {  	s3 =	rddreg [dreg:$0x2];
	[bflag:$0x3] =	sbarrier.arrive $0xFFFF;
	s2 =	simm.s32 @!p0 $0x1C05  }
0x412: {  	[timem:s3], [sflag:s2] =	dma.local @!p0 [hbm:s0], s1  }
0x413: {  	s0 =	simm.s32 @!p0 $0x5  }
0x414: {  	_ =	swait.ge @!p0 [sflag:s0], s1  }
0x415: {  	s1 =	ssub.s32 @!p0 $0x0, s1;
	[sflag:s0] =	ssyncset.done @!p0 $0x0  }
0x416: {  	[sflag:s0] =	ssyncadd.s32 @!p0 s1  }
0x417: {  	[bflag:$0x3] =	sbarrier.arrive $0xFFFF  }
0x418: {  	_ =	shalt  }

</sc_bundles>
